<compile_context>
chip_gen: v7x
topology: tpu7x:2x2x1
jax: 0.10.2.dev20260603
libtpu: 0.0.44.dev20260713+nightly
codegen_flags: <defaults>
</compile_context>

<pallas_src>
import functools

import jax
import jax.numpy as jnp
from jax import lax
from jax.experimental import pallas as pl
from jax.experimental.pallas import tpu as pltpu
from jax.experimental.pallas import tpu_sc as plsc

_NW = 32


def _sc_max_gather(Np, per_w0, per_w1, CH, K, C):
    nc0, nc1 = per_w0 // CH, per_w1 // CH
    assert nc0 % 2 == 0 and nc1 % 2 == 0
    n_chunks_max = max(nc0, nc1)
    G = CH * K
    slices = []
    off = 0
    while off < G:
        sz = min(128, G - off)
        slices.append((off, sz))
        off += sz
    mesh = plsc.VectorSubcoreMesh(core_axis_name="c", subcore_axis_name="s")

    @functools.partial(
        pl.kernel,
        mesh=mesh,
        out_type=jax.ShapeDtypeStruct((Np, C), jnp.float32),
        scratch_types=[
            pltpu.VMEM((G,), jnp.int32),
            pltpu.VMEM((G,), jnp.int32),
            pltpu.VMEM((G, C), jnp.float32),
            pltpu.VMEM((G, C), jnp.float32),
            pltpu.VMEM((CH, C), jnp.float32),
            pltpu.VMEM((CH, C), jnp.float32),
            pltpu.SemaphoreType.DMA,
            pltpu.SemaphoreType.DMA,
            pltpu.SemaphoreType.DMA,
            pltpu.SemaphoreType.DMA,
            pltpu.SemaphoreType.DMA,
            pltpu.SemaphoreType.DMA,
        ],
    )
    def sc_fn(x_hbm, idx_hbm, out_hbm, idx_v0, idx_v1, rows_v0, rows_v1,
              out_v0, out_v1, sem0, sem1, isem0, isem1, osem0, osem1):
        cid = lax.axis_index("c")
        base = lax.axis_index("s") * (per_w0 + per_w1) + cid * per_w0
        n_chunks = lax.select(cid == 0, nc0, nc1)
        idx_vs = (idx_v0, idx_v1)
        rows_vs = (rows_v0, rows_v1)
        out_vs = (out_v0, out_v1)
        sems = (sem0, sem1)
        isems = (isem0, isem1)
        osems = (osem0, osem1)

        def idx_copy(ct, b):
            nb = base + ct * CH
            return pltpu.make_async_copy(
                idx_hbm.at[pl.ds(nb * K, G)], idx_vs[b], isems[b])

        def fire_rows(b):
            for (o, s) in slices:
                pltpu.async_copy(
                    x_hbm.at[idx_vs[b].at[pl.ds(o, s)]],
                    rows_vs[b].at[pl.ds(o, s)],
                    sems[b],
                )

        def wait_rows(b):
            for (o, s) in slices:
                pltpu.make_async_copy(
                    x_hbm.at[idx_vs[b].at[pl.ds(o, s)]],
                    rows_vs[b].at[pl.ds(o, s)],
                    sems[b],
                ).wait()

        def out_drain(b):
            pltpu.make_async_copy(
                out_vs[b], out_hbm.at[pl.ds(0, CH)], osems[b]
            ).wait()

        def maybe_when(cond, fn):
            if isinstance(cond, bool):
                if cond:
                    fn()
            else:
                pl.when(cond)(fn)

        def one(ct, b):
            maybe_when(ct + 1 < n_chunks, lambda: idx_copy(ct + 1, b ^ 1).wait())
            maybe_when(ct + 1 < n_chunks, lambda: fire_rows(b ^ 1))

            wait_rows(b)
            maybe_when(ct + 2 < n_chunks, lambda: idx_copy(ct + 2, b).start())

            maybe_when(ct >= 2, lambda: out_drain(b))

            @plsc.parallel_loop(0, CH, unroll=2)
            def node_body(ni):
                r0 = ni * K
                for cg in range(C // 16):
                    sl = pl.ds(cg * 16, 16)
                    w = [rows_vs[b][r0 + j, sl] for j in range(K)]
                    while len(w) > 1:
                        w = [jnp.maximum(w[i], w[i + 1])
                             for i in range(0, len(w) - 1, 2)] + (
                                 [w[-1]] if len(w) % 2 else [])
                    out_vs[b][ni, sl] = w[0]

            nb = base + ct * CH
            row0 = pl.multiple_of(nb, 8)
            pltpu.async_copy(out_vs[b], out_hbm.at[pl.ds(row0, CH)],
                             osems[b])

        idx_copy(0, 0).start()
        idx_copy(0, 0).wait()
        fire_rows(0)
        idx_copy(1, 1).start()

        def pair(tp, carry):
            one(2 * tp, 0)
            one(2 * tp + 1, 1)
            return carry

        lax.fori_loop(0, n_chunks // 2, pair, 0)

        for b in range(2):
            out_drain(b)

    return sc_fn


def _tc_mlp(x_cn, aggr, Wd, W2, b2, NBLK):
    C, N = x_cn.shape
    C_OUT = Wd.shape[0]
    grid = pl.cdiv(N, NBLK)

    def tc_fn(x_ref, a_ref, wd_ref, w2_ref, b_ref, o_ref):
        mm1 = lax.dot_general(
            wd_ref[...], x_ref[...], (((1,), (0,)), ((), ())),
            preferred_element_type=jnp.float32)
        mm2 = lax.dot_general(
            w2_ref[...], a_ref[...], (((1,), (1,)), ((), ())),
            preferred_element_type=jnp.float32)
        o_ref[...] = jnp.maximum(mm1 + mm2 + b_ref[...], 0.0)

    return pl.pallas_call(
        tc_fn,
        grid=(grid,),
        in_specs=[
            pl.BlockSpec((C, NBLK), lambda i: (0, i)),
            pl.BlockSpec((NBLK, C), lambda i: (i, 0)),
            pl.BlockSpec((C_OUT, C), lambda i: (0, 0)),
            pl.BlockSpec((C_OUT, C), lambda i: (0, 0)),
            pl.BlockSpec((C_OUT, 1), lambda i: (0, 0)),
        ],
        out_specs=pl.BlockSpec((C_OUT, NBLK), lambda i: (0, i)),
        out_shape=jax.ShapeDtypeStruct((C_OUT, N), jnp.float32),
    )(x_cn, aggr, Wd, W2, b2)


def kernel(x, edge_index, W, b):
    B, C, N, _ = x.shape
    K = edge_index.shape[-1]
    C_OUT = W.shape[0]

    x_cn = x[0, :, :, 0]
    x_nc = jnp.transpose(x_cn)
    idx = edge_index[0, 0]

    CH = 32
    pair_w = -(-(-(-N // 16)) // (2 * CH)) * (2 * CH)
    Np = pair_w * 16
    frac = 0.714
    per_w0 = int(pair_w * frac) // (2 * CH) * (2 * CH)
    per_w1 = pair_w - per_w0
    idx_flat = jnp.pad(jnp.reshape(idx, (-1,)), (0, Np * K - N * K))
    aggr = _sc_max_gather(Np, per_w0, per_w1, CH, K, C)(x_nc, idx_flat)

    W1, W2 = W[:, :C], W[:, C:]
    Wd = W1 - W2
    out = _tc_mlp(x_cn, aggr, Wd, W2, jnp.reshape(b, (C_OUT, 1)), 2048)
    return out[None, :, :, None]

# --- scband reference (transcript-rebuilt; emitter-appended) ---
"""Pipeline reference for scband-mrconv2d-60997125538360 (READ-ONLY COPY).

The authoritative reference and input builder live on the scoring server;
editing this copy changes nothing except your own understanding.
"""

import jax, jax.numpy as jnp
import numpy as np

B, C, N, K = 1, 128, 50000, 9
C_OUT = 128

def setup_inputs(seed: int = 0) -> dict:
    key = jax.random.key(seed)
    k1, k2, k3, k4 = jax.random.split(key, 4)
    x = jax.random.normal(k1, (B, C, N, 1), dtype=jnp.float32)
    edge_index = jax.random.randint(k2, (2, B, N, K), 0, N, dtype=jnp.int32)
    # MLP2dLayer([2*C, C_OUT]) is a 1x1 Conv2d: weight [C_OUT, 2*C], bias [C_OUT]
    W = jax.random.normal(k3, (C_OUT, 2 * C), dtype=jnp.float32) * (1.0 / np.sqrt(2 * C))
    b = jax.random.normal(k4, (C_OUT,), dtype=jnp.float32) * 0.01
    return {"x": x, "edge_index": edge_index, "W": W, "b": b}

def reference(x, edge_index, W, b):
    # x: [B, C, N, 1]; edge_index: [2, B, N, K]
    k = edge_index.shape[-1]
    # get_center_feature: repeat center node feature k times -> [B, C, N, K]
    x_i = jnp.repeat(x, k, axis=-1)
    # batched_index_select over edge_index[0] (neighbor indices)
    idx = edge_index[0]  # [B, N, K]
    x_flat = jnp.transpose(x[..., 0], (0, 2, 1))  # [B, N, C]
    gathered = jax.vmap(lambda xf, ii: jnp.take(xf, ii, axis=0))(x_flat, idx)  # [B, N, K, C]
    x_j = jnp.transpose(gathered, (0, 3, 1, 2))  # [B, C, N, K]
    # max-relative aggregation
    aggr_out = jnp.max(x_j - x_i, axis=-1, keepdims=True)  # [B, C, N, 1]
    # concat along channels then 1x1 conv (MLP2dLayer) + relu
    cat = jnp.concatenate([x, aggr_out], axis=1)  # [B, 2C, N, 1]
    out = jnp.einsum('bcnk,oc->bonk', cat, W) + b[None, :, None, None]
    return jax.nn.relu(out)

if __name__ == "__main__":
    import jax
    _d = setup_inputs()
    print(jax.jit(kernel)(*tuple(_d.values())))

</pallas_src>

<mosaic_0001>
#map = affine_map<(d0, d1) -> (0, 0)>
#map1 = affine_map<(d0, d1) -> (0)>
module attributes {stable_mosaic.version = 14 : i64} {
  func.func @sc_fn(%arg0: i32, %arg1: i32, %arg2: memref<50000x128xf32, #tpu.memory_space<hbm>>, %arg3: memref<451584xi32, #tpu.memory_space<hbm>>, %arg4: memref<50176x128xf32, #tpu.memory_space<hbm>>, %arg5: memref<288xi32, #tpu.memory_space<vmem>>, %arg6: memref<288xi32, #tpu.memory_space<vmem>>, %arg7: memref<288x128xf32, #tpu.memory_space<vmem>>, %arg8: memref<288x128xf32, #tpu.memory_space<vmem>>, %arg9: memref<32x128xf32, #tpu.memory_space<vmem>>, %arg10: memref<32x128xf32, #tpu.memory_space<vmem>>, %arg11: memref<!tpu.dma_semaphore, #tpu.memory_space<semaphore_mem>>, %arg12: memref<!tpu.dma_semaphore, #tpu.memory_space<semaphore_mem>>, %arg13: memref<!tpu.dma_semaphore, #tpu.memory_space<semaphore_mem>>, %arg14: memref<!tpu.dma_semaphore, #tpu.memory_space<semaphore_mem>>, %arg15: memref<!tpu.dma_semaphore, #tpu.memory_space<semaphore_mem>>, %arg16: memref<!tpu.dma_semaphore, #tpu.memory_space<semaphore_mem>>) attributes {dimension_semantics = [#tpu.dimension_semantics<core_parallel>, #tpu.dimension_semantics<subcore_parallel>], iteration_bounds = array<i64: 2, 16>, scalar_prefetch = 0 : i64, scratch_operands = 12 : i64, tpu.core_type = #tpu.core_type<sc_vector_subcore>, window_params = [{transform_indices = #map}, {transform_indices = #map1}, {transform_indices = #map}]} {
    %mul3A = arith.constant 3136 : i32
    %mul3A_0 = arith.muli %arg1, %mul3A : i32
    %mul3A_1 = arith.constant 2176 : i32
    %mul3A_2 = arith.muli %arg0, %mul3A_1 : i32
    %add3A = arith.addi %mul3A_0, %mul3A_2 : i32
    %eq3A = arith.constant 0 : i32
    %eq3A_3 = arith.cmpi eq, %arg0, %eq3A : i32
    %select_n3A = arith.constant 30 : i32
    %select_n3A_4 = arith.constant 68 : i32
    %select_n3A_5 = arith.select %eq3A_3, %select_n3A_4, %select_n3A : i32
    %add3A_6 = arith.constant 0 : i32
    %add3A_7 = arith.addi %add3A, %add3A_6 : i32
    %mul3A_8 = arith.constant 9 : i32
    %mul3A_9 = arith.muli %add3A_7, %mul3A_8 : i32
    %dma_start3A = tpu.memref_slice %arg3[%mul3A_9] : memref<451584xi32, #tpu.memory_space<hbm>> -> memref<288xi32, #tpu.memory_space<hbm>>
    %dma_start3A_10 = tpu.memref_slice %arg3[%mul3A_9] : memref<451584xi32, #tpu.memory_space<hbm>> -> memref<288xi32, #tpu.memory_space<hbm>>
    tpu.enqueue_dma source(%dma_start3A_10 : memref<288xi32, #tpu.memory_space<hbm>>) target(%arg5 : memref<288xi32, #tpu.memory_space<vmem>>) target_semaphore(%arg13 : memref<!tpu.dma_semaphore, #tpu.memory_space<semaphore_mem>>)
    %add3A_11 = arith.constant 0 : i32
    %add3A_12 = arith.addi %add3A, %add3A_11 : i32
    %mul3A_13 = arith.constant 9 : i32
    %mul3A_14 = arith.muli %add3A_12, %mul3A_13 : i32
    %dma_wait3A = tpu.memref_slice %arg3[%mul3A_14] : memref<451584xi32, #tpu.memory_space<hbm>> -> memref<288xi32, #tpu.memory_space<hbm>>
    %dma_wait3A_15 = tpu.memref_slice %arg3[%mul3A_14] : memref<451584xi32, #tpu.memory_space<hbm>> -> memref<288xi32, #tpu.memory_space<hbm>>
    tpu.wait_dma2 semaphore(%arg13 : memref<!tpu.dma_semaphore, #tpu.memory_space<semaphore_mem>>) src(%dma_wait3A_15 : memref<288xi32, #tpu.memory_space<hbm>>) dst(%arg5 : memref<288xi32, #tpu.memory_space<vmem>>)
    %dma_start3A_16 = arith.constant 0 : i32
    %dma_start3A_17 = arith.constant 0 : i32
    %dma_start3A_18 = tpu.memref_slice %arg7[%dma_start3A_16, %dma_start3A_17] : memref<288x128xf32, #tpu.memory_space<vmem>> -> memref<128x128xf32, #tpu.memory_space<vmem>>
    %dma_start3A_19 = arith.constant 0 : i32
    %dma_start3A_20 = tpu.memref_slice %arg5[%dma_start3A_19] : memref<288xi32, #tpu.memory_space<vmem>> -> memref<128xi32, #tpu.memory_space<vmem>>
    %dma_start3A_21 = arith.constant 0 : i32
    %dma_start3A_22 = arith.constant 0 : i32
    %dma_start3A_23 = tpu.memref_slice %arg2[%dma_start3A_21, %dma_start3A_22] : memref<50000x128xf32, #tpu.memory_space<hbm>> -> memref<50000x128xf32, #tpu.memory_space<hbm>>
    tpu.enqueue_indirect_dma source(%dma_start3A_23 : memref<50000x128xf32, #tpu.memory_space<hbm>>) target(%dma_start3A_18 : memref<128x128xf32, #tpu.memory_space<vmem>>) offsets(%dma_start3A_20 : memref<128xi32, #tpu.memory_space<vmem>>) semaphore(%arg11 : memref<!tpu.dma_semaphore, #tpu.memory_space<semaphore_mem>>)
    %dma_start3A_24 = arith.constant 128 : i32
    %dma_start3A_25 = arith.constant 0 : i32
    %dma_start3A_26 = tpu.memref_slice %arg7[%dma_start3A_24, %dma_start3A_25] : memref<288x128xf32, #tpu.memory_space<vmem>> -> memref<128x128xf32, #tpu.memory_space<vmem>>
    %dma_start3A_27 = arith.constant 128 : i32
    %dma_start3A_28 = tpu.memref_slice %arg5[%dma_start3A_27] : memref<288xi32, #tpu.memory_space<vmem>> -> memref<128xi32, #tpu.memory_space<vmem>>
    %dma_start3A_29 = arith.constant 0 : i32
    %dma_start3A_30 = arith.constant 0 : i32
    %dma_start3A_31 = tpu.memref_slice %arg2[%dma_start3A_29, %dma_start3A_30] : memref<50000x128xf32, #tpu.memory_space<hbm>> -> memref<50000x128xf32, #tpu.memory_space<hbm>>
    tpu.enqueue_indirect_dma source(%dma_start3A_31 : memref<50000x128xf32, #tpu.memory_space<hbm>>) target(%dma_start3A_26 : memref<128x128xf32, #tpu.memory_space<vmem>>) offsets(%dma_start3A_28 : memref<128xi32, #tpu.memory_space<vmem>>) semaphore(%arg11 : memref<!tpu.dma_semaphore, #tpu.memory_space<semaphore_mem>>)
    %dma_start3A_32 = arith.constant 256 : i32
    %dma_start3A_33 = arith.constant 0 : i32
    %dma_start3A_34 = tpu.memref_slice %arg7[%dma_start3A_32, %dma_start3A_33] : memref<288x128xf32, #tpu.memory_space<vmem>> -> memref<32x128xf32, #tpu.memory_space<vmem>>
    %dma_start3A_35 = arith.constant 256 : i32
    %dma_start3A_36 = tpu.memref_slice %arg5[%dma_start3A_35] : memref<288xi32, #tpu.memory_space<vmem>> -> memref<32xi32, #tpu.memory_space<vmem>>
    %dma_start3A_37 = arith.constant 0 : i32
    %dma_start3A_38 = arith.constant 0 : i32
    %dma_start3A_39 = tpu.memref_slice %arg2[%dma_start3A_37, %dma_start3A_38] : memref<50000x128xf32, #tpu.memory_space<hbm>> -> memref<50000x128xf32, #tpu.memory_space<hbm>>
    tpu.enqueue_indirect_dma source(%dma_start3A_39 : memref<50000x128xf32, #tpu.memory_space<hbm>>) target(%dma_start3A_34 : memref<32x128xf32, #tpu.memory_space<vmem>>) offsets(%dma_start3A_36 : memref<32xi32, #tpu.memory_space<vmem>>) semaphore(%arg11 : memref<!tpu.dma_semaphore, #tpu.memory_space<semaphore_mem>>)
    %add3A_40 = arith.constant 32 : i32
    %add3A_41 = arith.addi %add3A, %add3A_40 : i32
    %mul3A_42 = arith.constant 9 : i32
    %mul3A_43 = arith.muli %add3A_41, %mul3A_42 : i32
    %dma_start3A_44 = tpu.memref_slice %arg3[%mul3A_43] : memref<451584xi32, #tpu.memory_space<hbm>> -> memref<288xi32, #tpu.memory_space<hbm>>
    %dma_start3A_45 = tpu.memref_slice %arg3[%mul3A_43] : memref<451584xi32, #tpu.memory_space<hbm>> -> memref<288xi32, #tpu.memory_space<hbm>>
    tpu.enqueue_dma source(%dma_start3A_45 : memref<288xi32, #tpu.memory_space<hbm>>) target(%arg6 : memref<288xi32, #tpu.memory_space<vmem>>) target_semaphore(%arg14 : memref<!tpu.dma_semaphore, #tpu.memory_space<semaphore_mem>>)
    %jit3A = arith.constant 2 : i32
    %div3A = arith.divsi %select_n3A_5, %jit3A : i32
    %sign3A = arith.constant 0 : i32
    %sign3A_46 = arith.cmpi sgt, %select_n3A_5, %sign3A : i32
    %sign3A_47 = arith.extui %sign3A_46 : i1 to i32
    %sign3A_48 = arith.constant 0 : i32
    %sign3A_49 = arith.cmpi slt, %select_n3A_5, %sign3A_48 : i32
    %sign3A_50 = arith.extui %sign3A_49 : i1 to i32
    %sign3A_51 = arith.subi %sign3A_47, %sign3A_50 : i32
    %sign3A_52 = arith.constant 0 : i32
    %sign3A_53 = arith.cmpi sgt, %jit3A, %sign3A_52 : i32
    %sign3A_54 = arith.extui %sign3A_53 : i1 to i32
    %sign3A_55 = arith.constant 0 : i32
    %sign3A_56 = arith.cmpi slt, %jit3A, %sign3A_55 : i32
    %sign3A_57 = arith.extui %sign3A_56 : i1 to i32
    %sign3A_58 = arith.subi %sign3A_54, %sign3A_57 : i32
    %ne3A = arith.cmpi ne, %sign3A_51, %sign3A_58 : i32
    %rem3A = arith.remsi %select_n3A_5, %jit3A : i32
    %ne3A_59 = arith.constant 0 : i32
    %ne3A_60 = arith.cmpi ne, %rem3A, %ne3A_59 : i32
    %and3A = arith.andi %ne3A, %ne3A_60 : i1
    %sub3A = arith.constant 1 : i32
    %sub3A_61 = arith.subi %div3A, %sub3A : i32
    %select_n3A_62 = arith.select %and3A, %sub3A_61, %div3A : i32
    %while3A = arith.constant 0 : i32
    %while3A_63 = arith.constant 0 : i32
    %while3A_64 = arith.subi %select_n3A_62, %while3A_63 : i32
    %while3A_65 = arith.addi %while3A_63, %while3A_64 : i32
    %while3A_66 = arith.constant 1 : i32
    %while3A_67 = arith.divsi %while3A_64, %while3A_66 : i32
    %while3A_68 = arith.muli %while3A_67, %while3A_66 : i32
    %while3A_69 = arith.addi %while3A_63, %while3A_68 : i32
    %while3A_70 = arith.constant 1 : i32
    scf.for %while3A_84 = %while3A_63 to %while3A_69 step %while3A_70  : i32 {
      %mul3A_85 = arith.constant 2 : i32
      %mul3A_86 = arith.muli %mul3A_85, %while3A_84 : i32
      %add3A_87 = arith.constant 1 : i32
      %add3A_88 = arith.addi %mul3A_86, %add3A_87 : i32
      %lt3A = arith.cmpi slt, %add3A_88, %select_n3A_5 : i32
      %convert_element_type3A = arith.extui %lt3A : i1 to i32
      %cond3A = arith.constant 0 : i32
      %cond3A_89 = arith.cmpi ne, %convert_element_type3A, %cond3A : i32
      scf.if %cond3A_89 {
        %add3A_201 = arith.constant 1 : i32
        %add3A_202 = arith.addi %mul3A_86, %add3A_201 : i32
        %mul3A_203 = arith.constant 32 : i32
        %mul3A_204 = arith.muli %add3A_202, %mul3A_203 : i32
        %add3A_205 = arith.addi %add3A, %mul3A_204 : i32
        %mul3A_206 = arith.constant 9 : i32
        %mul3A_207 = arith.muli %add3A_205, %mul3A_206 : i32
        %dma_wait3A_208 = tpu.memref_slice %arg3[%mul3A_207] : memref<451584xi32, #tpu.memory_space<hbm>> -> memref<288xi32, #tpu.memory_space<hbm>>
        %dma_wait3A_209 = tpu.memref_slice %arg3[%mul3A_207] : memref<451584xi32, #tpu.memory_space<hbm>> -> memref<288xi32, #tpu.memory_space<hbm>>
        tpu.wait_dma2 semaphore(%arg14 : memref<!tpu.dma_semaphore, #tpu.memory_space<semaphore_mem>>) src(%dma_wait3A_209 : memref<288xi32, #tpu.memory_space<hbm>>) dst(%arg6 : memref<288xi32, #tpu.memory_space<vmem>>)
      } else {
      }
      %add3A_90 = arith.constant 1 : i32
      %add3A_91 = arith.addi %mul3A_86, %add3A_90 : i32
      %lt3A_92 = arith.cmpi slt, %add3A_91, %select_n3A_5 : i32
      %convert_element_type3A_93 = arith.extui %lt3A_92 : i1 to i32
      %cond3A_94 = arith.constant 0 : i32
      %cond3A_95 = arith.cmpi ne, %convert_element_type3A_93, %cond3A_94 : i32
      scf.if %cond3A_95 {
        %dma_start3A_201 = arith.constant 0 : i32
        %dma_start3A_202 = arith.constant 0 : i32
        %dma_start3A_203 = tpu.memref_slice %arg8[%dma_start3A_201, %dma_start3A_202] : memref<288x128xf32, #tpu.memory_space<vmem>> -> memref<128x128xf32, #tpu.memory_space<vmem>>
        %dma_start3A_204 = arith.constant 0 : i32
        %dma_start3A_205 = tpu.memref_slice %arg6[%dma_start3A_204] : memref<288xi32, #tpu.memory_space<vmem>> -> memref<128xi32, #tpu.memory_space<vmem>>
        %dma_start3A_206 = arith.constant 0 : i32
        %dma_start3A_207 = arith.constant 0 : i32
        %dma_start3A_208 = tpu.memref_slice %arg2[%dma_start3A_206, %dma_start3A_207] : memref<50000x128xf32, #tpu.memory_space<hbm>> -> memref<50000x128xf32, #tpu.memory_space<hbm>>
        tpu.enqueue_indirect_dma source(%dma_start3A_208 : memref<50000x128xf32, #tpu.memory_space<hbm>>) target(%dma_start3A_203 : memref<128x128xf32, #tpu.memory_space<vmem>>) offsets(%dma_start3A_205 : memref<128xi32, #tpu.memory_space<vmem>>) semaphore(%arg12 : memref<!tpu.dma_semaphore, #tpu.memory_space<semaphore_mem>>)
        %dma_start3A_209 = arith.constant 128 : i32
        %dma_start3A_210 = arith.constant 0 : i32
        %dma_start3A_211 = tpu.memref_slice %arg8[%dma_start3A_209, %dma_start3A_210] : memref<288x128xf32, #tpu.memory_space<vmem>> -> memref<128x128xf32, #tpu.memory_space<vmem>>
        %dma_start3A_212 = arith.constant 128 : i32
        %dma_start3A_213 = tpu.memref_slice %arg6[%dma_start3A_212] : memref<288xi32, #tpu.memory_space<vmem>> -> memref<128xi32, #tpu.memory_space<vmem>>
        %dma_start3A_214 = arith.constant 0 : i32
        %dma_start3A_215 = arith.constant 0 : i32
        %dma_start3A_216 = tpu.memref_slice %arg2[%dma_start3A_214, %dma_start3A_215] : memref<50000x128xf32, #tpu.memory_space<hbm>> -> memref<50000x128xf32, #tpu.memory_space<hbm>>
        tpu.enqueue_indirect_dma source(%dma_start3A_216 : memref<50000x128xf32, #tpu.memory_space<hbm>>) target(%dma_start3A_211 : memref<128x128xf32, #tpu.memory_space<vmem>>) offsets(%dma_start3A_213 : memref<128xi32, #tpu.memory_space<vmem>>) semaphore(%arg12 : memref<!tpu.dma_semaphore, #tpu.memory_space<semaphore_mem>>)
        %dma_start3A_217 = arith.constant 256 : i32
        %dma_start3A_218 = arith.constant 0 : i32
        %dma_start3A_219 = tpu.memref_slice %arg8[%dma_start3A_217, %dma_start3A_218] : memref<288x128xf32, #tpu.memory_space<vmem>> -> memref<32x128xf32, #tpu.memory_space<vmem>>
        %dma_start3A_220 = arith.constant 256 : i32
        %dma_start3A_221 = tpu.memref_slice %arg6[%dma_start3A_220] : memref<288xi32, #tpu.memory_space<vmem>> -> memref<32xi32, #tpu.memory_space<vmem>>
        %dma_start3A_222 = arith.constant 0 : i32
        %dma_start3A_223 = arith.constant 0 : i32
        %dma_start3A_224 = tpu.memref_slice %arg2[%dma_start3A_222, %dma_start3A_223] : memref<50000x128xf32, #tpu.memory_space<hbm>> -> memref<50000x128xf32, #tpu.memory_space<hbm>>
        tpu.enqueue_indirect_dma source(%dma_start3A_224 : memref<50000x128xf32, #tpu.memory_space<hbm>>) target(%dma_start3A_219 : memref<32x128xf32, #tpu.memory_space<vmem>>) offsets(%dma_start3A_221 : memref<32xi32, #tpu.memory_space<vmem>>) semaphore(%arg12 : memref<!tpu.dma_semaphore, #tpu.memory_space<semaphore_mem>>)
      } else {
      }
      %dma_wait3A_96 = arith.constant 0 : i32
      %dma_wait3A_97 = arith.constant 0 : i32
      %dma_wait3A_98 = tpu.memref_slice %arg7[%dma_wait3A_96, %dma_wait3A_97] : memref<288x128xf32, #tpu.memory_space<vmem>> -> memref<128x128xf32, #tpu.memory_space<vmem>>
      %dma_wait3A_99 = arith.constant 0 : i32
      %dma_wait3A_100 = tpu.memref_slice %arg5[%dma_wait3A_99] : memref<288xi32, #tpu.memory_space<vmem>> -> memref<128xi32, #tpu.memory_space<vmem>>
      %dma_wait3A_101 = arith.constant 0 : i32
      %dma_wait3A_102 = arith.constant 0 : i32
      %dma_wait3A_103 = tpu.memref_slice %arg2[%dma_wait3A_101, %dma_wait3A_102] : memref<50000x128xf32, #tpu.memory_space<hbm>> -> memref<50000x128xf32, #tpu.memory_space<hbm>>
      tpu.wait_indirect_dma semaphore(%arg11 : memref<!tpu.dma_semaphore, #tpu.memory_space<semaphore_mem>>) src(%dma_wait3A_103 : memref<50000x128xf32, #tpu.memory_space<hbm>>) dst(%dma_wait3A_98 : memref<128x128xf32, #tpu.memory_space<vmem>>)
      %dma_wait3A_104 = arith.constant 128 : i32
      %dma_wait3A_105 = arith.constant 0 : i32
      %dma_wait3A_106 = tpu.memref_slice %arg7[%dma_wait3A_104, %dma_wait3A_105] : memref<288x128xf32, #tpu.memory_space<vmem>> -> memref<128x128xf32, #tpu.memory_space<vmem>>
      %dma_wait3A_107 = arith.constant 128 : i32
      %dma_wait3A_108 = tpu.memref_slice %arg5[%dma_wait3A_107] : memref<288xi32, #tpu.memory_space<vmem>> -> memref<128xi32, #tpu.memory_space<vmem>>
      %dma_wait3A_109 = arith.constant 0 : i32
      %dma_wait3A_110 = arith.constant 0 : i32
      %dma_wait3A_111 = tpu.memref_slice %arg2[%dma_wait3A_109, %dma_wait3A_110] : memref<50000x128xf32, #tpu.memory_space<hbm>> -> memref<50000x128xf32, #tpu.memory_space<hbm>>
      tpu.wait_indirect_dma semaphore(%arg11 : memref<!tpu.dma_semaphore, #tpu.memory_space<semaphore_mem>>) src(%dma_wait3A_111 : memref<50000x128xf32, #tpu.memory_space<hbm>>) dst(%dma_wait3A_106 : memref<128x128xf32, #tpu.memory_space<vmem>>)
      %dma_wait3A_112 = arith.constant 256 : i32
      %dma_wait3A_113 = arith.constant 0 : i32
      %dma_wait3A_114 = tpu.memref_slice %arg7[%dma_wait3A_112, %dma_wait3A_113] : memref<288x128xf32, #tpu.memory_space<vmem>> -> memref<32x128xf32, #tpu.memory_space<vmem>>
      %dma_wait3A_115 = arith.constant 256 : i32
      %dma_wait3A_116 = tpu.memref_slice %arg5[%dma_wait3A_115] : memref<288xi32, #tpu.memory_space<vmem>> -> memref<32xi32, #tpu.memory_space<vmem>>
      %dma_wait3A_117 = arith.constant 0 : i32
      %dma_wait3A_118 = arith.constant 0 : i32
      %dma_wait3A_119 = tpu.memref_slice %arg2[%dma_wait3A_117, %dma_wait3A_118] : memref<50000x128xf32, #tpu.memory_space<hbm>> -> memref<50000x128xf32, #tpu.memory_space<hbm>>
      tpu.wait_indirect_dma semaphore(%arg11 : memref<!tpu.dma_semaphore, #tpu.memory_space<semaphore_mem>>) src(%dma_wait3A_119 : memref<50000x128xf32, #tpu.memory_space<hbm>>) dst(%dma_wait3A_114 : memref<32x128xf32, #tpu.memory_space<vmem>>)
      %add3A_120 = arith.constant 2 : i32
      %add3A_121 = arith.addi %mul3A_86, %add3A_120 : i32
      %lt3A_122 = arith.cmpi slt, %add3A_121, %select_n3A_5 : i32
      %convert_element_type3A_123 = arith.extui %lt3A_122 : i1 to i32
      %cond3A_124 = arith.constant 0 : i32
      %cond3A_125 = arith.cmpi ne, %convert_element_type3A_123, %cond3A_124 : i32
      scf.if %cond3A_125 {
        %add3A_201 = arith.constant 2 : i32
        %add3A_202 = arith.addi %mul3A_86, %add3A_201 : i32
        %mul3A_203 = arith.constant 32 : i32
        %mul3A_204 = arith.muli %add3A_202, %mul3A_203 : i32
        %add3A_205 = arith.addi %add3A, %mul3A_204 : i32
        %mul3A_206 = arith.constant 9 : i32
        %mul3A_207 = arith.muli %add3A_205, %mul3A_206 : i32
        %dma_start3A_208 = tpu.memref_slice %arg3[%mul3A_207] : memref<451584xi32, #tpu.memory_space<hbm>> -> memref<288xi32, #tpu.memory_space<hbm>>
        %dma_start3A_209 = tpu.memref_slice %arg3[%mul3A_207] : memref<451584xi32, #tpu.memory_space<hbm>> -> memref<288xi32, #tpu.memory_space<hbm>>
        tpu.enqueue_dma source(%dma_start3A_209 : memref<288xi32, #tpu.memory_space<hbm>>) target(%arg5 : memref<288xi32, #tpu.memory_space<vmem>>) target_semaphore(%arg13 : memref<!tpu.dma_semaphore, #tpu.memory_space<semaphore_mem>>)
      } else {
      }
      %ge3A = arith.constant 2 : i32
      %ge3A_126 = arith.cmpi sge, %mul3A_86, %ge3A : i32
      %convert_element_type3A_127 = arith.extui %ge3A_126 : i1 to i32
      %cond3A_128 = arith.constant 0 : i32
      %cond3A_129 = arith.cmpi ne, %convert_element_type3A_127, %cond3A_128 : i32
      scf.if %cond3A_129 {
        %dma_wait3A_201 = arith.constant 0 : i32
        %dma_wait3A_202 = arith.constant 0 : i32
        %dma_wait3A_203 = tpu.memref_slice %arg4[%dma_wait3A_201, %dma_wait3A_202] : memref<50176x128xf32, #tpu.memory_space<hbm>> -> memref<32x128xf32, #tpu.memory_space<hbm>>
        %dma_wait3A_204 = arith.constant 0 : i32
        %dma_wait3A_205 = arith.constant 0 : i32
        %dma_wait3A_206 = tpu.memref_slice %arg4[%dma_wait3A_204, %dma_wait3A_205] : memref<50176x128xf32, #tpu.memory_space<hbm>> -> memref<32x128xf32, #tpu.memory_space<hbm>>
        tpu.wait_dma2 semaphore(%arg15 : memref<!tpu.dma_semaphore, #tpu.memory_space<semaphore_mem>>) src(%arg9 : memref<32x128xf32, #tpu.memory_space<vmem>>) dst(%dma_wait3A_206 : memref<32x128xf32, #tpu.memory_space<hbm>>)
      } else {
      }
      %parallel_loop3A = arith.constant 0 : i32
      %parallel_loop3A_130 = arith.constant 32 : i32
      %parallel_loop3A_131 = arith.constant 1 : i32
      scf.for %parallel_loop3A_201 = %parallel_loop3A to %parallel_loop3A_130 step %parallel_loop3A_131  : i32 {
        %parallel_loop3A_202 = arith.constant 9 : i32
        %parallel_loop3A_203 = arith.muli %parallel_loop3A_201, %parallel_loop3A_202 : i32
        %parallel_loop3A_204 = arith.constant 0 : i32
        %parallel_loop3A_205 = arith.addi %parallel_loop3A_203, %parallel_loop3A_204 : i32
        %parallel_loop3A_206 = arith.index_cast %parallel_loop3A_205 : i32 to index
        %parallel_loop3A_207 = arith.constant 0 : index
        %parallel_loop3A_208 = tpu.vector_load %arg7[%parallel_loop3A_206, %parallel_loop3A_207] {strides = array<i32>} : memref<288x128xf32, #tpu.memory_space<vmem>>, vector<1x16xf32>,
        %parallel_loop3A_209 = vector.shape_cast %parallel_loop3A_208 : vector<1x16xf32> to vector<16xf32>
        %parallel_loop3A_210 = arith.constant 1 : i32
        %parallel_loop3A_211 = arith.addi %parallel_loop3A_203, %parallel_loop3A_210 : i32
        %parallel_loop3A_212 = arith.index_cast %parallel_loop3A_211 : i32 to index
        %parallel_loop3A_213 = arith.constant 0 : index
        %parallel_loop3A_214 = tpu.vector_load %arg7[%parallel_loop3A_212, %parallel_loop3A_213] {strides = array<i32>} : memref<288x128xf32, #tpu.memory_space<vmem>>, vector<1x16xf32>,
        %parallel_loop3A_215 = vector.shape_cast %parallel_loop3A_214 : vector<1x16xf32> to vector<16xf32>
        %parallel_loop3A_216 = arith.constant 2 : i32
        %parallel_loop3A_217 = arith.addi %parallel_loop3A_203, %parallel_loop3A_216 : i32
        %parallel_loop3A_218 = arith.index_cast %parallel_loop3A_217 : i32 to index
        %parallel_loop3A_219 = arith.constant 0 : index
        %parallel_loop3A_220 = tpu.vector_load %arg7[%parallel_loop3A_218, %parallel_loop3A_219] {strides = array<i32>} : memref<288x128xf32, #tpu.memory_space<vmem>>, vector<1x16xf32>,
        %parallel_loop3A_221 = vector.shape_cast %parallel_loop3A_220 : vector<1x16xf32> to vector<16xf32>
        %parallel_loop3A_222 = arith.constant 3 : i32
        %parallel_loop3A_223 = arith.addi %parallel_loop3A_203, %parallel_loop3A_222 : i32
        %parallel_loop3A_224 = arith.index_cast %parallel_loop3A_223 : i32 to index
        %parallel_loop3A_225 = arith.constant 0 : index
        %parallel_loop3A_226 = tpu.vector_load %arg7[%parallel_loop3A_224, %parallel_loop3A_225] {strides = array<i32>} : memref<288x128xf32, #tpu.memory_space<vmem>>, vector<1x16xf32>,
        %parallel_loop3A_227 = vector.shape_cast %parallel_loop3A_226 : vector<1x16xf32> to vector<16xf32>
        %parallel_loop3A_228 = arith.constant 4 : i32
        %parallel_loop3A_229 = arith.addi %parallel_loop3A_203, %parallel_loop3A_228 : i32
        %parallel_loop3A_230 = arith.index_cast %parallel_loop3A_229 : i32 to index
        %parallel_loop3A_231 = arith.constant 0 : index
        %parallel_loop3A_232 = tpu.vector_load %arg7[%parallel_loop3A_230, %parallel_loop3A_231] {strides = array<i32>} : memref<288x128xf32, #tpu.memory_space<vmem>>, vector<1x16xf32>,
        %parallel_loop3A_233 = vector.shape_cast %parallel_loop3A_232 : vector<1x16xf32> to vector<16xf32>
        %parallel_loop3A_234 = arith.constant 5 : i32
        %parallel_loop3A_235 = arith.addi %parallel_loop3A_203, %parallel_loop3A_234 : i32
        %parallel_loop3A_236 = arith.index_cast %parallel_loop3A_235 : i32 to index
        %parallel_loop3A_237 = arith.constant 0 : index
        %parallel_loop3A_238 = tpu.vector_load %arg7[%parallel_loop3A_236, %parallel_loop3A_237] {strides = array<i32>} : memref<288x128xf32, #tpu.memory_space<vmem>>, vector<1x16xf32>,
        %parallel_loop3A_239 = vector.shape_cast %parallel_loop3A_238 : vector<1x16xf32> to vector<16xf32>
        %parallel_loop3A_240 = arith.constant 6 : i32
        %parallel_loop3A_241 = arith.addi %parallel_loop3A_203, %parallel_loop3A_240 : i32
        %parallel_loop3A_242 = arith.index_cast %parallel_loop3A_241 : i32 to index
        %parallel_loop3A_243 = arith.constant 0 : index
        %parallel_loop3A_244 = tpu.vector_load %arg7[%parallel_loop3A_242, %parallel_loop3A_243] {strides = array<i32>} : memref<288x128xf32, #tpu.memory_space<vmem>>, vector<1x16xf32>,
        %parallel_loop3A_245 = vector.shape_cast %parallel_loop3A_244 : vector<1x16xf32> to vector<16xf32>
        %parallel_loop3A_246 = arith.constant 7 : i32
        %parallel_loop3A_247 = arith.addi %parallel_loop3A_203, %parallel_loop3A_246 : i32
        %parallel_loop3A_248 = arith.index_cast %parallel_loop3A_247 : i32 to index
        %parallel_loop3A_249 = arith.constant 0 : index
        %parallel_loop3A_250 = tpu.vector_load %arg7[%parallel_loop3A_248, %parallel_loop3A_249] {strides = array<i32>} : memref<288x128xf32, #tpu.memory_space<vmem>>, vector<1x16xf32>,
        %parallel_loop3A_251 = vector.shape_cast %parallel_loop3A_250 : vector<1x16xf32> to vector<16xf32>
        %parallel_loop3A_252 = arith.constant 8 : i32
        %parallel_loop3A_253 = arith.addi %parallel_loop3A_203, %parallel_loop3A_252 : i32
        %parallel_loop3A_254 = arith.index_cast %parallel_loop3A_253 : i32 to index
        %parallel_loop3A_255 = arith.constant 0 : index
        %parallel_loop3A_256 = tpu.vector_load %arg7[%parallel_loop3A_254, %parallel_loop3A_255] {strides = array<i32>} : memref<288x128xf32, #tpu.memory_space<vmem>>, vector<1x16xf32>,
        %parallel_loop3A_257 = vector.shape_cast %parallel_loop3A_256 : vector<1x16xf32> to vector<16xf32>
        %parallel_loop3A_258 = arith.maximumf %parallel_loop3A_209, %parallel_loop3A_215 : vector<16xf32>
        %parallel_loop3A_259 = arith.maximumf %parallel_loop3A_221, %parallel_loop3A_227 : vector<16xf32>
        %parallel_loop3A_260 = arith.maximumf %parallel_loop3A_233, %parallel_loop3A_239 : vector<16xf32>
        %parallel_loop3A_261 = arith.maximumf %parallel_loop3A_245, %parallel_loop3A_251 : vector<16xf32>
        %parallel_loop3A_262 = arith.maximumf %parallel_loop3A_258, %parallel_loop3A_259 : vector<16xf32>
        %parallel_loop3A_263 = arith.maximumf %parallel_loop3A_260, %parallel_loop3A_261 : vector<16xf32>
        %parallel_loop3A_264 = arith.maximumf %parallel_loop3A_262, %parallel_loop3A_263 : vector<16xf32>
        %parallel_loop3A_265 = arith.maximumf %parallel_loop3A_264, %parallel_loop3A_257 : vector<16xf32>
        %parallel_loop3A_266 = arith.index_cast %parallel_loop3A_201 : i32 to index
        %parallel_loop3A_267 = arith.constant 0 : index
        %parallel_loop3A_268 = tpu.vector_load %arg9[%parallel_loop3A_266, %parallel_loop3A_267] {strides = array<i32>} : memref<32x128xf32, #tpu.memory_space<vmem>>, vector<1x16xf32>,
        %parallel_loop3A_269 = vector.shape_cast %parallel_loop3A_268 : vector<1x16xf32> to vector<16xf32>
        %parallel_loop3A_270 = vector.shape_cast %parallel_loop3A_265 : vector<16xf32> to vector<1x16xf32>
        tpu.vector_store %arg9[%parallel_loop3A_266, %parallel_loop3A_267], %parallel_loop3A_270 {strides = array<i32>} : memref<32x128xf32, #tpu.memory_space<vmem>>, vector<1x16xf32>,
        %parallel_loop3A_271 = arith.constant 0 : i32
        %parallel_loop3A_272 = arith.addi %parallel_loop3A_203, %parallel_loop3A_271 : i32
        %parallel_loop3A_273 = arith.index_cast %parallel_loop3A_272 : i32 to index
        %parallel_loop3A_274 = arith.constant 16 : index
        %parallel_loop3A_275 = tpu.vector_load %arg7[%parallel_loop3A_273, %parallel_loop3A_274] {strides = array<i32>} : memref<288x128xf32, #tpu.memory_space<vmem>>, vector<1x16xf32>,
        %parallel_loop3A_276 = vector.shape_cast %parallel_loop3A_275 : vector<1x16xf32> to vector<16xf32>
        %parallel_loop3A_277 = arith.constant 1 : i32
        %parallel_loop3A_278 = arith.addi %parallel_loop3A_203, %parallel_loop3A_277 : i32
        %parallel_loop3A_279 = arith.index_cast %parallel_loop3A_278 : i32 to index
        %parallel_loop3A_280 = arith.constant 16 : index
        %parallel_loop3A_281 = tpu.vector_load %arg7[%parallel_loop3A_279, %parallel_loop3A_280] {strides = array<i32>} : memref<288x128xf32, #tpu.memory_space<vmem>>, vector<1x16xf32>,
        %parallel_loop3A_282 = vector.shape_cast %parallel_loop3A_281 : vector<1x16xf32> to vector<16xf32>
        %parallel_loop3A_283 = arith.constant 2 : i32
        %parallel_loop3A_284 = arith.addi %parallel_loop3A_203, %parallel_loop3A_283 : i32
        %parallel_loop3A_285 = arith.index_cast %parallel_loop3A_284 : i32 to index
        %parallel_loop3A_286 = arith.constant 16 : index
        %parallel_loop3A_287 = tpu.vector_load %arg7[%parallel_loop3A_285, %parallel_loop3A_286] {strides = array<i32>} : memref<288x128xf32, #tpu.memory_space<vmem>>, vector<1x16xf32>,
        %parallel_loop3A_288 = vector.shape_cast %parallel_loop3A_287 : vector<1x16xf32> to vector<16xf32>
        %parallel_loop3A_289 = arith.constant 3 : i32
        %parallel_loop3A_290 = arith.addi %parallel_loop3A_203, %parallel_loop3A_289 : i32
        %parallel_loop3A_291 = arith.index_cast %parallel_loop3A_290 : i32 to index
        %parallel_loop3A_292 = arith.constant 16 : index
        %parallel_loop3A_293 = tpu.vector_load %arg7[%parallel_loop3A_291, %parallel_loop3A_292] {strides = array<i32>} : memref<288x128xf32, #tpu.memory_space<vmem>>, vector<1x16xf32>,
        %parallel_loop3A_294 = vector.shape_cast %parallel_loop3A_293 : vector<1x16xf32> to vector<16xf32>
        %parallel_loop3A_295 = arith.constant 4 : i32
        %parallel_loop3A_296 = arith.addi %parallel_loop3A_203, %parallel_loop3A_295 : i32
        %parallel_loop3A_297 = arith.index_cast %parallel_loop3A_296 : i32 to index
        %parallel_loop3A_298 = arith.constant 16 : index
        %parallel_loop3A_299 = tpu.vector_load %arg7[%parallel_loop3A_297, %parallel_loop3A_298] {strides = array<i32>} : memref<288x128xf32, #tpu.memory_space<vmem>>, vector<1x16xf32>,
        %parallel_loop3A_300 = vector.shape_cast %parallel_loop3A_299 : vector<1x16xf32> to vector<16xf32>
        %parallel_loop3A_301 = arith.constant 5 : i32
        %parallel_loop3A_302 = arith.addi %parallel_loop3A_203, %parallel_loop3A_301 : i32
        %parallel_loop3A_303 = arith.index_cast %parallel_loop3A_302 : i32 to index
        %parallel_loop3A_304 = arith.constant 16 : index
        %parallel_loop3A_305 = tpu.vector_load %arg7[%parallel_loop3A_303, %parallel_loop3A_304] {strides = array<i32>} : memref<288x128xf32, #tpu.memory_space<vmem>>, vector<1x16xf32>,
        %parallel_loop3A_306 = vector.shape_cast %parallel_loop3A_305 : vector<1x16xf32> to vector<16xf32>
        %parallel_loop3A_307 = arith.constant 6 : i32
        %parallel_loop3A_308 = arith.addi %parallel_loop3A_203, %parallel_loop3A_307 : i32
        %parallel_loop3A_309 = arith.index_cast %parallel_loop3A_308 : i32 to index
        %parallel_loop3A_310 = arith.constant 16 : index
        %parallel_loop3A_311 = tpu.vector_load %arg7[%parallel_loop3A_309, %parallel_loop3A_310] {strides = array<i32>} : memref<288x128xf32, #tpu.memory_space<vmem>>, vector<1x16xf32>,
        %parallel_loop3A_312 = vector.shape_cast %parallel_loop3A_311 : vector<1x16xf32> to vector<16xf32>
        %parallel_loop3A_313 = arith.constant 7 : i32
        %parallel_loop3A_314 = arith.addi %parallel_loop3A_203, %parallel_loop3A_313 : i32
        %parallel_loop3A_315 = arith.index_cast %parallel_loop3A_314 : i32 to index
        %parallel_loop3A_316 = arith.constant 16 : index
        %parallel_loop3A_317 = tpu.vector_load %arg7[%parallel_loop3A_315, %parallel_loop3A_316] {strides = array<i32>} : memref<288x128xf32, #tpu.memory_space<vmem>>, vector<1x16xf32>,
        %parallel_loop3A_318 = vector.shape_cast %parallel_loop3A_317 : vector<1x16xf32> to vector<16xf32>
        %parallel_loop3A_319 = arith.constant 8 : i32
        %parallel_loop3A_320 = arith.addi %parallel_loop3A_203, %parallel_loop3A_319 : i32
        %parallel_loop3A_321 = arith.index_cast %parallel_loop3A_320 : i32 to index
        %parallel_loop3A_322 = arith.constant 16 : index
        %parallel_loop3A_323 = tpu.vector_load %arg7[%parallel_loop3A_321, %parallel_loop3A_322] {strides = array<i32>} : memref<288x128xf32, #tpu.memory_space<vmem>>, vector<1x16xf32>,
        %parallel_loop3A_324 = vector.shape_cast %parallel_loop3A_323 : vector<1x16xf32> to vector<16xf32>
        %parallel_loop3A_325 = arith.maximumf %parallel_loop3A_276, %parallel_loop3A_282 : vector<16xf32>
        %parallel_loop3A_326 = arith.maximumf %parallel_loop3A_288, %parallel_loop3A_294 : vector<16xf32>
        %parallel_loop3A_327 = arith.maximumf %parallel_loop3A_300, %parallel_loop3A_306 : vector<16xf32>
        %parallel_loop3A_328 = arith.maximumf %parallel_loop3A_312, %parallel_loop3A_318 : vector<16xf32>
        %parallel_loop3A_329 = arith.maximumf %parallel_loop3A_325, %parallel_loop3A_326 : vector<16xf32>
        %parallel_loop3A_330 = arith.maximumf %parallel_loop3A_327, %parallel_loop3A_328 : vector<16xf32>
        %parallel_loop3A_331 = arith.maximumf %parallel_loop3A_329, %parallel_loop3A_330 : vector<16xf32>
        %parallel_loop3A_332 = arith.maximumf %parallel_loop3A_331, %parallel_loop3A_324 : vector<16xf32>
        %parallel_loop3A_333 = arith.index_cast %parallel_loop3A_201 : i32 to index
        %parallel_loop3A_334 = arith.constant 16 : index
        %parallel_loop3A_335 = tpu.vector_load %arg9[%parallel_loop3A_333, %parallel_loop3A_334] {strides = array<i32>} : memref<32x128xf32, #tpu.memory_space<vmem>>, vector<1x16xf32>,
        %parallel_loop3A_336 = vector.shape_cast %parallel_loop3A_335 : vector<1x16xf32> to vector<16xf32>
        %parallel_loop3A_337 = vector.shape_cast %parallel_loop3A_332 : vector<16xf32> to vector<1x16xf32>
        tpu.vector_store %arg9[%parallel_loop3A_333, %parallel_loop3A_334], %parallel_loop3A_337 {strides = array<i32>} : memref<32x128xf32, #tpu.memory_space<vmem>>, vector<1x16xf32>,
        %parallel_loop3A_338 = arith.constant 0 : i32
        %parallel_loop3A_339 = arith.addi %parallel_loop3A_203, %parallel_loop3A_338 : i32
        %parallel_loop3A_340 = arith.index_cast %parallel_loop3A_339 : i32 to index
        %parallel_loop3A_341 = arith.constant 32 : index
        %parallel_loop3A_342 = tpu.vector_load %arg7[%parallel_loop3A_340, %parallel_loop3A_341] {strides = array<i32>} : memref<288x128xf32, #tpu.memory_space<vmem>>, vector<1x16xf32>,
        %parallel_loop3A_343 = vector.shape_cast %parallel_loop3A_342 : vector<1x16xf32> to vector<16xf32>
        %parallel_loop3A_344 = arith.constant 1 : i32
        %parallel_loop3A_345 = arith.addi %parallel_loop3A_203, %parallel_loop3A_344 : i32
        %parallel_loop3A_346 = arith.index_cast %parallel_loop3A_345 : i32 to index
        %parallel_loop3A_347 = arith.constant 32 : index
        %parallel_loop3A_348 = tpu.vector_load %arg7[%parallel_loop3A_346, %parallel_loop3A_347] {strides = array<i32>} : memref<288x128xf32, #tpu.memory_space<vmem>>, vector<1x16xf32>,
        %parallel_loop3A_349 = vector.shape_cast %parallel_loop3A_348 : vector<1x16xf32> to vector<16xf32>
        %parallel_loop3A_350 = arith.constant 2 : i32
        %parallel_loop3A_351 = arith.addi %parallel_loop3A_203, %parallel_loop3A_350 : i32
        %parallel_loop3A_352 = arith.index_cast %parallel_loop3A_351 : i32 to index
        %parallel_loop3A_353 = arith.constant 32 : index
        %parallel_loop3A_354 = tpu.vector_load %arg7[%parallel_loop3A_352, %parallel_loop3A_353] {strides = array<i32>} : memref<288x128xf32, #tpu.memory_space<vmem>>, vector<1x16xf32>,
        %parallel_loop3A_355 = vector.shape_cast %parallel_loop3A_354 : vector<1x16xf32> to vector<16xf32>
        %parallel_loop3A_356 = arith.constant 3 : i32
        %parallel_loop3A_357 = arith.addi %parallel_loop3A_203, %parallel_loop3A_356 : i32
        %parallel_loop3A_358 = arith.index_cast %parallel_loop3A_357 : i32 to index
        %parallel_loop3A_359 = arith.constant 32 : index
        %parallel_loop3A_360 = tpu.vector_load %arg7[%parallel_loop3A_358, %parallel_loop3A_359] {strides = array<i32>} : memref<288x128xf32, #tpu.memory_space<vmem>>, vector<1x16xf32>,
        %parallel_loop3A_361 = vector.shape_cast %parallel_loop3A_360 : vector<1x16xf32> to vector<16xf32>
        %parallel_loop3A_362 = arith.constant 4 : i32
        %parallel_loop3A_363 = arith.addi %parallel_loop3A_203, %parallel_loop3A_362 : i32
        %parallel_loop3A_364 = arith.index_cast %parallel_loop3A_363 : i32 to index
        %parallel_loop3A_365 = arith.constant 32 : index
        %parallel_loop3A_366 = tpu.vector_load %arg7[%parallel_loop3A_364, %parallel_loop3A_365] {strides = array<i32>} : memref<288x128xf32, #tpu.memory_space<vmem>>, vector<1x16xf32>,
        %parallel_loop3A_367 = vector.shape_cast %parallel_loop3A_366 : vector<1x16xf32> to vector<16xf32>
        %parallel_loop3A_368 = arith.constant 5 : i32
        %parallel_loop3A_369 = arith.addi %parallel_loop3A_203, %parallel_loop3A_368 : i32
        %parallel_loop3A_370 = arith.index_cast %parallel_loop3A_369 : i32 to index
        %parallel_loop3A_371 = arith.constant 32 : index
        %parallel_loop3A_372 = tpu.vector_load %arg7[%parallel_loop3A_370, %parallel_loop3A_371] {strides = array<i32>} : memref<288x128xf32, #tpu.memory_space<vmem>>, vector<1x16xf32>,
        %parallel_loop3A_373 = vector.shape_cast %parallel_loop3A_372 : vector<1x16xf32> to vector<16xf32>
        %parallel_loop3A_374 = arith.constant 6 : i32
        %parallel_loop3A_375 = arith.addi %parallel_loop3A_203, %parallel_loop3A_374 : i32
        %parallel_loop3A_376 = arith.index_cast %parallel_loop3A_375 : i32 to index
        %parallel_loop3A_377 = arith.constant 32 : index
        %parallel_loop3A_378 = tpu.vector_load %arg7[%parallel_loop3A_376, %parallel_loop3A_377] {strides = array<i32>} : memref<288x128xf32, #tpu.memory_space<vmem>>, vector<1x16xf32>,
        %parallel_loop3A_379 = vector.shape_cast %parallel_loop3A_378 : vector<1x16xf32> to vector<16xf32>
        %parallel_loop3A_380 = arith.constant 7 : i32
        %parallel_loop3A_381 = arith.addi %parallel_loop3A_203, %parallel_loop3A_380 : i32
        %parallel_loop3A_382 = arith.index_cast %parallel_loop3A_381 : i32 to index
        %parallel_loop3A_383 = arith.constant 32 : index
        %parallel_loop3A_384 = tpu.vector_load %arg7[%parallel_loop3A_382, %parallel_loop3A_383] {strides = array<i32>} : memref<288x128xf32, #tpu.memory_space<vmem>>, vector<1x16xf32>,
        %parallel_loop3A_385 = vector.shape_cast %parallel_loop3A_384 : vector<1x16xf32> to vector<16xf32>
        %parallel_loop3A_386 = arith.constant 8 : i32
        %parallel_loop3A_387 = arith.addi %parallel_loop3A_203, %parallel_loop3A_386 : i32
        %parallel_loop3A_388 = arith.index_cast %parallel_loop3A_387 : i32 to index
        %parallel_loop3A_389 = arith.constant 32 : index
        %parallel_loop3A_390 = tpu.vector_load %arg7[%parallel_loop3A_388, %parallel_loop3A_389] {strides = array<i32>} : memref<288x128xf32, #tpu.memory_space<vmem>>, vector<1x16xf32>,
        %parallel_loop3A_391 = vector.shape_cast %parallel_loop3A_390 : vector<1x16xf32> to vector<16xf32>
        %parallel_loop3A_392 = arith.maximumf %parallel_loop3A_343, %parallel_loop3A_349 : vector<16xf32>
        %parallel_loop3A_393 = arith.maximumf %parallel_loop3A_355, %parallel_loop3A_361 : vector<16xf32>
        %parallel_loop3A_394 = arith.maximumf %parallel_loop3A_367, %parallel_loop3A_373 : vector<16xf32>
        %parallel_loop3A_395 = arith.maximumf %parallel_loop3A_379, %parallel_loop3A_385 : vector<16xf32>
        %parallel_loop3A_396 = arith.maximumf %parallel_loop3A_392, %parallel_loop3A_393 : vector<16xf32>
        %parallel_loop3A_397 = arith.maximumf %parallel_loop3A_394, %parallel_loop3A_395 : vector<16xf32>
        %parallel_loop3A_398 = arith.maximumf %parallel_loop3A_396, %parallel_loop3A_397 : vector<16xf32>
        %parallel_loop3A_399 = arith.maximumf %parallel_loop3A_398, %parallel_loop3A_391 : vector<16xf32>
        %parallel_loop3A_400 = arith.index_cast %parallel_loop3A_201 : i32 to index
        %parallel_loop3A_401 = arith.constant 32 : index
        %parallel_loop3A_402 = tpu.vector_load %arg9[%parallel_loop3A_400, %parallel_loop3A_401] {strides = array<i32>} : memref<32x128xf32, #tpu.memory_space<vmem>>, vector<1x16xf32>,
        %parallel_loop3A_403 = vector.shape_cast %parallel_loop3A_402 : vector<1x16xf32> to vector<16xf32>
        %parallel_loop3A_404 = vector.shape_cast %parallel_loop3A_399 : vector<16xf32> to vector<1x16xf32>
        tpu.vector_store %arg9[%parallel_loop3A_400, %parallel_loop3A_401], %parallel_loop3A_404 {strides = array<i32>} : memref<32x128xf32, #tpu.memory_space<vmem>>, vector<1x16xf32>,
        %parallel_loop3A_405 = arith.constant 0 : i32
        %parallel_loop3A_406 = arith.addi %parallel_loop3A_203, %parallel_loop3A_405 : i32
        %parallel_loop3A_407 = arith.index_cast %parallel_loop3A_406 : i32 to index
        %parallel_loop3A_408 = arith.constant 48 : index
        %parallel_loop3A_409 = tpu.vector_load %arg7[%parallel_loop3A_407, %parallel_loop3A_408] {strides = array<i32>} : memref<288x128xf32, #tpu.memory_space<vmem>>, vector<1x16xf32>,
        %parallel_loop3A_410 = vector.shape_cast %parallel_loop3A_409 : vector<1x16xf32> to vector<16xf32>
        %parallel_loop3A_411 = arith.constant 1 : i32
        %parallel_loop3A_412 = arith.addi %parallel_loop3A_203, %parallel_loop3A_411 : i32
        %parallel_loop3A_413 = arith.index_cast %parallel_loop3A_412 : i32 to index
        %parallel_loop3A_414 = arith.constant 48 : index
        %parallel_loop3A_415 = tpu.vector_load %arg7[%parallel_loop3A_413, %parallel_loop3A_414] {strides = array<i32>} : memref<288x128xf32, #tpu.memory_space<vmem>>, vector<1x16xf32>,
        %parallel_loop3A_416 = vector.shape_cast %parallel_loop3A_415 : vector<1x16xf32> to vector<16xf32>
        %parallel_loop3A_417 = arith.constant 2 : i32
        %parallel_loop3A_418 = arith.addi %parallel_loop3A_203, %parallel_loop3A_417 : i32
        %parallel_loop3A_419 = arith.index_cast %parallel_loop3A_418 : i32 to index
        %parallel_loop3A_420 = arith.constant 48 : index
        %parallel_loop3A_421 = tpu.vector_load %arg7[%parallel_loop3A_419, %parallel_loop3A_420] {strides = array<i32>} : memref<288x128xf32, #tpu.memory_space<vmem>>, vector<1x16xf32>,
        %parallel_loop3A_422 = vector.shape_cast %parallel_loop3A_421 : vector<1x16xf32> to vector<16xf32>
        %parallel_loop3A_423 = arith.constant 3 : i32
        %parallel_loop3A_424 = arith.addi %parallel_loop3A_203, %parallel_loop3A_423 : i32
        %parallel_loop3A_425 = arith.index_cast %parallel_loop3A_424 : i32 to index
        %parallel_loop3A_426 = arith.constant 48 : index
        %parallel_loop3A_427 = tpu.vector_load %arg7[%parallel_loop3A_425, %parallel_loop3A_426] {strides = array<i32>} : memref<288x128xf32, #tpu.memory_space<vmem>>, vector<1x16xf32>,
        %parallel_loop3A_428 = vector.shape_cast %parallel_loop3A_427 : vector<1x16xf32> to vector<16xf32>
        %parallel_loop3A_429 = arith.constant 4 : i32
        %parallel_loop3A_430 = arith.addi %parallel_loop3A_203, %parallel_loop3A_429 : i32
        %parallel_loop3A_431 = arith.index_cast %parallel_loop3A_430 : i32 to index
        %parallel_loop3A_432 = arith.constant 48 : index
        %parallel_loop3A_433 = tpu.vector_load %arg7[%parallel_loop3A_431, %parallel_loop3A_432] {strides = array<i32>} : memref<288x128xf32, #tpu.memory_space<vmem>>, vector<1x16xf32>,
        %parallel_loop3A_434 = vector.shape_cast %parallel_loop3A_433 : vector<1x16xf32> to vector<16xf32>
        %parallel_loop3A_435 = arith.constant 5 : i32
        %parallel_loop3A_436 = arith.addi %parallel_loop3A_203, %parallel_loop3A_435 : i32
        %parallel_loop3A_437 = arith.index_cast %parallel_loop3A_436 : i32 to index
        %parallel_loop3A_438 = arith.constant 48 : index
        %parallel_loop3A_439 = tpu.vector_load %arg7[%parallel_loop3A_437, %parallel_loop3A_438] {strides = array<i32>} : memref<288x128xf32, #tpu.memory_space<vmem>>, vector<1x16xf32>,
        %parallel_loop3A_440 = vector.shape_cast %parallel_loop3A_439 : vector<1x16xf32> to vector<16xf32>
        %parallel_loop3A_441 = arith.constant 6 : i32
        %parallel_loop3A_442 = arith.addi %parallel_loop3A_203, %parallel_loop3A_441 : i32
        %parallel_loop3A_443 = arith.index_cast %parallel_loop3A_442 : i32 to index
        %parallel_loop3A_444 = arith.constant 48 : index
        %parallel_loop3A_445 = tpu.vector_load %arg7[%parallel_loop3A_443, %parallel_loop3A_444] {strides = array<i32>} : memref<288x128xf32, #tpu.memory_space<vmem>>, vector<1x16xf32>,
        %parallel_loop3A_446 = vector.shape_cast %parallel_loop3A_445 : vector<1x16xf32> to vector<16xf32>
        %parallel_loop3A_447 = arith.constant 7 : i32
        %parallel_loop3A_448 = arith.addi %parallel_loop3A_203, %parallel_loop3A_447 : i32
        %parallel_loop3A_449 = arith.index_cast %parallel_loop3A_448 : i32 to index
        %parallel_loop3A_450 = arith.constant 48 : index
        %parallel_loop3A_451 = tpu.vector_load %arg7[%parallel_loop3A_449, %parallel_loop3A_450] {strides = array<i32>} : memref<288x128xf32, #tpu.memory_space<vmem>>, vector<1x16xf32>,
        %parallel_loop3A_452 = vector.shape_cast %parallel_loop3A_451 : vector<1x16xf32> to vector<16xf32>
        %parallel_loop3A_453 = arith.constant 8 : i32
        %parallel_loop3A_454 = arith.addi %parallel_loop3A_203, %parallel_loop3A_453 : i32
        %parallel_loop3A_455 = arith.index_cast %parallel_loop3A_454 : i32 to index
        %parallel_loop3A_456 = arith.constant 48 : index
        %parallel_loop3A_457 = tpu.vector_load %arg7[%parallel_loop3A_455, %parallel_loop3A_456] {strides = array<i32>} : memref<288x128xf32, #tpu.memory_space<vmem>>, vector<1x16xf32>,
        %parallel_loop3A_458 = vector.shape_cast %parallel_loop3A_457 : vector<1x16xf32> to vector<16xf32>
        %parallel_loop3A_459 = arith.maximumf %parallel_loop3A_410, %parallel_loop3A_416 : vector<16xf32>
        %parallel_loop3A_460 = arith.maximumf %parallel_loop3A_422, %parallel_loop3A_428 : vector<16xf32>
        %parallel_loop3A_461 = arith.maximumf %parallel_loop3A_434, %parallel_loop3A_440 : vector<16xf32>
        %parallel_loop3A_462 = arith.maximumf %parallel_loop3A_446, %parallel_loop3A_452 : vector<16xf32>
        %parallel_loop3A_463 = arith.maximumf %parallel_loop3A_459, %parallel_loop3A_460 : vector<16xf32>
        %parallel_loop3A_464 = arith.maximumf %parallel_loop3A_461, %parallel_loop3A_462 : vector<16xf32>
        %parallel_loop3A_465 = arith.maximumf %parallel_loop3A_463, %parallel_loop3A_464 : vector<16xf32>
        %parallel_loop3A_466 = arith.maximumf %parallel_loop3A_465, %parallel_loop3A_458 : vector<16xf32>
        %parallel_loop3A_467 = arith.index_cast %parallel_loop3A_201 : i32 to index
        %parallel_loop3A_468 = arith.constant 48 : index
        %parallel_loop3A_469 = tpu.vector_load %arg9[%parallel_loop3A_467, %parallel_loop3A_468] {strides = array<i32>} : memref<32x128xf32, #tpu.memory_space<vmem>>, vector<1x16xf32>,
        %parallel_loop3A_470 = vector.shape_cast %parallel_loop3A_469 : vector<1x16xf32> to vector<16xf32>
        %parallel_loop3A_471 = vector.shape_cast %parallel_loop3A_466 : vector<16xf32> to vector<1x16xf32>
        tpu.vector_store %arg9[%parallel_loop3A_467, %parallel_loop3A_468], %parallel_loop3A_471 {strides = array<i32>} : memref<32x128xf32, #tpu.memory_space<vmem>>, vector<1x16xf32>,
        %parallel_loop3A_472 = arith.constant 0 : i32
        %parallel_loop3A_473 = arith.addi %parallel_loop3A_203, %parallel_loop3A_472 : i32
        %parallel_loop3A_474 = arith.index_cast %parallel_loop3A_473 : i32 to index
        %parallel_loop3A_475 = arith.constant 64 : index
        %parallel_loop3A_476 = tpu.vector_load %arg7[%parallel_loop3A_474, %parallel_loop3A_475] {strides = array<i32>} : memref<288x128xf32, #tpu.memory_space<vmem>>, vector<1x16xf32>,
        %parallel_loop3A_477 = vector.shape_cast %parallel_loop3A_476 : vector<1x16xf32> to vector<16xf32>
        %parallel_loop3A_478 = arith.constant 1 : i32
        %parallel_loop3A_479 = arith.addi %parallel_loop3A_203, %parallel_loop3A_478 : i32
        %parallel_loop3A_480 = arith.index_cast %parallel_loop3A_479 : i32 to index
        %parallel_loop3A_481 = arith.constant 64 : index
        %parallel_loop3A_482 = tpu.vector_load %arg7[%parallel_loop3A_480, %parallel_loop3A_481] {strides = array<i32>} : memref<288x128xf32, #tpu.memory_space<vmem>>, vector<1x16xf32>,
        %parallel_loop3A_483 = vector.shape_cast %parallel_loop3A_482 : vector<1x16xf32> to vector<16xf32>
        %parallel_loop3A_484 = arith.constant 2 : i32
        %parallel_loop3A_485 = arith.addi %parallel_loop3A_203, %parallel_loop3A_484 : i32
        %parallel_loop3A_486 = arith.index_cast %parallel_loop3A_485 : i32 to index
        %parallel_loop3A_487 = arith.constant 64 : index
        %parallel_loop3A_488 = tpu.vector_load %arg7[%parallel_loop3A_486, %parallel_loop3A_487] {strides = array<i32>} : memref<288x128xf32, #tpu.memory_space<vmem>>, vector<1x16xf32>,
        %parallel_loop3A_489 = vector.shape_cast %parallel_loop3A_488 : vector<1x16xf32> to vector<16xf32>
        %parallel_loop3A_490 = arith.constant 3 : i32
        %parallel_loop3A_491 = arith.addi %parallel_loop3A_203, %parallel_loop3A_490 : i32
        %parallel_loop3A_492 = arith.index_cast %parallel_loop3A_491 : i32 to index
        %parallel_loop3A_493 = arith.constant 64 : index
        %parallel_loop3A_494 = tpu.vector_load %arg7[%parallel_loop3A_492, %parallel_loop3A_493] {strides = array<i32>} : memref<288x128xf32, #tpu.memory_space<vmem>>, vector<1x16xf32>,
        %parallel_loop3A_495 = vector.shape_cast %parallel_loop3A_494 : vector<1x16xf32> to vector<16xf32>
        %parallel_loop3A_496 = arith.constant 4 : i32
        %parallel_loop3A_497 = arith.addi %parallel_loop3A_203, %parallel_loop3A_496 : i32
        %parallel_loop3A_498 = arith.index_cast %parallel_loop3A_497 : i32 to index
        %parallel_loop3A_499 = arith.constant 64 : index
        %parallel_loop3A_500 = tpu.vector_load %arg7[%parallel_loop3A_498, %parallel_loop3A_499] {strides = array<i32>} : memref<288x128xf32, #tpu.memory_space<vmem>>, vector<1x16xf32>,
        %parallel_loop3A_501 = vector.shape_cast %parallel_loop3A_500 : vector<1x16xf32> to vector<16xf32>
        %parallel_loop3A_502 = arith.constant 5 : i32
        %parallel_loop3A_503 = arith.addi %parallel_loop3A_203, %parallel_loop3A_502 : i32
        %parallel_loop3A_504 = arith.index_cast %parallel_loop3A_503 : i32 to index
        %parallel_loop3A_505 = arith.constant 64 : index
        %parallel_loop3A_506 = tpu.vector_load %arg7[%parallel_loop3A_504, %parallel_loop3A_505] {strides = array<i32>} : memref<288x128xf32, #tpu.memory_space<vmem>>, vector<1x16xf32>,
        %parallel_loop3A_507 = vector.shape_cast %parallel_loop3A_506 : vector<1x16xf32> to vector<16xf32>
        %parallel_loop3A_508 = arith.constant 6 : i32
        %parallel_loop3A_509 = arith.addi %parallel_loop3A_203, %parallel_loop3A_508 : i32
        %parallel_loop3A_510 = arith.index_cast %parallel_loop3A_509 : i32 to index
        %parallel_loop3A_511 = arith.constant 64 : index
        %parallel_loop3A_512 = tpu.vector_load %arg7[%parallel_loop3A_510, %parallel_loop3A_511] {strides = array<i32>} : memref<288x128xf32, #tpu.memory_space<vmem>>, vector<1x16xf32>,
        %parallel_loop3A_513 = vector.shape_cast %parallel_loop3A_512 : vector<1x16xf32> to vector<16xf32>
        %parallel_loop3A_514 = arith.constant 7 : i32
        %parallel_loop3A_515 = arith.addi %parallel_loop3A_203, %parallel_loop3A_514 : i32
        %parallel_loop3A_516 = arith.index_cast %parallel_loop3A_515 : i32 to index
        %parallel_loop3A_517 = arith.constant 64 : index
        %parallel_loop3A_518 = tpu.vector_load %arg7[%parallel_loop3A_516, %parallel_loop3A_517] {strides = array<i32>} : memref<288x128xf32, #tpu.memory_space<vmem>>, vector<1x16xf32>,
        %parallel_loop3A_519 = vector.shape_cast %parallel_loop3A_518 : vector<1x16xf32> to vector<16xf32>
        %parallel_loop3A_520 = arith.constant 8 : i32
        %parallel_loop3A_521 = arith.addi %parallel_loop3A_203, %parallel_loop3A_520 : i32
        %parallel_loop3A_522 = arith.index_cast %parallel_loop3A_521 : i32 to index
        %parallel_loop3A_523 = arith.constant 64 : index
        %parallel_loop3A_524 = tpu.vector_load %arg7[%parallel_loop3A_522, %parallel_loop3A_523] {strides = array<i32>} : memref<288x128xf32, #tpu.memory_space<vmem>>, vector<1x16xf32>,
        %parallel_loop3A_525 = vector.shape_cast %parallel_loop3A_524 : vector<1x16xf32> to vector<16xf32>
        %parallel_loop3A_526 = arith.maximumf %parallel_loop3A_477, %parallel_loop3A_483 : vector<16xf32>
        %parallel_loop3A_527 = arith.maximumf %parallel_loop3A_489, %parallel_loop3A_495 : vector<16xf32>
        %parallel_loop3A_528 = arith.maximumf %parallel_loop3A_501, %parallel_loop3A_507 : vector<16xf32>
        %parallel_loop3A_529 = arith.maximumf %parallel_loop3A_513, %parallel_loop3A_519 : vector<16xf32>
        %parallel_loop3A_530 = arith.maximumf %parallel_loop3A_526, %parallel_loop3A_527 : vector<16xf32>
        %parallel_loop3A_531 = arith.maximumf %parallel_loop3A_528, %parallel_loop3A_529 : vector<16xf32>
        %parallel_loop3A_532 = arith.maximumf %parallel_loop3A_530, %parallel_loop3A_531 : vector<16xf32>
        %parallel_loop3A_533 = arith.maximumf %parallel_loop3A_532, %parallel_loop3A_525 : vector<16xf32>
        %parallel_loop3A_534 = arith.index_cast %parallel_loop3A_201 : i32 to index
        %parallel_loop3A_535 = arith.constant 64 : index
        %parallel_loop3A_536 = tpu.vector_load %arg9[%parallel_loop3A_534, %parallel_loop3A_535] {strides = array<i32>} : memref<32x128xf32, #tpu.memory_space<vmem>>, vector<1x16xf32>,
        %parallel_loop3A_537 = vector.shape_cast %parallel_loop3A_536 : vector<1x16xf32> to vector<16xf32>
        %parallel_loop3A_538 = vector.shape_cast %parallel_loop3A_533 : vector<16xf32> to vector<1x16xf32>
        tpu.vector_store %arg9[%parallel_loop3A_534, %parallel_loop3A_535], %parallel_loop3A_538 {strides = array<i32>} : memref<32x128xf32, #tpu.memory_space<vmem>>, vector<1x16xf32>,
        %parallel_loop3A_539 = arith.constant 0 : i32
        %parallel_loop3A_540 = arith.addi %parallel_loop3A_203, %parallel_loop3A_539 : i32
        %parallel_loop3A_541 = arith.index_cast %parallel_loop3A_540 : i32 to index
        %parallel_loop3A_542 = arith.constant 80 : index
        %parallel_loop3A_543 = tpu.vector_load %arg7[%parallel_loop3A_541, %parallel_loop3A_542] {strides = array<i32>} : memref<288x128xf32, #tpu.memory_space<vmem>>, vector<1x16xf32>,
        %parallel_loop3A_544 = vector.shape_cast %parallel_loop3A_543 : vector<1x16xf32> to vector<16xf32>
        %parallel_loop3A_545 = arith.constant 1 : i32
        %parallel_loop3A_546 = arith.addi %parallel_loop3A_203, %parallel_loop3A_545 : i32
        %parallel_loop3A_547 = arith.index_cast %parallel_loop3A_546 : i32 to index
        %parallel_loop3A_548 = arith.constant 80 : index
        %parallel_loop3A_549 = tpu.vector_load %arg7[%parallel_loop3A_547, %parallel_loop3A_548] {strides = array<i32>} : memref<288x128xf32, #tpu.memory_space<vmem>>, vector<1x16xf32>,
        %parallel_loop3A_550 = vector.shape_cast %parallel_loop3A_549 : vector<1x16xf32> to vector<16xf32>
        %parallel_loop3A_551 = arith.constant 2 : i32
        %parallel_loop3A_552 = arith.addi %parallel_loop3A_203, %parallel_loop3A_551 : i32
        %parallel_loop3A_553 = arith.index_cast %parallel_loop3A_552 : i32 to index
        %parallel_loop3A_554 = arith.constant 80 : index
        %parallel_loop3A_555 = tpu.vector_load %arg7[%parallel_loop3A_553, %parallel_loop3A_554] {strides = array<i32>} : memref<288x128xf32, #tpu.memory_space<vmem>>, vector<1x16xf32>,
        %parallel_loop3A_556 = vector.shape_cast %parallel_loop3A_555 : vector<1x16xf32> to vector<16xf32>
        %parallel_loop3A_557 = arith.constant 3 : i32
        %parallel_loop3A_558 = arith.addi %parallel_loop3A_203, %parallel_loop3A_557 : i32
        %parallel_loop3A_559 = arith.index_cast %parallel_loop3A_558 : i32 to index
        %parallel_loop3A_560 = arith.constant 80 : index
        %parallel_loop3A_561 = tpu.vector_load %arg7[%parallel_loop3A_559, %parallel_loop3A_560] {strides = array<i32>} : memref<288x128xf32, #tpu.memory_space<vmem>>, vector<1x16xf32>,
        %parallel_loop3A_562 = vector.shape_cast %parallel_loop3A_561 : vector<1x16xf32> to vector<16xf32>
        %parallel_loop3A_563 = arith.constant 4 : i32
        %parallel_loop3A_564 = arith.addi %parallel_loop3A_203, %parallel_loop3A_563 : i32
        %parallel_loop3A_565 = arith.index_cast %parallel_loop3A_564 : i32 to index
        %parallel_loop3A_566 = arith.constant 80 : index
        %parallel_loop3A_567 = tpu.vector_load %arg7[%parallel_loop3A_565, %parallel_loop3A_566] {strides = array<i32>} : memref<288x128xf32, #tpu.memory_space<vmem>>, vector<1x16xf32>,
        %parallel_loop3A_568 = vector.shape_cast %parallel_loop3A_567 : vector<1x16xf32> to vector<16xf32>
        %parallel_loop3A_569 = arith.constant 5 : i32
        %parallel_loop3A_570 = arith.addi %parallel_loop3A_203, %parallel_loop3A_569 : i32
        %parallel_loop3A_571 = arith.index_cast %parallel_loop3A_570 : i32 to index
        %parallel_loop3A_572 = arith.constant 80 : index
        %parallel_loop3A_573 = tpu.vector_load %arg7[%parallel_loop3A_571, %parallel_loop3A_572] {strides = array<i32>} : memref<288x128xf32, #tpu.memory_space<vmem>>, vector<1x16xf32>,
        %parallel_loop3A_574 = vector.shape_cast %parallel_loop3A_573 : vector<1x16xf32> to vector<16xf32>
        %parallel_loop3A_575 = arith.constant 6 : i32
        %parallel_loop3A_576 = arith.addi %parallel_loop3A_203, %parallel_loop3A_575 : i32
        %parallel_loop3A_577 = arith.index_cast %parallel_loop3A_576 : i32 to index
        %parallel_loop3A_578 = arith.constant 80 : index
        %parallel_loop3A_579 = tpu.vector_load %arg7[%parallel_loop3A_577, %parallel_loop3A_578] {strides = array<i32>} : memref<288x128xf32, #tpu.memory_space<vmem>>, vector<1x16xf32>,
        %parallel_loop3A_580 = vector.shape_cast %parallel_loop3A_579 : vector<1x16xf32> to vector<16xf32>
        %parallel_loop3A_581 = arith.constant 7 : i32
        %parallel_loop3A_582 = arith.addi %parallel_loop3A_203, %parallel_loop3A_581 : i32
        %parallel_loop3A_583 = arith.index_cast %parallel_loop3A_582 : i32 to index
        %parallel_loop3A_584 = arith.constant 80 : index
        %parallel_loop3A_585 = tpu.vector_load %arg7[%parallel_loop3A_583, %parallel_loop3A_584] {strides = array<i32>} : memref<288x128xf32, #tpu.memory_space<vmem>>, vector<1x16xf32>,
        %parallel_loop3A_586 = vector.shape_cast %parallel_loop3A_585 : vector<1x16xf32> to vector<16xf32>
        %parallel_loop3A_587 = arith.constant 8 : i32
        %parallel_loop3A_588 = arith.addi %parallel_loop3A_203, %parallel_loop3A_587 : i32
        %parallel_loop3A_589 = arith.index_cast %parallel_loop3A_588 : i32 to index
        %parallel_loop3A_590 = arith.constant 80 : index
        %parallel_loop3A_591 = tpu.vector_load %arg7[%parallel_loop3A_589, %parallel_loop3A_590] {strides = array<i32>} : memref<288x128xf32, #tpu.memory_space<vmem>>, vector<1x16xf32>,
        %parallel_loop3A_592 = vector.shape_cast %parallel_loop3A_591 : vector<1x16xf32> to vector<16xf32>
        %parallel_loop3A_593 = arith.maximumf %parallel_loop3A_544, %parallel_loop3A_550 : vector<16xf32>
        %parallel_loop3A_594 = arith.maximumf %parallel_loop3A_556, %parallel_loop3A_562 : vector<16xf32>
        %parallel_loop3A_595 = arith.maximumf %parallel_loop3A_568, %parallel_loop3A_574 : vector<16xf32>
        %parallel_loop3A_596 = arith.maximumf %parallel_loop3A_580, %parallel_loop3A_586 : vector<16xf32>
        %parallel_loop3A_597 = arith.maximumf %parallel_loop3A_593, %parallel_loop3A_594 : vector<16xf32>
        %parallel_loop3A_598 = arith.maximumf %parallel_loop3A_595, %parallel_loop3A_596 : vector<16xf32>
        %parallel_loop3A_599 = arith.maximumf %parallel_loop3A_597, %parallel_loop3A_598 : vector<16xf32>
        %parallel_loop3A_600 = arith.maximumf %parallel_loop3A_599, %parallel_loop3A_592 : vector<16xf32>
        %parallel_loop3A_601 = arith.index_cast %parallel_loop3A_201 : i32 to index
        %parallel_loop3A_602 = arith.constant 80 : index
        %parallel_loop3A_603 = tpu.vector_load %arg9[%parallel_loop3A_601, %parallel_loop3A_602] {strides = array<i32>} : memref<32x128xf32, #tpu.memory_space<vmem>>, vector<1x16xf32>,
        %parallel_loop3A_604 = vector.shape_cast %parallel_loop3A_603 : vector<1x16xf32> to vector<16xf32>
        %parallel_loop3A_605 = vector.shape_cast %parallel_loop3A_600 : vector<16xf32> to vector<1x16xf32>
        tpu.vector_store %arg9[%parallel_loop3A_601, %parallel_loop3A_602], %parallel_loop3A_605 {strides = array<i32>} : memref<32x128xf32, #tpu.memory_space<vmem>>, vector<1x16xf32>,
        %parallel_loop3A_606 = arith.constant 0 : i32
        %parallel_loop3A_607 = arith.addi %parallel_loop3A_203, %parallel_loop3A_606 : i32
        %parallel_loop3A_608 = arith.index_cast %parallel_loop3A_607 : i32 to index
        %parallel_loop3A_609 = arith.constant 96 : index
        %parallel_loop3A_610 = tpu.vector_load %arg7[%parallel_loop3A_608, %parallel_loop3A_609] {strides = array<i32>} : memref<288x128xf32, #tpu.memory_space<vmem>>, vector<1x16xf32>,
        %parallel_loop3A_611 = vector.shape_cast %parallel_loop3A_610 : vector<1x16xf32> to vector<16xf32>
        %parallel_loop3A_612 = arith.constant 1 : i32
        %parallel_loop3A_613 = arith.addi %parallel_loop3A_203, %parallel_loop3A_612 : i32
        %parallel_loop3A_614 = arith.index_cast %parallel_loop3A_613 : i32 to index
        %parallel_loop3A_615 = arith.constant 96 : index
        %parallel_loop3A_616 = tpu.vector_load %arg7[%parallel_loop3A_614, %parallel_loop3A_615] {strides = array<i32>} : memref<288x128xf32, #tpu.memory_space<vmem>>, vector<1x16xf32>,
        %parallel_loop3A_617 = vector.shape_cast %parallel_loop3A_616 : vector<1x16xf32> to vector<16xf32>
        %parallel_loop3A_618 = arith.constant 2 : i32
        %parallel_loop3A_619 = arith.addi %parallel_loop3A_203, %parallel_loop3A_618 : i32
        %parallel_loop3A_620 = arith.index_cast %parallel_loop3A_619 : i32 to index
        %parallel_loop3A_621 = arith.constant 96 : index
        %parallel_loop3A_622 = tpu.vector_load %arg7[%parallel_loop3A_620, %parallel_loop3A_621] {strides = array<i32>} : memref<288x128xf32, #tpu.memory_space<vmem>>, vector<1x16xf32>,
        %parallel_loop3A_623 = vector.shape_cast %parallel_loop3A_622 : vector<1x16xf32> to vector<16xf32>
        %parallel_loop3A_624 = arith.constant 3 : i32
        %parallel_loop3A_625 = arith.addi %parallel_loop3A_203, %parallel_loop3A_624 : i32
        %parallel_loop3A_626 = arith.index_cast %parallel_loop3A_625 : i32 to index
        %parallel_loop3A_627 = arith.constant 96 : index
        %parallel_loop3A_628 = tpu.vector_load %arg7[%parallel_loop3A_626, %parallel_loop3A_627] {strides = array<i32>} : memref<288x128xf32, #tpu.memory_space<vmem>>, vector<1x16xf32>,
        %parallel_loop3A_629 = vector.shape_cast %parallel_loop3A_628 : vector<1x16xf32> to vector<16xf32>
        %parallel_loop3A_630 = arith.constant 4 : i32
        %parallel_loop3A_631 = arith.addi %parallel_loop3A_203, %parallel_loop3A_630 : i32
        %parallel_loop3A_632 = arith.index_cast %parallel_loop3A_631 : i32 to index
        %parallel_loop3A_633 = arith.constant 96 : index
        %parallel_loop3A_634 = tpu.vector_load %arg7[%parallel_loop3A_632, %parallel_loop3A_633] {strides = array<i32>} : memref<288x128xf32, #tpu.memory_space<vmem>>, vector<1x16xf32>,
        %parallel_loop3A_635 = vector.shape_cast %parallel_loop3A_634 : vector<1x16xf32> to vector<16xf32>
        %parallel_loop3A_636 = arith.constant 5 : i32
        %parallel_loop3A_637 = arith.addi %parallel_loop3A_203, %parallel_loop3A_636 : i32
        %parallel_loop3A_638 = arith.index_cast %parallel_loop3A_637 : i32 to index
        %parallel_loop3A_639 = arith.constant 96 : index
        %parallel_loop3A_640 = tpu.vector_load %arg7[%parallel_loop3A_638, %parallel_loop3A_639] {strides = array<i32>} : memref<288x128xf32, #tpu.memory_space<vmem>>, vector<1x16xf32>,
        %parallel_loop3A_641 = vector.shape_cast %parallel_loop3A_640 : vector<1x16xf32> to vector<16xf32>
        %parallel_loop3A_642 = arith.constant 6 : i32
        %parallel_loop3A_643 = arith.addi %parallel_loop3A_203, %parallel_loop3A_642 : i32
        %parallel_loop3A_644 = arith.index_cast %parallel_loop3A_643 : i32 to index
        %parallel_loop3A_645 = arith.constant 96 : index
        %parallel_loop3A_646 = tpu.vector_load %arg7[%parallel_loop3A_644, %parallel_loop3A_645] {strides = array<i32>} : memref<288x128xf32, #tpu.memory_space<vmem>>, vector<1x16xf32>,
        %parallel_loop3A_647 = vector.shape_cast %parallel_loop3A_646 : vector<1x16xf32> to vector<16xf32>
        %parallel_loop3A_648 = arith.constant 7 : i32
        %parallel_loop3A_649 = arith.addi %parallel_loop3A_203, %parallel_loop3A_648 : i32
        %parallel_loop3A_650 = arith.index_cast %parallel_loop3A_649 : i32 to index
        %parallel_loop3A_651 = arith.constant 96 : index
        %parallel_loop3A_652 = tpu.vector_load %arg7[%parallel_loop3A_650, %parallel_loop3A_651] {strides = array<i32>} : memref<288x128xf32, #tpu.memory_space<vmem>>, vector<1x16xf32>,
        %parallel_loop3A_653 = vector.shape_cast %parallel_loop3A_652 : vector<1x16xf32> to vector<16xf32>
        %parallel_loop3A_654 = arith.constant 8 : i32
        %parallel_loop3A_655 = arith.addi %parallel_loop3A_203, %parallel_loop3A_654 : i32
        %parallel_loop3A_656 = arith.index_cast %parallel_loop3A_655 : i32 to index
        %parallel_loop3A_657 = arith.constant 96 : index
        %parallel_loop3A_658 = tpu.vector_load %arg7[%parallel_loop3A_656, %parallel_loop3A_657] {strides = array<i32>} : memref<288x128xf32, #tpu.memory_space<vmem>>, vector<1x16xf32>,
        %parallel_loop3A_659 = vector.shape_cast %parallel_loop3A_658 : vector<1x16xf32> to vector<16xf32>
        %parallel_loop3A_660 = arith.maximumf %parallel_loop3A_611, %parallel_loop3A_617 : vector<16xf32>
        %parallel_loop3A_661 = arith.maximumf %parallel_loop3A_623, %parallel_loop3A_629 : vector<16xf32>
        %parallel_loop3A_662 = arith.maximumf %parallel_loop3A_635, %parallel_loop3A_641 : vector<16xf32>
        %parallel_loop3A_663 = arith.maximumf %parallel_loop3A_647, %parallel_loop3A_653 : vector<16xf32>
        %parallel_loop3A_664 = arith.maximumf %parallel_loop3A_660, %parallel_loop3A_661 : vector<16xf32>
        %parallel_loop3A_665 = arith.maximumf %parallel_loop3A_662, %parallel_loop3A_663 : vector<16xf32>
        %parallel_loop3A_666 = arith.maximumf %parallel_loop3A_664, %parallel_loop3A_665 : vector<16xf32>
        %parallel_loop3A_667 = arith.maximumf %parallel_loop3A_666, %parallel_loop3A_659 : vector<16xf32>
        %parallel_loop3A_668 = arith.index_cast %parallel_loop3A_201 : i32 to index
        %parallel_loop3A_669 = arith.constant 96 : index
        %parallel_loop3A_670 = tpu.vector_load %arg9[%parallel_loop3A_668, %parallel_loop3A_669] {strides = array<i32>} : memref<32x128xf32, #tpu.memory_space<vmem>>, vector<1x16xf32>,
        %parallel_loop3A_671 = vector.shape_cast %parallel_loop3A_670 : vector<1x16xf32> to vector<16xf32>
        %parallel_loop3A_672 = vector.shape_cast %parallel_loop3A_667 : vector<16xf32> to vector<1x16xf32>
        tpu.vector_store %arg9[%parallel_loop3A_668, %parallel_loop3A_669], %parallel_loop3A_672 {strides = array<i32>} : memref<32x128xf32, #tpu.memory_space<vmem>>, vector<1x16xf32>,
        %parallel_loop3A_673 = arith.constant 0 : i32
        %parallel_loop3A_674 = arith.addi %parallel_loop3A_203, %parallel_loop3A_673 : i32
        %parallel_loop3A_675 = arith.index_cast %parallel_loop3A_674 : i32 to index
        %parallel_loop3A_676 = arith.constant 112 : index
        %parallel_loop3A_677 = tpu.vector_load %arg7[%parallel_loop3A_675, %parallel_loop3A_676] {strides = array<i32>} : memref<288x128xf32, #tpu.memory_space<vmem>>, vector<1x16xf32>,
        %parallel_loop3A_678 = vector.shape_cast %parallel_loop3A_677 : vector<1x16xf32> to vector<16xf32>
        %parallel_loop3A_679 = arith.constant 1 : i32
        %parallel_loop3A_680 = arith.addi %parallel_loop3A_203, %parallel_loop3A_679 : i32
        %parallel_loop3A_681 = arith.index_cast %parallel_loop3A_680 : i32 to index
        %parallel_loop3A_682 = arith.constant 112 : index
        %parallel_loop3A_683 = tpu.vector_load %arg7[%parallel_loop3A_681, %parallel_loop3A_682] {strides = array<i32>} : memref<288x128xf32, #tpu.memory_space<vmem>>, vector<1x16xf32>,
        %parallel_loop3A_684 = vector.shape_cast %parallel_loop3A_683 : vector<1x16xf32> to vector<16xf32>
        %parallel_loop3A_685 = arith.constant 2 : i32
        %parallel_loop3A_686 = arith.addi %parallel_loop3A_203, %parallel_loop3A_685 : i32
        %parallel_loop3A_687 = arith.index_cast %parallel_loop3A_686 : i32 to index
        %parallel_loop3A_688 = arith.constant 112 : index
        %parallel_loop3A_689 = tpu.vector_load %arg7[%parallel_loop3A_687, %parallel_loop3A_688] {strides = array<i32>} : memref<288x128xf32, #tpu.memory_space<vmem>>, vector<1x16xf32>,
        %parallel_loop3A_690 = vector.shape_cast %parallel_loop3A_689 : vector<1x16xf32> to vector<16xf32>
        %parallel_loop3A_691 = arith.constant 3 : i32
        %parallel_loop3A_692 = arith.addi %parallel_loop3A_203, %parallel_loop3A_691 : i32
        %parallel_loop3A_693 = arith.index_cast %parallel_loop3A_692 : i32 to index
        %parallel_loop3A_694 = arith.constant 112 : index
        %parallel_loop3A_695 = tpu.vector_load %arg7[%parallel_loop3A_693, %parallel_loop3A_694] {strides = array<i32>} : memref<288x128xf32, #tpu.memory_space<vmem>>, vector<1x16xf32>,
        %parallel_loop3A_696 = vector.shape_cast %parallel_loop3A_695 : vector<1x16xf32> to vector<16xf32>
        %parallel_loop3A_697 = arith.constant 4 : i32
        %parallel_loop3A_698 = arith.addi %parallel_loop3A_203, %parallel_loop3A_697 : i32
        %parallel_loop3A_699 = arith.index_cast %parallel_loop3A_698 : i32 to index
        %parallel_loop3A_700 = arith.constant 112 : index
        %parallel_loop3A_701 = tpu.vector_load %arg7[%parallel_loop3A_699, %parallel_loop3A_700] {strides = array<i32>} : memref<288x128xf32, #tpu.memory_space<vmem>>, vector<1x16xf32>,
        %parallel_loop3A_702 = vector.shape_cast %parallel_loop3A_701 : vector<1x16xf32> to vector<16xf32>
        %parallel_loop3A_703 = arith.constant 5 : i32
        %parallel_loop3A_704 = arith.addi %parallel_loop3A_203, %parallel_loop3A_703 : i32
        %parallel_loop3A_705 = arith.index_cast %parallel_loop3A_704 : i32 to index
        %parallel_loop3A_706 = arith.constant 112 : index
        %parallel_loop3A_707 = tpu.vector_load %arg7[%parallel_loop3A_705, %parallel_loop3A_706] {strides = array<i32>} : memref<288x128xf32, #tpu.memory_space<vmem>>, vector<1x16xf32>,
        %parallel_loop3A_708 = vector.shape_cast %parallel_loop3A_707 : vector<1x16xf32> to vector<16xf32>
        %parallel_loop3A_709 = arith.constant 6 : i32
        %parallel_loop3A_710 = arith.addi %parallel_loop3A_203, %parallel_loop3A_709 : i32
        %parallel_loop3A_711 = arith.index_cast %parallel_loop3A_710 : i32 to index
        %parallel_loop3A_712 = arith.constant 112 : index
        %parallel_loop3A_713 = tpu.vector_load %arg7[%parallel_loop3A_711, %parallel_loop3A_712] {strides = array<i32>} : memref<288x128xf32, #tpu.memory_space<vmem>>, vector<1x16xf32>,
        %parallel_loop3A_714 = vector.shape_cast %parallel_loop3A_713 : vector<1x16xf32> to vector<16xf32>
        %parallel_loop3A_715 = arith.constant 7 : i32
        %parallel_loop3A_716 = arith.addi %parallel_loop3A_203, %parallel_loop3A_715 : i32
        %parallel_loop3A_717 = arith.index_cast %parallel_loop3A_716 : i32 to index
        %parallel_loop3A_718 = arith.constant 112 : index
        %parallel_loop3A_719 = tpu.vector_load %arg7[%parallel_loop3A_717, %parallel_loop3A_718] {strides = array<i32>} : memref<288x128xf32, #tpu.memory_space<vmem>>, vector<1x16xf32>,
        %parallel_loop3A_720 = vector.shape_cast %parallel_loop3A_719 : vector<1x16xf32> to vector<16xf32>
        %parallel_loop3A_721 = arith.constant 8 : i32
        %parallel_loop3A_722 = arith.addi %parallel_loop3A_203, %parallel_loop3A_721 : i32
        %parallel_loop3A_723 = arith.index_cast %parallel_loop3A_722 : i32 to index
        %parallel_loop3A_724 = arith.constant 112 : index
        %parallel_loop3A_725 = tpu.vector_load %arg7[%parallel_loop3A_723, %parallel_loop3A_724] {strides = array<i32>} : memref<288x128xf32, #tpu.memory_space<vmem>>, vector<1x16xf32>,
        %parallel_loop3A_726 = vector.shape_cast %parallel_loop3A_725 : vector<1x16xf32> to vector<16xf32>
        %parallel_loop3A_727 = arith.maximumf %parallel_loop3A_678, %parallel_loop3A_684 : vector<16xf32>
        %parallel_loop3A_728 = arith.maximumf %parallel_loop3A_690, %parallel_loop3A_696 : vector<16xf32>
        %parallel_loop3A_729 = arith.maximumf %parallel_loop3A_702, %parallel_loop3A_708 : vector<16xf32>
        %parallel_loop3A_730 = arith.maximumf %parallel_loop3A_714, %parallel_loop3A_720 : vector<16xf32>
        %parallel_loop3A_731 = arith.maximumf %parallel_loop3A_727, %parallel_loop3A_728 : vector<16xf32>
        %parallel_loop3A_732 = arith.maximumf %parallel_loop3A_729, %parallel_loop3A_730 : vector<16xf32>
        %parallel_loop3A_733 = arith.maximumf %parallel_loop3A_731, %parallel_loop3A_732 : vector<16xf32>
        %parallel_loop3A_734 = arith.maximumf %parallel_loop3A_733, %parallel_loop3A_726 : vector<16xf32>
        %parallel_loop3A_735 = arith.index_cast %parallel_loop3A_201 : i32 to index
        %parallel_loop3A_736 = arith.constant 112 : index
        %parallel_loop3A_737 = tpu.vector_load %arg9[%parallel_loop3A_735, %parallel_loop3A_736] {strides = array<i32>} : memref<32x128xf32, #tpu.memory_space<vmem>>, vector<1x16xf32>,
        %parallel_loop3A_738 = vector.shape_cast %parallel_loop3A_737 : vector<1x16xf32> to vector<16xf32>
        %parallel_loop3A_739 = vector.shape_cast %parallel_loop3A_734 : vector<16xf32> to vector<1x16xf32>
        tpu.vector_store %arg9[%parallel_loop3A_735, %parallel_loop3A_736], %parallel_loop3A_739 {strides = array<i32>} : memref<32x128xf32, #tpu.memory_space<vmem>>, vector<1x16xf32>,
      } {sc.loop_unroll_factor = 2 : i64, sc.parallel_access}
      %mul3A_132 = arith.constant 32 : i32
      %mul3A_133 = arith.muli %mul3A_86, %mul3A_132 : i32
      %add3A_134 = arith.addi %add3A, %mul3A_133 : i32
      %multiple_of3A = tpu.assume_multiple %add3A_134, 8 : i32
      %dma_start3A_135 = arith.constant 0 : i32
      %dma_start3A_136 = tpu.memref_slice %arg4[%multiple_of3A, %dma_start3A_135] : memref<50176x128xf32, #tpu.memory_space<hbm>> -> memref<32x128xf32, #tpu.memory_space<hbm>>
      %dma_start3A_137 = arith.constant 0 : i32
      %dma_start3A_138 = tpu.memref_slice %arg4[%multiple_of3A, %dma_start3A_137] : memref<50176x128xf32, #tpu.memory_space<hbm>> -> memref<32x128xf32, #tpu.memory_space<hbm>>
      tpu.enqueue_dma source(%arg9 : memref<32x128xf32, #tpu.memory_space<vmem>>) target(%dma_start3A_138 : memref<32x128xf32, #tpu.memory_space<hbm>>) target_semaphore(%arg15 : memref<!tpu.dma_semaphore, #tpu.memory_space<semaphore_mem>>)
      %mul3A_139 = arith.constant 2 : i32
      %mul3A_140 = arith.muli %mul3A_139, %while3A_84 : i32
      %add3A_141 = arith.constant 1 : i32
      %add3A_142 = arith.addi %mul3A_140, %add3A_141 : i32
      %add3A_143 = arith.constant 1 : i32
      %add3A_144 = arith.addi %add3A_142, %add3A_143 : i32
      %lt3A_145 = arith.cmpi slt, %add3A_144, %select_n3A_5 : i32
      %convert_element_type3A_146 = arith.extui %lt3A_145 : i1 to i32
      %cond3A_147 = arith.constant 0 : i32
      %cond3A_148 = arith.cmpi ne, %convert_element_type3A_146, %cond3A_147 : i32
      scf.if %cond3A_148 {
        %add3A_201 = arith.constant 1 : i32
        %add3A_202 = arith.addi %add3A_142, %add3A_201 : i32
        %mul3A_203 = arith.constant 32 : i32
        %mul3A_204 = arith.muli %add3A_202, %mul3A_203 : i32
        %add3A_205 = arith.addi %add3A, %mul3A_204 : i32
        %mul3A_206 = arith.constant 9 : i32
        %mul3A_207 = arith.muli %add3A_205, %mul3A_206 : i32
        %dma_wait3A_208 = tpu.memref_slice %arg3[%mul3A_207] : memref<451584xi32, #tpu.memory_space<hbm>> -> memref<288xi32, #tpu.memory_space<hbm>>
        %dma_wait3A_209 = tpu.memref_slice %arg3[%mul3A_207] : memref<451584xi32, #tpu.memory_space<hbm>> -> memref<288xi32, #tpu.memory_space<hbm>>
        tpu.wait_dma2 semaphore(%arg13 : memref<!tpu.dma_semaphore, #tpu.memory_space<semaphore_mem>>) src(%dma_wait3A_209 : memref<288xi32, #tpu.memory_space<hbm>>) dst(%arg5 : memref<288xi32, #tpu.memory_space<vmem>>)
      } else {
      }
      %add3A_149 = arith.constant 1 : i32
      %add3A_150 = arith.addi %add3A_142, %add3A_149 : i32
      %lt3A_151 = arith.cmpi slt, %add3A_150, %select_n3A_5 : i32
      %convert_element_type3A_152 = arith.extui %lt3A_151 : i1 to i32
      %cond3A_153 = arith.constant 0 : i32
      %cond3A_154 = arith.cmpi ne, %convert_element_type3A_152, %cond3A_153 : i32
      scf.if %cond3A_154 {
        %dma_start3A_201 = arith.constant 0 : i32
        %dma_start3A_202 = arith.constant 0 : i32
        %dma_start3A_203 = tpu.memref_slice %arg7[%dma_start3A_201, %dma_start3A_202] : memref<288x128xf32, #tpu.memory_space<vmem>> -> memref<128x128xf32, #tpu.memory_space<vmem>>
        %dma_start3A_204 = arith.constant 0 : i32
        %dma_start3A_205 = tpu.memref_slice %arg5[%dma_start3A_204] : memref<288xi32, #tpu.memory_space<vmem>> -> memref<128xi32, #tpu.memory_space<vmem>>
        %dma_start3A_206 = arith.constant 0 : i32
        %dma_start3A_207 = arith.constant 0 : i32
        %dma_start3A_208 = tpu.memref_slice %arg2[%dma_start3A_206, %dma_start3A_207] : memref<50000x128xf32, #tpu.memory_space<hbm>> -> memref<50000x128xf32, #tpu.memory_space<hbm>>
        tpu.enqueue_indirect_dma source(%dma_start3A_208 : memref<50000x128xf32, #tpu.memory_space<hbm>>) target(%dma_start3A_203 : memref<128x128xf32, #tpu.memory_space<vmem>>) offsets(%dma_start3A_205 : memref<128xi32, #tpu.memory_space<vmem>>) semaphore(%arg11 : memref<!tpu.dma_semaphore, #tpu.memory_space<semaphore_mem>>)
        %dma_start3A_209 = arith.constant 128 : i32
        %dma_start3A_210 = arith.constant 0 : i32
        %dma_start3A_211 = tpu.memref_slice %arg7[%dma_start3A_209, %dma_start3A_210] : memref<288x128xf32, #tpu.memory_space<vmem>> -> memref<128x128xf32, #tpu.memory_space<vmem>>
        %dma_start3A_212 = arith.constant 128 : i32
        %dma_start3A_213 = tpu.memref_slice %arg5[%dma_start3A_212] : memref<288xi32, #tpu.memory_space<vmem>> -> memref<128xi32, #tpu.memory_space<vmem>>
        %dma_start3A_214 = arith.constant 0 : i32
        %dma_start3A_215 = arith.constant 0 : i32
        %dma_start3A_216 = tpu.memref_slice %arg2[%dma_start3A_214, %dma_start3A_215] : memref<50000x128xf32, #tpu.memory_space<hbm>> -> memref<50000x128xf32, #tpu.memory_space<hbm>>
        tpu.enqueue_indirect_dma source(%dma_start3A_216 : memref<50000x128xf32, #tpu.memory_space<hbm>>) target(%dma_start3A_211 : memref<128x128xf32, #tpu.memory_space<vmem>>) offsets(%dma_start3A_213 : memref<128xi32, #tpu.memory_space<vmem>>) semaphore(%arg11 : memref<!tpu.dma_semaphore, #tpu.memory_space<semaphore_mem>>)
        %dma_start3A_217 = arith.constant 256 : i32
        %dma_start3A_218 = arith.constant 0 : i32
        %dma_start3A_219 = tpu.memref_slice %arg7[%dma_start3A_217, %dma_start3A_218] : memref<288x128xf32, #tpu.memory_space<vmem>> -> memref<32x128xf32, #tpu.memory_space<vmem>>
        %dma_start3A_220 = arith.constant 256 : i32
        %dma_start3A_221 = tpu.memref_slice %arg5[%dma_start3A_220] : memref<288xi32, #tpu.memory_space<vmem>> -> memref<32xi32, #tpu.memory_space<vmem>>
        %dma_start3A_222 = arith.constant 0 : i32
        %dma_start3A_223 = arith.constant 0 : i32
        %dma_start3A_224 = tpu.memref_slice %arg2[%dma_start3A_222, %dma_start3A_223] : memref<50000x128xf32, #tpu.memory_space<hbm>> -> memref<50000x128xf32, #tpu.memory_space<hbm>>
        tpu.enqueue_indirect_dma source(%dma_start3A_224 : memref<50000x128xf32, #tpu.memory_space<hbm>>) target(%dma_start3A_219 : memref<32x128xf32, #tpu.memory_space<vmem>>) offsets(%dma_start3A_221 : memref<32xi32, #tpu.memory_space<vmem>>) semaphore(%arg11 : memref<!tpu.dma_semaphore, #tpu.memory_space<semaphore_mem>>)
      } else {
      }
      %dma_wait3A_155 = arith.constant 0 : i32
      %dma_wait3A_156 = arith.constant 0 : i32
      %dma_wait3A_157 = tpu.memref_slice %arg8[%dma_wait3A_155, %dma_wait3A_156] : memref<288x128xf32, #tpu.memory_space<vmem>> -> memref<128x128xf32, #tpu.memory_space<vmem>>
      %dma_wait3A_158 = arith.constant 0 : i32
      %dma_wait3A_159 = tpu.memref_slice %arg6[%dma_wait3A_158] : memref<288xi32, #tpu.memory_space<vmem>> -> memref<128xi32, #tpu.memory_space<vmem>>
      %dma_wait3A_160 = arith.constant 0 : i32
      %dma_wait3A_161 = arith.constant 0 : i32
      %dma_wait3A_162 = tpu.memref_slice %arg2[%dma_wait3A_160, %dma_wait3A_161] : memref<50000x128xf32, #tpu.memory_space<hbm>> -> memref<50000x128xf32, #tpu.memory_space<hbm>>
      tpu.wait_indirect_dma semaphore(%arg12 : memref<!tpu.dma_semaphore, #tpu.memory_space<semaphore_mem>>) src(%dma_wait3A_162 : memref<50000x128xf32, #tpu.memory_space<hbm>>) dst(%dma_wait3A_157 : memref<128x128xf32, #tpu.memory_space<vmem>>)
      %dma_wait3A_163 = arith.constant 128 : i32
      %dma_wait3A_164 = arith.constant 0 : i32
      %dma_wait3A_165 = tpu.memref_slice %arg8[%dma_wait3A_163, %dma_wait3A_164] : memref<288x128xf32, #tpu.memory_space<vmem>> -> memref<128x128xf32, #tpu.memory_space<vmem>>
      %dma_wait3A_166 = arith.constant 128 : i32
      %dma_wait3A_167 = tpu.memref_slice %arg6[%dma_wait3A_166] : memref<288xi32, #tpu.memory_space<vmem>> -> memref<128xi32, #tpu.memory_space<vmem>>
      %dma_wait3A_168 = arith.constant 0 : i32
      %dma_wait3A_169 = arith.constant 0 : i32
      %dma_wait3A_170 = tpu.memref_slice %arg2[%dma_wait3A_168, %dma_wait3A_169] : memref<50000x128xf32, #tpu.memory_space<hbm>> -> memref<50000x128xf32, #tpu.memory_space<hbm>>
      tpu.wait_indirect_dma semaphore(%arg12 : memref<!tpu.dma_semaphore, #tpu.memory_space<semaphore_mem>>) src(%dma_wait3A_170 : memref<50000x128xf32, #tpu.memory_space<hbm>>) dst(%dma_wait3A_165 : memref<128x128xf32, #tpu.memory_space<vmem>>)
      %dma_wait3A_171 = arith.constant 256 : i32
      %dma_wait3A_172 = arith.constant 0 : i32
      %dma_wait3A_173 = tpu.memref_slice %arg8[%dma_wait3A_171, %dma_wait3A_172] : memref<288x128xf32, #tpu.memory_space<vmem>> -> memref<32x128xf32, #tpu.memory_space<vmem>>
      %dma_wait3A_174 = arith.constant 256 : i32
      %dma_wait3A_175 = tpu.memref_slice %arg6[%dma_wait3A_174] : memref<288xi32, #tpu.memory_space<vmem>> -> memref<32xi32, #tpu.memory_space<vmem>>
      %dma_wait3A_176 = arith.constant 0 : i32
      %dma_wait3A_177 = arith.constant 0 : i32
      %dma_wait3A_178 = tpu.memref_slice %arg2[%dma_wait3A_176, %dma_wait3A_177] : memref<50000x128xf32, #tpu.memory_space<hbm>> -> memref<50000x128xf32, #tpu.memory_space<hbm>>
      tpu.wait_indirect_dma semaphore(%arg12 : memref<!tpu.dma_semaphore, #tpu.memory_space<semaphore_mem>>) src(%dma_wait3A_178 : memref<50000x128xf32, #tpu.memory_space<hbm>>) dst(%dma_wait3A_173 : memref<32x128xf32, #tpu.memory_space<vmem>>)
      %add3A_179 = arith.constant 2 : i32
      %add3A_180 = arith.addi %add3A_142, %add3A_179 : i32
      %lt3A_181 = arith.cmpi slt, %add3A_180, %select_n3A_5 : i32
      %convert_element_type3A_182 = arith.extui %lt3A_181 : i1 to i32
      %cond3A_183 = arith.constant 0 : i32
      %cond3A_184 = arith.cmpi ne, %convert_element_type3A_182, %cond3A_183 : i32
      scf.if %cond3A_184 {
        %add3A_201 = arith.constant 2 : i32
        %add3A_202 = arith.addi %add3A_142, %add3A_201 : i32
        %mul3A_203 = arith.constant 32 : i32
        %mul3A_204 = arith.muli %add3A_202, %mul3A_203 : i32
        %add3A_205 = arith.addi %add3A, %mul3A_204 : i32
        %mul3A_206 = arith.constant 9 : i32
        %mul3A_207 = arith.muli %add3A_205, %mul3A_206 : i32
        %dma_start3A_208 = tpu.memref_slice %arg3[%mul3A_207] : memref<451584xi32, #tpu.memory_space<hbm>> -> memref<288xi32, #tpu.memory_space<hbm>>
        %dma_start3A_209 = tpu.memref_slice %arg3[%mul3A_207] : memref<451584xi32, #tpu.memory_space<hbm>> -> memref<288xi32, #tpu.memory_space<hbm>>
        tpu.enqueue_dma source(%dma_start3A_209 : memref<288xi32, #tpu.memory_space<hbm>>) target(%arg6 : memref<288xi32, #tpu.memory_space<vmem>>) target_semaphore(%arg14 : memref<!tpu.dma_semaphore, #tpu.memory_space<semaphore_mem>>)
      } else {
      }
      %ge3A_185 = arith.constant 2 : i32
      %ge3A_186 = arith.cmpi sge, %add3A_142, %ge3A_185 : i32
      %convert_element_type3A_187 = arith.extui %ge3A_186 : i1 to i32
      %cond3A_188 = arith.constant 0 : i32
      %cond3A_189 = arith.cmpi ne, %convert_element_type3A_187, %cond3A_188 : i32
      scf.if %cond3A_189 {
        %dma_wait3A_201 = arith.constant 0 : i32
        %dma_wait3A_202 = arith.constant 0 : i32
        %dma_wait3A_203 = tpu.memref_slice %arg4[%dma_wait3A_201, %dma_wait3A_202] : memref<50176x128xf32, #tpu.memory_space<hbm>> -> memref<32x128xf32, #tpu.memory_space<hbm>>
        %dma_wait3A_204 = arith.constant 0 : i32
        %dma_wait3A_205 = arith.constant 0 : i32
        %dma_wait3A_206 = tpu.memref_slice %arg4[%dma_wait3A_204, %dma_wait3A_205] : memref<50176x128xf32, #tpu.memory_space<hbm>> -> memref<32x128xf32, #tpu.memory_space<hbm>>
        tpu.wait_dma2 semaphore(%arg16 : memref<!tpu.dma_semaphore, #tpu.memory_space<semaphore_mem>>) src(%arg10 : memref<32x128xf32, #tpu.memory_space<vmem>>) dst(%dma_wait3A_206 : memref<32x128xf32, #tpu.memory_space<hbm>>)
      } else {
      }
      %parallel_loop3A_190 = arith.constant 0 : i32
      %parallel_loop3A_191 = arith.constant 32 : i32
      %parallel_loop3A_192 = arith.constant 1 : i32
      scf.for %parallel_loop3A_201 = %parallel_loop3A_190 to %parallel_loop3A_191 step %parallel_loop3A_192  : i32 {
        %parallel_loop3A_202 = arith.constant 9 : i32
        %parallel_loop3A_203 = arith.muli %parallel_loop3A_201, %parallel_loop3A_202 : i32
        %parallel_loop3A_204 = arith.constant 0 : i32
        %parallel_loop3A_205 = arith.addi %parallel_loop3A_203, %parallel_loop3A_204 : i32
        %parallel_loop3A_206 = arith.index_cast %parallel_loop3A_205 : i32 to index
        %parallel_loop3A_207 = arith.constant 0 : index
        %parallel_loop3A_208 = tpu.vector_load %arg8[%parallel_loop3A_206, %parallel_loop3A_207] {strides = array<i32>} : memref<288x128xf32, #tpu.memory_space<vmem>>, vector<1x16xf32>,
        %parallel_loop3A_209 = vector.shape_cast %parallel_loop3A_208 : vector<1x16xf32> to vector<16xf32>
        %parallel_loop3A_210 = arith.constant 1 : i32
        %parallel_loop3A_211 = arith.addi %parallel_loop3A_203, %parallel_loop3A_210 : i32
        %parallel_loop3A_212 = arith.index_cast %parallel_loop3A_211 : i32 to index
        %parallel_loop3A_213 = arith.constant 0 : index
        %parallel_loop3A_214 = tpu.vector_load %arg8[%parallel_loop3A_212, %parallel_loop3A_213] {strides = array<i32>} : memref<288x128xf32, #tpu.memory_space<vmem>>, vector<1x16xf32>,
        %parallel_loop3A_215 = vector.shape_cast %parallel_loop3A_214 : vector<1x16xf32> to vector<16xf32>
        %parallel_loop3A_216 = arith.constant 2 : i32
        %parallel_loop3A_217 = arith.addi %parallel_loop3A_203, %parallel_loop3A_216 : i32
        %parallel_loop3A_218 = arith.index_cast %parallel_loop3A_217 : i32 to index
        %parallel_loop3A_219 = arith.constant 0 : index
        %parallel_loop3A_220 = tpu.vector_load %arg8[%parallel_loop3A_218, %parallel_loop3A_219] {strides = array<i32>} : memref<288x128xf32, #tpu.memory_space<vmem>>, vector<1x16xf32>,
        %parallel_loop3A_221 = vector.shape_cast %parallel_loop3A_220 : vector<1x16xf32> to vector<16xf32>
        %parallel_loop3A_222 = arith.constant 3 : i32
        %parallel_loop3A_223 = arith.addi %parallel_loop3A_203, %parallel_loop3A_222 : i32
        %parallel_loop3A_224 = arith.index_cast %parallel_loop3A_223 : i32 to index
        %parallel_loop3A_225 = arith.constant 0 : index
        %parallel_loop3A_226 = tpu.vector_load %arg8[%parallel_loop3A_224, %parallel_loop3A_225] {strides = array<i32>} : memref<288x128xf32, #tpu.memory_space<vmem>>, vector<1x16xf32>,
        %parallel_loop3A_227 = vector.shape_cast %parallel_loop3A_226 : vector<1x16xf32> to vector<16xf32>
        %parallel_loop3A_228 = arith.constant 4 : i32
        %parallel_loop3A_229 = arith.addi %parallel_loop3A_203, %parallel_loop3A_228 : i32
        %parallel_loop3A_230 = arith.index_cast %parallel_loop3A_229 : i32 to index
        %parallel_loop3A_231 = arith.constant 0 : index
        %parallel_loop3A_232 = tpu.vector_load %arg8[%parallel_loop3A_230, %parallel_loop3A_231] {strides = array<i32>} : memref<288x128xf32, #tpu.memory_space<vmem>>, vector<1x16xf32>,
        %parallel_loop3A_233 = vector.shape_cast %parallel_loop3A_232 : vector<1x16xf32> to vector<16xf32>
        %parallel_loop3A_234 = arith.constant 5 : i32
        %parallel_loop3A_235 = arith.addi %parallel_loop3A_203, %parallel_loop3A_234 : i32
        %parallel_loop3A_236 = arith.index_cast %parallel_loop3A_235 : i32 to index
        %parallel_loop3A_237 = arith.constant 0 : index
        %parallel_loop3A_238 = tpu.vector_load %arg8[%parallel_loop3A_236, %parallel_loop3A_237] {strides = array<i32>} : memref<288x128xf32, #tpu.memory_space<vmem>>, vector<1x16xf32>,
        %parallel_loop3A_239 = vector.shape_cast %parallel_loop3A_238 : vector<1x16xf32> to vector<16xf32>
        %parallel_loop3A_240 = arith.constant 6 : i32
        %parallel_loop3A_241 = arith.addi %parallel_loop3A_203, %parallel_loop3A_240 : i32
        %parallel_loop3A_242 = arith.index_cast %parallel_loop3A_241 : i32 to index
        %parallel_loop3A_243 = arith.constant 0 : index
        %parallel_loop3A_244 = tpu.vector_load %arg8[%parallel_loop3A_242, %parallel_loop3A_243] {strides = array<i32>} : memref<288x128xf32, #tpu.memory_space<vmem>>, vector<1x16xf32>,
        %parallel_loop3A_245 = vector.shape_cast %parallel_loop3A_244 : vector<1x16xf32> to vector<16xf32>
        %parallel_loop3A_246 = arith.constant 7 : i32
        %parallel_loop3A_247 = arith.addi %parallel_loop3A_203, %parallel_loop3A_246 : i32
        %parallel_loop3A_248 = arith.index_cast %parallel_loop3A_247 : i32 to index
        %parallel_loop3A_249 = arith.constant 0 : index
        %parallel_loop3A_250 = tpu.vector_load %arg8[%parallel_loop3A_248, %parallel_loop3A_249] {strides = array<i32>} : memref<288x128xf32, #tpu.memory_space<vmem>>, vector<1x16xf32>,
        %parallel_loop3A_251 = vector.shape_cast %parallel_loop3A_250 : vector<1x16xf32> to vector<16xf32>
        %parallel_loop3A_252 = arith.constant 8 : i32
        %parallel_loop3A_253 = arith.addi %parallel_loop3A_203, %parallel_loop3A_252 : i32
        %parallel_loop3A_254 = arith.index_cast %parallel_loop3A_253 : i32 to index
        %parallel_loop3A_255 = arith.constant 0 : index
        %parallel_loop3A_256 = tpu.vector_load %arg8[%parallel_loop3A_254, %parallel_loop3A_255] {strides = array<i32>} : memref<288x128xf32, #tpu.memory_space<vmem>>, vector<1x16xf32>,
        %parallel_loop3A_257 = vector.shape_cast %parallel_loop3A_256 : vector<1x16xf32> to vector<16xf32>
        %parallel_loop3A_258 = arith.maximumf %parallel_loop3A_209, %parallel_loop3A_215 : vector<16xf32>
        %parallel_loop3A_259 = arith.maximumf %parallel_loop3A_221, %parallel_loop3A_227 : vector<16xf32>
        %parallel_loop3A_260 = arith.maximumf %parallel_loop3A_233, %parallel_loop3A_239 : vector<16xf32>
        %parallel_loop3A_261 = arith.maximumf %parallel_loop3A_245, %parallel_loop3A_251 : vector<16xf32>
        %parallel_loop3A_262 = arith.maximumf %parallel_loop3A_258, %parallel_loop3A_259 : vector<16xf32>
        %parallel_loop3A_263 = arith.maximumf %parallel_loop3A_260, %parallel_loop3A_261 : vector<16xf32>
        %parallel_loop3A_264 = arith.maximumf %parallel_loop3A_262, %parallel_loop3A_263 : vector<16xf32>
        %parallel_loop3A_265 = arith.maximumf %parallel_loop3A_264, %parallel_loop3A_257 : vector<16xf32>
        %parallel_loop3A_266 = arith.index_cast %parallel_loop3A_201 : i32 to index
        %parallel_loop3A_267 = arith.constant 0 : index
        %parallel_loop3A_268 = tpu.vector_load %arg10[%parallel_loop3A_266, %parallel_loop3A_267] {strides = array<i32>} : memref<32x128xf32, #tpu.memory_space<vmem>>, vector<1x16xf32>,
        %parallel_loop3A_269 = vector.shape_cast %parallel_loop3A_268 : vector<1x16xf32> to vector<16xf32>
        %parallel_loop3A_270 = vector.shape_cast %parallel_loop3A_265 : vector<16xf32> to vector<1x16xf32>
        tpu.vector_store %arg10[%parallel_loop3A_266, %parallel_loop3A_267], %parallel_loop3A_270 {strides = array<i32>} : memref<32x128xf32, #tpu.memory_space<vmem>>, vector<1x16xf32>,
        %parallel_loop3A_271 = arith.constant 0 : i32
        %parallel_loop3A_272 = arith.addi %parallel_loop3A_203, %parallel_loop3A_271 : i32
        %parallel_loop3A_273 = arith.index_cast %parallel_loop3A_272 : i32 to index
        %parallel_loop3A_274 = arith.constant 16 : index
        %parallel_loop3A_275 = tpu.vector_load %arg8[%parallel_loop3A_273, %parallel_loop3A_274] {strides = array<i32>} : memref<288x128xf32, #tpu.memory_space<vmem>>, vector<1x16xf32>,
        %parallel_loop3A_276 = vector.shape_cast %parallel_loop3A_275 : vector<1x16xf32> to vector<16xf32>
        %parallel_loop3A_277 = arith.constant 1 : i32
        %parallel_loop3A_278 = arith.addi %parallel_loop3A_203, %parallel_loop3A_277 : i32
        %parallel_loop3A_279 = arith.index_cast %parallel_loop3A_278 : i32 to index
        %parallel_loop3A_280 = arith.constant 16 : index
        %parallel_loop3A_281 = tpu.vector_load %arg8[%parallel_loop3A_279, %parallel_loop3A_280] {strides = array<i32>} : memref<288x128xf32, #tpu.memory_space<vmem>>, vector<1x16xf32>,
        %parallel_loop3A_282 = vector.shape_cast %parallel_loop3A_281 : vector<1x16xf32> to vector<16xf32>
        %parallel_loop3A_283 = arith.constant 2 : i32
        %parallel_loop3A_284 = arith.addi %parallel_loop3A_203, %parallel_loop3A_283 : i32
        %parallel_loop3A_285 = arith.index_cast %parallel_loop3A_284 : i32 to index
        %parallel_loop3A_286 = arith.constant 16 : index
        %parallel_loop3A_287 = tpu.vector_load %arg8[%parallel_loop3A_285, %parallel_loop3A_286] {strides = array<i32>} : memref<288x128xf32, #tpu.memory_space<vmem>>, vector<1x16xf32>,
        %parallel_loop3A_288 = vector.shape_cast %parallel_loop3A_287 : vector<1x16xf32> to vector<16xf32>
        %parallel_loop3A_289 = arith.constant 3 : i32
        %parallel_loop3A_290 = arith.addi %parallel_loop3A_203, %parallel_loop3A_289 : i32
        %parallel_loop3A_291 = arith.index_cast %parallel_loop3A_290 : i32 to index
        %parallel_loop3A_292 = arith.constant 16 : index
        %parallel_loop3A_293 = tpu.vector_load %arg8[%parallel_loop3A_291, %parallel_loop3A_292] {strides = array<i32>} : memref<288x128xf32, #tpu.memory_space<vmem>>, vector<1x16xf32>,
        %parallel_loop3A_294 = vector.shape_cast %parallel_loop3A_293 : vector<1x16xf32> to vector<16xf32>
        %parallel_loop3A_295 = arith.constant 4 : i32
        %parallel_loop3A_296 = arith.addi %parallel_loop3A_203, %parallel_loop3A_295 : i32
        %parallel_loop3A_297 = arith.index_cast %parallel_loop3A_296 : i32 to index
        %parallel_loop3A_298 = arith.constant 16 : index
        %parallel_loop3A_299 = tpu.vector_load %arg8[%parallel_loop3A_297, %parallel_loop3A_298] {strides = array<i32>} : memref<288x128xf32, #tpu.memory_space<vmem>>, vector<1x16xf32>,
        %parallel_loop3A_300 = vector.shape_cast %parallel_loop3A_299 : vector<1x16xf32> to vector<16xf32>
        %parallel_loop3A_301 = arith.constant 5 : i32
        %parallel_loop3A_302 = arith.addi %parallel_loop3A_203, %parallel_loop3A_301 : i32
        %parallel_loop3A_303 = arith.index_cast %parallel_loop3A_302 : i32 to index
        %parallel_loop3A_304 = arith.constant 16 : index
        %parallel_loop3A_305 = tpu.vector_load %arg8[%parallel_loop3A_303, %parallel_loop3A_304] {strides = array<i32>} : memref<288x128xf32, #tpu.memory_space<vmem>>, vector<1x16xf32>,
        %parallel_loop3A_306 = vector.shape_cast %parallel_loop3A_305 : vector<1x16xf32> to vector<16xf32>
        %parallel_loop3A_307 = arith.constant 6 : i32
        %parallel_loop3A_308 = arith.addi %parallel_loop3A_203, %parallel_loop3A_307 : i32
        %parallel_loop3A_309 = arith.index_cast %parallel_loop3A_308 : i32 to index
        %parallel_loop3A_310 = arith.constant 16 : index
        %parallel_loop3A_311 = tpu.vector_load %arg8[%parallel_loop3A_309, %parallel_loop3A_310] {strides = array<i32>} : memref<288x128xf32, #tpu.memory_space<vmem>>, vector<1x16xf32>,
        %parallel_loop3A_312 = vector.shape_cast %parallel_loop3A_311 : vector<1x16xf32> to vector<16xf32>
        %parallel_loop3A_313 = arith.constant 7 : i32
        %parallel_loop3A_314 = arith.addi %parallel_loop3A_203, %parallel_loop3A_313 : i32
        %parallel_loop3A_315 = arith.index_cast %parallel_loop3A_314 : i32 to index
        %parallel_loop3A_316 = arith.constant 16 : index
        %parallel_loop3A_317 = tpu.vector_load %arg8[%parallel_loop3A_315, %parallel_loop3A_316] {strides = array<i32>} : memref<288x128xf32, #tpu.memory_space<vmem>>, vector<1x16xf32>,
        %parallel_loop3A_318 = vector.shape_cast %parallel_loop3A_317 : vector<1x16xf32> to vector<16xf32>
        %parallel_loop3A_319 = arith.constant 8 : i32
        %parallel_loop3A_320 = arith.addi %parallel_loop3A_203, %parallel_loop3A_319 : i32
        %parallel_loop3A_321 = arith.index_cast %parallel_loop3A_320 : i32 to index
        %parallel_loop3A_322 = arith.constant 16 : index
        %parallel_loop3A_323 = tpu.vector_load %arg8[%parallel_loop3A_321, %parallel_loop3A_322] {strides = array<i32>} : memref<288x128xf32, #tpu.memory_space<vmem>>, vector<1x16xf32>,
        %parallel_loop3A_324 = vector.shape_cast %parallel_loop3A_323 : vector<1x16xf32> to vector<16xf32>
        %parallel_loop3A_325 = arith.maximumf %parallel_loop3A_276, %parallel_loop3A_282 : vector<16xf32>
        %parallel_loop3A_326 = arith.maximumf %parallel_loop3A_288, %parallel_loop3A_294 : vector<16xf32>
        %parallel_loop3A_327 = arith.maximumf %parallel_loop3A_300, %parallel_loop3A_306 : vector<16xf32>
        %parallel_loop3A_328 = arith.maximumf %parallel_loop3A_312, %parallel_loop3A_318 : vector<16xf32>
        %parallel_loop3A_329 = arith.maximumf %parallel_loop3A_325, %parallel_loop3A_326 : vector<16xf32>
        %parallel_loop3A_330 = arith.maximumf %parallel_loop3A_327, %parallel_loop3A_328 : vector<16xf32>
        %parallel_loop3A_331 = arith.maximumf %parallel_loop3A_329, %parallel_loop3A_330 : vector<16xf32>
        %parallel_loop3A_332 = arith.maximumf %parallel_loop3A_331, %parallel_loop3A_324 : vector<16xf32>
        %parallel_loop3A_333 = arith.index_cast %parallel_loop3A_201 : i32 to index
        %parallel_loop3A_334 = arith.constant 16 : index
        %parallel_loop3A_335 = tpu.vector_load %arg10[%parallel_loop3A_333, %parallel_loop3A_334] {strides = array<i32>} : memref<32x128xf32, #tpu.memory_space<vmem>>, vector<1x16xf32>,
        %parallel_loop3A_336 = vector.shape_cast %parallel_loop3A_335 : vector<1x16xf32> to vector<16xf32>
        %parallel_loop3A_337 = vector.shape_cast %parallel_loop3A_332 : vector<16xf32> to vector<1x16xf32>
        tpu.vector_store %arg10[%parallel_loop3A_333, %parallel_loop3A_334], %parallel_loop3A_337 {strides = array<i32>} : memref<32x128xf32, #tpu.memory_space<vmem>>, vector<1x16xf32>,
        %parallel_loop3A_338 = arith.constant 0 : i32
        %parallel_loop3A_339 = arith.addi %parallel_loop3A_203, %parallel_loop3A_338 : i32
        %parallel_loop3A_340 = arith.index_cast %parallel_loop3A_339 : i32 to index
        %parallel_loop3A_341 = arith.constant 32 : index
        %parallel_loop3A_342 = tpu.vector_load %arg8[%parallel_loop3A_340, %parallel_loop3A_341] {strides = array<i32>} : memref<288x128xf32, #tpu.memory_space<vmem>>, vector<1x16xf32>,
        %parallel_loop3A_343 = vector.shape_cast %parallel_loop3A_342 : vector<1x16xf32> to vector<16xf32>
        %parallel_loop3A_344 = arith.constant 1 : i32
        %parallel_loop3A_345 = arith.addi %parallel_loop3A_203, %parallel_loop3A_344 : i32
        %parallel_loop3A_346 = arith.index_cast %parallel_loop3A_345 : i32 to index
        %parallel_loop3A_347 = arith.constant 32 : index
        %parallel_loop3A_348 = tpu.vector_load %arg8[%parallel_loop3A_346, %parallel_loop3A_347] {strides = array<i32>} : memref<288x128xf32, #tpu.memory_space<vmem>>, vector<1x16xf32>,
        %parallel_loop3A_349 = vector.shape_cast %parallel_loop3A_348 : vector<1x16xf32> to vector<16xf32>
        %parallel_loop3A_350 = arith.constant 2 : i32
        %parallel_loop3A_351 = arith.addi %parallel_loop3A_203, %parallel_loop3A_350 : i32
        %parallel_loop3A_352 = arith.index_cast %parallel_loop3A_351 : i32 to index
        %parallel_loop3A_353 = arith.constant 32 : index
        %parallel_loop3A_354 = tpu.vector_load %arg8[%parallel_loop3A_352, %parallel_loop3A_353] {strides = array<i32>} : memref<288x128xf32, #tpu.memory_space<vmem>>, vector<1x16xf32>,
        %parallel_loop3A_355 = vector.shape_cast %parallel_loop3A_354 : vector<1x16xf32> to vector<16xf32>
        %parallel_loop3A_356 = arith.constant 3 : i32
        %parallel_loop3A_357 = arith.addi %parallel_loop3A_203, %parallel_loop3A_356 : i32
        %parallel_loop3A_358 = arith.index_cast %parallel_loop3A_357 : i32 to index
        %parallel_loop3A_359 = arith.constant 32 : index
        %parallel_loop3A_360 = tpu.vector_load %arg8[%parallel_loop3A_358, %parallel_loop3A_359] {strides = array<i32>} : memref<288x128xf32, #tpu.memory_space<vmem>>, vector<1x16xf32>,
        %parallel_loop3A_361 = vector.shape_cast %parallel_loop3A_360 : vector<1x16xf32> to vector<16xf32>
        %parallel_loop3A_362 = arith.constant 4 : i32
        %parallel_loop3A_363 = arith.addi %parallel_loop3A_203, %parallel_loop3A_362 : i32
        %parallel_loop3A_364 = arith.index_cast %parallel_loop3A_363 : i32 to index
        %parallel_loop3A_365 = arith.constant 32 : index
        %parallel_loop3A_366 = tpu.vector_load %arg8[%parallel_loop3A_364, %parallel_loop3A_365] {strides = array<i32>} : memref<288x128xf32, #tpu.memory_space<vmem>>, vector<1x16xf32>,
        %parallel_loop3A_367 = vector.shape_cast %parallel_loop3A_366 : vector<1x16xf32> to vector<16xf32>
        %parallel_loop3A_368 = arith.constant 5 : i32
        %parallel_loop3A_369 = arith.addi %parallel_loop3A_203, %parallel_loop3A_368 : i32
        %parallel_loop3A_370 = arith.index_cast %parallel_loop3A_369 : i32 to index
        %parallel_loop3A_371 = arith.constant 32 : index
        %parallel_loop3A_372 = tpu.vector_load %arg8[%parallel_loop3A_370, %parallel_loop3A_371] {strides = array<i32>} : memref<288x128xf32, #tpu.memory_space<vmem>>, vector<1x16xf32>,
        %parallel_loop3A_373 = vector.shape_cast %parallel_loop3A_372 : vector<1x16xf32> to vector<16xf32>
        %parallel_loop3A_374 = arith.constant 6 : i32
        %parallel_loop3A_375 = arith.addi %parallel_loop3A_203, %parallel_loop3A_374 : i32
        %parallel_loop3A_376 = arith.index_cast %parallel_loop3A_375 : i32 to index
        %parallel_loop3A_377 = arith.constant 32 : index
        %parallel_loop3A_378 = tpu.vector_load %arg8[%parallel_loop3A_376, %parallel_loop3A_377] {strides = array<i32>} : memref<288x128xf32, #tpu.memory_space<vmem>>, vector<1x16xf32>,
        %parallel_loop3A_379 = vector.shape_cast %parallel_loop3A_378 : vector<1x16xf32> to vector<16xf32>
        %parallel_loop3A_380 = arith.constant 7 : i32
        %parallel_loop3A_381 = arith.addi %parallel_loop3A_203, %parallel_loop3A_380 : i32
        %parallel_loop3A_382 = arith.index_cast %parallel_loop3A_381 : i32 to index
        %parallel_loop3A_383 = arith.constant 32 : index
        %parallel_loop3A_384 = tpu.vector_load %arg8[%parallel_loop3A_382, %parallel_loop3A_383] {strides = array<i32>} : memref<288x128xf32, #tpu.memory_space<vmem>>, vector<1x16xf32>,
        %parallel_loop3A_385 = vector.shape_cast %parallel_loop3A_384 : vector<1x16xf32> to vector<16xf32>
        %parallel_loop3A_386 = arith.constant 8 : i32
        %parallel_loop3A_387 = arith.addi %parallel_loop3A_203, %parallel_loop3A_386 : i32
        %parallel_loop3A_388 = arith.index_cast %parallel_loop3A_387 : i32 to index
        %parallel_loop3A_389 = arith.constant 32 : index
        %parallel_loop3A_390 = tpu.vector_load %arg8[%parallel_loop3A_388, %parallel_loop3A_389] {strides = array<i32>} : memref<288x128xf32, #tpu.memory_space<vmem>>, vector<1x16xf32>,
        %parallel_loop3A_391 = vector.shape_cast %parallel_loop3A_390 : vector<1x16xf32> to vector<16xf32>
        %parallel_loop3A_392 = arith.maximumf %parallel_loop3A_343, %parallel_loop3A_349 : vector<16xf32>
        %parallel_loop3A_393 = arith.maximumf %parallel_loop3A_355, %parallel_loop3A_361 : vector<16xf32>
        %parallel_loop3A_394 = arith.maximumf %parallel_loop3A_367, %parallel_loop3A_373 : vector<16xf32>
        %parallel_loop3A_395 = arith.maximumf %parallel_loop3A_379, %parallel_loop3A_385 : vector<16xf32>
        %parallel_loop3A_396 = arith.maximumf %parallel_loop3A_392, %parallel_loop3A_393 : vector<16xf32>
        %parallel_loop3A_397 = arith.maximumf %parallel_loop3A_394, %parallel_loop3A_395 : vector<16xf32>
        %parallel_loop3A_398 = arith.maximumf %parallel_loop3A_396, %parallel_loop3A_397 : vector<16xf32>
        %parallel_loop3A_399 = arith.maximumf %parallel_loop3A_398, %parallel_loop3A_391 : vector<16xf32>
        %parallel_loop3A_400 = arith.index_cast %parallel_loop3A_201 : i32 to index
        %parallel_loop3A_401 = arith.constant 32 : index
        %parallel_loop3A_402 = tpu.vector_load %arg10[%parallel_loop3A_400, %parallel_loop3A_401] {strides = array<i32>} : memref<32x128xf32, #tpu.memory_space<vmem>>, vector<1x16xf32>,
        %parallel_loop3A_403 = vector.shape_cast %parallel_loop3A_402 : vector<1x16xf32> to vector<16xf32>
        %parallel_loop3A_404 = vector.shape_cast %parallel_loop3A_399 : vector<16xf32> to vector<1x16xf32>
        tpu.vector_store %arg10[%parallel_loop3A_400, %parallel_loop3A_401], %parallel_loop3A_404 {strides = array<i32>} : memref<32x128xf32, #tpu.memory_space<vmem>>, vector<1x16xf32>,
        %parallel_loop3A_405 = arith.constant 0 : i32
        %parallel_loop3A_406 = arith.addi %parallel_loop3A_203, %parallel_loop3A_405 : i32
        %parallel_loop3A_407 = arith.index_cast %parallel_loop3A_406 : i32 to index
        %parallel_loop3A_408 = arith.constant 48 : index
        %parallel_loop3A_409 = tpu.vector_load %arg8[%parallel_loop3A_407, %parallel_loop3A_408] {strides = array<i32>} : memref<288x128xf32, #tpu.memory_space<vmem>>, vector<1x16xf32>,
        %parallel_loop3A_410 = vector.shape_cast %parallel_loop3A_409 : vector<1x16xf32> to vector<16xf32>
        %parallel_loop3A_411 = arith.constant 1 : i32
        %parallel_loop3A_412 = arith.addi %parallel_loop3A_203, %parallel_loop3A_411 : i32
        %parallel_loop3A_413 = arith.index_cast %parallel_loop3A_412 : i32 to index
        %parallel_loop3A_414 = arith.constant 48 : index
        %parallel_loop3A_415 = tpu.vector_load %arg8[%parallel_loop3A_413, %parallel_loop3A_414] {strides = array<i32>} : memref<288x128xf32, #tpu.memory_space<vmem>>, vector<1x16xf32>,
        %parallel_loop3A_416 = vector.shape_cast %parallel_loop3A_415 : vector<1x16xf32> to vector<16xf32>
        %parallel_loop3A_417 = arith.constant 2 : i32
        %parallel_loop3A_418 = arith.addi %parallel_loop3A_203, %parallel_loop3A_417 : i32
        %parallel_loop3A_419 = arith.index_cast %parallel_loop3A_418 : i32 to index
        %parallel_loop3A_420 = arith.constant 48 : index
        %parallel_loop3A_421 = tpu.vector_load %arg8[%parallel_loop3A_419, %parallel_loop3A_420] {strides = array<i32>} : memref<288x128xf32, #tpu.memory_space<vmem>>, vector<1x16xf32>,
        %parallel_loop3A_422 = vector.shape_cast %parallel_loop3A_421 : vector<1x16xf32> to vector<16xf32>
        %parallel_loop3A_423 = arith.constant 3 : i32
        %parallel_loop3A_424 = arith.addi %parallel_loop3A_203, %parallel_loop3A_423 : i32
        %parallel_loop3A_425 = arith.index_cast %parallel_loop3A_424 : i32 to index
        %parallel_loop3A_426 = arith.constant 48 : index
        %parallel_loop3A_427 = tpu.vector_load %arg8[%parallel_loop3A_425, %parallel_loop3A_426] {strides = array<i32>} : memref<288x128xf32, #tpu.memory_space<vmem>>, vector<1x16xf32>,
        %parallel_loop3A_428 = vector.shape_cast %parallel_loop3A_427 : vector<1x16xf32> to vector<16xf32>
        %parallel_loop3A_429 = arith.constant 4 : i32
        %parallel_loop3A_430 = arith.addi %parallel_loop3A_203, %parallel_loop3A_429 : i32
        %parallel_loop3A_431 = arith.index_cast %parallel_loop3A_430 : i32 to index
        %parallel_loop3A_432 = arith.constant 48 : index
        %parallel_loop3A_433 = tpu.vector_load %arg8[%parallel_loop3A_431, %parallel_loop3A_432] {strides = array<i32>} : memref<288x128xf32, #tpu.memory_space<vmem>>, vector<1x16xf32>,
        %parallel_loop3A_434 = vector.shape_cast %parallel_loop3A_433 : vector<1x16xf32> to vector<16xf32>
        %parallel_loop3A_435 = arith.constant 5 : i32
        %parallel_loop3A_436 = arith.addi %parallel_loop3A_203, %parallel_loop3A_435 : i32
        %parallel_loop3A_437 = arith.index_cast %parallel_loop3A_436 : i32 to index
        %parallel_loop3A_438 = arith.constant 48 : index
        %parallel_loop3A_439 = tpu.vector_load %arg8[%parallel_loop3A_437, %parallel_loop3A_438] {strides = array<i32>} : memref<288x128xf32, #tpu.memory_space<vmem>>, vector<1x16xf32>,
        %parallel_loop3A_440 = vector.shape_cast %parallel_loop3A_439 : vector<1x16xf32> to vector<16xf32>
        %parallel_loop3A_441 = arith.constant 6 : i32
        %parallel_loop3A_442 = arith.addi %parallel_loop3A_203, %parallel_loop3A_441 : i32
        %parallel_loop3A_443 = arith.index_cast %parallel_loop3A_442 : i32 to index
        %parallel_loop3A_444 = arith.constant 48 : index
        %parallel_loop3A_445 = tpu.vector_load %arg8[%parallel_loop3A_443, %parallel_loop3A_444] {strides = array<i32>} : memref<288x128xf32, #tpu.memory_space<vmem>>, vector<1x16xf32>,
        %parallel_loop3A_446 = vector.shape_cast %parallel_loop3A_445 : vector<1x16xf32> to vector<16xf32>
        %parallel_loop3A_447 = arith.constant 7 : i32
        %parallel_loop3A_448 = arith.addi %parallel_loop3A_203, %parallel_loop3A_447 : i32
        %parallel_loop3A_449 = arith.index_cast %parallel_loop3A_448 : i32 to index
        %parallel_loop3A_450 = arith.constant 48 : index
        %parallel_loop3A_451 = tpu.vector_load %arg8[%parallel_loop3A_449, %parallel_loop3A_450] {strides = array<i32>} : memref<288x128xf32, #tpu.memory_space<vmem>>, vector<1x16xf32>,
        %parallel_loop3A_452 = vector.shape_cast %parallel_loop3A_451 : vector<1x16xf32> to vector<16xf32>
        %parallel_loop3A_453 = arith.constant 8 : i32
        %parallel_loop3A_454 = arith.addi %parallel_loop3A_203, %parallel_loop3A_453 : i32
        %parallel_loop3A_455 = arith.index_cast %parallel_loop3A_454 : i32 to index
        %parallel_loop3A_456 = arith.constant 48 : index
        %parallel_loop3A_457 = tpu.vector_load %arg8[%parallel_loop3A_455, %parallel_loop3A_456] {strides = array<i32>} : memref<288x128xf32, #tpu.memory_space<vmem>>, vector<1x16xf32>,
        %parallel_loop3A_458 = vector.shape_cast %parallel_loop3A_457 : vector<1x16xf32> to vector<16xf32>
        %parallel_loop3A_459 = arith.maximumf %parallel_loop3A_410, %parallel_loop3A_416 : vector<16xf32>
        %parallel_loop3A_460 = arith.maximumf %parallel_loop3A_422, %parallel_loop3A_428 : vector<16xf32>
        %parallel_loop3A_461 = arith.maximumf %parallel_loop3A_434, %parallel_loop3A_440 : vector<16xf32>
        %parallel_loop3A_462 = arith.maximumf %parallel_loop3A_446, %parallel_loop3A_452 : vector<16xf32>
        %parallel_loop3A_463 = arith.maximumf %parallel_loop3A_459, %parallel_loop3A_460 : vector<16xf32>
        %parallel_loop3A_464 = arith.maximumf %parallel_loop3A_461, %parallel_loop3A_462 : vector<16xf32>
        %parallel_loop3A_465 = arith.maximumf %parallel_loop3A_463, %parallel_loop3A_464 : vector<16xf32>
        %parallel_loop3A_466 = arith.maximumf %parallel_loop3A_465, %parallel_loop3A_458 : vector<16xf32>
        %parallel_loop3A_467 = arith.index_cast %parallel_loop3A_201 : i32 to index
        %parallel_loop3A_468 = arith.constant 48 : index
        %parallel_loop3A_469 = tpu.vector_load %arg10[%parallel_loop3A_467, %parallel_loop3A_468] {strides = array<i32>} : memref<32x128xf32, #tpu.memory_space<vmem>>, vector<1x16xf32>,
        %parallel_loop3A_470 = vector.shape_cast %parallel_loop3A_469 : vector<1x16xf32> to vector<16xf32>
        %parallel_loop3A_471 = vector.shape_cast %parallel_loop3A_466 : vector<16xf32> to vector<1x16xf32>
        tpu.vector_store %arg10[%parallel_loop3A_467, %parallel_loop3A_468], %parallel_loop3A_471 {strides = array<i32>} : memref<32x128xf32, #tpu.memory_space<vmem>>, vector<1x16xf32>,
        %parallel_loop3A_472 = arith.constant 0 : i32
        %parallel_loop3A_473 = arith.addi %parallel_loop3A_203, %parallel_loop3A_472 : i32
        %parallel_loop3A_474 = arith.index_cast %parallel_loop3A_473 : i32 to index
        %parallel_loop3A_475 = arith.constant 64 : index
        %parallel_loop3A_476 = tpu.vector_load %arg8[%parallel_loop3A_474, %parallel_loop3A_475] {strides = array<i32>} : memref<288x128xf32, #tpu.memory_space<vmem>>, vector<1x16xf32>,
        %parallel_loop3A_477 = vector.shape_cast %parallel_loop3A_476 : vector<1x16xf32> to vector<16xf32>
        %parallel_loop3A_478 = arith.constant 1 : i32
        %parallel_loop3A_479 = arith.addi %parallel_loop3A_203, %parallel_loop3A_478 : i32
        %parallel_loop3A_480 = arith.index_cast %parallel_loop3A_479 : i32 to index
        %parallel_loop3A_481 = arith.constant 64 : index
        %parallel_loop3A_482 = tpu.vector_load %arg8[%parallel_loop3A_480, %parallel_loop3A_481] {strides = array<i32>} : memref<288x128xf32, #tpu.memory_space<vmem>>, vector<1x16xf32>,
        %parallel_loop3A_483 = vector.shape_cast %parallel_loop3A_482 : vector<1x16xf32> to vector<16xf32>
        %parallel_loop3A_484 = arith.constant 2 : i32
        %parallel_loop3A_485 = arith.addi %parallel_loop3A_203, %parallel_loop3A_484 : i32
        %parallel_loop3A_486 = arith.index_cast %parallel_loop3A_485 : i32 to index
        %parallel_loop3A_487 = arith.constant 64 : index
        %parallel_loop3A_488 = tpu.vector_load %arg8[%parallel_loop3A_486, %parallel_loop3A_487] {strides = array<i32>} : memref<288x128xf32, #tpu.memory_space<vmem>>, vector<1x16xf32>,
        %parallel_loop3A_489 = vector.shape_cast %parallel_loop3A_488 : vector<1x16xf32> to vector<16xf32>
        %parallel_loop3A_490 = arith.constant 3 : i32
        %parallel_loop3A_491 = arith.addi %parallel_loop3A_203, %parallel_loop3A_490 : i32
        %parallel_loop3A_492 = arith.index_cast %parallel_loop3A_491 : i32 to index
        %parallel_loop3A_493 = arith.constant 64 : index
        %parallel_loop3A_494 = tpu.vector_load %arg8[%parallel_loop3A_492, %parallel_loop3A_493] {strides = array<i32>} : memref<288x128xf32, #tpu.memory_space<vmem>>, vector<1x16xf32>,
        %parallel_loop3A_495 = vector.shape_cast %parallel_loop3A_494 : vector<1x16xf32> to vector<16xf32>
        %parallel_loop3A_496 = arith.constant 4 : i32
        %parallel_loop3A_497 = arith.addi %parallel_loop3A_203, %parallel_loop3A_496 : i32
        %parallel_loop3A_498 = arith.index_cast %parallel_loop3A_497 : i32 to index
        %parallel_loop3A_499 = arith.constant 64 : index
        %parallel_loop3A_500 = tpu.vector_load %arg8[%parallel_loop3A_498, %parallel_loop3A_499] {strides = array<i32>} : memref<288x128xf32, #tpu.memory_space<vmem>>, vector<1x16xf32>,
        %parallel_loop3A_501 = vector.shape_cast %parallel_loop3A_500 : vector<1x16xf32> to vector<16xf32>
        %parallel_loop3A_502 = arith.constant 5 : i32
        %parallel_loop3A_503 = arith.addi %parallel_loop3A_203, %parallel_loop3A_502 : i32
        %parallel_loop3A_504 = arith.index_cast %parallel_loop3A_503 : i32 to index
        %parallel_loop3A_505 = arith.constant 64 : index
        %parallel_loop3A_506 = tpu.vector_load %arg8[%parallel_loop3A_504, %parallel_loop3A_505] {strides = array<i32>} : memref<288x128xf32, #tpu.memory_space<vmem>>, vector<1x16xf32>,
        %parallel_loop3A_507 = vector.shape_cast %parallel_loop3A_506 : vector<1x16xf32> to vector<16xf32>
        %parallel_loop3A_508 = arith.constant 6 : i32
        %parallel_loop3A_509 = arith.addi %parallel_loop3A_203, %parallel_loop3A_508 : i32
        %parallel_loop3A_510 = arith.index_cast %parallel_loop3A_509 : i32 to index
        %parallel_loop3A_511 = arith.constant 64 : index
        %parallel_loop3A_512 = tpu.vector_load %arg8[%parallel_loop3A_510, %parallel_loop3A_511] {strides = array<i32>} : memref<288x128xf32, #tpu.memory_space<vmem>>, vector<1x16xf32>,
        %parallel_loop3A_513 = vector.shape_cast %parallel_loop3A_512 : vector<1x16xf32> to vector<16xf32>
        %parallel_loop3A_514 = arith.constant 7 : i32
        %parallel_loop3A_515 = arith.addi %parallel_loop3A_203, %parallel_loop3A_514 : i32
        %parallel_loop3A_516 = arith.index_cast %parallel_loop3A_515 : i32 to index
        %parallel_loop3A_517 = arith.constant 64 : index
        %parallel_loop3A_518 = tpu.vector_load %arg8[%parallel_loop3A_516, %parallel_loop3A_517] {strides = array<i32>} : memref<288x128xf32, #tpu.memory_space<vmem>>, vector<1x16xf32>,
        %parallel_loop3A_519 = vector.shape_cast %parallel_loop3A_518 : vector<1x16xf32> to vector<16xf32>
        %parallel_loop3A_520 = arith.constant 8 : i32
        %parallel_loop3A_521 = arith.addi %parallel_loop3A_203, %parallel_loop3A_520 : i32
        %parallel_loop3A_522 = arith.index_cast %parallel_loop3A_521 : i32 to index
        %parallel_loop3A_523 = arith.constant 64 : index
        %parallel_loop3A_524 = tpu.vector_load %arg8[%parallel_loop3A_522, %parallel_loop3A_523] {strides = array<i32>} : memref<288x128xf32, #tpu.memory_space<vmem>>, vector<1x16xf32>,
        %parallel_loop3A_525 = vector.shape_cast %parallel_loop3A_524 : vector<1x16xf32> to vector<16xf32>
        %parallel_loop3A_526 = arith.maximumf %parallel_loop3A_477, %parallel_loop3A_483 : vector<16xf32>
        %parallel_loop3A_527 = arith.maximumf %parallel_loop3A_489, %parallel_loop3A_495 : vector<16xf32>
        %parallel_loop3A_528 = arith.maximumf %parallel_loop3A_501, %parallel_loop3A_507 : vector<16xf32>
        %parallel_loop3A_529 = arith.maximumf %parallel_loop3A_513, %parallel_loop3A_519 : vector<16xf32>
        %parallel_loop3A_530 = arith.maximumf %parallel_loop3A_526, %parallel_loop3A_527 : vector<16xf32>
        %parallel_loop3A_531 = arith.maximumf %parallel_loop3A_528, %parallel_loop3A_529 : vector<16xf32>
        %parallel_loop3A_532 = arith.maximumf %parallel_loop3A_530, %parallel_loop3A_531 : vector<16xf32>
        %parallel_loop3A_533 = arith.maximumf %parallel_loop3A_532, %parallel_loop3A_525 : vector<16xf32>
        %parallel_loop3A_534 = arith.index_cast %parallel_loop3A_201 : i32 to index
        %parallel_loop3A_535 = arith.constant 64 : index
        %parallel_loop3A_536 = tpu.vector_load %arg10[%parallel_loop3A_534, %parallel_loop3A_535] {strides = array<i32>} : memref<32x128xf32, #tpu.memory_space<vmem>>, vector<1x16xf32>,
        %parallel_loop3A_537 = vector.shape_cast %parallel_loop3A_536 : vector<1x16xf32> to vector<16xf32>
        %parallel_loop3A_538 = vector.shape_cast %parallel_loop3A_533 : vector<16xf32> to vector<1x16xf32>
        tpu.vector_store %arg10[%parallel_loop3A_534, %parallel_loop3A_535], %parallel_loop3A_538 {strides = array<i32>} : memref<32x128xf32, #tpu.memory_space<vmem>>, vector<1x16xf32>,
        %parallel_loop3A_539 = arith.constant 0 : i32
        %parallel_loop3A_540 = arith.addi %parallel_loop3A_203, %parallel_loop3A_539 : i32
        %parallel_loop3A_541 = arith.index_cast %parallel_loop3A_540 : i32 to index
        %parallel_loop3A_542 = arith.constant 80 : index
        %parallel_loop3A_543 = tpu.vector_load %arg8[%parallel_loop3A_541, %parallel_loop3A_542] {strides = array<i32>} : memref<288x128xf32, #tpu.memory_space<vmem>>, vector<1x16xf32>,
        %parallel_loop3A_544 = vector.shape_cast %parallel_loop3A_543 : vector<1x16xf32> to vector<16xf32>
        %parallel_loop3A_545 = arith.constant 1 : i32
        %parallel_loop3A_546 = arith.addi %parallel_loop3A_203, %parallel_loop3A_545 : i32
        %parallel_loop3A_547 = arith.index_cast %parallel_loop3A_546 : i32 to index
        %parallel_loop3A_548 = arith.constant 80 : index
        %parallel_loop3A_549 = tpu.vector_load %arg8[%parallel_loop3A_547, %parallel_loop3A_548] {strides = array<i32>} : memref<288x128xf32, #tpu.memory_space<vmem>>, vector<1x16xf32>,
        %parallel_loop3A_550 = vector.shape_cast %parallel_loop3A_549 : vector<1x16xf32> to vector<16xf32>
        %parallel_loop3A_551 = arith.constant 2 : i32
        %parallel_loop3A_552 = arith.addi %parallel_loop3A_203, %parallel_loop3A_551 : i32
        %parallel_loop3A_553 = arith.index_cast %parallel_loop3A_552 : i32 to index
        %parallel_loop3A_554 = arith.constant 80 : index
        %parallel_loop3A_555 = tpu.vector_load %arg8[%parallel_loop3A_553, %parallel_loop3A_554] {strides = array<i32>} : memref<288x128xf32, #tpu.memory_space<vmem>>, vector<1x16xf32>,
        %parallel_loop3A_556 = vector.shape_cast %parallel_loop3A_555 : vector<1x16xf32> to vector<16xf32>
        %parallel_loop3A_557 = arith.constant 3 : i32
        %parallel_loop3A_558 = arith.addi %parallel_loop3A_203, %parallel_loop3A_557 : i32
        %parallel_loop3A_559 = arith.index_cast %parallel_loop3A_558 : i32 to index
        %parallel_loop3A_560 = arith.constant 80 : index
        %parallel_loop3A_561 = tpu.vector_load %arg8[%parallel_loop3A_559, %parallel_loop3A_560] {strides = array<i32>} : memref<288x128xf32, #tpu.memory_space<vmem>>, vector<1x16xf32>,
        %parallel_loop3A_562 = vector.shape_cast %parallel_loop3A_561 : vector<1x16xf32> to vector<16xf32>
        %parallel_loop3A_563 = arith.constant 4 : i32
        %parallel_loop3A_564 = arith.addi %parallel_loop3A_203, %parallel_loop3A_563 : i32
        %parallel_loop3A_565 = arith.index_cast %parallel_loop3A_564 : i32 to index
        %parallel_loop3A_566 = arith.constant 80 : index
        %parallel_loop3A_567 = tpu.vector_load %arg8[%parallel_loop3A_565, %parallel_loop3A_566] {strides = array<i32>} : memref<288x128xf32, #tpu.memory_space<vmem>>, vector<1x16xf32>,
        %parallel_loop3A_568 = vector.shape_cast %parallel_loop3A_567 : vector<1x16xf32> to vector<16xf32>
        %parallel_loop3A_569 = arith.constant 5 : i32
        %parallel_loop3A_570 = arith.addi %parallel_loop3A_203, %parallel_loop3A_569 : i32
        %parallel_loop3A_571 = arith.index_cast %parallel_loop3A_570 : i32 to index
        %parallel_loop3A_572 = arith.constant 80 : index
        %parallel_loop3A_573 = tpu.vector_load %arg8[%parallel_loop3A_571, %parallel_loop3A_572] {strides = array<i32>} : memref<288x128xf32, #tpu.memory_space<vmem>>, vector<1x16xf32>,
        %parallel_loop3A_574 = vector.shape_cast %parallel_loop3A_573 : vector<1x16xf32> to vector<16xf32>
        %parallel_loop3A_575 = arith.constant 6 : i32
        %parallel_loop3A_576 = arith.addi %parallel_loop3A_203, %parallel_loop3A_575 : i32
        %parallel_loop3A_577 = arith.index_cast %parallel_loop3A_576 : i32 to index
        %parallel_loop3A_578 = arith.constant 80 : index
        %parallel_loop3A_579 = tpu.vector_load %arg8[%parallel_loop3A_577, %parallel_loop3A_578] {strides = array<i32>} : memref<288x128xf32, #tpu.memory_space<vmem>>, vector<1x16xf32>,
        %parallel_loop3A_580 = vector.shape_cast %parallel_loop3A_579 : vector<1x16xf32> to vector<16xf32>
        %parallel_loop3A_581 = arith.constant 7 : i32
        %parallel_loop3A_582 = arith.addi %parallel_loop3A_203, %parallel_loop3A_581 : i32
        %parallel_loop3A_583 = arith.index_cast %parallel_loop3A_582 : i32 to index
        %parallel_loop3A_584 = arith.constant 80 : index
        %parallel_loop3A_585 = tpu.vector_load %arg8[%parallel_loop3A_583, %parallel_loop3A_584] {strides = array<i32>} : memref<288x128xf32, #tpu.memory_space<vmem>>, vector<1x16xf32>,
        %parallel_loop3A_586 = vector.shape_cast %parallel_loop3A_585 : vector<1x16xf32> to vector<16xf32>
        %parallel_loop3A_587 = arith.constant 8 : i32
        %parallel_loop3A_588 = arith.addi %parallel_loop3A_203, %parallel_loop3A_587 : i32
        %parallel_loop3A_589 = arith.index_cast %parallel_loop3A_588 : i32 to index
        %parallel_loop3A_590 = arith.constant 80 : index
        %parallel_loop3A_591 = tpu.vector_load %arg8[%parallel_loop3A_589, %parallel_loop3A_590] {strides = array<i32>} : memref<288x128xf32, #tpu.memory_space<vmem>>, vector<1x16xf32>,
        %parallel_loop3A_592 = vector.shape_cast %parallel_loop3A_591 : vector<1x16xf32> to vector<16xf32>
        %parallel_loop3A_593 = arith.maximumf %parallel_loop3A_544, %parallel_loop3A_550 : vector<16xf32>
        %parallel_loop3A_594 = arith.maximumf %parallel_loop3A_556, %parallel_loop3A_562 : vector<16xf32>
        %parallel_loop3A_595 = arith.maximumf %parallel_loop3A_568, %parallel_loop3A_574 : vector<16xf32>
        %parallel_loop3A_596 = arith.maximumf %parallel_loop3A_580, %parallel_loop3A_586 : vector<16xf32>
        %parallel_loop3A_597 = arith.maximumf %parallel_loop3A_593, %parallel_loop3A_594 : vector<16xf32>
        %parallel_loop3A_598 = arith.maximumf %parallel_loop3A_595, %parallel_loop3A_596 : vector<16xf32>
        %parallel_loop3A_599 = arith.maximumf %parallel_loop3A_597, %parallel_loop3A_598 : vector<16xf32>
        %parallel_loop3A_600 = arith.maximumf %parallel_loop3A_599, %parallel_loop3A_592 : vector<16xf32>
        %parallel_loop3A_601 = arith.index_cast %parallel_loop3A_201 : i32 to index
        %parallel_loop3A_602 = arith.constant 80 : index
        %parallel_loop3A_603 = tpu.vector_load %arg10[%parallel_loop3A_601, %parallel_loop3A_602] {strides = array<i32>} : memref<32x128xf32, #tpu.memory_space<vmem>>, vector<1x16xf32>,
        %parallel_loop3A_604 = vector.shape_cast %parallel_loop3A_603 : vector<1x16xf32> to vector<16xf32>
        %parallel_loop3A_605 = vector.shape_cast %parallel_loop3A_600 : vector<16xf32> to vector<1x16xf32>
        tpu.vector_store %arg10[%parallel_loop3A_601, %parallel_loop3A_602], %parallel_loop3A_605 {strides = array<i32>} : memref<32x128xf32, #tpu.memory_space<vmem>>, vector<1x16xf32>,
        %parallel_loop3A_606 = arith.constant 0 : i32
        %parallel_loop3A_607 = arith.addi %parallel_loop3A_203, %parallel_loop3A_606 : i32
        %parallel_loop3A_608 = arith.index_cast %parallel_loop3A_607 : i32 to index
        %parallel_loop3A_609 = arith.constant 96 : index
        %parallel_loop3A_610 = tpu.vector_load %arg8[%parallel_loop3A_608, %parallel_loop3A_609] {strides = array<i32>} : memref<288x128xf32, #tpu.memory_space<vmem>>, vector<1x16xf32>,
        %parallel_loop3A_611 = vector.shape_cast %parallel_loop3A_610 : vector<1x16xf32> to vector<16xf32>
        %parallel_loop3A_612 = arith.constant 1 : i32
        %parallel_loop3A_613 = arith.addi %parallel_loop3A_203, %parallel_loop3A_612 : i32
        %parallel_loop3A_614 = arith.index_cast %parallel_loop3A_613 : i32 to index
        %parallel_loop3A_615 = arith.constant 96 : index
        %parallel_loop3A_616 = tpu.vector_load %arg8[%parallel_loop3A_614, %parallel_loop3A_615] {strides = array<i32>} : memref<288x128xf32, #tpu.memory_space<vmem>>, vector<1x16xf32>,
        %parallel_loop3A_617 = vector.shape_cast %parallel_loop3A_616 : vector<1x16xf32> to vector<16xf32>
        %parallel_loop3A_618 = arith.constant 2 : i32
        %parallel_loop3A_619 = arith.addi %parallel_loop3A_203, %parallel_loop3A_618 : i32
        %parallel_loop3A_620 = arith.index_cast %parallel_loop3A_619 : i32 to index
        %parallel_loop3A_621 = arith.constant 96 : index
        %parallel_loop3A_622 = tpu.vector_load %arg8[%parallel_loop3A_620, %parallel_loop3A_621] {strides = array<i32>} : memref<288x128xf32, #tpu.memory_space<vmem>>, vector<1x16xf32>,
        %parallel_loop3A_623 = vector.shape_cast %parallel_loop3A_622 : vector<1x16xf32> to vector<16xf32>
        %parallel_loop3A_624 = arith.constant 3 : i32
        %parallel_loop3A_625 = arith.addi %parallel_loop3A_203, %parallel_loop3A_624 : i32
        %parallel_loop3A_626 = arith.index_cast %parallel_loop3A_625 : i32 to index
        %parallel_loop3A_627 = arith.constant 96 : index
        %parallel_loop3A_628 = tpu.vector_load %arg8[%parallel_loop3A_626, %parallel_loop3A_627] {strides = array<i32>} : memref<288x128xf32, #tpu.memory_space<vmem>>, vector<1x16xf32>,
        %parallel_loop3A_629 = vector.shape_cast %parallel_loop3A_628 : vector<1x16xf32> to vector<16xf32>
        %parallel_loop3A_630 = arith.constant 4 : i32
        %parallel_loop3A_631 = arith.addi %parallel_loop3A_203, %parallel_loop3A_630 : i32
        %parallel_loop3A_632 = arith.index_cast %parallel_loop3A_631 : i32 to index
        %parallel_loop3A_633 = arith.constant 96 : index
        %parallel_loop3A_634 = tpu.vector_load %arg8[%parallel_loop3A_632, %parallel_loop3A_633] {strides = array<i32>} : memref<288x128xf32, #tpu.memory_space<vmem>>, vector<1x16xf32>,
        %parallel_loop3A_635 = vector.shape_cast %parallel_loop3A_634 : vector<1x16xf32> to vector<16xf32>
        %parallel_loop3A_636 = arith.constant 5 : i32
        %parallel_loop3A_637 = arith.addi %parallel_loop3A_203, %parallel_loop3A_636 : i32
        %parallel_loop3A_638 = arith.index_cast %parallel_loop3A_637 : i32 to index
        %parallel_loop3A_639 = arith.constant 96 : index
        %parallel_loop3A_640 = tpu.vector_load %arg8[%parallel_loop3A_638, %parallel_loop3A_639] {strides = array<i32>} : memref<288x128xf32, #tpu.memory_space<vmem>>, vector<1x16xf32>,
        %parallel_loop3A_641 = vector.shape_cast %parallel_loop3A_640 : vector<1x16xf32> to vector<16xf32>
        %parallel_loop3A_642 = arith.constant 6 : i32
        %parallel_loop3A_643 = arith.addi %parallel_loop3A_203, %parallel_loop3A_642 : i32
        %parallel_loop3A_644 = arith.index_cast %parallel_loop3A_643 : i32 to index
        %parallel_loop3A_645 = arith.constant 96 : index
        %parallel_loop3A_646 = tpu.vector_load %arg8[%parallel_loop3A_644, %parallel_loop3A_645] {strides = array<i32>} : memref<288x128xf32, #tpu.memory_space<vmem>>, vector<1x16xf32>,
        %parallel_loop3A_647 = vector.shape_cast %parallel_loop3A_646 : vector<1x16xf32> to vector<16xf32>
        %parallel_loop3A_648 = arith.constant 7 : i32
        %parallel_loop3A_649 = arith.addi %parallel_loop3A_203, %parallel_loop3A_648 : i32
        %parallel_loop3A_650 = arith.index_cast %parallel_loop3A_649 : i32 to index
        %parallel_loop3A_651 = arith.constant 96 : index
        %parallel_loop3A_652 = tpu.vector_load %arg8[%parallel_loop3A_650, %parallel_loop3A_651] {strides = array<i32>} : memref<288x128xf32, #tpu.memory_space<vmem>>, vector<1x16xf32>,
        %parallel_loop3A_653 = vector.shape_cast %parallel_loop3A_652 : vector<1x16xf32> to vector<16xf32>
        %parallel_loop3A_654 = arith.constant 8 : i32
        %parallel_loop3A_655 = arith.addi %parallel_loop3A_203, %parallel_loop3A_654 : i32
        %parallel_loop3A_656 = arith.index_cast %parallel_loop3A_655 : i32 to index
        %parallel_loop3A_657 = arith.constant 96 : index
        %parallel_loop3A_658 = tpu.vector_load %arg8[%parallel_loop3A_656, %parallel_loop3A_657] {strides = array<i32>} : memref<288x128xf32, #tpu.memory_space<vmem>>, vector<1x16xf32>,
        %parallel_loop3A_659 = vector.shape_cast %parallel_loop3A_658 : vector<1x16xf32> to vector<16xf32>
        %parallel_loop3A_660 = arith.maximumf %parallel_loop3A_611, %parallel_loop3A_617 : vector<16xf32>
        %parallel_loop3A_661 = arith.maximumf %parallel_loop3A_623, %parallel_loop3A_629 : vector<16xf32>
        %parallel_loop3A_662 = arith.maximumf %parallel_loop3A_635, %parallel_loop3A_641 : vector<16xf32>
        %parallel_loop3A_663 = arith.maximumf %parallel_loop3A_647, %parallel_loop3A_653 : vector<16xf32>
        %parallel_loop3A_664 = arith.maximumf %parallel_loop3A_660, %parallel_loop3A_661 : vector<16xf32>
        %parallel_loop3A_665 = arith.maximumf %parallel_loop3A_662, %parallel_loop3A_663 : vector<16xf32>
        %parallel_loop3A_666 = arith.maximumf %parallel_loop3A_664, %parallel_loop3A_665 : vector<16xf32>
        %parallel_loop3A_667 = arith.maximumf %parallel_loop3A_666, %parallel_loop3A_659 : vector<16xf32>
        %parallel_loop3A_668 = arith.index_cast %parallel_loop3A_201 : i32 to index
        %parallel_loop3A_669 = arith.constant 96 : index
        %parallel_loop3A_670 = tpu.vector_load %arg10[%parallel_loop3A_668, %parallel_loop3A_669] {strides = array<i32>} : memref<32x128xf32, #tpu.memory_space<vmem>>, vector<1x16xf32>,
        %parallel_loop3A_671 = vector.shape_cast %parallel_loop3A_670 : vector<1x16xf32> to vector<16xf32>
        %parallel_loop3A_672 = vector.shape_cast %parallel_loop3A_667 : vector<16xf32> to vector<1x16xf32>
        tpu.vector_store %arg10[%parallel_loop3A_668, %parallel_loop3A_669], %parallel_loop3A_672 {strides = array<i32>} : memref<32x128xf32, #tpu.memory_space<vmem>>, vector<1x16xf32>,
        %parallel_loop3A_673 = arith.constant 0 : i32
        %parallel_loop3A_674 = arith.addi %parallel_loop3A_203, %parallel_loop3A_673 : i32
        %parallel_loop3A_675 = arith.index_cast %parallel_loop3A_674 : i32 to index
        %parallel_loop3A_676 = arith.constant 112 : index
        %parallel_loop3A_677 = tpu.vector_load %arg8[%parallel_loop3A_675, %parallel_loop3A_676] {strides = array<i32>} : memref<288x128xf32, #tpu.memory_space<vmem>>, vector<1x16xf32>,
        %parallel_loop3A_678 = vector.shape_cast %parallel_loop3A_677 : vector<1x16xf32> to vector<16xf32>
        %parallel_loop3A_679 = arith.constant 1 : i32
        %parallel_loop3A_680 = arith.addi %parallel_loop3A_203, %parallel_loop3A_679 : i32
        %parallel_loop3A_681 = arith.index_cast %parallel_loop3A_680 : i32 to index
        %parallel_loop3A_682 = arith.constant 112 : index
        %parallel_loop3A_683 = tpu.vector_load %arg8[%parallel_loop3A_681, %parallel_loop3A_682] {strides = array<i32>} : memref<288x128xf32, #tpu.memory_space<vmem>>, vector<1x16xf32>,
        %parallel_loop3A_684 = vector.shape_cast %parallel_loop3A_683 : vector<1x16xf32> to vector<16xf32>
        %parallel_loop3A_685 = arith.constant 2 : i32
        %parallel_loop3A_686 = arith.addi %parallel_loop3A_203, %parallel_loop3A_685 : i32
        %parallel_loop3A_687 = arith.index_cast %parallel_loop3A_686 : i32 to index
        %parallel_loop3A_688 = arith.constant 112 : index
        %parallel_loop3A_689 = tpu.vector_load %arg8[%parallel_loop3A_687, %parallel_loop3A_688] {strides = array<i32>} : memref<288x128xf32, #tpu.memory_space<vmem>>, vector<1x16xf32>,
        %parallel_loop3A_690 = vector.shape_cast %parallel_loop3A_689 : vector<1x16xf32> to vector<16xf32>
        %parallel_loop3A_691 = arith.constant 3 : i32
        %parallel_loop3A_692 = arith.addi %parallel_loop3A_203, %parallel_loop3A_691 : i32
        %parallel_loop3A_693 = arith.index_cast %parallel_loop3A_692 : i32 to index
        %parallel_loop3A_694 = arith.constant 112 : index
        %parallel_loop3A_695 = tpu.vector_load %arg8[%parallel_loop3A_693, %parallel_loop3A_694] {strides = array<i32>} : memref<288x128xf32, #tpu.memory_space<vmem>>, vector<1x16xf32>,
        %parallel_loop3A_696 = vector.shape_cast %parallel_loop3A_695 : vector<1x16xf32> to vector<16xf32>
        %parallel_loop3A_697 = arith.constant 4 : i32
        %parallel_loop3A_698 = arith.addi %parallel_loop3A_203, %parallel_loop3A_697 : i32
        %parallel_loop3A_699 = arith.index_cast %parallel_loop3A_698 : i32 to index
        %parallel_loop3A_700 = arith.constant 112 : index
        %parallel_loop3A_701 = tpu.vector_load %arg8[%parallel_loop3A_699, %parallel_loop3A_700] {strides = array<i32>} : memref<288x128xf32, #tpu.memory_space<vmem>>, vector<1x16xf32>,
        %parallel_loop3A_702 = vector.shape_cast %parallel_loop3A_701 : vector<1x16xf32> to vector<16xf32>
        %parallel_loop3A_703 = arith.constant 5 : i32
        %parallel_loop3A_704 = arith.addi %parallel_loop3A_203, %parallel_loop3A_703 : i32
        %parallel_loop3A_705 = arith.index_cast %parallel_loop3A_704 : i32 to index
        %parallel_loop3A_706 = arith.constant 112 : index
        %parallel_loop3A_707 = tpu.vector_load %arg8[%parallel_loop3A_705, %parallel_loop3A_706] {strides = array<i32>} : memref<288x128xf32, #tpu.memory_space<vmem>>, vector<1x16xf32>,
        %parallel_loop3A_708 = vector.shape_cast %parallel_loop3A_707 : vector<1x16xf32> to vector<16xf32>
        %parallel_loop3A_709 = arith.constant 6 : i32
        %parallel_loop3A_710 = arith.addi %parallel_loop3A_203, %parallel_loop3A_709 : i32
        %parallel_loop3A_711 = arith.index_cast %parallel_loop3A_710 : i32 to index
        %parallel_loop3A_712 = arith.constant 112 : index
        %parallel_loop3A_713 = tpu.vector_load %arg8[%parallel_loop3A_711, %parallel_loop3A_712] {strides = array<i32>} : memref<288x128xf32, #tpu.memory_space<vmem>>, vector<1x16xf32>,
        %parallel_loop3A_714 = vector.shape_cast %parallel_loop3A_713 : vector<1x16xf32> to vector<16xf32>
        %parallel_loop3A_715 = arith.constant 7 : i32
        %parallel_loop3A_716 = arith.addi %parallel_loop3A_203, %parallel_loop3A_715 : i32
        %parallel_loop3A_717 = arith.index_cast %parallel_loop3A_716 : i32 to index
        %parallel_loop3A_718 = arith.constant 112 : index
        %parallel_loop3A_719 = tpu.vector_load %arg8[%parallel_loop3A_717, %parallel_loop3A_718] {strides = array<i32>} : memref<288x128xf32, #tpu.memory_space<vmem>>, vector<1x16xf32>,
        %parallel_loop3A_720 = vector.shape_cast %parallel_loop3A_719 : vector<1x16xf32> to vector<16xf32>
        %parallel_loop3A_721 = arith.constant 8 : i32
        %parallel_loop3A_722 = arith.addi %parallel_loop3A_203, %parallel_loop3A_721 : i32
        %parallel_loop3A_723 = arith.index_cast %parallel_loop3A_722 : i32 to index
        %parallel_loop3A_724 = arith.constant 112 : index
        %parallel_loop3A_725 = tpu.vector_load %arg8[%parallel_loop3A_723, %parallel_loop3A_724] {strides = array<i32>} : memref<288x128xf32, #tpu.memory_space<vmem>>, vector<1x16xf32>,
        %parallel_loop3A_726 = vector.shape_cast %parallel_loop3A_725 : vector<1x16xf32> to vector<16xf32>
        %parallel_loop3A_727 = arith.maximumf %parallel_loop3A_678, %parallel_loop3A_684 : vector<16xf32>
        %parallel_loop3A_728 = arith.maximumf %parallel_loop3A_690, %parallel_loop3A_696 : vector<16xf32>
        %parallel_loop3A_729 = arith.maximumf %parallel_loop3A_702, %parallel_loop3A_708 : vector<16xf32>
        %parallel_loop3A_730 = arith.maximumf %parallel_loop3A_714, %parallel_loop3A_720 : vector<16xf32>
        %parallel_loop3A_731 = arith.maximumf %parallel_loop3A_727, %parallel_loop3A_728 : vector<16xf32>
        %parallel_loop3A_732 = arith.maximumf %parallel_loop3A_729, %parallel_loop3A_730 : vector<16xf32>
        %parallel_loop3A_733 = arith.maximumf %parallel_loop3A_731, %parallel_loop3A_732 : vector<16xf32>
        %parallel_loop3A_734 = arith.maximumf %parallel_loop3A_733, %parallel_loop3A_726 : vector<16xf32>
        %parallel_loop3A_735 = arith.index_cast %parallel_loop3A_201 : i32 to index
        %parallel_loop3A_736 = arith.constant 112 : index
        %parallel_loop3A_737 = tpu.vector_load %arg10[%parallel_loop3A_735, %parallel_loop3A_736] {strides = array<i32>} : memref<32x128xf32, #tpu.memory_space<vmem>>, vector<1x16xf32>,
        %parallel_loop3A_738 = vector.shape_cast %parallel_loop3A_737 : vector<1x16xf32> to vector<16xf32>
        %parallel_loop3A_739 = vector.shape_cast %parallel_loop3A_734 : vector<16xf32> to vector<1x16xf32>
        tpu.vector_store %arg10[%parallel_loop3A_735, %parallel_loop3A_736], %parallel_loop3A_739 {strides = array<i32>} : memref<32x128xf32, #tpu.memory_space<vmem>>, vector<1x16xf32>,
      } {sc.loop_unroll_factor = 2 : i64, sc.parallel_access}
      %mul3A_193 = arith.constant 32 : i32
      %mul3A_194 = arith.muli %add3A_142, %mul3A_193 : i32
      %add3A_195 = arith.addi %add3A, %mul3A_194 : i32
      %multiple_of3A_196 = tpu.assume_multiple %add3A_195, 8 : i32
      %dma_start3A_197 = arith.constant 0 : i32
      %dma_start3A_198 = tpu.memref_slice %arg4[%multiple_of3A_196, %dma_start3A_197] : memref<50176x128xf32, #tpu.memory_space<hbm>> -> memref<32x128xf32, #tpu.memory_space<hbm>>
      %dma_start3A_199 = arith.constant 0 : i32
      %dma_start3A_200 = tpu.memref_slice %arg4[%multiple_of3A_196, %dma_start3A_199] : memref<50176x128xf32, #tpu.memory_space<hbm>> -> memref<32x128xf32, #tpu.memory_space<hbm>>
      tpu.enqueue_dma source(%arg10 : memref<32x128xf32, #tpu.memory_space<vmem>>) target(%dma_start3A_200 : memref<32x128xf32, #tpu.memory_space<hbm>>) target_semaphore(%arg16 : memref<!tpu.dma_semaphore, #tpu.memory_space<semaphore_mem>>)
    }
    %while3A_71 = arith.constant 1 : i32
    scf.for %while3A_84 = %while3A_69 to %while3A_65 step %while3A_71  : i32 {
      %mul3A_85 = arith.constant 2 : i32
      %mul3A_86 = arith.muli %mul3A_85, %while3A_84 : i32
      %add3A_87 = arith.constant 1 : i32
      %add3A_88 = arith.addi %mul3A_86, %add3A_87 : i32
      %lt3A = arith.cmpi slt, %add3A_88, %select_n3A_5 : i32
      %convert_element_type3A = arith.extui %lt3A : i1 to i32
      %cond3A = arith.constant 0 : i32
      %cond3A_89 = arith.cmpi ne, %convert_element_type3A, %cond3A : i32
      scf.if %cond3A_89 {
        %add3A_201 = arith.constant 1 : i32
        %add3A_202 = arith.addi %mul3A_86, %add3A_201 : i32
        %mul3A_203 = arith.constant 32 : i32
        %mul3A_204 = arith.muli %add3A_202, %mul3A_203 : i32
        %add3A_205 = arith.addi %add3A, %mul3A_204 : i32
        %mul3A_206 = arith.constant 9 : i32
        %mul3A_207 = arith.muli %add3A_205, %mul3A_206 : i32
        %dma_wait3A_208 = tpu.memref_slice %arg3[%mul3A_207] : memref<451584xi32, #tpu.memory_space<hbm>> -> memref<288xi32, #tpu.memory_space<hbm>>
        %dma_wait3A_209 = tpu.memref_slice %arg3[%mul3A_207] : memref<451584xi32, #tpu.memory_space<hbm>> -> memref<288xi32, #tpu.memory_space<hbm>>
        tpu.wait_dma2 semaphore(%arg14 : memref<!tpu.dma_semaphore, #tpu.memory_space<semaphore_mem>>) src(%dma_wait3A_209 : memref<288xi32, #tpu.memory_space<hbm>>) dst(%arg6 : memref<288xi32, #tpu.memory_space<vmem>>)
      } else {
      }
      %add3A_90 = arith.constant 1 : i32
      %add3A_91 = arith.addi %mul3A_86, %add3A_90 : i32
      %lt3A_92 = arith.cmpi slt, %add3A_91, %select_n3A_5 : i32
      %convert_element_type3A_93 = arith.extui %lt3A_92 : i1 to i32
      %cond3A_94 = arith.constant 0 : i32
      %cond3A_95 = arith.cmpi ne, %convert_element_type3A_93, %cond3A_94 : i32
      scf.if %cond3A_95 {
        %dma_start3A_201 = arith.constant 0 : i32
        %dma_start3A_202 = arith.constant 0 : i32
        %dma_start3A_203 = tpu.memref_slice %arg8[%dma_start3A_201, %dma_start3A_202] : memref<288x128xf32, #tpu.memory_space<vmem>> -> memref<128x128xf32, #tpu.memory_space<vmem>>
        %dma_start3A_204 = arith.constant 0 : i32
        %dma_start3A_205 = tpu.memref_slice %arg6[%dma_start3A_204] : memref<288xi32, #tpu.memory_space<vmem>> -> memref<128xi32, #tpu.memory_space<vmem>>
        %dma_start3A_206 = arith.constant 0 : i32
        %dma_start3A_207 = arith.constant 0 : i32
        %dma_start3A_208 = tpu.memref_slice %arg2[%dma_start3A_206, %dma_start3A_207] : memref<50000x128xf32, #tpu.memory_space<hbm>> -> memref<50000x128xf32, #tpu.memory_space<hbm>>
        tpu.enqueue_indirect_dma source(%dma_start3A_208 : memref<50000x128xf32, #tpu.memory_space<hbm>>) target(%dma_start3A_203 : memref<128x128xf32, #tpu.memory_space<vmem>>) offsets(%dma_start3A_205 : memref<128xi32, #tpu.memory_space<vmem>>) semaphore(%arg12 : memref<!tpu.dma_semaphore, #tpu.memory_space<semaphore_mem>>)
        %dma_start3A_209 = arith.constant 128 : i32
        %dma_start3A_210 = arith.constant 0 : i32
        %dma_start3A_211 = tpu.memref_slice %arg8[%dma_start3A_209, %dma_start3A_210] : memref<288x128xf32, #tpu.memory_space<vmem>> -> memref<128x128xf32, #tpu.memory_space<vmem>>
        %dma_start3A_212 = arith.constant 128 : i32
        %dma_start3A_213 = tpu.memref_slice %arg6[%dma_start3A_212] : memref<288xi32, #tpu.memory_space<vmem>> -> memref<128xi32, #tpu.memory_space<vmem>>
        %dma_start3A_214 = arith.constant 0 : i32
        %dma_start3A_215 = arith.constant 0 : i32
        %dma_start3A_216 = tpu.memref_slice %arg2[%dma_start3A_214, %dma_start3A_215] : memref<50000x128xf32, #tpu.memory_space<hbm>> -> memref<50000x128xf32, #tpu.memory_space<hbm>>
        tpu.enqueue_indirect_dma source(%dma_start3A_216 : memref<50000x128xf32, #tpu.memory_space<hbm>>) target(%dma_start3A_211 : memref<128x128xf32, #tpu.memory_space<vmem>>) offsets(%dma_start3A_213 : memref<128xi32, #tpu.memory_space<vmem>>) semaphore(%arg12 : memref<!tpu.dma_semaphore, #tpu.memory_space<semaphore_mem>>)
        %dma_start3A_217 = arith.constant 256 : i32
        %dma_start3A_218 = arith.constant 0 : i32
        %dma_start3A_219 = tpu.memref_slice %arg8[%dma_start3A_217, %dma_start3A_218] : memref<288x128xf32, #tpu.memory_space<vmem>> -> memref<32x128xf32, #tpu.memory_space<vmem>>
        %dma_start3A_220 = arith.constant 256 : i32
        %dma_start3A_221 = tpu.memref_slice %arg6[%dma_start3A_220] : memref<288xi32, #tpu.memory_space<vmem>> -> memref<32xi32, #tpu.memory_space<vmem>>
        %dma_start3A_222 = arith.constant 0 : i32
        %dma_start3A_223 = arith.constant 0 : i32
        %dma_start3A_224 = tpu.memref_slice %arg2[%dma_start3A_222, %dma_start3A_223] : memref<50000x128xf32, #tpu.memory_space<hbm>> -> memref<50000x128xf32, #tpu.memory_space<hbm>>
        tpu.enqueue_indirect_dma source(%dma_start3A_224 : memref<50000x128xf32, #tpu.memory_space<hbm>>) target(%dma_start3A_219 : memref<32x128xf32, #tpu.memory_space<vmem>>) offsets(%dma_start3A_221 : memref<32xi32, #tpu.memory_space<vmem>>) semaphore(%arg12 : memref<!tpu.dma_semaphore, #tpu.memory_space<semaphore_mem>>)
      } else {
      }
      %dma_wait3A_96 = arith.constant 0 : i32
      %dma_wait3A_97 = arith.constant 0 : i32
      %dma_wait3A_98 = tpu.memref_slice %arg7[%dma_wait3A_96, %dma_wait3A_97] : memref<288x128xf32, #tpu.memory_space<vmem>> -> memref<128x128xf32, #tpu.memory_space<vmem>>
      %dma_wait3A_99 = arith.constant 0 : i32
      %dma_wait3A_100 = tpu.memref_slice %arg5[%dma_wait3A_99] : memref<288xi32, #tpu.memory_space<vmem>> -> memref<128xi32, #tpu.memory_space<vmem>>
      %dma_wait3A_101 = arith.constant 0 : i32
      %dma_wait3A_102 = arith.constant 0 : i32
      %dma_wait3A_103 = tpu.memref_slice %arg2[%dma_wait3A_101, %dma_wait3A_102] : memref<50000x128xf32, #tpu.memory_space<hbm>> -> memref<50000x128xf32, #tpu.memory_space<hbm>>
      tpu.wait_indirect_dma semaphore(%arg11 : memref<!tpu.dma_semaphore, #tpu.memory_space<semaphore_mem>>) src(%dma_wait3A_103 : memref<50000x128xf32, #tpu.memory_space<hbm>>) dst(%dma_wait3A_98 : memref<128x128xf32, #tpu.memory_space<vmem>>)
      %dma_wait3A_104 = arith.constant 128 : i32
      %dma_wait3A_105 = arith.constant 0 : i32
      %dma_wait3A_106 = tpu.memref_slice %arg7[%dma_wait3A_104, %dma_wait3A_105] : memref<288x128xf32, #tpu.memory_space<vmem>> -> memref<128x128xf32, #tpu.memory_space<vmem>>
      %dma_wait3A_107 = arith.constant 128 : i32
      %dma_wait3A_108 = tpu.memref_slice %arg5[%dma_wait3A_107] : memref<288xi32, #tpu.memory_space<vmem>> -> memref<128xi32, #tpu.memory_space<vmem>>
      %dma_wait3A_109 = arith.constant 0 : i32
      %dma_wait3A_110 = arith.constant 0 : i32
      %dma_wait3A_111 = tpu.memref_slice %arg2[%dma_wait3A_109, %dma_wait3A_110] : memref<50000x128xf32, #tpu.memory_space<hbm>> -> memref<50000x128xf32, #tpu.memory_space<hbm>>
      tpu.wait_indirect_dma semaphore(%arg11 : memref<!tpu.dma_semaphore, #tpu.memory_space<semaphore_mem>>) src(%dma_wait3A_111 : memref<50000x128xf32, #tpu.memory_space<hbm>>) dst(%dma_wait3A_106 : memref<128x128xf32, #tpu.memory_space<vmem>>)
      %dma_wait3A_112 = arith.constant 256 : i32
      %dma_wait3A_113 = arith.constant 0 : i32
      %dma_wait3A_114 = tpu.memref_slice %arg7[%dma_wait3A_112, %dma_wait3A_113] : memref<288x128xf32, #tpu.memory_space<vmem>> -> memref<32x128xf32, #tpu.memory_space<vmem>>
      %dma_wait3A_115 = arith.constant 256 : i32
      %dma_wait3A_116 = tpu.memref_slice %arg5[%dma_wait3A_115] : memref<288xi32, #tpu.memory_space<vmem>> -> memref<32xi32, #tpu.memory_space<vmem>>
      %dma_wait3A_117 = arith.constant 0 : i32
      %dma_wait3A_118 = arith.constant 0 : i32
      %dma_wait3A_119 = tpu.memref_slice %arg2[%dma_wait3A_117, %dma_wait3A_118] : memref<50000x128xf32, #tpu.memory_space<hbm>> -> memref<50000x128xf32, #tpu.memory_space<hbm>>
      tpu.wait_indirect_dma semaphore(%arg11 : memref<!tpu.dma_semaphore, #tpu.memory_space<semaphore_mem>>) src(%dma_wait3A_119 : memref<50000x128xf32, #tpu.memory_space<hbm>>) dst(%dma_wait3A_114 : memref<32x128xf32, #tpu.memory_space<vmem>>)
      %add3A_120 = arith.constant 2 : i32
      %add3A_121 = arith.addi %mul3A_86, %add3A_120 : i32
      %lt3A_122 = arith.cmpi slt, %add3A_121, %select_n3A_5 : i32
      %convert_element_type3A_123 = arith.extui %lt3A_122 : i1 to i32
      %cond3A_124 = arith.constant 0 : i32
      %cond3A_125 = arith.cmpi ne, %convert_element_type3A_123, %cond3A_124 : i32
      scf.if %cond3A_125 {
        %add3A_201 = arith.constant 2 : i32
        %add3A_202 = arith.addi %mul3A_86, %add3A_201 : i32
        %mul3A_203 = arith.constant 32 : i32
        %mul3A_204 = arith.muli %add3A_202, %mul3A_203 : i32
        %add3A_205 = arith.addi %add3A, %mul3A_204 : i32
        %mul3A_206 = arith.constant 9 : i32
        %mul3A_207 = arith.muli %add3A_205, %mul3A_206 : i32
        %dma_start3A_208 = tpu.memref_slice %arg3[%mul3A_207] : memref<451584xi32, #tpu.memory_space<hbm>> -> memref<288xi32, #tpu.memory_space<hbm>>
        %dma_start3A_209 = tpu.memref_slice %arg3[%mul3A_207] : memref<451584xi32, #tpu.memory_space<hbm>> -> memref<288xi32, #tpu.memory_space<hbm>>
        tpu.enqueue_dma source(%dma_start3A_209 : memref<288xi32, #tpu.memory_space<hbm>>) target(%arg5 : memref<288xi32, #tpu.memory_space<vmem>>) target_semaphore(%arg13 : memref<!tpu.dma_semaphore, #tpu.memory_space<semaphore_mem>>)
      } else {
      }
      %ge3A = arith.constant 2 : i32
      %ge3A_126 = arith.cmpi sge, %mul3A_86, %ge3A : i32
      %convert_element_type3A_127 = arith.extui %ge3A_126 : i1 to i32
      %cond3A_128 = arith.constant 0 : i32
      %cond3A_129 = arith.cmpi ne, %convert_element_type3A_127, %cond3A_128 : i32
      scf.if %cond3A_129 {
        %dma_wait3A_201 = arith.constant 0 : i32
        %dma_wait3A_202 = arith.constant 0 : i32
        %dma_wait3A_203 = tpu.memref_slice %arg4[%dma_wait3A_201, %dma_wait3A_202] : memref<50176x128xf32, #tpu.memory_space<hbm>> -> memref<32x128xf32, #tpu.memory_space<hbm>>
        %dma_wait3A_204 = arith.constant 0 : i32
        %dma_wait3A_205 = arith.constant 0 : i32
        %dma_wait3A_206 = tpu.memref_slice %arg4[%dma_wait3A_204, %dma_wait3A_205] : memref<50176x128xf32, #tpu.memory_space<hbm>> -> memref<32x128xf32, #tpu.memory_space<hbm>>
        tpu.wait_dma2 semaphore(%arg15 : memref<!tpu.dma_semaphore, #tpu.memory_space<semaphore_mem>>) src(%arg9 : memref<32x128xf32, #tpu.memory_space<vmem>>) dst(%dma_wait3A_206 : memref<32x128xf32, #tpu.memory_space<hbm>>)
      } else {
      }
      %parallel_loop3A = arith.constant 0 : i32
      %parallel_loop3A_130 = arith.constant 32 : i32
      %parallel_loop3A_131 = arith.constant 1 : i32
      scf.for %parallel_loop3A_201 = %parallel_loop3A to %parallel_loop3A_130 step %parallel_loop3A_131  : i32 {
        %parallel_loop3A_202 = arith.constant 9 : i32
        %parallel_loop3A_203 = arith.muli %parallel_loop3A_201, %parallel_loop3A_202 : i32
        %parallel_loop3A_204 = arith.constant 0 : i32
        %parallel_loop3A_205 = arith.addi %parallel_loop3A_203, %parallel_loop3A_204 : i32
        %parallel_loop3A_206 = arith.index_cast %parallel_loop3A_205 : i32 to index
        %parallel_loop3A_207 = arith.constant 0 : index
        %parallel_loop3A_208 = tpu.vector_load %arg7[%parallel_loop3A_206, %parallel_loop3A_207] {strides = array<i32>} : memref<288x128xf32, #tpu.memory_space<vmem>>, vector<1x16xf32>,
        %parallel_loop3A_209 = vector.shape_cast %parallel_loop3A_208 : vector<1x16xf32> to vector<16xf32>
        %parallel_loop3A_210 = arith.constant 1 : i32
        %parallel_loop3A_211 = arith.addi %parallel_loop3A_203, %parallel_loop3A_210 : i32
        %parallel_loop3A_212 = arith.index_cast %parallel_loop3A_211 : i32 to index
        %parallel_loop3A_213 = arith.constant 0 : index
        %parallel_loop3A_214 = tpu.vector_load %arg7[%parallel_loop3A_212, %parallel_loop3A_213] {strides = array<i32>} : memref<288x128xf32, #tpu.memory_space<vmem>>, vector<1x16xf32>,
        %parallel_loop3A_215 = vector.shape_cast %parallel_loop3A_214 : vector<1x16xf32> to vector<16xf32>
        %parallel_loop3A_216 = arith.constant 2 : i32
        %parallel_loop3A_217 = arith.addi %parallel_loop3A_203, %parallel_loop3A_216 : i32
        %parallel_loop3A_218 = arith.index_cast %parallel_loop3A_217 : i32 to index
        %parallel_loop3A_219 = arith.constant 0 : index
        %parallel_loop3A_220 = tpu.vector_load %arg7[%parallel_loop3A_218, %parallel_loop3A_219] {strides = array<i32>} : memref<288x128xf32, #tpu.memory_space<vmem>>, vector<1x16xf32>,
        %parallel_loop3A_221 = vector.shape_cast %parallel_loop3A_220 : vector<1x16xf32> to vector<16xf32>
        %parallel_loop3A_222 = arith.constant 3 : i32
        %parallel_loop3A_223 = arith.addi %parallel_loop3A_203, %parallel_loop3A_222 : i32
        %parallel_loop3A_224 = arith.index_cast %parallel_loop3A_223 : i32 to index
        %parallel_loop3A_225 = arith.constant 0 : index
        %parallel_loop3A_226 = tpu.vector_load %arg7[%parallel_loop3A_224, %parallel_loop3A_225] {strides = array<i32>} : memref<288x128xf32, #tpu.memory_space<vmem>>, vector<1x16xf32>,
        %parallel_loop3A_227 = vector.shape_cast %parallel_loop3A_226 : vector<1x16xf32> to vector<16xf32>
        %parallel_loop3A_228 = arith.constant 4 : i32
        %parallel_loop3A_229 = arith.addi %parallel_loop3A_203, %parallel_loop3A_228 : i32
        %parallel_loop3A_230 = arith.index_cast %parallel_loop3A_229 : i32 to index
        %parallel_loop3A_231 = arith.constant 0 : index
        %parallel_loop3A_232 = tpu.vector_load %arg7[%parallel_loop3A_230, %parallel_loop3A_231] {strides = array<i32>} : memref<288x128xf32, #tpu.memory_space<vmem>>, vector<1x16xf32>,
        %parallel_loop3A_233 = vector.shape_cast %parallel_loop3A_232 : vector<1x16xf32> to vector<16xf32>
        %parallel_loop3A_234 = arith.constant 5 : i32
        %parallel_loop3A_235 = arith.addi %parallel_loop3A_203, %parallel_loop3A_234 : i32
        %parallel_loop3A_236 = arith.index_cast %parallel_loop3A_235 : i32 to index
        %parallel_loop3A_237 = arith.constant 0 : index
        %parallel_loop3A_238 = tpu.vector_load %arg7[%parallel_loop3A_236, %parallel_loop3A_237] {strides = array<i32>} : memref<288x128xf32, #tpu.memory_space<vmem>>, vector<1x16xf32>,
        %parallel_loop3A_239 = vector.shape_cast %parallel_loop3A_238 : vector<1x16xf32> to vector<16xf32>
        %parallel_loop3A_240 = arith.constant 6 : i32
        %parallel_loop3A_241 = arith.addi %parallel_loop3A_203, %parallel_loop3A_240 : i32
        %parallel_loop3A_242 = arith.index_cast %parallel_loop3A_241 : i32 to index
        %parallel_loop3A_243 = arith.constant 0 : index
        %parallel_loop3A_244 = tpu.vector_load %arg7[%parallel_loop3A_242, %parallel_loop3A_243] {strides = array<i32>} : memref<288x128xf32, #tpu.memory_space<vmem>>, vector<1x16xf32>,
        %parallel_loop3A_245 = vector.shape_cast %parallel_loop3A_244 : vector<1x16xf32> to vector<16xf32>
        %parallel_loop3A_246 = arith.constant 7 : i32
        %parallel_loop3A_247 = arith.addi %parallel_loop3A_203, %parallel_loop3A_246 : i32
        %parallel_loop3A_248 = arith.index_cast %parallel_loop3A_247 : i32 to index
        %parallel_loop3A_249 = arith.constant 0 : index
        %parallel_loop3A_250 = tpu.vector_load %arg7[%parallel_loop3A_248, %parallel_loop3A_249] {strides = array<i32>} : memref<288x128xf32, #tpu.memory_space<vmem>>, vector<1x16xf32>,
        %parallel_loop3A_251 = vector.shape_cast %parallel_loop3A_250 : vector<1x16xf32> to vector<16xf32>
        %parallel_loop3A_252 = arith.constant 8 : i32
        %parallel_loop3A_253 = arith.addi %parallel_loop3A_203, %parallel_loop3A_252 : i32
        %parallel_loop3A_254 = arith.index_cast %parallel_loop3A_253 : i32 to index
        %parallel_loop3A_255 = arith.constant 0 : index
        %parallel_loop3A_256 = tpu.vector_load %arg7[%parallel_loop3A_254, %parallel_loop3A_255] {strides = array<i32>} : memref<288x128xf32, #tpu.memory_space<vmem>>, vector<1x16xf32>,
        %parallel_loop3A_257 = vector.shape_cast %parallel_loop3A_256 : vector<1x16xf32> to vector<16xf32>
        %parallel_loop3A_258 = arith.maximumf %parallel_loop3A_209, %parallel_loop3A_215 : vector<16xf32>
        %parallel_loop3A_259 = arith.maximumf %parallel_loop3A_221, %parallel_loop3A_227 : vector<16xf32>
        %parallel_loop3A_260 = arith.maximumf %parallel_loop3A_233, %parallel_loop3A_239 : vector<16xf32>
        %parallel_loop3A_261 = arith.maximumf %parallel_loop3A_245, %parallel_loop3A_251 : vector<16xf32>
        %parallel_loop3A_262 = arith.maximumf %parallel_loop3A_258, %parallel_loop3A_259 : vector<16xf32>
        %parallel_loop3A_263 = arith.maximumf %parallel_loop3A_260, %parallel_loop3A_261 : vector<16xf32>
        %parallel_loop3A_264 = arith.maximumf %parallel_loop3A_262, %parallel_loop3A_263 : vector<16xf32>
        %parallel_loop3A_265 = arith.maximumf %parallel_loop3A_264, %parallel_loop3A_257 : vector<16xf32>
        %parallel_loop3A_266 = arith.index_cast %parallel_loop3A_201 : i32 to index
        %parallel_loop3A_267 = arith.constant 0 : index
        %parallel_loop3A_268 = tpu.vector_load %arg9[%parallel_loop3A_266, %parallel_loop3A_267] {strides = array<i32>} : memref<32x128xf32, #tpu.memory_space<vmem>>, vector<1x16xf32>,
        %parallel_loop3A_269 = vector.shape_cast %parallel_loop3A_268 : vector<1x16xf32> to vector<16xf32>
        %parallel_loop3A_270 = vector.shape_cast %parallel_loop3A_265 : vector<16xf32> to vector<1x16xf32>
        tpu.vector_store %arg9[%parallel_loop3A_266, %parallel_loop3A_267], %parallel_loop3A_270 {strides = array<i32>} : memref<32x128xf32, #tpu.memory_space<vmem>>, vector<1x16xf32>,
        %parallel_loop3A_271 = arith.constant 0 : i32
        %parallel_loop3A_272 = arith.addi %parallel_loop3A_203, %parallel_loop3A_271 : i32
        %parallel_loop3A_273 = arith.index_cast %parallel_loop3A_272 : i32 to index
        %parallel_loop3A_274 = arith.constant 16 : index
        %parallel_loop3A_275 = tpu.vector_load %arg7[%parallel_loop3A_273, %parallel_loop3A_274] {strides = array<i32>} : memref<288x128xf32, #tpu.memory_space<vmem>>, vector<1x16xf32>,
        %parallel_loop3A_276 = vector.shape_cast %parallel_loop3A_275 : vector<1x16xf32> to vector<16xf32>
        %parallel_loop3A_277 = arith.constant 1 : i32
        %parallel_loop3A_278 = arith.addi %parallel_loop3A_203, %parallel_loop3A_277 : i32
        %parallel_loop3A_279 = arith.index_cast %parallel_loop3A_278 : i32 to index
        %parallel_loop3A_280 = arith.constant 16 : index
        %parallel_loop3A_281 = tpu.vector_load %arg7[%parallel_loop3A_279, %parallel_loop3A_280] {strides = array<i32>} : memref<288x128xf32, #tpu.memory_space<vmem>>, vector<1x16xf32>,
        %parallel_loop3A_282 = vector.shape_cast %parallel_loop3A_281 : vector<1x16xf32> to vector<16xf32>
        %parallel_loop3A_283 = arith.constant 2 : i32
        %parallel_loop3A_284 = arith.addi %parallel_loop3A_203, %parallel_loop3A_283 : i32
        %parallel_loop3A_285 = arith.index_cast %parallel_loop3A_284 : i32 to index
        %parallel_loop3A_286 = arith.constant 16 : index
        %parallel_loop3A_287 = tpu.vector_load %arg7[%parallel_loop3A_285, %parallel_loop3A_286] {strides = array<i32>} : memref<288x128xf32, #tpu.memory_space<vmem>>, vector<1x16xf32>,
        %parallel_loop3A_288 = vector.shape_cast %parallel_loop3A_287 : vector<1x16xf32> to vector<16xf32>
        %parallel_loop3A_289 = arith.constant 3 : i32
        %parallel_loop3A_290 = arith.addi %parallel_loop3A_203, %parallel_loop3A_289 : i32
        %parallel_loop3A_291 = arith.index_cast %parallel_loop3A_290 : i32 to index
        %parallel_loop3A_292 = arith.constant 16 : index
        %parallel_loop3A_293 = tpu.vector_load %arg7[%parallel_loop3A_291, %parallel_loop3A_292] {strides = array<i32>} : memref<288x128xf32, #tpu.memory_space<vmem>>, vector<1x16xf32>,
        %parallel_loop3A_294 = vector.shape_cast %parallel_loop3A_293 : vector<1x16xf32> to vector<16xf32>
        %parallel_loop3A_295 = arith.constant 4 : i32
        %parallel_loop3A_296 = arith.addi %parallel_loop3A_203, %parallel_loop3A_295 : i32
        %parallel_loop3A_297 = arith.index_cast %parallel_loop3A_296 : i32 to index
        %parallel_loop3A_298 = arith.constant 16 : index
        %parallel_loop3A_299 = tpu.vector_load %arg7[%parallel_loop3A_297, %parallel_loop3A_298] {strides = array<i32>} : memref<288x128xf32, #tpu.memory_space<vmem>>, vector<1x16xf32>,
        %parallel_loop3A_300 = vector.shape_cast %parallel_loop3A_299 : vector<1x16xf32> to vector<16xf32>
        %parallel_loop3A_301 = arith.constant 5 : i32
        %parallel_loop3A_302 = arith.addi %parallel_loop3A_203, %parallel_loop3A_301 : i32
        %parallel_loop3A_303 = arith.index_cast %parallel_loop3A_302 : i32 to index
        %parallel_loop3A_304 = arith.constant 16 : index
        %parallel_loop3A_305 = tpu.vector_load %arg7[%parallel_loop3A_303, %parallel_loop3A_304] {strides = array<i32>} : memref<288x128xf32, #tpu.memory_space<vmem>>, vector<1x16xf32>,
        %parallel_loop3A_306 = vector.shape_cast %parallel_loop3A_305 : vector<1x16xf32> to vector<16xf32>
        %parallel_loop3A_307 = arith.constant 6 : i32
        %parallel_loop3A_308 = arith.addi %parallel_loop3A_203, %parallel_loop3A_307 : i32
        %parallel_loop3A_309 = arith.index_cast %parallel_loop3A_308 : i32 to index
        %parallel_loop3A_310 = arith.constant 16 : index
        %parallel_loop3A_311 = tpu.vector_load %arg7[%parallel_loop3A_309, %parallel_loop3A_310] {strides = array<i32>} : memref<288x128xf32, #tpu.memory_space<vmem>>, vector<1x16xf32>,
        %parallel_loop3A_312 = vector.shape_cast %parallel_loop3A_311 : vector<1x16xf32> to vector<16xf32>
        %parallel_loop3A_313 = arith.constant 7 : i32
        %parallel_loop3A_314 = arith.addi %parallel_loop3A_203, %parallel_loop3A_313 : i32
        %parallel_loop3A_315 = arith.index_cast %parallel_loop3A_314 : i32 to index
        %parallel_loop3A_316 = arith.constant 16 : index
        %parallel_loop3A_317 = tpu.vector_load %arg7[%parallel_loop3A_315, %parallel_loop3A_316] {strides = array<i32>} : memref<288x128xf32, #tpu.memory_space<vmem>>, vector<1x16xf32>,
        %parallel_loop3A_318 = vector.shape_cast %parallel_loop3A_317 : vector<1x16xf32> to vector<16xf32>
        %parallel_loop3A_319 = arith.constant 8 : i32
        %parallel_loop3A_320 = arith.addi %parallel_loop3A_203, %parallel_loop3A_319 : i32
        %parallel_loop3A_321 = arith.index_cast %parallel_loop3A_320 : i32 to index
        %parallel_loop3A_322 = arith.constant 16 : index
        %parallel_loop3A_323 = tpu.vector_load %arg7[%parallel_loop3A_321, %parallel_loop3A_322] {strides = array<i32>} : memref<288x128xf32, #tpu.memory_space<vmem>>, vector<1x16xf32>,
        %parallel_loop3A_324 = vector.shape_cast %parallel_loop3A_323 : vector<1x16xf32> to vector<16xf32>
        %parallel_loop3A_325 = arith.maximumf %parallel_loop3A_276, %parallel_loop3A_282 : vector<16xf32>
        %parallel_loop3A_326 = arith.maximumf %parallel_loop3A_288, %parallel_loop3A_294 : vector<16xf32>
        %parallel_loop3A_327 = arith.maximumf %parallel_loop3A_300, %parallel_loop3A_306 : vector<16xf32>
        %parallel_loop3A_328 = arith.maximumf %parallel_loop3A_312, %parallel_loop3A_318 : vector<16xf32>
        %parallel_loop3A_329 = arith.maximumf %parallel_loop3A_325, %parallel_loop3A_326 : vector<16xf32>
        %parallel_loop3A_330 = arith.maximumf %parallel_loop3A_327, %parallel_loop3A_328 : vector<16xf32>
        %parallel_loop3A_331 = arith.maximumf %parallel_loop3A_329, %parallel_loop3A_330 : vector<16xf32>
        %parallel_loop3A_332 = arith.maximumf %parallel_loop3A_331, %parallel_loop3A_324 : vector<16xf32>
        %parallel_loop3A_333 = arith.index_cast %parallel_loop3A_201 : i32 to index
        %parallel_loop3A_334 = arith.constant 16 : index
        %parallel_loop3A_335 = tpu.vector_load %arg9[%parallel_loop3A_333, %parallel_loop3A_334] {strides = array<i32>} : memref<32x128xf32, #tpu.memory_space<vmem>>, vector<1x16xf32>,
        %parallel_loop3A_336 = vector.shape_cast %parallel_loop3A_335 : vector<1x16xf32> to vector<16xf32>
        %parallel_loop3A_337 = vector.shape_cast %parallel_loop3A_332 : vector<16xf32> to vector<1x16xf32>
        tpu.vector_store %arg9[%parallel_loop3A_333, %parallel_loop3A_334], %parallel_loop3A_337 {strides = array<i32>} : memref<32x128xf32, #tpu.memory_space<vmem>>, vector<1x16xf32>,
        %parallel_loop3A_338 = arith.constant 0 : i32
        %parallel_loop3A_339 = arith.addi %parallel_loop3A_203, %parallel_loop3A_338 : i32
        %parallel_loop3A_340 = arith.index_cast %parallel_loop3A_339 : i32 to index
        %parallel_loop3A_341 = arith.constant 32 : index
        %parallel_loop3A_342 = tpu.vector_load %arg7[%parallel_loop3A_340, %parallel_loop3A_341] {strides = array<i32>} : memref<288x128xf32, #tpu.memory_space<vmem>>, vector<1x16xf32>,
        %parallel_loop3A_343 = vector.shape_cast %parallel_loop3A_342 : vector<1x16xf32> to vector<16xf32>
        %parallel_loop3A_344 = arith.constant 1 : i32
        %parallel_loop3A_345 = arith.addi %parallel_loop3A_203, %parallel_loop3A_344 : i32
        %parallel_loop3A_346 = arith.index_cast %parallel_loop3A_345 : i32 to index
        %parallel_loop3A_347 = arith.constant 32 : index
        %parallel_loop3A_348 = tpu.vector_load %arg7[%parallel_loop3A_346, %parallel_loop3A_347] {strides = array<i32>} : memref<288x128xf32, #tpu.memory_space<vmem>>, vector<1x16xf32>,
        %parallel_loop3A_349 = vector.shape_cast %parallel_loop3A_348 : vector<1x16xf32> to vector<16xf32>
        %parallel_loop3A_350 = arith.constant 2 : i32
        %parallel_loop3A_351 = arith.addi %parallel_loop3A_203, %parallel_loop3A_350 : i32
        %parallel_loop3A_352 = arith.index_cast %parallel_loop3A_351 : i32 to index
        %parallel_loop3A_353 = arith.constant 32 : index
        %parallel_loop3A_354 = tpu.vector_load %arg7[%parallel_loop3A_352, %parallel_loop3A_353] {strides = array<i32>} : memref<288x128xf32, #tpu.memory_space<vmem>>, vector<1x16xf32>,
        %parallel_loop3A_355 = vector.shape_cast %parallel_loop3A_354 : vector<1x16xf32> to vector<16xf32>
        %parallel_loop3A_356 = arith.constant 3 : i32
        %parallel_loop3A_357 = arith.addi %parallel_loop3A_203, %parallel_loop3A_356 : i32
        %parallel_loop3A_358 = arith.index_cast %parallel_loop3A_357 : i32 to index
        %parallel_loop3A_359 = arith.constant 32 : index
        %parallel_loop3A_360 = tpu.vector_load %arg7[%parallel_loop3A_358, %parallel_loop3A_359] {strides = array<i32>} : memref<288x128xf32, #tpu.memory_space<vmem>>, vector<1x16xf32>,
        %parallel_loop3A_361 = vector.shape_cast %parallel_loop3A_360 : vector<1x16xf32> to vector<16xf32>
        %parallel_loop3A_362 = arith.constant 4 : i32
        %parallel_loop3A_363 = arith.addi %parallel_loop3A_203, %parallel_loop3A_362 : i32
        %parallel_loop3A_364 = arith.index_cast %parallel_loop3A_363 : i32 to index
        %parallel_loop3A_365 = arith.constant 32 : index
        %parallel_loop3A_366 = tpu.vector_load %arg7[%parallel_loop3A_364, %parallel_loop3A_365] {strides = array<i32>} : memref<288x128xf32, #tpu.memory_space<vmem>>, vector<1x16xf32>,
        %parallel_loop3A_367 = vector.shape_cast %parallel_loop3A_366 : vector<1x16xf32> to vector<16xf32>
        %parallel_loop3A_368 = arith.constant 5 : i32
        %parallel_loop3A_369 = arith.addi %parallel_loop3A_203, %parallel_loop3A_368 : i32
        %parallel_loop3A_370 = arith.index_cast %parallel_loop3A_369 : i32 to index
        %parallel_loop3A_371 = arith.constant 32 : index
        %parallel_loop3A_372 = tpu.vector_load %arg7[%parallel_loop3A_370, %parallel_loop3A_371] {strides = array<i32>} : memref<288x128xf32, #tpu.memory_space<vmem>>, vector<1x16xf32>,
        %parallel_loop3A_373 = vector.shape_cast %parallel_loop3A_372 : vector<1x16xf32> to vector<16xf32>
        %parallel_loop3A_374 = arith.constant 6 : i32
        %parallel_loop3A_375 = arith.addi %parallel_loop3A_203, %parallel_loop3A_374 : i32
        %parallel_loop3A_376 = arith.index_cast %parallel_loop3A_375 : i32 to index
        %parallel_loop3A_377 = arith.constant 32 : index
        %parallel_loop3A_378 = tpu.vector_load %arg7[%parallel_loop3A_376, %parallel_loop3A_377] {strides = array<i32>} : memref<288x128xf32, #tpu.memory_space<vmem>>, vector<1x16xf32>,
        %parallel_loop3A_379 = vector.shape_cast %parallel_loop3A_378 : vector<1x16xf32> to vector<16xf32>
        %parallel_loop3A_380 = arith.constant 7 : i32
        %parallel_loop3A_381 = arith.addi %parallel_loop3A_203, %parallel_loop3A_380 : i32
        %parallel_loop3A_382 = arith.index_cast %parallel_loop3A_381 : i32 to index
        %parallel_loop3A_383 = arith.constant 32 : index
        %parallel_loop3A_384 = tpu.vector_load %arg7[%parallel_loop3A_382, %parallel_loop3A_383] {strides = array<i32>} : memref<288x128xf32, #tpu.memory_space<vmem>>, vector<1x16xf32>,
        %parallel_loop3A_385 = vector.shape_cast %parallel_loop3A_384 : vector<1x16xf32> to vector<16xf32>
        %parallel_loop3A_386 = arith.constant 8 : i32
        %parallel_loop3A_387 = arith.addi %parallel_loop3A_203, %parallel_loop3A_386 : i32
        %parallel_loop3A_388 = arith.index_cast %parallel_loop3A_387 : i32 to index
        %parallel_loop3A_389 = arith.constant 32 : index
        %parallel_loop3A_390 = tpu.vector_load %arg7[%parallel_loop3A_388, %parallel_loop3A_389] {strides = array<i32>} : memref<288x128xf32, #tpu.memory_space<vmem>>, vector<1x16xf32>,
        %parallel_loop3A_391 = vector.shape_cast %parallel_loop3A_390 : vector<1x16xf32> to vector<16xf32>
        %parallel_loop3A_392 = arith.maximumf %parallel_loop3A_343, %parallel_loop3A_349 : vector<16xf32>
        %parallel_loop3A_393 = arith.maximumf %parallel_loop3A_355, %parallel_loop3A_361 : vector<16xf32>
        %parallel_loop3A_394 = arith.maximumf %parallel_loop3A_367, %parallel_loop3A_373 : vector<16xf32>
        %parallel_loop3A_395 = arith.maximumf %parallel_loop3A_379, %parallel_loop3A_385 : vector<16xf32>
        %parallel_loop3A_396 = arith.maximumf %parallel_loop3A_392, %parallel_loop3A_393 : vector<16xf32>
        %parallel_loop3A_397 = arith.maximumf %parallel_loop3A_394, %parallel_loop3A_395 : vector<16xf32>
        %parallel_loop3A_398 = arith.maximumf %parallel_loop3A_396, %parallel_loop3A_397 : vector<16xf32>
        %parallel_loop3A_399 = arith.maximumf %parallel_loop3A_398, %parallel_loop3A_391 : vector<16xf32>
        %parallel_loop3A_400 = arith.index_cast %parallel_loop3A_201 : i32 to index
        %parallel_loop3A_401 = arith.constant 32 : index
        %parallel_loop3A_402 = tpu.vector_load %arg9[%parallel_loop3A_400, %parallel_loop3A_401] {strides = array<i32>} : memref<32x128xf32, #tpu.memory_space<vmem>>, vector<1x16xf32>,
        %parallel_loop3A_403 = vector.shape_cast %parallel_loop3A_402 : vector<1x16xf32> to vector<16xf32>
        %parallel_loop3A_404 = vector.shape_cast %parallel_loop3A_399 : vector<16xf32> to vector<1x16xf32>
        tpu.vector_store %arg9[%parallel_loop3A_400, %parallel_loop3A_401], %parallel_loop3A_404 {strides = array<i32>} : memref<32x128xf32, #tpu.memory_space<vmem>>, vector<1x16xf32>,
        %parallel_loop3A_405 = arith.constant 0 : i32
        %parallel_loop3A_406 = arith.addi %parallel_loop3A_203, %parallel_loop3A_405 : i32
        %parallel_loop3A_407 = arith.index_cast %parallel_loop3A_406 : i32 to index
        %parallel_loop3A_408 = arith.constant 48 : index
        %parallel_loop3A_409 = tpu.vector_load %arg7[%parallel_loop3A_407, %parallel_loop3A_408] {strides = array<i32>} : memref<288x128xf32, #tpu.memory_space<vmem>>, vector<1x16xf32>,
        %parallel_loop3A_410 = vector.shape_cast %parallel_loop3A_409 : vector<1x16xf32> to vector<16xf32>
        %parallel_loop3A_411 = arith.constant 1 : i32
        %parallel_loop3A_412 = arith.addi %parallel_loop3A_203, %parallel_loop3A_411 : i32
        %parallel_loop3A_413 = arith.index_cast %parallel_loop3A_412 : i32 to index
        %parallel_loop3A_414 = arith.constant 48 : index
        %parallel_loop3A_415 = tpu.vector_load %arg7[%parallel_loop3A_413, %parallel_loop3A_414] {strides = array<i32>} : memref<288x128xf32, #tpu.memory_space<vmem>>, vector<1x16xf32>,
        %parallel_loop3A_416 = vector.shape_cast %parallel_loop3A_415 : vector<1x16xf32> to vector<16xf32>
        %parallel_loop3A_417 = arith.constant 2 : i32
        %parallel_loop3A_418 = arith.addi %parallel_loop3A_203, %parallel_loop3A_417 : i32
        %parallel_loop3A_419 = arith.index_cast %parallel_loop3A_418 : i32 to index
        %parallel_loop3A_420 = arith.constant 48 : index
        %parallel_loop3A_421 = tpu.vector_load %arg7[%parallel_loop3A_419, %parallel_loop3A_420] {strides = array<i32>} : memref<288x128xf32, #tpu.memory_space<vmem>>, vector<1x16xf32>,
        %parallel_loop3A_422 = vector.shape_cast %parallel_loop3A_421 : vector<1x16xf32> to vector<16xf32>
        %parallel_loop3A_423 = arith.constant 3 : i32
        %parallel_loop3A_424 = arith.addi %parallel_loop3A_203, %parallel_loop3A_423 : i32
        %parallel_loop3A_425 = arith.index_cast %parallel_loop3A_424 : i32 to index
        %parallel_loop3A_426 = arith.constant 48 : index
        %parallel_loop3A_427 = tpu.vector_load %arg7[%parallel_loop3A_425, %parallel_loop3A_426] {strides = array<i32>} : memref<288x128xf32, #tpu.memory_space<vmem>>, vector<1x16xf32>,
        %parallel_loop3A_428 = vector.shape_cast %parallel_loop3A_427 : vector<1x16xf32> to vector<16xf32>
        %parallel_loop3A_429 = arith.constant 4 : i32
        %parallel_loop3A_430 = arith.addi %parallel_loop3A_203, %parallel_loop3A_429 : i32
        %parallel_loop3A_431 = arith.index_cast %parallel_loop3A_430 : i32 to index
        %parallel_loop3A_432 = arith.constant 48 : index
        %parallel_loop3A_433 = tpu.vector_load %arg7[%parallel_loop3A_431, %parallel_loop3A_432] {strides = array<i32>} : memref<288x128xf32, #tpu.memory_space<vmem>>, vector<1x16xf32>,
        %parallel_loop3A_434 = vector.shape_cast %parallel_loop3A_433 : vector<1x16xf32> to vector<16xf32>
        %parallel_loop3A_435 = arith.constant 5 : i32
        %parallel_loop3A_436 = arith.addi %parallel_loop3A_203, %parallel_loop3A_435 : i32
        %parallel_loop3A_437 = arith.index_cast %parallel_loop3A_436 : i32 to index
        %parallel_loop3A_438 = arith.constant 48 : index
        %parallel_loop3A_439 = tpu.vector_load %arg7[%parallel_loop3A_437, %parallel_loop3A_438] {strides = array<i32>} : memref<288x128xf32, #tpu.memory_space<vmem>>, vector<1x16xf32>,
        %parallel_loop3A_440 = vector.shape_cast %parallel_loop3A_439 : vector<1x16xf32> to vector<16xf32>
        %parallel_loop3A_441 = arith.constant 6 : i32
        %parallel_loop3A_442 = arith.addi %parallel_loop3A_203, %parallel_loop3A_441 : i32
        %parallel_loop3A_443 = arith.index_cast %parallel_loop3A_442 : i32 to index
        %parallel_loop3A_444 = arith.constant 48 : index
        %parallel_loop3A_445 = tpu.vector_load %arg7[%parallel_loop3A_443, %parallel_loop3A_444] {strides = array<i32>} : memref<288x128xf32, #tpu.memory_space<vmem>>, vector<1x16xf32>,
        %parallel_loop3A_446 = vector.shape_cast %parallel_loop3A_445 : vector<1x16xf32> to vector<16xf32>
        %parallel_loop3A_447 = arith.constant 7 : i32
        %parallel_loop3A_448 = arith.addi %parallel_loop3A_203, %parallel_loop3A_447 : i32
        %parallel_loop3A_449 = arith.index_cast %parallel_loop3A_448 : i32 to index
        %parallel_loop3A_450 = arith.constant 48 : index
        %parallel_loop3A_451 = tpu.vector_load %arg7[%parallel_loop3A_449, %parallel_loop3A_450] {strides = array<i32>} : memref<288x128xf32, #tpu.memory_space<vmem>>, vector<1x16xf32>,
        %parallel_loop3A_452 = vector.shape_cast %parallel_loop3A_451 : vector<1x16xf32> to vector<16xf32>
        %parallel_loop3A_453 = arith.constant 8 : i32
        %parallel_loop3A_454 = arith.addi %parallel_loop3A_203, %parallel_loop3A_453 : i32
        %parallel_loop3A_455 = arith.index_cast %parallel_loop3A_454 : i32 to index
        %parallel_loop3A_456 = arith.constant 48 : index
        %parallel_loop3A_457 = tpu.vector_load %arg7[%parallel_loop3A_455, %parallel_loop3A_456] {strides = array<i32>} : memref<288x128xf32, #tpu.memory_space<vmem>>, vector<1x16xf32>,
        %parallel_loop3A_458 = vector.shape_cast %parallel_loop3A_457 : vector<1x16xf32> to vector<16xf32>
        %parallel_loop3A_459 = arith.maximumf %parallel_loop3A_410, %parallel_loop3A_416 : vector<16xf32>
        %parallel_loop3A_460 = arith.maximumf %parallel_loop3A_422, %parallel_loop3A_428 : vector<16xf32>
        %parallel_loop3A_461 = arith.maximumf %parallel_loop3A_434, %parallel_loop3A_440 : vector<16xf32>
        %parallel_loop3A_462 = arith.maximumf %parallel_loop3A_446, %parallel_loop3A_452 : vector<16xf32>
        %parallel_loop3A_463 = arith.maximumf %parallel_loop3A_459, %parallel_loop3A_460 : vector<16xf32>
        %parallel_loop3A_464 = arith.maximumf %parallel_loop3A_461, %parallel_loop3A_462 : vector<16xf32>
        %parallel_loop3A_465 = arith.maximumf %parallel_loop3A_463, %parallel_loop3A_464 : vector<16xf32>
        %parallel_loop3A_466 = arith.maximumf %parallel_loop3A_465, %parallel_loop3A_458 : vector<16xf32>
        %parallel_loop3A_467 = arith.index_cast %parallel_loop3A_201 : i32 to index
        %parallel_loop3A_468 = arith.constant 48 : index
        %parallel_loop3A_469 = tpu.vector_load %arg9[%parallel_loop3A_467, %parallel_loop3A_468] {strides = array<i32>} : memref<32x128xf32, #tpu.memory_space<vmem>>, vector<1x16xf32>,
        %parallel_loop3A_470 = vector.shape_cast %parallel_loop3A_469 : vector<1x16xf32> to vector<16xf32>
        %parallel_loop3A_471 = vector.shape_cast %parallel_loop3A_466 : vector<16xf32> to vector<1x16xf32>
        tpu.vector_store %arg9[%parallel_loop3A_467, %parallel_loop3A_468], %parallel_loop3A_471 {strides = array<i32>} : memref<32x128xf32, #tpu.memory_space<vmem>>, vector<1x16xf32>,
        %parallel_loop3A_472 = arith.constant 0 : i32
        %parallel_loop3A_473 = arith.addi %parallel_loop3A_203, %parallel_loop3A_472 : i32
        %parallel_loop3A_474 = arith.index_cast %parallel_loop3A_473 : i32 to index
        %parallel_loop3A_475 = arith.constant 64 : index
        %parallel_loop3A_476 = tpu.vector_load %arg7[%parallel_loop3A_474, %parallel_loop3A_475] {strides = array<i32>} : memref<288x128xf32, #tpu.memory_space<vmem>>, vector<1x16xf32>,
        %parallel_loop3A_477 = vector.shape_cast %parallel_loop3A_476 : vector<1x16xf32> to vector<16xf32>
        %parallel_loop3A_478 = arith.constant 1 : i32
        %parallel_loop3A_479 = arith.addi %parallel_loop3A_203, %parallel_loop3A_478 : i32
        %parallel_loop3A_480 = arith.index_cast %parallel_loop3A_479 : i32 to index
        %parallel_loop3A_481 = arith.constant 64 : index
        %parallel_loop3A_482 = tpu.vector_load %arg7[%parallel_loop3A_480, %parallel_loop3A_481] {strides = array<i32>} : memref<288x128xf32, #tpu.memory_space<vmem>>, vector<1x16xf32>,
        %parallel_loop3A_483 = vector.shape_cast %parallel_loop3A_482 : vector<1x16xf32> to vector<16xf32>
        %parallel_loop3A_484 = arith.constant 2 : i32
        %parallel_loop3A_485 = arith.addi %parallel_loop3A_203, %parallel_loop3A_484 : i32
        %parallel_loop3A_486 = arith.index_cast %parallel_loop3A_485 : i32 to index
        %parallel_loop3A_487 = arith.constant 64 : index
        %parallel_loop3A_488 = tpu.vector_load %arg7[%parallel_loop3A_486, %parallel_loop3A_487] {strides = array<i32>} : memref<288x128xf32, #tpu.memory_space<vmem>>, vector<1x16xf32>,
        %parallel_loop3A_489 = vector.shape_cast %parallel_loop3A_488 : vector<1x16xf32> to vector<16xf32>
        %parallel_loop3A_490 = arith.constant 3 : i32
        %parallel_loop3A_491 = arith.addi %parallel_loop3A_203, %parallel_loop3A_490 : i32
        %parallel_loop3A_492 = arith.index_cast %parallel_loop3A_491 : i32 to index
        %parallel_loop3A_493 = arith.constant 64 : index
        %parallel_loop3A_494 = tpu.vector_load %arg7[%parallel_loop3A_492, %parallel_loop3A_493] {strides = array<i32>} : memref<288x128xf32, #tpu.memory_space<vmem>>, vector<1x16xf32>,
        %parallel_loop3A_495 = vector.shape_cast %parallel_loop3A_494 : vector<1x16xf32> to vector<16xf32>
        %parallel_loop3A_496 = arith.constant 4 : i32
        %parallel_loop3A_497 = arith.addi %parallel_loop3A_203, %parallel_loop3A_496 : i32
        %parallel_loop3A_498 = arith.index_cast %parallel_loop3A_497 : i32 to index
        %parallel_loop3A_499 = arith.constant 64 : index
        %parallel_loop3A_500 = tpu.vector_load %arg7[%parallel_loop3A_498, %parallel_loop3A_499] {strides = array<i32>} : memref<288x128xf32, #tpu.memory_space<vmem>>, vector<1x16xf32>,
        %parallel_loop3A_501 = vector.shape_cast %parallel_loop3A_500 : vector<1x16xf32> to vector<16xf32>
        %parallel_loop3A_502 = arith.constant 5 : i32
        %parallel_loop3A_503 = arith.addi %parallel_loop3A_203, %parallel_loop3A_502 : i32
        %parallel_loop3A_504 = arith.index_cast %parallel_loop3A_503 : i32 to index
        %parallel_loop3A_505 = arith.constant 64 : index
        %parallel_loop3A_506 = tpu.vector_load %arg7[%parallel_loop3A_504, %parallel_loop3A_505] {strides = array<i32>} : memref<288x128xf32, #tpu.memory_space<vmem>>, vector<1x16xf32>,
        %parallel_loop3A_507 = vector.shape_cast %parallel_loop3A_506 : vector<1x16xf32> to vector<16xf32>
        %parallel_loop3A_508 = arith.constant 6 : i32
        %parallel_loop3A_509 = arith.addi %parallel_loop3A_203, %parallel_loop3A_508 : i32
        %parallel_loop3A_510 = arith.index_cast %parallel_loop3A_509 : i32 to index
        %parallel_loop3A_511 = arith.constant 64 : index
        %parallel_loop3A_512 = tpu.vector_load %arg7[%parallel_loop3A_510, %parallel_loop3A_511] {strides = array<i32>} : memref<288x128xf32, #tpu.memory_space<vmem>>, vector<1x16xf32>,
        %parallel_loop3A_513 = vector.shape_cast %parallel_loop3A_512 : vector<1x16xf32> to vector<16xf32>
        %parallel_loop3A_514 = arith.constant 7 : i32
        %parallel_loop3A_515 = arith.addi %parallel_loop3A_203, %parallel_loop3A_514 : i32
        %parallel_loop3A_516 = arith.index_cast %parallel_loop3A_515 : i32 to index
        %parallel_loop3A_517 = arith.constant 64 : index
        %parallel_loop3A_518 = tpu.vector_load %arg7[%parallel_loop3A_516, %parallel_loop3A_517] {strides = array<i32>} : memref<288x128xf32, #tpu.memory_space<vmem>>, vector<1x16xf32>,
        %parallel_loop3A_519 = vector.shape_cast %parallel_loop3A_518 : vector<1x16xf32> to vector<16xf32>
        %parallel_loop3A_520 = arith.constant 8 : i32
        %parallel_loop3A_521 = arith.addi %parallel_loop3A_203, %parallel_loop3A_520 : i32
        %parallel_loop3A_522 = arith.index_cast %parallel_loop3A_521 : i32 to index
        %parallel_loop3A_523 = arith.constant 64 : index
        %parallel_loop3A_524 = tpu.vector_load %arg7[%parallel_loop3A_522, %parallel_loop3A_523] {strides = array<i32>} : memref<288x128xf32, #tpu.memory_space<vmem>>, vector<1x16xf32>,
        %parallel_loop3A_525 = vector.shape_cast %parallel_loop3A_524 : vector<1x16xf32> to vector<16xf32>
        %parallel_loop3A_526 = arith.maximumf %parallel_loop3A_477, %parallel_loop3A_483 : vector<16xf32>
        %parallel_loop3A_527 = arith.maximumf %parallel_loop3A_489, %parallel_loop3A_495 : vector<16xf32>
        %parallel_loop3A_528 = arith.maximumf %parallel_loop3A_501, %parallel_loop3A_507 : vector<16xf32>
        %parallel_loop3A_529 = arith.maximumf %parallel_loop3A_513, %parallel_loop3A_519 : vector<16xf32>
        %parallel_loop3A_530 = arith.maximumf %parallel_loop3A_526, %parallel_loop3A_527 : vector<16xf32>
        %parallel_loop3A_531 = arith.maximumf %parallel_loop3A_528, %parallel_loop3A_529 : vector<16xf32>
        %parallel_loop3A_532 = arith.maximumf %parallel_loop3A_530, %parallel_loop3A_531 : vector<16xf32>
        %parallel_loop3A_533 = arith.maximumf %parallel_loop3A_532, %parallel_loop3A_525 : vector<16xf32>
        %parallel_loop3A_534 = arith.index_cast %parallel_loop3A_201 : i32 to index
        %parallel_loop3A_535 = arith.constant 64 : index
        %parallel_loop3A_536 = tpu.vector_load %arg9[%parallel_loop3A_534, %parallel_loop3A_535] {strides = array<i32>} : memref<32x128xf32, #tpu.memory_space<vmem>>, vector<1x16xf32>,
        %parallel_loop3A_537 = vector.shape_cast %parallel_loop3A_536 : vector<1x16xf32> to vector<16xf32>
        %parallel_loop3A_538 = vector.shape_cast %parallel_loop3A_533 : vector<16xf32> to vector<1x16xf32>
        tpu.vector_store %arg9[%parallel_loop3A_534, %parallel_loop3A_535], %parallel_loop3A_538 {strides = array<i32>} : memref<32x128xf32, #tpu.memory_space<vmem>>, vector<1x16xf32>,
        %parallel_loop3A_539 = arith.constant 0 : i32
        %parallel_loop3A_540 = arith.addi %parallel_loop3A_203, %parallel_loop3A_539 : i32
        %parallel_loop3A_541 = arith.index_cast %parallel_loop3A_540 : i32 to index
        %parallel_loop3A_542 = arith.constant 80 : index
        %parallel_loop3A_543 = tpu.vector_load %arg7[%parallel_loop3A_541, %parallel_loop3A_542] {strides = array<i32>} : memref<288x128xf32, #tpu.memory_space<vmem>>, vector<1x16xf32>,
        %parallel_loop3A_544 = vector.shape_cast %parallel_loop3A_543 : vector<1x16xf32> to vector<16xf32>
        %parallel_loop3A_545 = arith.constant 1 : i32
        %parallel_loop3A_546 = arith.addi %parallel_loop3A_203, %parallel_loop3A_545 : i32
        %parallel_loop3A_547 = arith.index_cast %parallel_loop3A_546 : i32 to index
        %parallel_loop3A_548 = arith.constant 80 : index
        %parallel_loop3A_549 = tpu.vector_load %arg7[%parallel_loop3A_547, %parallel_loop3A_548] {strides = array<i32>} : memref<288x128xf32, #tpu.memory_space<vmem>>, vector<1x16xf32>,
        %parallel_loop3A_550 = vector.shape_cast %parallel_loop3A_549 : vector<1x16xf32> to vector<16xf32>
        %parallel_loop3A_551 = arith.constant 2 : i32
        %parallel_loop3A_552 = arith.addi %parallel_loop3A_203, %parallel_loop3A_551 : i32
        %parallel_loop3A_553 = arith.index_cast %parallel_loop3A_552 : i32 to index
        %parallel_loop3A_554 = arith.constant 80 : index
        %parallel_loop3A_555 = tpu.vector_load %arg7[%parallel_loop3A_553, %parallel_loop3A_554] {strides = array<i32>} : memref<288x128xf32, #tpu.memory_space<vmem>>, vector<1x16xf32>,
        %parallel_loop3A_556 = vector.shape_cast %parallel_loop3A_555 : vector<1x16xf32> to vector<16xf32>
        %parallel_loop3A_557 = arith.constant 3 : i32
        %parallel_loop3A_558 = arith.addi %parallel_loop3A_203, %parallel_loop3A_557 : i32
        %parallel_loop3A_559 = arith.index_cast %parallel_loop3A_558 : i32 to index
        %parallel_loop3A_560 = arith.constant 80 : index
        %parallel_loop3A_561 = tpu.vector_load %arg7[%parallel_loop3A_559, %parallel_loop3A_560] {strides = array<i32>} : memref<288x128xf32, #tpu.memory_space<vmem>>, vector<1x16xf32>,
        %parallel_loop3A_562 = vector.shape_cast %parallel_loop3A_561 : vector<1x16xf32> to vector<16xf32>
        %parallel_loop3A_563 = arith.constant 4 : i32
        %parallel_loop3A_564 = arith.addi %parallel_loop3A_203, %parallel_loop3A_563 : i32
        %parallel_loop3A_565 = arith.index_cast %parallel_loop3A_564 : i32 to index
        %parallel_loop3A_566 = arith.constant 80 : index
        %parallel_loop3A_567 = tpu.vector_load %arg7[%parallel_loop3A_565, %parallel_loop3A_566] {strides = array<i32>} : memref<288x128xf32, #tpu.memory_space<vmem>>, vector<1x16xf32>,
        %parallel_loop3A_568 = vector.shape_cast %parallel_loop3A_567 : vector<1x16xf32> to vector<16xf32>
        %parallel_loop3A_569 = arith.constant 5 : i32
        %parallel_loop3A_570 = arith.addi %parallel_loop3A_203, %parallel_loop3A_569 : i32
        %parallel_loop3A_571 = arith.index_cast %parallel_loop3A_570 : i32 to index
        %parallel_loop3A_572 = arith.constant 80 : index
        %parallel_loop3A_573 = tpu.vector_load %arg7[%parallel_loop3A_571, %parallel_loop3A_572] {strides = array<i32>} : memref<288x128xf32, #tpu.memory_space<vmem>>, vector<1x16xf32>,
        %parallel_loop3A_574 = vector.shape_cast %parallel_loop3A_573 : vector<1x16xf32> to vector<16xf32>
        %parallel_loop3A_575 = arith.constant 6 : i32
        %parallel_loop3A_576 = arith.addi %parallel_loop3A_203, %parallel_loop3A_575 : i32
        %parallel_loop3A_577 = arith.index_cast %parallel_loop3A_576 : i32 to index
        %parallel_loop3A_578 = arith.constant 80 : index
        %parallel_loop3A_579 = tpu.vector_load %arg7[%parallel_loop3A_577, %parallel_loop3A_578] {strides = array<i32>} : memref<288x128xf32, #tpu.memory_space<vmem>>, vector<1x16xf32>,
        %parallel_loop3A_580 = vector.shape_cast %parallel_loop3A_579 : vector<1x16xf32> to vector<16xf32>
        %parallel_loop3A_581 = arith.constant 7 : i32
        %parallel_loop3A_582 = arith.addi %parallel_loop3A_203, %parallel_loop3A_581 : i32
        %parallel_loop3A_583 = arith.index_cast %parallel_loop3A_582 : i32 to index
        %parallel_loop3A_584 = arith.constant 80 : index
        %parallel_loop3A_585 = tpu.vector_load %arg7[%parallel_loop3A_583, %parallel_loop3A_584] {strides = array<i32>} : memref<288x128xf32, #tpu.memory_space<vmem>>, vector<1x16xf32>,
        %parallel_loop3A_586 = vector.shape_cast %parallel_loop3A_585 : vector<1x16xf32> to vector<16xf32>
        %parallel_loop3A_587 = arith.constant 8 : i32
        %parallel_loop3A_588 = arith.addi %parallel_loop3A_203, %parallel_loop3A_587 : i32
        %parallel_loop3A_589 = arith.index_cast %parallel_loop3A_588 : i32 to index
        %parallel_loop3A_590 = arith.constant 80 : index
        %parallel_loop3A_591 = tpu.vector_load %arg7[%parallel_loop3A_589, %parallel_loop3A_590] {strides = array<i32>} : memref<288x128xf32, #tpu.memory_space<vmem>>, vector<1x16xf32>,
        %parallel_loop3A_592 = vector.shape_cast %parallel_loop3A_591 : vector<1x16xf32> to vector<16xf32>
        %parallel_loop3A_593 = arith.maximumf %parallel_loop3A_544, %parallel_loop3A_550 : vector<16xf32>
        %parallel_loop3A_594 = arith.maximumf %parallel_loop3A_556, %parallel_loop3A_562 : vector<16xf32>
        %parallel_loop3A_595 = arith.maximumf %parallel_loop3A_568, %parallel_loop3A_574 : vector<16xf32>
        %parallel_loop3A_596 = arith.maximumf %parallel_loop3A_580, %parallel_loop3A_586 : vector<16xf32>
        %parallel_loop3A_597 = arith.maximumf %parallel_loop3A_593, %parallel_loop3A_594 : vector<16xf32>
        %parallel_loop3A_598 = arith.maximumf %parallel_loop3A_595, %parallel_loop3A_596 : vector<16xf32>
        %parallel_loop3A_599 = arith.maximumf %parallel_loop3A_597, %parallel_loop3A_598 : vector<16xf32>
        %parallel_loop3A_600 = arith.maximumf %parallel_loop3A_599, %parallel_loop3A_592 : vector<16xf32>
        %parallel_loop3A_601 = arith.index_cast %parallel_loop3A_201 : i32 to index
        %parallel_loop3A_602 = arith.constant 80 : index
        %parallel_loop3A_603 = tpu.vector_load %arg9[%parallel_loop3A_601, %parallel_loop3A_602] {strides = array<i32>} : memref<32x128xf32, #tpu.memory_space<vmem>>, vector<1x16xf32>,
        %parallel_loop3A_604 = vector.shape_cast %parallel_loop3A_603 : vector<1x16xf32> to vector<16xf32>
        %parallel_loop3A_605 = vector.shape_cast %parallel_loop3A_600 : vector<16xf32> to vector<1x16xf32>
        tpu.vector_store %arg9[%parallel_loop3A_601, %parallel_loop3A_602], %parallel_loop3A_605 {strides = array<i32>} : memref<32x128xf32, #tpu.memory_space<vmem>>, vector<1x16xf32>,
        %parallel_loop3A_606 = arith.constant 0 : i32
        %parallel_loop3A_607 = arith.addi %parallel_loop3A_203, %parallel_loop3A_606 : i32
        %parallel_loop3A_608 = arith.index_cast %parallel_loop3A_607 : i32 to index
        %parallel_loop3A_609 = arith.constant 96 : index
        %parallel_loop3A_610 = tpu.vector_load %arg7[%parallel_loop3A_608, %parallel_loop3A_609] {strides = array<i32>} : memref<288x128xf32, #tpu.memory_space<vmem>>, vector<1x16xf32>,
        %parallel_loop3A_611 = vector.shape_cast %parallel_loop3A_610 : vector<1x16xf32> to vector<16xf32>
        %parallel_loop3A_612 = arith.constant 1 : i32
        %parallel_loop3A_613 = arith.addi %parallel_loop3A_203, %parallel_loop3A_612 : i32
        %parallel_loop3A_614 = arith.index_cast %parallel_loop3A_613 : i32 to index
        %parallel_loop3A_615 = arith.constant 96 : index
        %parallel_loop3A_616 = tpu.vector_load %arg7[%parallel_loop3A_614, %parallel_loop3A_615] {strides = array<i32>} : memref<288x128xf32, #tpu.memory_space<vmem>>, vector<1x16xf32>,
        %parallel_loop3A_617 = vector.shape_cast %parallel_loop3A_616 : vector<1x16xf32> to vector<16xf32>
        %parallel_loop3A_618 = arith.constant 2 : i32
        %parallel_loop3A_619 = arith.addi %parallel_loop3A_203, %parallel_loop3A_618 : i32
        %parallel_loop3A_620 = arith.index_cast %parallel_loop3A_619 : i32 to index
        %parallel_loop3A_621 = arith.constant 96 : index
        %parallel_loop3A_622 = tpu.vector_load %arg7[%parallel_loop3A_620, %parallel_loop3A_621] {strides = array<i32>} : memref<288x128xf32, #tpu.memory_space<vmem>>, vector<1x16xf32>,
        %parallel_loop3A_623 = vector.shape_cast %parallel_loop3A_622 : vector<1x16xf32> to vector<16xf32>
        %parallel_loop3A_624 = arith.constant 3 : i32
        %parallel_loop3A_625 = arith.addi %parallel_loop3A_203, %parallel_loop3A_624 : i32
        %parallel_loop3A_626 = arith.index_cast %parallel_loop3A_625 : i32 to index
        %parallel_loop3A_627 = arith.constant 96 : index
        %parallel_loop3A_628 = tpu.vector_load %arg7[%parallel_loop3A_626, %parallel_loop3A_627] {strides = array<i32>} : memref<288x128xf32, #tpu.memory_space<vmem>>, vector<1x16xf32>,
        %parallel_loop3A_629 = vector.shape_cast %parallel_loop3A_628 : vector<1x16xf32> to vector<16xf32>
        %parallel_loop3A_630 = arith.constant 4 : i32
        %parallel_loop3A_631 = arith.addi %parallel_loop3A_203, %parallel_loop3A_630 : i32
        %parallel_loop3A_632 = arith.index_cast %parallel_loop3A_631 : i32 to index
        %parallel_loop3A_633 = arith.constant 96 : index
        %parallel_loop3A_634 = tpu.vector_load %arg7[%parallel_loop3A_632, %parallel_loop3A_633] {strides = array<i32>} : memref<288x128xf32, #tpu.memory_space<vmem>>, vector<1x16xf32>,
        %parallel_loop3A_635 = vector.shape_cast %parallel_loop3A_634 : vector<1x16xf32> to vector<16xf32>
        %parallel_loop3A_636 = arith.constant 5 : i32
        %parallel_loop3A_637 = arith.addi %parallel_loop3A_203, %parallel_loop3A_636 : i32
        %parallel_loop3A_638 = arith.index_cast %parallel_loop3A_637 : i32 to index
        %parallel_loop3A_639 = arith.constant 96 : index
        %parallel_loop3A_640 = tpu.vector_load %arg7[%parallel_loop3A_638, %parallel_loop3A_639] {strides = array<i32>} : memref<288x128xf32, #tpu.memory_space<vmem>>, vector<1x16xf32>,
        %parallel_loop3A_641 = vector.shape_cast %parallel_loop3A_640 : vector<1x16xf32> to vector<16xf32>
        %parallel_loop3A_642 = arith.constant 6 : i32
        %parallel_loop3A_643 = arith.addi %parallel_loop3A_203, %parallel_loop3A_642 : i32
        %parallel_loop3A_644 = arith.index_cast %parallel_loop3A_643 : i32 to index
        %parallel_loop3A_645 = arith.constant 96 : index
        %parallel_loop3A_646 = tpu.vector_load %arg7[%parallel_loop3A_644, %parallel_loop3A_645] {strides = array<i32>} : memref<288x128xf32, #tpu.memory_space<vmem>>, vector<1x16xf32>,
        %parallel_loop3A_647 = vector.shape_cast %parallel_loop3A_646 : vector<1x16xf32> to vector<16xf32>
        %parallel_loop3A_648 = arith.constant 7 : i32
        %parallel_loop3A_649 = arith.addi %parallel_loop3A_203, %parallel_loop3A_648 : i32
        %parallel_loop3A_650 = arith.index_cast %parallel_loop3A_649 : i32 to index
        %parallel_loop3A_651 = arith.constant 96 : index
        %parallel_loop3A_652 = tpu.vector_load %arg7[%parallel_loop3A_650, %parallel_loop3A_651] {strides = array<i32>} : memref<288x128xf32, #tpu.memory_space<vmem>>, vector<1x16xf32>,
        %parallel_loop3A_653 = vector.shape_cast %parallel_loop3A_652 : vector<1x16xf32> to vector<16xf32>
        %parallel_loop3A_654 = arith.constant 8 : i32
        %parallel_loop3A_655 = arith.addi %parallel_loop3A_203, %parallel_loop3A_654 : i32
        %parallel_loop3A_656 = arith.index_cast %parallel_loop3A_655 : i32 to index
        %parallel_loop3A_657 = arith.constant 96 : index
        %parallel_loop3A_658 = tpu.vector_load %arg7[%parallel_loop3A_656, %parallel_loop3A_657] {strides = array<i32>} : memref<288x128xf32, #tpu.memory_space<vmem>>, vector<1x16xf32>,
        %parallel_loop3A_659 = vector.shape_cast %parallel_loop3A_658 : vector<1x16xf32> to vector<16xf32>
        %parallel_loop3A_660 = arith.maximumf %parallel_loop3A_611, %parallel_loop3A_617 : vector<16xf32>
        %parallel_loop3A_661 = arith.maximumf %parallel_loop3A_623, %parallel_loop3A_629 : vector<16xf32>
        %parallel_loop3A_662 = arith.maximumf %parallel_loop3A_635, %parallel_loop3A_641 : vector<16xf32>
        %parallel_loop3A_663 = arith.maximumf %parallel_loop3A_647, %parallel_loop3A_653 : vector<16xf32>
        %parallel_loop3A_664 = arith.maximumf %parallel_loop3A_660, %parallel_loop3A_661 : vector<16xf32>
        %parallel_loop3A_665 = arith.maximumf %parallel_loop3A_662, %parallel_loop3A_663 : vector<16xf32>
        %parallel_loop3A_666 = arith.maximumf %parallel_loop3A_664, %parallel_loop3A_665 : vector<16xf32>
        %parallel_loop3A_667 = arith.maximumf %parallel_loop3A_666, %parallel_loop3A_659 : vector<16xf32>
        %parallel_loop3A_668 = arith.index_cast %parallel_loop3A_201 : i32 to index
        %parallel_loop3A_669 = arith.constant 96 : index
        %parallel_loop3A_670 = tpu.vector_load %arg9[%parallel_loop3A_668, %parallel_loop3A_669] {strides = array<i32>} : memref<32x128xf32, #tpu.memory_space<vmem>>, vector<1x16xf32>,
        %parallel_loop3A_671 = vector.shape_cast %parallel_loop3A_670 : vector<1x16xf32> to vector<16xf32>
        %parallel_loop3A_672 = vector.shape_cast %parallel_loop3A_667 : vector<16xf32> to vector<1x16xf32>
        tpu.vector_store %arg9[%parallel_loop3A_668, %parallel_loop3A_669], %parallel_loop3A_672 {strides = array<i32>} : memref<32x128xf32, #tpu.memory_space<vmem>>, vector<1x16xf32>,
        %parallel_loop3A_673 = arith.constant 0 : i32
        %parallel_loop3A_674 = arith.addi %parallel_loop3A_203, %parallel_loop3A_673 : i32
        %parallel_loop3A_675 = arith.index_cast %parallel_loop3A_674 : i32 to index
        %parallel_loop3A_676 = arith.constant 112 : index
        %parallel_loop3A_677 = tpu.vector_load %arg7[%parallel_loop3A_675, %parallel_loop3A_676] {strides = array<i32>} : memref<288x128xf32, #tpu.memory_space<vmem>>, vector<1x16xf32>,
        %parallel_loop3A_678 = vector.shape_cast %parallel_loop3A_677 : vector<1x16xf32> to vector<16xf32>
        %parallel_loop3A_679 = arith.constant 1 : i32
        %parallel_loop3A_680 = arith.addi %parallel_loop3A_203, %parallel_loop3A_679 : i32
        %parallel_loop3A_681 = arith.index_cast %parallel_loop3A_680 : i32 to index
        %parallel_loop3A_682 = arith.constant 112 : index
        %parallel_loop3A_683 = tpu.vector_load %arg7[%parallel_loop3A_681, %parallel_loop3A_682] {strides = array<i32>} : memref<288x128xf32, #tpu.memory_space<vmem>>, vector<1x16xf32>,
        %parallel_loop3A_684 = vector.shape_cast %parallel_loop3A_683 : vector<1x16xf32> to vector<16xf32>
        %parallel_loop3A_685 = arith.constant 2 : i32
        %parallel_loop3A_686 = arith.addi %parallel_loop3A_203, %parallel_loop3A_685 : i32
        %parallel_loop3A_687 = arith.index_cast %parallel_loop3A_686 : i32 to index
        %parallel_loop3A_688 = arith.constant 112 : index
        %parallel_loop3A_689 = tpu.vector_load %arg7[%parallel_loop3A_687, %parallel_loop3A_688] {strides = array<i32>} : memref<288x128xf32, #tpu.memory_space<vmem>>, vector<1x16xf32>,
        %parallel_loop3A_690 = vector.shape_cast %parallel_loop3A_689 : vector<1x16xf32> to vector<16xf32>
        %parallel_loop3A_691 = arith.constant 3 : i32
        %parallel_loop3A_692 = arith.addi %parallel_loop3A_203, %parallel_loop3A_691 : i32
        %parallel_loop3A_693 = arith.index_cast %parallel_loop3A_692 : i32 to index
        %parallel_loop3A_694 = arith.constant 112 : index
        %parallel_loop3A_695 = tpu.vector_load %arg7[%parallel_loop3A_693, %parallel_loop3A_694] {strides = array<i32>} : memref<288x128xf32, #tpu.memory_space<vmem>>, vector<1x16xf32>,
        %parallel_loop3A_696 = vector.shape_cast %parallel_loop3A_695 : vector<1x16xf32> to vector<16xf32>
        %parallel_loop3A_697 = arith.constant 4 : i32
        %parallel_loop3A_698 = arith.addi %parallel_loop3A_203, %parallel_loop3A_697 : i32
        %parallel_loop3A_699 = arith.index_cast %parallel_loop3A_698 : i32 to index
        %parallel_loop3A_700 = arith.constant 112 : index
        %parallel_loop3A_701 = tpu.vector_load %arg7[%parallel_loop3A_699, %parallel_loop3A_700] {strides = array<i32>} : memref<288x128xf32, #tpu.memory_space<vmem>>, vector<1x16xf32>,
        %parallel_loop3A_702 = vector.shape_cast %parallel_loop3A_701 : vector<1x16xf32> to vector<16xf32>
        %parallel_loop3A_703 = arith.constant 5 : i32
        %parallel_loop3A_704 = arith.addi %parallel_loop3A_203, %parallel_loop3A_703 : i32
        %parallel_loop3A_705 = arith.index_cast %parallel_loop3A_704 : i32 to index
        %parallel_loop3A_706 = arith.constant 112 : index
        %parallel_loop3A_707 = tpu.vector_load %arg7[%parallel_loop3A_705, %parallel_loop3A_706] {strides = array<i32>} : memref<288x128xf32, #tpu.memory_space<vmem>>, vector<1x16xf32>,
        %parallel_loop3A_708 = vector.shape_cast %parallel_loop3A_707 : vector<1x16xf32> to vector<16xf32>
        %parallel_loop3A_709 = arith.constant 6 : i32
        %parallel_loop3A_710 = arith.addi %parallel_loop3A_203, %parallel_loop3A_709 : i32
        %parallel_loop3A_711 = arith.index_cast %parallel_loop3A_710 : i32 to index
        %parallel_loop3A_712 = arith.constant 112 : index
        %parallel_loop3A_713 = tpu.vector_load %arg7[%parallel_loop3A_711, %parallel_loop3A_712] {strides = array<i32>} : memref<288x128xf32, #tpu.memory_space<vmem>>, vector<1x16xf32>,
        %parallel_loop3A_714 = vector.shape_cast %parallel_loop3A_713 : vector<1x16xf32> to vector<16xf32>
        %parallel_loop3A_715 = arith.constant 7 : i32
        %parallel_loop3A_716 = arith.addi %parallel_loop3A_203, %parallel_loop3A_715 : i32
        %parallel_loop3A_717 = arith.index_cast %parallel_loop3A_716 : i32 to index
        %parallel_loop3A_718 = arith.constant 112 : index
        %parallel_loop3A_719 = tpu.vector_load %arg7[%parallel_loop3A_717, %parallel_loop3A_718] {strides = array<i32>} : memref<288x128xf32, #tpu.memory_space<vmem>>, vector<1x16xf32>,
        %parallel_loop3A_720 = vector.shape_cast %parallel_loop3A_719 : vector<1x16xf32> to vector<16xf32>
        %parallel_loop3A_721 = arith.constant 8 : i32
        %parallel_loop3A_722 = arith.addi %parallel_loop3A_203, %parallel_loop3A_721 : i32
        %parallel_loop3A_723 = arith.index_cast %parallel_loop3A_722 : i32 to index
        %parallel_loop3A_724 = arith.constant 112 : index
        %parallel_loop3A_725 = tpu.vector_load %arg7[%parallel_loop3A_723, %parallel_loop3A_724] {strides = array<i32>} : memref<288x128xf32, #tpu.memory_space<vmem>>, vector<1x16xf32>,
        %parallel_loop3A_726 = vector.shape_cast %parallel_loop3A_725 : vector<1x16xf32> to vector<16xf32>
        %parallel_loop3A_727 = arith.maximumf %parallel_loop3A_678, %parallel_loop3A_684 : vector<16xf32>
        %parallel_loop3A_728 = arith.maximumf %parallel_loop3A_690, %parallel_loop3A_696 : vector<16xf32>
        %parallel_loop3A_729 = arith.maximumf %parallel_loop3A_702, %parallel_loop3A_708 : vector<16xf32>
        %parallel_loop3A_730 = arith.maximumf %parallel_loop3A_714, %parallel_loop3A_720 : vector<16xf32>
        %parallel_loop3A_731 = arith.maximumf %parallel_loop3A_727, %parallel_loop3A_728 : vector<16xf32>
        %parallel_loop3A_732 = arith.maximumf %parallel_loop3A_729, %parallel_loop3A_730 : vector<16xf32>
        %parallel_loop3A_733 = arith.maximumf %parallel_loop3A_731, %parallel_loop3A_732 : vector<16xf32>
        %parallel_loop3A_734 = arith.maximumf %parallel_loop3A_733, %parallel_loop3A_726 : vector<16xf32>
        %parallel_loop3A_735 = arith.index_cast %parallel_loop3A_201 : i32 to index
        %parallel_loop3A_736 = arith.constant 112 : index
        %parallel_loop3A_737 = tpu.vector_load %arg9[%parallel_loop3A_735, %parallel_loop3A_736] {strides = array<i32>} : memref<32x128xf32, #tpu.memory_space<vmem>>, vector<1x16xf32>,
        %parallel_loop3A_738 = vector.shape_cast %parallel_loop3A_737 : vector<1x16xf32> to vector<16xf32>
        %parallel_loop3A_739 = vector.shape_cast %parallel_loop3A_734 : vector<16xf32> to vector<1x16xf32>
        tpu.vector_store %arg9[%parallel_loop3A_735, %parallel_loop3A_736], %parallel_loop3A_739 {strides = array<i32>} : memref<32x128xf32, #tpu.memory_space<vmem>>, vector<1x16xf32>,
      } {sc.loop_unroll_factor = 2 : i64, sc.parallel_access}
      %mul3A_132 = arith.constant 32 : i32
      %mul3A_133 = arith.muli %mul3A_86, %mul3A_132 : i32
      %add3A_134 = arith.addi %add3A, %mul3A_133 : i32
      %multiple_of3A = tpu.assume_multiple %add3A_134, 8 : i32
      %dma_start3A_135 = arith.constant 0 : i32
      %dma_start3A_136 = tpu.memref_slice %arg4[%multiple_of3A, %dma_start3A_135] : memref<50176x128xf32, #tpu.memory_space<hbm>> -> memref<32x128xf32, #tpu.memory_space<hbm>>
      %dma_start3A_137 = arith.constant 0 : i32
      %dma_start3A_138 = tpu.memref_slice %arg4[%multiple_of3A, %dma_start3A_137] : memref<50176x128xf32, #tpu.memory_space<hbm>> -> memref<32x128xf32, #tpu.memory_space<hbm>>
      tpu.enqueue_dma source(%arg9 : memref<32x128xf32, #tpu.memory_space<vmem>>) target(%dma_start3A_138 : memref<32x128xf32, #tpu.memory_space<hbm>>) target_semaphore(%arg15 : memref<!tpu.dma_semaphore, #tpu.memory_space<semaphore_mem>>)
      %mul3A_139 = arith.constant 2 : i32
      %mul3A_140 = arith.muli %mul3A_139, %while3A_84 : i32
      %add3A_141 = arith.constant 1 : i32
      %add3A_142 = arith.addi %mul3A_140, %add3A_141 : i32
      %add3A_143 = arith.constant 1 : i32
      %add3A_144 = arith.addi %add3A_142, %add3A_143 : i32
      %lt3A_145 = arith.cmpi slt, %add3A_144, %select_n3A_5 : i32
      %convert_element_type3A_146 = arith.extui %lt3A_145 : i1 to i32
      %cond3A_147 = arith.constant 0 : i32
      %cond3A_148 = arith.cmpi ne, %convert_element_type3A_146, %cond3A_147 : i32
      scf.if %cond3A_148 {
        %add3A_201 = arith.constant 1 : i32
        %add3A_202 = arith.addi %add3A_142, %add3A_201 : i32
        %mul3A_203 = arith.constant 32 : i32
        %mul3A_204 = arith.muli %add3A_202, %mul3A_203 : i32
        %add3A_205 = arith.addi %add3A, %mul3A_204 : i32
        %mul3A_206 = arith.constant 9 : i32
        %mul3A_207 = arith.muli %add3A_205, %mul3A_206 : i32
        %dma_wait3A_208 = tpu.memref_slice %arg3[%mul3A_207] : memref<451584xi32, #tpu.memory_space<hbm>> -> memref<288xi32, #tpu.memory_space<hbm>>
        %dma_wait3A_209 = tpu.memref_slice %arg3[%mul3A_207] : memref<451584xi32, #tpu.memory_space<hbm>> -> memref<288xi32, #tpu.memory_space<hbm>>
        tpu.wait_dma2 semaphore(%arg13 : memref<!tpu.dma_semaphore, #tpu.memory_space<semaphore_mem>>) src(%dma_wait3A_209 : memref<288xi32, #tpu.memory_space<hbm>>) dst(%arg5 : memref<288xi32, #tpu.memory_space<vmem>>)
      } else {
      }
      %add3A_149 = arith.constant 1 : i32
      %add3A_150 = arith.addi %add3A_142, %add3A_149 : i32
      %lt3A_151 = arith.cmpi slt, %add3A_150, %select_n3A_5 : i32
      %convert_element_type3A_152 = arith.extui %lt3A_151 : i1 to i32
      %cond3A_153 = arith.constant 0 : i32
      %cond3A_154 = arith.cmpi ne, %convert_element_type3A_152, %cond3A_153 : i32
      scf.if %cond3A_154 {
        %dma_start3A_201 = arith.constant 0 : i32
        %dma_start3A_202 = arith.constant 0 : i32
        %dma_start3A_203 = tpu.memref_slice %arg7[%dma_start3A_201, %dma_start3A_202] : memref<288x128xf32, #tpu.memory_space<vmem>> -> memref<128x128xf32, #tpu.memory_space<vmem>>
        %dma_start3A_204 = arith.constant 0 : i32
        %dma_start3A_205 = tpu.memref_slice %arg5[%dma_start3A_204] : memref<288xi32, #tpu.memory_space<vmem>> -> memref<128xi32, #tpu.memory_space<vmem>>
        %dma_start3A_206 = arith.constant 0 : i32
        %dma_start3A_207 = arith.constant 0 : i32
        %dma_start3A_208 = tpu.memref_slice %arg2[%dma_start3A_206, %dma_start3A_207] : memref<50000x128xf32, #tpu.memory_space<hbm>> -> memref<50000x128xf32, #tpu.memory_space<hbm>>
        tpu.enqueue_indirect_dma source(%dma_start3A_208 : memref<50000x128xf32, #tpu.memory_space<hbm>>) target(%dma_start3A_203 : memref<128x128xf32, #tpu.memory_space<vmem>>) offsets(%dma_start3A_205 : memref<128xi32, #tpu.memory_space<vmem>>) semaphore(%arg11 : memref<!tpu.dma_semaphore, #tpu.memory_space<semaphore_mem>>)
        %dma_start3A_209 = arith.constant 128 : i32
        %dma_start3A_210 = arith.constant 0 : i32
        %dma_start3A_211 = tpu.memref_slice %arg7[%dma_start3A_209, %dma_start3A_210] : memref<288x128xf32, #tpu.memory_space<vmem>> -> memref<128x128xf32, #tpu.memory_space<vmem>>
        %dma_start3A_212 = arith.constant 128 : i32
        %dma_start3A_213 = tpu.memref_slice %arg5[%dma_start3A_212] : memref<288xi32, #tpu.memory_space<vmem>> -> memref<128xi32, #tpu.memory_space<vmem>>
        %dma_start3A_214 = arith.constant 0 : i32
        %dma_start3A_215 = arith.constant 0 : i32
        %dma_start3A_216 = tpu.memref_slice %arg2[%dma_start3A_214, %dma_start3A_215] : memref<50000x128xf32, #tpu.memory_space<hbm>> -> memref<50000x128xf32, #tpu.memory_space<hbm>>
        tpu.enqueue_indirect_dma source(%dma_start3A_216 : memref<50000x128xf32, #tpu.memory_space<hbm>>) target(%dma_start3A_211 : memref<128x128xf32, #tpu.memory_space<vmem>>) offsets(%dma_start3A_213 : memref<128xi32, #tpu.memory_space<vmem>>) semaphore(%arg11 : memref<!tpu.dma_semaphore, #tpu.memory_space<semaphore_mem>>)
        %dma_start3A_217 = arith.constant 256 : i32
        %dma_start3A_218 = arith.constant 0 : i32
        %dma_start3A_219 = tpu.memref_slice %arg7[%dma_start3A_217, %dma_start3A_218] : memref<288x128xf32, #tpu.memory_space<vmem>> -> memref<32x128xf32, #tpu.memory_space<vmem>>
        %dma_start3A_220 = arith.constant 256 : i32
        %dma_start3A_221 = tpu.memref_slice %arg5[%dma_start3A_220] : memref<288xi32, #tpu.memory_space<vmem>> -> memref<32xi32, #tpu.memory_space<vmem>>
        %dma_start3A_222 = arith.constant 0 : i32
        %dma_start3A_223 = arith.constant 0 : i32
        %dma_start3A_224 = tpu.memref_slice %arg2[%dma_start3A_222, %dma_start3A_223] : memref<50000x128xf32, #tpu.memory_space<hbm>> -> memref<50000x128xf32, #tpu.memory_space<hbm>>
        tpu.enqueue_indirect_dma source(%dma_start3A_224 : memref<50000x128xf32, #tpu.memory_space<hbm>>) target(%dma_start3A_219 : memref<32x128xf32, #tpu.memory_space<vmem>>) offsets(%dma_start3A_221 : memref<32xi32, #tpu.memory_space<vmem>>) semaphore(%arg11 : memref<!tpu.dma_semaphore, #tpu.memory_space<semaphore_mem>>)
      } else {
      }
      %dma_wait3A_155 = arith.constant 0 : i32
      %dma_wait3A_156 = arith.constant 0 : i32
      %dma_wait3A_157 = tpu.memref_slice %arg8[%dma_wait3A_155, %dma_wait3A_156] : memref<288x128xf32, #tpu.memory_space<vmem>> -> memref<128x128xf32, #tpu.memory_space<vmem>>
      %dma_wait3A_158 = arith.constant 0 : i32
      %dma_wait3A_159 = tpu.memref_slice %arg6[%dma_wait3A_158] : memref<288xi32, #tpu.memory_space<vmem>> -> memref<128xi32, #tpu.memory_space<vmem>>
      %dma_wait3A_160 = arith.constant 0 : i32
      %dma_wait3A_161 = arith.constant 0 : i32
      %dma_wait3A_162 = tpu.memref_slice %arg2[%dma_wait3A_160, %dma_wait3A_161] : memref<50000x128xf32, #tpu.memory_space<hbm>> -> memref<50000x128xf32, #tpu.memory_space<hbm>>
      tpu.wait_indirect_dma semaphore(%arg12 : memref<!tpu.dma_semaphore, #tpu.memory_space<semaphore_mem>>) src(%dma_wait3A_162 : memref<50000x128xf32, #tpu.memory_space<hbm>>) dst(%dma_wait3A_157 : memref<128x128xf32, #tpu.memory_space<vmem>>)
      %dma_wait3A_163 = arith.constant 128 : i32
      %dma_wait3A_164 = arith.constant 0 : i32
      %dma_wait3A_165 = tpu.memref_slice %arg8[%dma_wait3A_163, %dma_wait3A_164] : memref<288x128xf32, #tpu.memory_space<vmem>> -> memref<128x128xf32, #tpu.memory_space<vmem>>
      %dma_wait3A_166 = arith.constant 128 : i32
      %dma_wait3A_167 = tpu.memref_slice %arg6[%dma_wait3A_166] : memref<288xi32, #tpu.memory_space<vmem>> -> memref<128xi32, #tpu.memory_space<vmem>>
      %dma_wait3A_168 = arith.constant 0 : i32
      %dma_wait3A_169 = arith.constant 0 : i32
      %dma_wait3A_170 = tpu.memref_slice %arg2[%dma_wait3A_168, %dma_wait3A_169] : memref<50000x128xf32, #tpu.memory_space<hbm>> -> memref<50000x128xf32, #tpu.memory_space<hbm>>
      tpu.wait_indirect_dma semaphore(%arg12 : memref<!tpu.dma_semaphore, #tpu.memory_space<semaphore_mem>>) src(%dma_wait3A_170 : memref<50000x128xf32, #tpu.memory_space<hbm>>) dst(%dma_wait3A_165 : memref<128x128xf32, #tpu.memory_space<vmem>>)
      %dma_wait3A_171 = arith.constant 256 : i32
      %dma_wait3A_172 = arith.constant 0 : i32
      %dma_wait3A_173 = tpu.memref_slice %arg8[%dma_wait3A_171, %dma_wait3A_172] : memref<288x128xf32, #tpu.memory_space<vmem>> -> memref<32x128xf32, #tpu.memory_space<vmem>>
      %dma_wait3A_174 = arith.constant 256 : i32
      %dma_wait3A_175 = tpu.memref_slice %arg6[%dma_wait3A_174] : memref<288xi32, #tpu.memory_space<vmem>> -> memref<32xi32, #tpu.memory_space<vmem>>
      %dma_wait3A_176 = arith.constant 0 : i32
      %dma_wait3A_177 = arith.constant 0 : i32
      %dma_wait3A_178 = tpu.memref_slice %arg2[%dma_wait3A_176, %dma_wait3A_177] : memref<50000x128xf32, #tpu.memory_space<hbm>> -> memref<50000x128xf32, #tpu.memory_space<hbm>>
      tpu.wait_indirect_dma semaphore(%arg12 : memref<!tpu.dma_semaphore, #tpu.memory_space<semaphore_mem>>) src(%dma_wait3A_178 : memref<50000x128xf32, #tpu.memory_space<hbm>>) dst(%dma_wait3A_173 : memref<32x128xf32, #tpu.memory_space<vmem>>)
      %add3A_179 = arith.constant 2 : i32
      %add3A_180 = arith.addi %add3A_142, %add3A_179 : i32
      %lt3A_181 = arith.cmpi slt, %add3A_180, %select_n3A_5 : i32
      %convert_element_type3A_182 = arith.extui %lt3A_181 : i1 to i32
      %cond3A_183 = arith.constant 0 : i32
      %cond3A_184 = arith.cmpi ne, %convert_element_type3A_182, %cond3A_183 : i32
      scf.if %cond3A_184 {
        %add3A_201 = arith.constant 2 : i32
        %add3A_202 = arith.addi %add3A_142, %add3A_201 : i32
        %mul3A_203 = arith.constant 32 : i32
        %mul3A_204 = arith.muli %add3A_202, %mul3A_203 : i32
        %add3A_205 = arith.addi %add3A, %mul3A_204 : i32
        %mul3A_206 = arith.constant 9 : i32
        %mul3A_207 = arith.muli %add3A_205, %mul3A_206 : i32
        %dma_start3A_208 = tpu.memref_slice %arg3[%mul3A_207] : memref<451584xi32, #tpu.memory_space<hbm>> -> memref<288xi32, #tpu.memory_space<hbm>>
        %dma_start3A_209 = tpu.memref_slice %arg3[%mul3A_207] : memref<451584xi32, #tpu.memory_space<hbm>> -> memref<288xi32, #tpu.memory_space<hbm>>
        tpu.enqueue_dma source(%dma_start3A_209 : memref<288xi32, #tpu.memory_space<hbm>>) target(%arg6 : memref<288xi32, #tpu.memory_space<vmem>>) target_semaphore(%arg14 : memref<!tpu.dma_semaphore, #tpu.memory_space<semaphore_mem>>)
      } else {
      }
      %ge3A_185 = arith.constant 2 : i32
      %ge3A_186 = arith.cmpi sge, %add3A_142, %ge3A_185 : i32
      %convert_element_type3A_187 = arith.extui %ge3A_186 : i1 to i32
      %cond3A_188 = arith.constant 0 : i32
      %cond3A_189 = arith.cmpi ne, %convert_element_type3A_187, %cond3A_188 : i32
      scf.if %cond3A_189 {
        %dma_wait3A_201 = arith.constant 0 : i32
        %dma_wait3A_202 = arith.constant 0 : i32
        %dma_wait3A_203 = tpu.memref_slice %arg4[%dma_wait3A_201, %dma_wait3A_202] : memref<50176x128xf32, #tpu.memory_space<hbm>> -> memref<32x128xf32, #tpu.memory_space<hbm>>
        %dma_wait3A_204 = arith.constant 0 : i32
        %dma_wait3A_205 = arith.constant 0 : i32
        %dma_wait3A_206 = tpu.memref_slice %arg4[%dma_wait3A_204, %dma_wait3A_205] : memref<50176x128xf32, #tpu.memory_space<hbm>> -> memref<32x128xf32, #tpu.memory_space<hbm>>
        tpu.wait_dma2 semaphore(%arg16 : memref<!tpu.dma_semaphore, #tpu.memory_space<semaphore_mem>>) src(%arg10 : memref<32x128xf32, #tpu.memory_space<vmem>>) dst(%dma_wait3A_206 : memref<32x128xf32, #tpu.memory_space<hbm>>)
      } else {
      }
      %parallel_loop3A_190 = arith.constant 0 : i32
      %parallel_loop3A_191 = arith.constant 32 : i32
      %parallel_loop3A_192 = arith.constant 1 : i32
      scf.for %parallel_loop3A_201 = %parallel_loop3A_190 to %parallel_loop3A_191 step %parallel_loop3A_192  : i32 {
        %parallel_loop3A_202 = arith.constant 9 : i32
        %parallel_loop3A_203 = arith.muli %parallel_loop3A_201, %parallel_loop3A_202 : i32
        %parallel_loop3A_204 = arith.constant 0 : i32
        %parallel_loop3A_205 = arith.addi %parallel_loop3A_203, %parallel_loop3A_204 : i32
        %parallel_loop3A_206 = arith.index_cast %parallel_loop3A_205 : i32 to index
        %parallel_loop3A_207 = arith.constant 0 : index
        %parallel_loop3A_208 = tpu.vector_load %arg8[%parallel_loop3A_206, %parallel_loop3A_207] {strides = array<i32>} : memref<288x128xf32, #tpu.memory_space<vmem>>, vector<1x16xf32>,
        %parallel_loop3A_209 = vector.shape_cast %parallel_loop3A_208 : vector<1x16xf32> to vector<16xf32>
        %parallel_loop3A_210 = arith.constant 1 : i32
        %parallel_loop3A_211 = arith.addi %parallel_loop3A_203, %parallel_loop3A_210 : i32
        %parallel_loop3A_212 = arith.index_cast %parallel_loop3A_211 : i32 to index
        %parallel_loop3A_213 = arith.constant 0 : index
        %parallel_loop3A_214 = tpu.vector_load %arg8[%parallel_loop3A_212, %parallel_loop3A_213] {strides = array<i32>} : memref<288x128xf32, #tpu.memory_space<vmem>>, vector<1x16xf32>,
        %parallel_loop3A_215 = vector.shape_cast %parallel_loop3A_214 : vector<1x16xf32> to vector<16xf32>
        %parallel_loop3A_216 = arith.constant 2 : i32
        %parallel_loop3A_217 = arith.addi %parallel_loop3A_203, %parallel_loop3A_216 : i32
        %parallel_loop3A_218 = arith.index_cast %parallel_loop3A_217 : i32 to index
        %parallel_loop3A_219 = arith.constant 0 : index
        %parallel_loop3A_220 = tpu.vector_load %arg8[%parallel_loop3A_218, %parallel_loop3A_219] {strides = array<i32>} : memref<288x128xf32, #tpu.memory_space<vmem>>, vector<1x16xf32>,
        %parallel_loop3A_221 = vector.shape_cast %parallel_loop3A_220 : vector<1x16xf32> to vector<16xf32>
        %parallel_loop3A_222 = arith.constant 3 : i32
        %parallel_loop3A_223 = arith.addi %parallel_loop3A_203, %parallel_loop3A_222 : i32
        %parallel_loop3A_224 = arith.index_cast %parallel_loop3A_223 : i32 to index
        %parallel_loop3A_225 = arith.constant 0 : index
        %parallel_loop3A_226 = tpu.vector_load %arg8[%parallel_loop3A_224, %parallel_loop3A_225] {strides = array<i32>} : memref<288x128xf32, #tpu.memory_space<vmem>>, vector<1x16xf32>,
        %parallel_loop3A_227 = vector.shape_cast %parallel_loop3A_226 : vector<1x16xf32> to vector<16xf32>
        %parallel_loop3A_228 = arith.constant 4 : i32
        %parallel_loop3A_229 = arith.addi %parallel_loop3A_203, %parallel_loop3A_228 : i32
        %parallel_loop3A_230 = arith.index_cast %parallel_loop3A_229 : i32 to index
        %parallel_loop3A_231 = arith.constant 0 : index
        %parallel_loop3A_232 = tpu.vector_load %arg8[%parallel_loop3A_230, %parallel_loop3A_231] {strides = array<i32>} : memref<288x128xf32, #tpu.memory_space<vmem>>, vector<1x16xf32>,
        %parallel_loop3A_233 = vector.shape_cast %parallel_loop3A_232 : vector<1x16xf32> to vector<16xf32>
        %parallel_loop3A_234 = arith.constant 5 : i32
        %parallel_loop3A_235 = arith.addi %parallel_loop3A_203, %parallel_loop3A_234 : i32
        %parallel_loop3A_236 = arith.index_cast %parallel_loop3A_235 : i32 to index
        %parallel_loop3A_237 = arith.constant 0 : index
        %parallel_loop3A_238 = tpu.vector_load %arg8[%parallel_loop3A_236, %parallel_loop3A_237] {strides = array<i32>} : memref<288x128xf32, #tpu.memory_space<vmem>>, vector<1x16xf32>,
        %parallel_loop3A_239 = vector.shape_cast %parallel_loop3A_238 : vector<1x16xf32> to vector<16xf32>
        %parallel_loop3A_240 = arith.constant 6 : i32
        %parallel_loop3A_241 = arith.addi %parallel_loop3A_203, %parallel_loop3A_240 : i32
        %parallel_loop3A_242 = arith.index_cast %parallel_loop3A_241 : i32 to index
        %parallel_loop3A_243 = arith.constant 0 : index
        %parallel_loop3A_244 = tpu.vector_load %arg8[%parallel_loop3A_242, %parallel_loop3A_243] {strides = array<i32>} : memref<288x128xf32, #tpu.memory_space<vmem>>, vector<1x16xf32>,
        %parallel_loop3A_245 = vector.shape_cast %parallel_loop3A_244 : vector<1x16xf32> to vector<16xf32>
        %parallel_loop3A_246 = arith.constant 7 : i32
        %parallel_loop3A_247 = arith.addi %parallel_loop3A_203, %parallel_loop3A_246 : i32
        %parallel_loop3A_248 = arith.index_cast %parallel_loop3A_247 : i32 to index
        %parallel_loop3A_249 = arith.constant 0 : index
        %parallel_loop3A_250 = tpu.vector_load %arg8[%parallel_loop3A_248, %parallel_loop3A_249] {strides = array<i32>} : memref<288x128xf32, #tpu.memory_space<vmem>>, vector<1x16xf32>,
        %parallel_loop3A_251 = vector.shape_cast %parallel_loop3A_250 : vector<1x16xf32> to vector<16xf32>
        %parallel_loop3A_252 = arith.constant 8 : i32
        %parallel_loop3A_253 = arith.addi %parallel_loop3A_203, %parallel_loop3A_252 : i32
        %parallel_loop3A_254 = arith.index_cast %parallel_loop3A_253 : i32 to index
        %parallel_loop3A_255 = arith.constant 0 : index
        %parallel_loop3A_256 = tpu.vector_load %arg8[%parallel_loop3A_254, %parallel_loop3A_255] {strides = array<i32>} : memref<288x128xf32, #tpu.memory_space<vmem>>, vector<1x16xf32>,
        %parallel_loop3A_257 = vector.shape_cast %parallel_loop3A_256 : vector<1x16xf32> to vector<16xf32>
        %parallel_loop3A_258 = arith.maximumf %parallel_loop3A_209, %parallel_loop3A_215 : vector<16xf32>
        %parallel_loop3A_259 = arith.maximumf %parallel_loop3A_221, %parallel_loop3A_227 : vector<16xf32>
        %parallel_loop3A_260 = arith.maximumf %parallel_loop3A_233, %parallel_loop3A_239 : vector<16xf32>
        %parallel_loop3A_261 = arith.maximumf %parallel_loop3A_245, %parallel_loop3A_251 : vector<16xf32>
        %parallel_loop3A_262 = arith.maximumf %parallel_loop3A_258, %parallel_loop3A_259 : vector<16xf32>
        %parallel_loop3A_263 = arith.maximumf %parallel_loop3A_260, %parallel_loop3A_261 : vector<16xf32>
        %parallel_loop3A_264 = arith.maximumf %parallel_loop3A_262, %parallel_loop3A_263 : vector<16xf32>
        %parallel_loop3A_265 = arith.maximumf %parallel_loop3A_264, %parallel_loop3A_257 : vector<16xf32>
        %parallel_loop3A_266 = arith.index_cast %parallel_loop3A_201 : i32 to index
        %parallel_loop3A_267 = arith.constant 0 : index
        %parallel_loop3A_268 = tpu.vector_load %arg10[%parallel_loop3A_266, %parallel_loop3A_267] {strides = array<i32>} : memref<32x128xf32, #tpu.memory_space<vmem>>, vector<1x16xf32>,
        %parallel_loop3A_269 = vector.shape_cast %parallel_loop3A_268 : vector<1x16xf32> to vector<16xf32>
        %parallel_loop3A_270 = vector.shape_cast %parallel_loop3A_265 : vector<16xf32> to vector<1x16xf32>
        tpu.vector_store %arg10[%parallel_loop3A_266, %parallel_loop3A_267], %parallel_loop3A_270 {strides = array<i32>} : memref<32x128xf32, #tpu.memory_space<vmem>>, vector<1x16xf32>,
        %parallel_loop3A_271 = arith.constant 0 : i32
        %parallel_loop3A_272 = arith.addi %parallel_loop3A_203, %parallel_loop3A_271 : i32
        %parallel_loop3A_273 = arith.index_cast %parallel_loop3A_272 : i32 to index
        %parallel_loop3A_274 = arith.constant 16 : index
        %parallel_loop3A_275 = tpu.vector_load %arg8[%parallel_loop3A_273, %parallel_loop3A_274] {strides = array<i32>} : memref<288x128xf32, #tpu.memory_space<vmem>>, vector<1x16xf32>,
        %parallel_loop3A_276 = vector.shape_cast %parallel_loop3A_275 : vector<1x16xf32> to vector<16xf32>
        %parallel_loop3A_277 = arith.constant 1 : i32
        %parallel_loop3A_278 = arith.addi %parallel_loop3A_203, %parallel_loop3A_277 : i32
        %parallel_loop3A_279 = arith.index_cast %parallel_loop3A_278 : i32 to index
        %parallel_loop3A_280 = arith.constant 16 : index
        %parallel_loop3A_281 = tpu.vector_load %arg8[%parallel_loop3A_279, %parallel_loop3A_280] {strides = array<i32>} : memref<288x128xf32, #tpu.memory_space<vmem>>, vector<1x16xf32>,
        %parallel_loop3A_282 = vector.shape_cast %parallel_loop3A_281 : vector<1x16xf32> to vector<16xf32>
        %parallel_loop3A_283 = arith.constant 2 : i32
        %parallel_loop3A_284 = arith.addi %parallel_loop3A_203, %parallel_loop3A_283 : i32
        %parallel_loop3A_285 = arith.index_cast %parallel_loop3A_284 : i32 to index
        %parallel_loop3A_286 = arith.constant 16 : index
        %parallel_loop3A_287 = tpu.vector_load %arg8[%parallel_loop3A_285, %parallel_loop3A_286] {strides = array<i32>} : memref<288x128xf32, #tpu.memory_space<vmem>>, vector<1x16xf32>,
        %parallel_loop3A_288 = vector.shape_cast %parallel_loop3A_287 : vector<1x16xf32> to vector<16xf32>
        %parallel_loop3A_289 = arith.constant 3 : i32
        %parallel_loop3A_290 = arith.addi %parallel_loop3A_203, %parallel_loop3A_289 : i32
        %parallel_loop3A_291 = arith.index_cast %parallel_loop3A_290 : i32 to index
        %parallel_loop3A_292 = arith.constant 16 : index
        %parallel_loop3A_293 = tpu.vector_load %arg8[%parallel_loop3A_291, %parallel_loop3A_292] {strides = array<i32>} : memref<288x128xf32, #tpu.memory_space<vmem>>, vector<1x16xf32>,
        %parallel_loop3A_294 = vector.shape_cast %parallel_loop3A_293 : vector<1x16xf32> to vector<16xf32>
        %parallel_loop3A_295 = arith.constant 4 : i32
        %parallel_loop3A_296 = arith.addi %parallel_loop3A_203, %parallel_loop3A_295 : i32
        %parallel_loop3A_297 = arith.index_cast %parallel_loop3A_296 : i32 to index
        %parallel_loop3A_298 = arith.constant 16 : index
        %parallel_loop3A_299 = tpu.vector_load %arg8[%parallel_loop3A_297, %parallel_loop3A_298] {strides = array<i32>} : memref<288x128xf32, #tpu.memory_space<vmem>>, vector<1x16xf32>,
        %parallel_loop3A_300 = vector.shape_cast %parallel_loop3A_299 : vector<1x16xf32> to vector<16xf32>
        %parallel_loop3A_301 = arith.constant 5 : i32
        %parallel_loop3A_302 = arith.addi %parallel_loop3A_203, %parallel_loop3A_301 : i32
        %parallel_loop3A_303 = arith.index_cast %parallel_loop3A_302 : i32 to index
        %parallel_loop3A_304 = arith.constant 16 : index
        %parallel_loop3A_305 = tpu.vector_load %arg8[%parallel_loop3A_303, %parallel_loop3A_304] {strides = array<i32>} : memref<288x128xf32, #tpu.memory_space<vmem>>, vector<1x16xf32>,
        %parallel_loop3A_306 = vector.shape_cast %parallel_loop3A_305 : vector<1x16xf32> to vector<16xf32>
        %parallel_loop3A_307 = arith.constant 6 : i32
        %parallel_loop3A_308 = arith.addi %parallel_loop3A_203, %parallel_loop3A_307 : i32
        %parallel_loop3A_309 = arith.index_cast %parallel_loop3A_308 : i32 to index
        %parallel_loop3A_310 = arith.constant 16 : index
        %parallel_loop3A_311 = tpu.vector_load %arg8[%parallel_loop3A_309, %parallel_loop3A_310] {strides = array<i32>} : memref<288x128xf32, #tpu.memory_space<vmem>>, vector<1x16xf32>,
        %parallel_loop3A_312 = vector.shape_cast %parallel_loop3A_311 : vector<1x16xf32> to vector<16xf32>
        %parallel_loop3A_313 = arith.constant 7 : i32
        %parallel_loop3A_314 = arith.addi %parallel_loop3A_203, %parallel_loop3A_313 : i32
        %parallel_loop3A_315 = arith.index_cast %parallel_loop3A_314 : i32 to index
        %parallel_loop3A_316 = arith.constant 16 : index
        %parallel_loop3A_317 = tpu.vector_load %arg8[%parallel_loop3A_315, %parallel_loop3A_316] {strides = array<i32>} : memref<288x128xf32, #tpu.memory_space<vmem>>, vector<1x16xf32>,
        %parallel_loop3A_318 = vector.shape_cast %parallel_loop3A_317 : vector<1x16xf32> to vector<16xf32>
        %parallel_loop3A_319 = arith.constant 8 : i32
        %parallel_loop3A_320 = arith.addi %parallel_loop3A_203, %parallel_loop3A_319 : i32
        %parallel_loop3A_321 = arith.index_cast %parallel_loop3A_320 : i32 to index
        %parallel_loop3A_322 = arith.constant 16 : index
        %parallel_loop3A_323 = tpu.vector_load %arg8[%parallel_loop3A_321, %parallel_loop3A_322] {strides = array<i32>} : memref<288x128xf32, #tpu.memory_space<vmem>>, vector<1x16xf32>,
        %parallel_loop3A_324 = vector.shape_cast %parallel_loop3A_323 : vector<1x16xf32> to vector<16xf32>
        %parallel_loop3A_325 = arith.maximumf %parallel_loop3A_276, %parallel_loop3A_282 : vector<16xf32>
        %parallel_loop3A_326 = arith.maximumf %parallel_loop3A_288, %parallel_loop3A_294 : vector<16xf32>
        %parallel_loop3A_327 = arith.maximumf %parallel_loop3A_300, %parallel_loop3A_306 : vector<16xf32>
        %parallel_loop3A_328 = arith.maximumf %parallel_loop3A_312, %parallel_loop3A_318 : vector<16xf32>
        %parallel_loop3A_329 = arith.maximumf %parallel_loop3A_325, %parallel_loop3A_326 : vector<16xf32>
        %parallel_loop3A_330 = arith.maximumf %parallel_loop3A_327, %parallel_loop3A_328 : vector<16xf32>
        %parallel_loop3A_331 = arith.maximumf %parallel_loop3A_329, %parallel_loop3A_330 : vector<16xf32>
        %parallel_loop3A_332 = arith.maximumf %parallel_loop3A_331, %parallel_loop3A_324 : vector<16xf32>
        %parallel_loop3A_333 = arith.index_cast %parallel_loop3A_201 : i32 to index
        %parallel_loop3A_334 = arith.constant 16 : index
        %parallel_loop3A_335 = tpu.vector_load %arg10[%parallel_loop3A_333, %parallel_loop3A_334] {strides = array<i32>} : memref<32x128xf32, #tpu.memory_space<vmem>>, vector<1x16xf32>,
        %parallel_loop3A_336 = vector.shape_cast %parallel_loop3A_335 : vector<1x16xf32> to vector<16xf32>
        %parallel_loop3A_337 = vector.shape_cast %parallel_loop3A_332 : vector<16xf32> to vector<1x16xf32>
        tpu.vector_store %arg10[%parallel_loop3A_333, %parallel_loop3A_334], %parallel_loop3A_337 {strides = array<i32>} : memref<32x128xf32, #tpu.memory_space<vmem>>, vector<1x16xf32>,
        %parallel_loop3A_338 = arith.constant 0 : i32
        %parallel_loop3A_339 = arith.addi %parallel_loop3A_203, %parallel_loop3A_338 : i32
        %parallel_loop3A_340 = arith.index_cast %parallel_loop3A_339 : i32 to index
        %parallel_loop3A_341 = arith.constant 32 : index
        %parallel_loop3A_342 = tpu.vector_load %arg8[%parallel_loop3A_340, %parallel_loop3A_341] {strides = array<i32>} : memref<288x128xf32, #tpu.memory_space<vmem>>, vector<1x16xf32>,
        %parallel_loop3A_343 = vector.shape_cast %parallel_loop3A_342 : vector<1x16xf32> to vector<16xf32>
        %parallel_loop3A_344 = arith.constant 1 : i32
        %parallel_loop3A_345 = arith.addi %parallel_loop3A_203, %parallel_loop3A_344 : i32
        %parallel_loop3A_346 = arith.index_cast %parallel_loop3A_345 : i32 to index
        %parallel_loop3A_347 = arith.constant 32 : index
        %parallel_loop3A_348 = tpu.vector_load %arg8[%parallel_loop3A_346, %parallel_loop3A_347] {strides = array<i32>} : memref<288x128xf32, #tpu.memory_space<vmem>>, vector<1x16xf32>,
        %parallel_loop3A_349 = vector.shape_cast %parallel_loop3A_348 : vector<1x16xf32> to vector<16xf32>
        %parallel_loop3A_350 = arith.constant 2 : i32
        %parallel_loop3A_351 = arith.addi %parallel_loop3A_203, %parallel_loop3A_350 : i32
        %parallel_loop3A_352 = arith.index_cast %parallel_loop3A_351 : i32 to index
        %parallel_loop3A_353 = arith.constant 32 : index
        %parallel_loop3A_354 = tpu.vector_load %arg8[%parallel_loop3A_352, %parallel_loop3A_353] {strides = array<i32>} : memref<288x128xf32, #tpu.memory_space<vmem>>, vector<1x16xf32>,
        %parallel_loop3A_355 = vector.shape_cast %parallel_loop3A_354 : vector<1x16xf32> to vector<16xf32>
        %parallel_loop3A_356 = arith.constant 3 : i32
        %parallel_loop3A_357 = arith.addi %parallel_loop3A_203, %parallel_loop3A_356 : i32
        %parallel_loop3A_358 = arith.index_cast %parallel_loop3A_357 : i32 to index
        %parallel_loop3A_359 = arith.constant 32 : index
        %parallel_loop3A_360 = tpu.vector_load %arg8[%parallel_loop3A_358, %parallel_loop3A_359] {strides = array<i32>} : memref<288x128xf32, #tpu.memory_space<vmem>>, vector<1x16xf32>,
        %parallel_loop3A_361 = vector.shape_cast %parallel_loop3A_360 : vector<1x16xf32> to vector<16xf32>
        %parallel_loop3A_362 = arith.constant 4 : i32
        %parallel_loop3A_363 = arith.addi %parallel_loop3A_203, %parallel_loop3A_362 : i32
        %parallel_loop3A_364 = arith.index_cast %parallel_loop3A_363 : i32 to index
        %parallel_loop3A_365 = arith.constant 32 : index
        %parallel_loop3A_366 = tpu.vector_load %arg8[%parallel_loop3A_364, %parallel_loop3A_365] {strides = array<i32>} : memref<288x128xf32, #tpu.memory_space<vmem>>, vector<1x16xf32>,
        %parallel_loop3A_367 = vector.shape_cast %parallel_loop3A_366 : vector<1x16xf32> to vector<16xf32>
        %parallel_loop3A_368 = arith.constant 5 : i32
        %parallel_loop3A_369 = arith.addi %parallel_loop3A_203, %parallel_loop3A_368 : i32
        %parallel_loop3A_370 = arith.index_cast %parallel_loop3A_369 : i32 to index
        %parallel_loop3A_371 = arith.constant 32 : index
        %parallel_loop3A_372 = tpu.vector_load %arg8[%parallel_loop3A_370, %parallel_loop3A_371] {strides = array<i32>} : memref<288x128xf32, #tpu.memory_space<vmem>>, vector<1x16xf32>,
        %parallel_loop3A_373 = vector.shape_cast %parallel_loop3A_372 : vector<1x16xf32> to vector<16xf32>
        %parallel_loop3A_374 = arith.constant 6 : i32
        %parallel_loop3A_375 = arith.addi %parallel_loop3A_203, %parallel_loop3A_374 : i32
        %parallel_loop3A_376 = arith.index_cast %parallel_loop3A_375 : i32 to index
        %parallel_loop3A_377 = arith.constant 32 : index
        %parallel_loop3A_378 = tpu.vector_load %arg8[%parallel_loop3A_376, %parallel_loop3A_377] {strides = array<i32>} : memref<288x128xf32, #tpu.memory_space<vmem>>, vector<1x16xf32>,
        %parallel_loop3A_379 = vector.shape_cast %parallel_loop3A_378 : vector<1x16xf32> to vector<16xf32>
        %parallel_loop3A_380 = arith.constant 7 : i32
        %parallel_loop3A_381 = arith.addi %parallel_loop3A_203, %parallel_loop3A_380 : i32
        %parallel_loop3A_382 = arith.index_cast %parallel_loop3A_381 : i32 to index
        %parallel_loop3A_383 = arith.constant 32 : index
        %parallel_loop3A_384 = tpu.vector_load %arg8[%parallel_loop3A_382, %parallel_loop3A_383] {strides = array<i32>} : memref<288x128xf32, #tpu.memory_space<vmem>>, vector<1x16xf32>,
        %parallel_loop3A_385 = vector.shape_cast %parallel_loop3A_384 : vector<1x16xf32> to vector<16xf32>
        %parallel_loop3A_386 = arith.constant 8 : i32
        %parallel_loop3A_387 = arith.addi %parallel_loop3A_203, %parallel_loop3A_386 : i32
        %parallel_loop3A_388 = arith.index_cast %parallel_loop3A_387 : i32 to index
        %parallel_loop3A_389 = arith.constant 32 : index
        %parallel_loop3A_390 = tpu.vector_load %arg8[%parallel_loop3A_388, %parallel_loop3A_389] {strides = array<i32>} : memref<288x128xf32, #tpu.memory_space<vmem>>, vector<1x16xf32>,
        %parallel_loop3A_391 = vector.shape_cast %parallel_loop3A_390 : vector<1x16xf32> to vector<16xf32>
        %parallel_loop3A_392 = arith.maximumf %parallel_loop3A_343, %parallel_loop3A_349 : vector<16xf32>
        %parallel_loop3A_393 = arith.maximumf %parallel_loop3A_355, %parallel_loop3A_361 : vector<16xf32>
        %parallel_loop3A_394 = arith.maximumf %parallel_loop3A_367, %parallel_loop3A_373 : vector<16xf32>
        %parallel_loop3A_395 = arith.maximumf %parallel_loop3A_379, %parallel_loop3A_385 : vector<16xf32>
        %parallel_loop3A_396 = arith.maximumf %parallel_loop3A_392, %parallel_loop3A_393 : vector<16xf32>
        %parallel_loop3A_397 = arith.maximumf %parallel_loop3A_394, %parallel_loop3A_395 : vector<16xf32>
        %parallel_loop3A_398 = arith.maximumf %parallel_loop3A_396, %parallel_loop3A_397 : vector<16xf32>
        %parallel_loop3A_399 = arith.maximumf %parallel_loop3A_398, %parallel_loop3A_391 : vector<16xf32>
        %parallel_loop3A_400 = arith.index_cast %parallel_loop3A_201 : i32 to index
        %parallel_loop3A_401 = arith.constant 32 : index
        %parallel_loop3A_402 = tpu.vector_load %arg10[%parallel_loop3A_400, %parallel_loop3A_401] {strides = array<i32>} : memref<32x128xf32, #tpu.memory_space<vmem>>, vector<1x16xf32>,
        %parallel_loop3A_403 = vector.shape_cast %parallel_loop3A_402 : vector<1x16xf32> to vector<16xf32>
        %parallel_loop3A_404 = vector.shape_cast %parallel_loop3A_399 : vector<16xf32> to vector<1x16xf32>
        tpu.vector_store %arg10[%parallel_loop3A_400, %parallel_loop3A_401], %parallel_loop3A_404 {strides = array<i32>} : memref<32x128xf32, #tpu.memory_space<vmem>>, vector<1x16xf32>,
        %parallel_loop3A_405 = arith.constant 0 : i32
        %parallel_loop3A_406 = arith.addi %parallel_loop3A_203, %parallel_loop3A_405 : i32
        %parallel_loop3A_407 = arith.index_cast %parallel_loop3A_406 : i32 to index
        %parallel_loop3A_408 = arith.constant 48 : index
        %parallel_loop3A_409 = tpu.vector_load %arg8[%parallel_loop3A_407, %parallel_loop3A_408] {strides = array<i32>} : memref<288x128xf32, #tpu.memory_space<vmem>>, vector<1x16xf32>,
        %parallel_loop3A_410 = vector.shape_cast %parallel_loop3A_409 : vector<1x16xf32> to vector<16xf32>
        %parallel_loop3A_411 = arith.constant 1 : i32
        %parallel_loop3A_412 = arith.addi %parallel_loop3A_203, %parallel_loop3A_411 : i32
        %parallel_loop3A_413 = arith.index_cast %parallel_loop3A_412 : i32 to index
        %parallel_loop3A_414 = arith.constant 48 : index
        %parallel_loop3A_415 = tpu.vector_load %arg8[%parallel_loop3A_413, %parallel_loop3A_414] {strides = array<i32>} : memref<288x128xf32, #tpu.memory_space<vmem>>, vector<1x16xf32>,
        %parallel_loop3A_416 = vector.shape_cast %parallel_loop3A_415 : vector<1x16xf32> to vector<16xf32>
        %parallel_loop3A_417 = arith.constant 2 : i32
        %parallel_loop3A_418 = arith.addi %parallel_loop3A_203, %parallel_loop3A_417 : i32
        %parallel_loop3A_419 = arith.index_cast %parallel_loop3A_418 : i32 to index
        %parallel_loop3A_420 = arith.constant 48 : index
        %parallel_loop3A_421 = tpu.vector_load %arg8[%parallel_loop3A_419, %parallel_loop3A_420] {strides = array<i32>} : memref<288x128xf32, #tpu.memory_space<vmem>>, vector<1x16xf32>,
        %parallel_loop3A_422 = vector.shape_cast %parallel_loop3A_421 : vector<1x16xf32> to vector<16xf32>
        %parallel_loop3A_423 = arith.constant 3 : i32
        %parallel_loop3A_424 = arith.addi %parallel_loop3A_203, %parallel_loop3A_423 : i32
        %parallel_loop3A_425 = arith.index_cast %parallel_loop3A_424 : i32 to index
        %parallel_loop3A_426 = arith.constant 48 : index
        %parallel_loop3A_427 = tpu.vector_load %arg8[%parallel_loop3A_425, %parallel_loop3A_426] {strides = array<i32>} : memref<288x128xf32, #tpu.memory_space<vmem>>, vector<1x16xf32>,
        %parallel_loop3A_428 = vector.shape_cast %parallel_loop3A_427 : vector<1x16xf32> to vector<16xf32>
        %parallel_loop3A_429 = arith.constant 4 : i32
        %parallel_loop3A_430 = arith.addi %parallel_loop3A_203, %parallel_loop3A_429 : i32
        %parallel_loop3A_431 = arith.index_cast %parallel_loop3A_430 : i32 to index
        %parallel_loop3A_432 = arith.constant 48 : index
        %parallel_loop3A_433 = tpu.vector_load %arg8[%parallel_loop3A_431, %parallel_loop3A_432] {strides = array<i32>} : memref<288x128xf32, #tpu.memory_space<vmem>>, vector<1x16xf32>,
        %parallel_loop3A_434 = vector.shape_cast %parallel_loop3A_433 : vector<1x16xf32> to vector<16xf32>
        %parallel_loop3A_435 = arith.constant 5 : i32
        %parallel_loop3A_436 = arith.addi %parallel_loop3A_203, %parallel_loop3A_435 : i32
        %parallel_loop3A_437 = arith.index_cast %parallel_loop3A_436 : i32 to index
        %parallel_loop3A_438 = arith.constant 48 : index
        %parallel_loop3A_439 = tpu.vector_load %arg8[%parallel_loop3A_437, %parallel_loop3A_438] {strides = array<i32>} : memref<288x128xf32, #tpu.memory_space<vmem>>, vector<1x16xf32>,
        %parallel_loop3A_440 = vector.shape_cast %parallel_loop3A_439 : vector<1x16xf32> to vector<16xf32>
        %parallel_loop3A_441 = arith.constant 6 : i32
        %parallel_loop3A_442 = arith.addi %parallel_loop3A_203, %parallel_loop3A_441 : i32
        %parallel_loop3A_443 = arith.index_cast %parallel_loop3A_442 : i32 to index
        %parallel_loop3A_444 = arith.constant 48 : index
        %parallel_loop3A_445 = tpu.vector_load %arg8[%parallel_loop3A_443, %parallel_loop3A_444] {strides = array<i32>} : memref<288x128xf32, #tpu.memory_space<vmem>>, vector<1x16xf32>,
        %parallel_loop3A_446 = vector.shape_cast %parallel_loop3A_445 : vector<1x16xf32> to vector<16xf32>
        %parallel_loop3A_447 = arith.constant 7 : i32
        %parallel_loop3A_448 = arith.addi %parallel_loop3A_203, %parallel_loop3A_447 : i32
        %parallel_loop3A_449 = arith.index_cast %parallel_loop3A_448 : i32 to index
        %parallel_loop3A_450 = arith.constant 48 : index
        %parallel_loop3A_451 = tpu.vector_load %arg8[%parallel_loop3A_449, %parallel_loop3A_450] {strides = array<i32>} : memref<288x128xf32, #tpu.memory_space<vmem>>, vector<1x16xf32>,
        %parallel_loop3A_452 = vector.shape_cast %parallel_loop3A_451 : vector<1x16xf32> to vector<16xf32>
        %parallel_loop3A_453 = arith.constant 8 : i32
        %parallel_loop3A_454 = arith.addi %parallel_loop3A_203, %parallel_loop3A_453 : i32
        %parallel_loop3A_455 = arith.index_cast %parallel_loop3A_454 : i32 to index
        %parallel_loop3A_456 = arith.constant 48 : index
        %parallel_loop3A_457 = tpu.vector_load %arg8[%parallel_loop3A_455, %parallel_loop3A_456] {strides = array<i32>} : memref<288x128xf32, #tpu.memory_space<vmem>>, vector<1x16xf32>,
        %parallel_loop3A_458 = vector.shape_cast %parallel_loop3A_457 : vector<1x16xf32> to vector<16xf32>
        %parallel_loop3A_459 = arith.maximumf %parallel_loop3A_410, %parallel_loop3A_416 : vector<16xf32>
        %parallel_loop3A_460 = arith.maximumf %parallel_loop3A_422, %parallel_loop3A_428 : vector<16xf32>
        %parallel_loop3A_461 = arith.maximumf %parallel_loop3A_434, %parallel_loop3A_440 : vector<16xf32>
        %parallel_loop3A_462 = arith.maximumf %parallel_loop3A_446, %parallel_loop3A_452 : vector<16xf32>
        %parallel_loop3A_463 = arith.maximumf %parallel_loop3A_459, %parallel_loop3A_460 : vector<16xf32>
        %parallel_loop3A_464 = arith.maximumf %parallel_loop3A_461, %parallel_loop3A_462 : vector<16xf32>
        %parallel_loop3A_465 = arith.maximumf %parallel_loop3A_463, %parallel_loop3A_464 : vector<16xf32>
        %parallel_loop3A_466 = arith.maximumf %parallel_loop3A_465, %parallel_loop3A_458 : vector<16xf32>
        %parallel_loop3A_467 = arith.index_cast %parallel_loop3A_201 : i32 to index
        %parallel_loop3A_468 = arith.constant 48 : index
        %parallel_loop3A_469 = tpu.vector_load %arg10[%parallel_loop3A_467, %parallel_loop3A_468] {strides = array<i32>} : memref<32x128xf32, #tpu.memory_space<vmem>>, vector<1x16xf32>,
        %parallel_loop3A_470 = vector.shape_cast %parallel_loop3A_469 : vector<1x16xf32> to vector<16xf32>
        %parallel_loop3A_471 = vector.shape_cast %parallel_loop3A_466 : vector<16xf32> to vector<1x16xf32>
        tpu.vector_store %arg10[%parallel_loop3A_467, %parallel_loop3A_468], %parallel_loop3A_471 {strides = array<i32>} : memref<32x128xf32, #tpu.memory_space<vmem>>, vector<1x16xf32>,
        %parallel_loop3A_472 = arith.constant 0 : i32
        %parallel_loop3A_473 = arith.addi %parallel_loop3A_203, %parallel_loop3A_472 : i32
        %parallel_loop3A_474 = arith.index_cast %parallel_loop3A_473 : i32 to index
        %parallel_loop3A_475 = arith.constant 64 : index
        %parallel_loop3A_476 = tpu.vector_load %arg8[%parallel_loop3A_474, %parallel_loop3A_475] {strides = array<i32>} : memref<288x128xf32, #tpu.memory_space<vmem>>, vector<1x16xf32>,
        %parallel_loop3A_477 = vector.shape_cast %parallel_loop3A_476 : vector<1x16xf32> to vector<16xf32>
        %parallel_loop3A_478 = arith.constant 1 : i32
        %parallel_loop3A_479 = arith.addi %parallel_loop3A_203, %parallel_loop3A_478 : i32
        %parallel_loop3A_480 = arith.index_cast %parallel_loop3A_479 : i32 to index
        %parallel_loop3A_481 = arith.constant 64 : index
        %parallel_loop3A_482 = tpu.vector_load %arg8[%parallel_loop3A_480, %parallel_loop3A_481] {strides = array<i32>} : memref<288x128xf32, #tpu.memory_space<vmem>>, vector<1x16xf32>,
        %parallel_loop3A_483 = vector.shape_cast %parallel_loop3A_482 : vector<1x16xf32> to vector<16xf32>
        %parallel_loop3A_484 = arith.constant 2 : i32
        %parallel_loop3A_485 = arith.addi %parallel_loop3A_203, %parallel_loop3A_484 : i32
        %parallel_loop3A_486 = arith.index_cast %parallel_loop3A_485 : i32 to index
        %parallel_loop3A_487 = arith.constant 64 : index
        %parallel_loop3A_488 = tpu.vector_load %arg8[%parallel_loop3A_486, %parallel_loop3A_487] {strides = array<i32>} : memref<288x128xf32, #tpu.memory_space<vmem>>, vector<1x16xf32>,
        %parallel_loop3A_489 = vector.shape_cast %parallel_loop3A_488 : vector<1x16xf32> to vector<16xf32>
        %parallel_loop3A_490 = arith.constant 3 : i32
        %parallel_loop3A_491 = arith.addi %parallel_loop3A_203, %parallel_loop3A_490 : i32
        %parallel_loop3A_492 = arith.index_cast %parallel_loop3A_491 : i32 to index
        %parallel_loop3A_493 = arith.constant 64 : index
        %parallel_loop3A_494 = tpu.vector_load %arg8[%parallel_loop3A_492, %parallel_loop3A_493] {strides = array<i32>} : memref<288x128xf32, #tpu.memory_space<vmem>>, vector<1x16xf32>,
        %parallel_loop3A_495 = vector.shape_cast %parallel_loop3A_494 : vector<1x16xf32> to vector<16xf32>
        %parallel_loop3A_496 = arith.constant 4 : i32
        %parallel_loop3A_497 = arith.addi %parallel_loop3A_203, %parallel_loop3A_496 : i32
        %parallel_loop3A_498 = arith.index_cast %parallel_loop3A_497 : i32 to index
        %parallel_loop3A_499 = arith.constant 64 : index
        %parallel_loop3A_500 = tpu.vector_load %arg8[%parallel_loop3A_498, %parallel_loop3A_499] {strides = array<i32>} : memref<288x128xf32, #tpu.memory_space<vmem>>, vector<1x16xf32>,
        %parallel_loop3A_501 = vector.shape_cast %parallel_loop3A_500 : vector<1x16xf32> to vector<16xf32>
        %parallel_loop3A_502 = arith.constant 5 : i32
        %parallel_loop3A_503 = arith.addi %parallel_loop3A_203, %parallel_loop3A_502 : i32
        %parallel_loop3A_504 = arith.index_cast %parallel_loop3A_503 : i32 to index
        %parallel_loop3A_505 = arith.constant 64 : index
        %parallel_loop3A_506 = tpu.vector_load %arg8[%parallel_loop3A_504, %parallel_loop3A_505] {strides = array<i32>} : memref<288x128xf32, #tpu.memory_space<vmem>>, vector<1x16xf32>,
        %parallel_loop3A_507 = vector.shape_cast %parallel_loop3A_506 : vector<1x16xf32> to vector<16xf32>
        %parallel_loop3A_508 = arith.constant 6 : i32
        %parallel_loop3A_509 = arith.addi %parallel_loop3A_203, %parallel_loop3A_508 : i32
        %parallel_loop3A_510 = arith.index_cast %parallel_loop3A_509 : i32 to index
        %parallel_loop3A_511 = arith.constant 64 : index
        %parallel_loop3A_512 = tpu.vector_load %arg8[%parallel_loop3A_510, %parallel_loop3A_511] {strides = array<i32>} : memref<288x128xf32, #tpu.memory_space<vmem>>, vector<1x16xf32>,
        %parallel_loop3A_513 = vector.shape_cast %parallel_loop3A_512 : vector<1x16xf32> to vector<16xf32>
        %parallel_loop3A_514 = arith.constant 7 : i32
        %parallel_loop3A_515 = arith.addi %parallel_loop3A_203, %parallel_loop3A_514 : i32
        %parallel_loop3A_516 = arith.index_cast %parallel_loop3A_515 : i32 to index
        %parallel_loop3A_517 = arith.constant 64 : index
        %parallel_loop3A_518 = tpu.vector_load %arg8[%parallel_loop3A_516, %parallel_loop3A_517] {strides = array<i32>} : memref<288x128xf32, #tpu.memory_space<vmem>>, vector<1x16xf32>,
        %parallel_loop3A_519 = vector.shape_cast %parallel_loop3A_518 : vector<1x16xf32> to vector<16xf32>
        %parallel_loop3A_520 = arith.constant 8 : i32
        %parallel_loop3A_521 = arith.addi %parallel_loop3A_203, %parallel_loop3A_520 : i32
        %parallel_loop3A_522 = arith.index_cast %parallel_loop3A_521 : i32 to index
        %parallel_loop3A_523 = arith.constant 64 : index
        %parallel_loop3A_524 = tpu.vector_load %arg8[%parallel_loop3A_522, %parallel_loop3A_523] {strides = array<i32>} : memref<288x128xf32, #tpu.memory_space<vmem>>, vector<1x16xf32>,
        %parallel_loop3A_525 = vector.shape_cast %parallel_loop3A_524 : vector<1x16xf32> to vector<16xf32>
        %parallel_loop3A_526 = arith.maximumf %parallel_loop3A_477, %parallel_loop3A_483 : vector<16xf32>
        %parallel_loop3A_527 = arith.maximumf %parallel_loop3A_489, %parallel_loop3A_495 : vector<16xf32>
        %parallel_loop3A_528 = arith.maximumf %parallel_loop3A_501, %parallel_loop3A_507 : vector<16xf32>
        %parallel_loop3A_529 = arith.maximumf %parallel_loop3A_513, %parallel_loop3A_519 : vector<16xf32>
        %parallel_loop3A_530 = arith.maximumf %parallel_loop3A_526, %parallel_loop3A_527 : vector<16xf32>
        %parallel_loop3A_531 = arith.maximumf %parallel_loop3A_528, %parallel_loop3A_529 : vector<16xf32>
        %parallel_loop3A_532 = arith.maximumf %parallel_loop3A_530, %parallel_loop3A_531 : vector<16xf32>
        %parallel_loop3A_533 = arith.maximumf %parallel_loop3A_532, %parallel_loop3A_525 : vector<16xf32>
        %parallel_loop3A_534 = arith.index_cast %parallel_loop3A_201 : i32 to index
        %parallel_loop3A_535 = arith.constant 64 : index
        %parallel_loop3A_536 = tpu.vector_load %arg10[%parallel_loop3A_534, %parallel_loop3A_535] {strides = array<i32>} : memref<32x128xf32, #tpu.memory_space<vmem>>, vector<1x16xf32>,
        %parallel_loop3A_537 = vector.shape_cast %parallel_loop3A_536 : vector<1x16xf32> to vector<16xf32>
        %parallel_loop3A_538 = vector.shape_cast %parallel_loop3A_533 : vector<16xf32> to vector<1x16xf32>
        tpu.vector_store %arg10[%parallel_loop3A_534, %parallel_loop3A_535], %parallel_loop3A_538 {strides = array<i32>} : memref<32x128xf32, #tpu.memory_space<vmem>>, vector<1x16xf32>,
        %parallel_loop3A_539 = arith.constant 0 : i32
        %parallel_loop3A_540 = arith.addi %parallel_loop3A_203, %parallel_loop3A_539 : i32
        %parallel_loop3A_541 = arith.index_cast %parallel_loop3A_540 : i32 to index
        %parallel_loop3A_542 = arith.constant 80 : index
        %parallel_loop3A_543 = tpu.vector_load %arg8[%parallel_loop3A_541, %parallel_loop3A_542] {strides = array<i32>} : memref<288x128xf32, #tpu.memory_space<vmem>>, vector<1x16xf32>,
        %parallel_loop3A_544 = vector.shape_cast %parallel_loop3A_543 : vector<1x16xf32> to vector<16xf32>
        %parallel_loop3A_545 = arith.constant 1 : i32
        %parallel_loop3A_546 = arith.addi %parallel_loop3A_203, %parallel_loop3A_545 : i32
        %parallel_loop3A_547 = arith.index_cast %parallel_loop3A_546 : i32 to index
        %parallel_loop3A_548 = arith.constant 80 : index
        %parallel_loop3A_549 = tpu.vector_load %arg8[%parallel_loop3A_547, %parallel_loop3A_548] {strides = array<i32>} : memref<288x128xf32, #tpu.memory_space<vmem>>, vector<1x16xf32>,
        %parallel_loop3A_550 = vector.shape_cast %parallel_loop3A_549 : vector<1x16xf32> to vector<16xf32>
        %parallel_loop3A_551 = arith.constant 2 : i32
        %parallel_loop3A_552 = arith.addi %parallel_loop3A_203, %parallel_loop3A_551 : i32
        %parallel_loop3A_553 = arith.index_cast %parallel_loop3A_552 : i32 to index
        %parallel_loop3A_554 = arith.constant 80 : index
        %parallel_loop3A_555 = tpu.vector_load %arg8[%parallel_loop3A_553, %parallel_loop3A_554] {strides = array<i32>} : memref<288x128xf32, #tpu.memory_space<vmem>>, vector<1x16xf32>,
        %parallel_loop3A_556 = vector.shape_cast %parallel_loop3A_555 : vector<1x16xf32> to vector<16xf32>
        %parallel_loop3A_557 = arith.constant 3 : i32
        %parallel_loop3A_558 = arith.addi %parallel_loop3A_203, %parallel_loop3A_557 : i32
        %parallel_loop3A_559 = arith.index_cast %parallel_loop3A_558 : i32 to index
        %parallel_loop3A_560 = arith.constant 80 : index
        %parallel_loop3A_561 = tpu.vector_load %arg8[%parallel_loop3A_559, %parallel_loop3A_560] {strides = array<i32>} : memref<288x128xf32, #tpu.memory_space<vmem>>, vector<1x16xf32>,
        %parallel_loop3A_562 = vector.shape_cast %parallel_loop3A_561 : vector<1x16xf32> to vector<16xf32>
        %parallel_loop3A_563 = arith.constant 4 : i32
        %parallel_loop3A_564 = arith.addi %parallel_loop3A_203, %parallel_loop3A_563 : i32
        %parallel_loop3A_565 = arith.index_cast %parallel_loop3A_564 : i32 to index
        %parallel_loop3A_566 = arith.constant 80 : index
        %parallel_loop3A_567 = tpu.vector_load %arg8[%parallel_loop3A_565, %parallel_loop3A_566] {strides = array<i32>} : memref<288x128xf32, #tpu.memory_space<vmem>>, vector<1x16xf32>,
        %parallel_loop3A_568 = vector.shape_cast %parallel_loop3A_567 : vector<1x16xf32> to vector<16xf32>
        %parallel_loop3A_569 = arith.constant 5 : i32
        %parallel_loop3A_570 = arith.addi %parallel_loop3A_203, %parallel_loop3A_569 : i32
        %parallel_loop3A_571 = arith.index_cast %parallel_loop3A_570 : i32 to index
        %parallel_loop3A_572 = arith.constant 80 : index
        %parallel_loop3A_573 = tpu.vector_load %arg8[%parallel_loop3A_571, %parallel_loop3A_572] {strides = array<i32>} : memref<288x128xf32, #tpu.memory_space<vmem>>, vector<1x16xf32>,
        %parallel_loop3A_574 = vector.shape_cast %parallel_loop3A_573 : vector<1x16xf32> to vector<16xf32>
        %parallel_loop3A_575 = arith.constant 6 : i32
        %parallel_loop3A_576 = arith.addi %parallel_loop3A_203, %parallel_loop3A_575 : i32
        %parallel_loop3A_577 = arith.index_cast %parallel_loop3A_576 : i32 to index
        %parallel_loop3A_578 = arith.constant 80 : index
        %parallel_loop3A_579 = tpu.vector_load %arg8[%parallel_loop3A_577, %parallel_loop3A_578] {strides = array<i32>} : memref<288x128xf32, #tpu.memory_space<vmem>>, vector<1x16xf32>,
        %parallel_loop3A_580 = vector.shape_cast %parallel_loop3A_579 : vector<1x16xf32> to vector<16xf32>
        %parallel_loop3A_581 = arith.constant 7 : i32
        %parallel_loop3A_582 = arith.addi %parallel_loop3A_203, %parallel_loop3A_581 : i32
        %parallel_loop3A_583 = arith.index_cast %parallel_loop3A_582 : i32 to index
        %parallel_loop3A_584 = arith.constant 80 : index
        %parallel_loop3A_585 = tpu.vector_load %arg8[%parallel_loop3A_583, %parallel_loop3A_584] {strides = array<i32>} : memref<288x128xf32, #tpu.memory_space<vmem>>, vector<1x16xf32>,
        %parallel_loop3A_586 = vector.shape_cast %parallel_loop3A_585 : vector<1x16xf32> to vector<16xf32>
        %parallel_loop3A_587 = arith.constant 8 : i32
        %parallel_loop3A_588 = arith.addi %parallel_loop3A_203, %parallel_loop3A_587 : i32
        %parallel_loop3A_589 = arith.index_cast %parallel_loop3A_588 : i32 to index
        %parallel_loop3A_590 = arith.constant 80 : index
        %parallel_loop3A_591 = tpu.vector_load %arg8[%parallel_loop3A_589, %parallel_loop3A_590] {strides = array<i32>} : memref<288x128xf32, #tpu.memory_space<vmem>>, vector<1x16xf32>,
        %parallel_loop3A_592 = vector.shape_cast %parallel_loop3A_591 : vector<1x16xf32> to vector<16xf32>
        %parallel_loop3A_593 = arith.maximumf %parallel_loop3A_544, %parallel_loop3A_550 : vector<16xf32>
        %parallel_loop3A_594 = arith.maximumf %parallel_loop3A_556, %parallel_loop3A_562 : vector<16xf32>
        %parallel_loop3A_595 = arith.maximumf %parallel_loop3A_568, %parallel_loop3A_574 : vector<16xf32>
        %parallel_loop3A_596 = arith.maximumf %parallel_loop3A_580, %parallel_loop3A_586 : vector<16xf32>
        %parallel_loop3A_597 = arith.maximumf %parallel_loop3A_593, %parallel_loop3A_594 : vector<16xf32>
        %parallel_loop3A_598 = arith.maximumf %parallel_loop3A_595, %parallel_loop3A_596 : vector<16xf32>
        %parallel_loop3A_599 = arith.maximumf %parallel_loop3A_597, %parallel_loop3A_598 : vector<16xf32>
        %parallel_loop3A_600 = arith.maximumf %parallel_loop3A_599, %parallel_loop3A_592 : vector<16xf32>
        %parallel_loop3A_601 = arith.index_cast %parallel_loop3A_201 : i32 to index
        %parallel_loop3A_602 = arith.constant 80 : index
        %parallel_loop3A_603 = tpu.vector_load %arg10[%parallel_loop3A_601, %parallel_loop3A_602] {strides = array<i32>} : memref<32x128xf32, #tpu.memory_space<vmem>>, vector<1x16xf32>,
        %parallel_loop3A_604 = vector.shape_cast %parallel_loop3A_603 : vector<1x16xf32> to vector<16xf32>
        %parallel_loop3A_605 = vector.shape_cast %parallel_loop3A_600 : vector<16xf32> to vector<1x16xf32>
        tpu.vector_store %arg10[%parallel_loop3A_601, %parallel_loop3A_602], %parallel_loop3A_605 {strides = array<i32>} : memref<32x128xf32, #tpu.memory_space<vmem>>, vector<1x16xf32>,
        %parallel_loop3A_606 = arith.constant 0 : i32
        %parallel_loop3A_607 = arith.addi %parallel_loop3A_203, %parallel_loop3A_606 : i32
        %parallel_loop3A_608 = arith.index_cast %parallel_loop3A_607 : i32 to index
        %parallel_loop3A_609 = arith.constant 96 : index
        %parallel_loop3A_610 = tpu.vector_load %arg8[%parallel_loop3A_608, %parallel_loop3A_609] {strides = array<i32>} : memref<288x128xf32, #tpu.memory_space<vmem>>, vector<1x16xf32>,
        %parallel_loop3A_611 = vector.shape_cast %parallel_loop3A_610 : vector<1x16xf32> to vector<16xf32>
        %parallel_loop3A_612 = arith.constant 1 : i32
        %parallel_loop3A_613 = arith.addi %parallel_loop3A_203, %parallel_loop3A_612 : i32
        %parallel_loop3A_614 = arith.index_cast %parallel_loop3A_613 : i32 to index
        %parallel_loop3A_615 = arith.constant 96 : index
        %parallel_loop3A_616 = tpu.vector_load %arg8[%parallel_loop3A_614, %parallel_loop3A_615] {strides = array<i32>} : memref<288x128xf32, #tpu.memory_space<vmem>>, vector<1x16xf32>,
        %parallel_loop3A_617 = vector.shape_cast %parallel_loop3A_616 : vector<1x16xf32> to vector<16xf32>
        %parallel_loop3A_618 = arith.constant 2 : i32
        %parallel_loop3A_619 = arith.addi %parallel_loop3A_203, %parallel_loop3A_618 : i32
        %parallel_loop3A_620 = arith.index_cast %parallel_loop3A_619 : i32 to index
        %parallel_loop3A_621 = arith.constant 96 : index
        %parallel_loop3A_622 = tpu.vector_load %arg8[%parallel_loop3A_620, %parallel_loop3A_621] {strides = array<i32>} : memref<288x128xf32, #tpu.memory_space<vmem>>, vector<1x16xf32>,
        %parallel_loop3A_623 = vector.shape_cast %parallel_loop3A_622 : vector<1x16xf32> to vector<16xf32>
        %parallel_loop3A_624 = arith.constant 3 : i32
        %parallel_loop3A_625 = arith.addi %parallel_loop3A_203, %parallel_loop3A_624 : i32
        %parallel_loop3A_626 = arith.index_cast %parallel_loop3A_625 : i32 to index
        %parallel_loop3A_627 = arith.constant 96 : index
        %parallel_loop3A_628 = tpu.vector_load %arg8[%parallel_loop3A_626, %parallel_loop3A_627] {strides = array<i32>} : memref<288x128xf32, #tpu.memory_space<vmem>>, vector<1x16xf32>,
        %parallel_loop3A_629 = vector.shape_cast %parallel_loop3A_628 : vector<1x16xf32> to vector<16xf32>
        %parallel_loop3A_630 = arith.constant 4 : i32
        %parallel_loop3A_631 = arith.addi %parallel_loop3A_203, %parallel_loop3A_630 : i32
        %parallel_loop3A_632 = arith.index_cast %parallel_loop3A_631 : i32 to index
        %parallel_loop3A_633 = arith.constant 96 : index
        %parallel_loop3A_634 = tpu.vector_load %arg8[%parallel_loop3A_632, %parallel_loop3A_633] {strides = array<i32>} : memref<288x128xf32, #tpu.memory_space<vmem>>, vector<1x16xf32>,
        %parallel_loop3A_635 = vector.shape_cast %parallel_loop3A_634 : vector<1x16xf32> to vector<16xf32>
        %parallel_loop3A_636 = arith.constant 5 : i32
        %parallel_loop3A_637 = arith.addi %parallel_loop3A_203, %parallel_loop3A_636 : i32
        %parallel_loop3A_638 = arith.index_cast %parallel_loop3A_637 : i32 to index
        %parallel_loop3A_639 = arith.constant 96 : index
        %parallel_loop3A_640 = tpu.vector_load %arg8[%parallel_loop3A_638, %parallel_loop3A_639] {strides = array<i32>} : memref<288x128xf32, #tpu.memory_space<vmem>>, vector<1x16xf32>,
        %parallel_loop3A_641 = vector.shape_cast %parallel_loop3A_640 : vector<1x16xf32> to vector<16xf32>
        %parallel_loop3A_642 = arith.constant 6 : i32
        %parallel_loop3A_643 = arith.addi %parallel_loop3A_203, %parallel_loop3A_642 : i32
        %parallel_loop3A_644 = arith.index_cast %parallel_loop3A_643 : i32 to index
        %parallel_loop3A_645 = arith.constant 96 : index
        %parallel_loop3A_646 = tpu.vector_load %arg8[%parallel_loop3A_644, %parallel_loop3A_645] {strides = array<i32>} : memref<288x128xf32, #tpu.memory_space<vmem>>, vector<1x16xf32>,
        %parallel_loop3A_647 = vector.shape_cast %parallel_loop3A_646 : vector<1x16xf32> to vector<16xf32>
        %parallel_loop3A_648 = arith.constant 7 : i32
        %parallel_loop3A_649 = arith.addi %parallel_loop3A_203, %parallel_loop3A_648 : i32
        %parallel_loop3A_650 = arith.index_cast %parallel_loop3A_649 : i32 to index
        %parallel_loop3A_651 = arith.constant 96 : index
        %parallel_loop3A_652 = tpu.vector_load %arg8[%parallel_loop3A_650, %parallel_loop3A_651] {strides = array<i32>} : memref<288x128xf32, #tpu.memory_space<vmem>>, vector<1x16xf32>,
        %parallel_loop3A_653 = vector.shape_cast %parallel_loop3A_652 : vector<1x16xf32> to vector<16xf32>
        %parallel_loop3A_654 = arith.constant 8 : i32
        %parallel_loop3A_655 = arith.addi %parallel_loop3A_203, %parallel_loop3A_654 : i32
        %parallel_loop3A_656 = arith.index_cast %parallel_loop3A_655 : i32 to index
        %parallel_loop3A_657 = arith.constant 96 : index
        %parallel_loop3A_658 = tpu.vector_load %arg8[%parallel_loop3A_656, %parallel_loop3A_657] {strides = array<i32>} : memref<288x128xf32, #tpu.memory_space<vmem>>, vector<1x16xf32>,
        %parallel_loop3A_659 = vector.shape_cast %parallel_loop3A_658 : vector<1x16xf32> to vector<16xf32>
        %parallel_loop3A_660 = arith.maximumf %parallel_loop3A_611, %parallel_loop3A_617 : vector<16xf32>
        %parallel_loop3A_661 = arith.maximumf %parallel_loop3A_623, %parallel_loop3A_629 : vector<16xf32>
        %parallel_loop3A_662 = arith.maximumf %parallel_loop3A_635, %parallel_loop3A_641 : vector<16xf32>
        %parallel_loop3A_663 = arith.maximumf %parallel_loop3A_647, %parallel_loop3A_653 : vector<16xf32>
        %parallel_loop3A_664 = arith.maximumf %parallel_loop3A_660, %parallel_loop3A_661 : vector<16xf32>
        %parallel_loop3A_665 = arith.maximumf %parallel_loop3A_662, %parallel_loop3A_663 : vector<16xf32>
        %parallel_loop3A_666 = arith.maximumf %parallel_loop3A_664, %parallel_loop3A_665 : vector<16xf32>
        %parallel_loop3A_667 = arith.maximumf %parallel_loop3A_666, %parallel_loop3A_659 : vector<16xf32>
        %parallel_loop3A_668 = arith.index_cast %parallel_loop3A_201 : i32 to index
        %parallel_loop3A_669 = arith.constant 96 : index
        %parallel_loop3A_670 = tpu.vector_load %arg10[%parallel_loop3A_668, %parallel_loop3A_669] {strides = array<i32>} : memref<32x128xf32, #tpu.memory_space<vmem>>, vector<1x16xf32>,
        %parallel_loop3A_671 = vector.shape_cast %parallel_loop3A_670 : vector<1x16xf32> to vector<16xf32>
        %parallel_loop3A_672 = vector.shape_cast %parallel_loop3A_667 : vector<16xf32> to vector<1x16xf32>
        tpu.vector_store %arg10[%parallel_loop3A_668, %parallel_loop3A_669], %parallel_loop3A_672 {strides = array<i32>} : memref<32x128xf32, #tpu.memory_space<vmem>>, vector<1x16xf32>,
        %parallel_loop3A_673 = arith.constant 0 : i32
        %parallel_loop3A_674 = arith.addi %parallel_loop3A_203, %parallel_loop3A_673 : i32
        %parallel_loop3A_675 = arith.index_cast %parallel_loop3A_674 : i32 to index
        %parallel_loop3A_676 = arith.constant 112 : index
        %parallel_loop3A_677 = tpu.vector_load %arg8[%parallel_loop3A_675, %parallel_loop3A_676] {strides = array<i32>} : memref<288x128xf32, #tpu.memory_space<vmem>>, vector<1x16xf32>,
        %parallel_loop3A_678 = vector.shape_cast %parallel_loop3A_677 : vector<1x16xf32> to vector<16xf32>
        %parallel_loop3A_679 = arith.constant 1 : i32
        %parallel_loop3A_680 = arith.addi %parallel_loop3A_203, %parallel_loop3A_679 : i32
        %parallel_loop3A_681 = arith.index_cast %parallel_loop3A_680 : i32 to index
        %parallel_loop3A_682 = arith.constant 112 : index
        %parallel_loop3A_683 = tpu.vector_load %arg8[%parallel_loop3A_681, %parallel_loop3A_682] {strides = array<i32>} : memref<288x128xf32, #tpu.memory_space<vmem>>, vector<1x16xf32>,
        %parallel_loop3A_684 = vector.shape_cast %parallel_loop3A_683 : vector<1x16xf32> to vector<16xf32>
        %parallel_loop3A_685 = arith.constant 2 : i32
        %parallel_loop3A_686 = arith.addi %parallel_loop3A_203, %parallel_loop3A_685 : i32
        %parallel_loop3A_687 = arith.index_cast %parallel_loop3A_686 : i32 to index
        %parallel_loop3A_688 = arith.constant 112 : index
        %parallel_loop3A_689 = tpu.vector_load %arg8[%parallel_loop3A_687, %parallel_loop3A_688] {strides = array<i32>} : memref<288x128xf32, #tpu.memory_space<vmem>>, vector<1x16xf32>,
        %parallel_loop3A_690 = vector.shape_cast %parallel_loop3A_689 : vector<1x16xf32> to vector<16xf32>
        %parallel_loop3A_691 = arith.constant 3 : i32
        %parallel_loop3A_692 = arith.addi %parallel_loop3A_203, %parallel_loop3A_691 : i32
        %parallel_loop3A_693 = arith.index_cast %parallel_loop3A_692 : i32 to index
        %parallel_loop3A_694 = arith.constant 112 : index
        %parallel_loop3A_695 = tpu.vector_load %arg8[%parallel_loop3A_693, %parallel_loop3A_694] {strides = array<i32>} : memref<288x128xf32, #tpu.memory_space<vmem>>, vector<1x16xf32>,
        %parallel_loop3A_696 = vector.shape_cast %parallel_loop3A_695 : vector<1x16xf32> to vector<16xf32>
        %parallel_loop3A_697 = arith.constant 4 : i32
        %parallel_loop3A_698 = arith.addi %parallel_loop3A_203, %parallel_loop3A_697 : i32
        %parallel_loop3A_699 = arith.index_cast %parallel_loop3A_698 : i32 to index
        %parallel_loop3A_700 = arith.constant 112 : index
        %parallel_loop3A_701 = tpu.vector_load %arg8[%parallel_loop3A_699, %parallel_loop3A_700] {strides = array<i32>} : memref<288x128xf32, #tpu.memory_space<vmem>>, vector<1x16xf32>,
        %parallel_loop3A_702 = vector.shape_cast %parallel_loop3A_701 : vector<1x16xf32> to vector<16xf32>
        %parallel_loop3A_703 = arith.constant 5 : i32
        %parallel_loop3A_704 = arith.addi %parallel_loop3A_203, %parallel_loop3A_703 : i32
        %parallel_loop3A_705 = arith.index_cast %parallel_loop3A_704 : i32 to index
        %parallel_loop3A_706 = arith.constant 112 : index
        %parallel_loop3A_707 = tpu.vector_load %arg8[%parallel_loop3A_705, %parallel_loop3A_706] {strides = array<i32>} : memref<288x128xf32, #tpu.memory_space<vmem>>, vector<1x16xf32>,
        %parallel_loop3A_708 = vector.shape_cast %parallel_loop3A_707 : vector<1x16xf32> to vector<16xf32>
        %parallel_loop3A_709 = arith.constant 6 : i32
        %parallel_loop3A_710 = arith.addi %parallel_loop3A_203, %parallel_loop3A_709 : i32
        %parallel_loop3A_711 = arith.index_cast %parallel_loop3A_710 : i32 to index
        %parallel_loop3A_712 = arith.constant 112 : index
        %parallel_loop3A_713 = tpu.vector_load %arg8[%parallel_loop3A_711, %parallel_loop3A_712] {strides = array<i32>} : memref<288x128xf32, #tpu.memory_space<vmem>>, vector<1x16xf32>,
        %parallel_loop3A_714 = vector.shape_cast %parallel_loop3A_713 : vector<1x16xf32> to vector<16xf32>
        %parallel_loop3A_715 = arith.constant 7 : i32
        %parallel_loop3A_716 = arith.addi %parallel_loop3A_203, %parallel_loop3A_715 : i32
        %parallel_loop3A_717 = arith.index_cast %parallel_loop3A_716 : i32 to index
        %parallel_loop3A_718 = arith.constant 112 : index
        %parallel_loop3A_719 = tpu.vector_load %arg8[%parallel_loop3A_717, %parallel_loop3A_718] {strides = array<i32>} : memref<288x128xf32, #tpu.memory_space<vmem>>, vector<1x16xf32>,
        %parallel_loop3A_720 = vector.shape_cast %parallel_loop3A_719 : vector<1x16xf32> to vector<16xf32>
        %parallel_loop3A_721 = arith.constant 8 : i32
        %parallel_loop3A_722 = arith.addi %parallel_loop3A_203, %parallel_loop3A_721 : i32
        %parallel_loop3A_723 = arith.index_cast %parallel_loop3A_722 : i32 to index
        %parallel_loop3A_724 = arith.constant 112 : index
        %parallel_loop3A_725 = tpu.vector_load %arg8[%parallel_loop3A_723, %parallel_loop3A_724] {strides = array<i32>} : memref<288x128xf32, #tpu.memory_space<vmem>>, vector<1x16xf32>,
        %parallel_loop3A_726 = vector.shape_cast %parallel_loop3A_725 : vector<1x16xf32> to vector<16xf32>
        %parallel_loop3A_727 = arith.maximumf %parallel_loop3A_678, %parallel_loop3A_684 : vector<16xf32>
        %parallel_loop3A_728 = arith.maximumf %parallel_loop3A_690, %parallel_loop3A_696 : vector<16xf32>
        %parallel_loop3A_729 = arith.maximumf %parallel_loop3A_702, %parallel_loop3A_708 : vector<16xf32>
        %parallel_loop3A_730 = arith.maximumf %parallel_loop3A_714, %parallel_loop3A_720 : vector<16xf32>
        %parallel_loop3A_731 = arith.maximumf %parallel_loop3A_727, %parallel_loop3A_728 : vector<16xf32>
        %parallel_loop3A_732 = arith.maximumf %parallel_loop3A_729, %parallel_loop3A_730 : vector<16xf32>
        %parallel_loop3A_733 = arith.maximumf %parallel_loop3A_731, %parallel_loop3A_732 : vector<16xf32>
        %parallel_loop3A_734 = arith.maximumf %parallel_loop3A_733, %parallel_loop3A_726 : vector<16xf32>
        %parallel_loop3A_735 = arith.index_cast %parallel_loop3A_201 : i32 to index
        %parallel_loop3A_736 = arith.constant 112 : index
        %parallel_loop3A_737 = tpu.vector_load %arg10[%parallel_loop3A_735, %parallel_loop3A_736] {strides = array<i32>} : memref<32x128xf32, #tpu.memory_space<vmem>>, vector<1x16xf32>,
        %parallel_loop3A_738 = vector.shape_cast %parallel_loop3A_737 : vector<1x16xf32> to vector<16xf32>
        %parallel_loop3A_739 = vector.shape_cast %parallel_loop3A_734 : vector<16xf32> to vector<1x16xf32>
        tpu.vector_store %arg10[%parallel_loop3A_735, %parallel_loop3A_736], %parallel_loop3A_739 {strides = array<i32>} : memref<32x128xf32, #tpu.memory_space<vmem>>, vector<1x16xf32>,
      } {sc.loop_unroll_factor = 2 : i64, sc.parallel_access}
      %mul3A_193 = arith.constant 32 : i32
      %mul3A_194 = arith.muli %add3A_142, %mul3A_193 : i32
      %add3A_195 = arith.addi %add3A, %mul3A_194 : i32
      %multiple_of3A_196 = tpu.assume_multiple %add3A_195, 8 : i32
      %dma_start3A_197 = arith.constant 0 : i32
      %dma_start3A_198 = tpu.memref_slice %arg4[%multiple_of3A_196, %dma_start3A_197] : memref<50176x128xf32, #tpu.memory_space<hbm>> -> memref<32x128xf32, #tpu.memory_space<hbm>>
      %dma_start3A_199 = arith.constant 0 : i32
      %dma_start3A_200 = tpu.memref_slice %arg4[%multiple_of3A_196, %dma_start3A_199] : memref<50176x128xf32, #tpu.memory_space<hbm>> -> memref<32x128xf32, #tpu.memory_space<hbm>>
      tpu.enqueue_dma source(%arg10 : memref<32x128xf32, #tpu.memory_space<vmem>>) target(%dma_start3A_200 : memref<32x128xf32, #tpu.memory_space<hbm>>) target_semaphore(%arg16 : memref<!tpu.dma_semaphore, #tpu.memory_space<semaphore_mem>>)
    }
    %dma_wait3A_72 = arith.constant 0 : i32
    %dma_wait3A_73 = arith.constant 0 : i32
    %dma_wait3A_74 = tpu.memref_slice %arg4[%dma_wait3A_72, %dma_wait3A_73] : memref<50176x128xf32, #tpu.memory_space<hbm>> -> memref<32x128xf32, #tpu.memory_space<hbm>>
    %dma_wait3A_75 = arith.constant 0 : i32
    %dma_wait3A_76 = arith.constant 0 : i32
    %dma_wait3A_77 = tpu.memref_slice %arg4[%dma_wait3A_75, %dma_wait3A_76] : memref<50176x128xf32, #tpu.memory_space<hbm>> -> memref<32x128xf32, #tpu.memory_space<hbm>>
    tpu.wait_dma2 semaphore(%arg15 : memref<!tpu.dma_semaphore, #tpu.memory_space<semaphore_mem>>) src(%arg9 : memref<32x128xf32, #tpu.memory_space<vmem>>) dst(%dma_wait3A_77 : memref<32x128xf32, #tpu.memory_space<hbm>>)
    %dma_wait3A_78 = arith.constant 0 : i32
    %dma_wait3A_79 = arith.constant 0 : i32
    %dma_wait3A_80 = tpu.memref_slice %arg4[%dma_wait3A_78, %dma_wait3A_79] : memref<50176x128xf32, #tpu.memory_space<hbm>> -> memref<32x128xf32, #tpu.memory_space<hbm>>
    %dma_wait3A_81 = arith.constant 0 : i32
    %dma_wait3A_82 = arith.constant 0 : i32
    %dma_wait3A_83 = tpu.memref_slice %arg4[%dma_wait3A_81, %dma_wait3A_82] : memref<50176x128xf32, #tpu.memory_space<hbm>> -> memref<32x128xf32, #tpu.memory_space<hbm>>
    tpu.wait_dma2 semaphore(%arg16 : memref<!tpu.dma_semaphore, #tpu.memory_space<semaphore_mem>>) src(%arg10 : memref<32x128xf32, #tpu.memory_space<vmem>>) dst(%dma_wait3A_83 : memref<32x128xf32, #tpu.memory_space<hbm>>)
    return
  }
}

module attributes {stable_mosaic.version = 14 : i64} {
  func.func @tc_fn(%arg0: i32, %arg1: memref<128x2048xf32, #tpu.memory_space<vmem>>, %arg2: memref<2048x128xf32, #tpu.memory_space<vmem>>, %arg3: memref<128x128xf32, #tpu.memory_space<vmem>>, %arg4: memref<128x128xf32, #tpu.memory_space<vmem>>, %arg5: memref<128x1xf32, #tpu.memory_space<vmem>>, %arg6: memref<128x2048xf32, #tpu.memory_space<vmem>>) attributes {dimension_semantics = [#tpu.dimension_semantics<arbitrary>], iteration_bounds = array<i64: 25>, scalar_prefetch = 0 : i64, scratch_operands = 0 : i64, tpu.core_type = #tpu.core_type<tc>, window_params = [{transform_indices = @transform_0, window_bounds = array<i64: 128, 2048>}, {transform_indices = @transform_1, window_bounds = array<i64: 2048, 128>}, {pipeline_mode = #tpu.pipeline_mode<synchronous>, transform_indices = @transform_2, window_bounds = array<i64: 128, 128>}, {pipeline_mode = #tpu.pipeline_mode<synchronous>, transform_indices = @transform_3, window_bounds = array<i64: 128, 128>}, {pipeline_mode = #tpu.pipeline_mode<synchronous>, transform_indices = @transform_4, window_bounds = array<i64: 128, 1>}, {transform_indices = @transform_5, window_bounds = array<i64: 128, 2048>}]} {
    %get3A = arith.constant 0 : index
    %get3A_0 = arith.constant 0 : index
    %get3A_1 = vector.load %arg3[%get3A, %get3A_0] : memref<128x128xf32, #tpu.memory_space<vmem>>, vector<128x128xf32>
    %get3A_2 = arith.constant 0 : index
    %get3A_3 = arith.constant 0 : index
    %get3A_4 = vector.load %arg1[%get3A_2, %get3A_3] : memref<128x2048xf32, #tpu.memory_space<vmem>>, vector<128x2048xf32>
    %dot_general3A = arith.constant dense<0.000000e+00> : vector<128x2048xf32>
    %dot_general3A_5 = tpu.matmul %get3A_1, %get3A_4, %dot_general3A {dimension_numbers = #tpu.dot_dimension_numbers<[1], [0], [0], [1], [0, 0, 1, 1], [], []>, transpose_lhs_hint = false} : vector<128x128xf32>, vector<128x2048xf32>, vector<128x2048xf32> -> vector<128x2048xf32>
    %get3A_6 = arith.constant 0 : index
    %get3A_7 = arith.constant 0 : index
    %get3A_8 = vector.load %arg4[%get3A_6, %get3A_7] : memref<128x128xf32, #tpu.memory_space<vmem>>, vector<128x128xf32>
    %get3A_9 = arith.constant 0 : index
    %get3A_10 = arith.constant 0 : index
    %get3A_11 = vector.load %arg2[%get3A_9, %get3A_10] : memref<2048x128xf32, #tpu.memory_space<vmem>>, vector<2048x128xf32>
    %dot_general3A_12 = arith.constant dense<0.000000e+00> : vector<128x2048xf32>
    %dot_general3A_13 = tpu.matmul %get3A_8, %get3A_11, %dot_general3A_12 {dimension_numbers = #tpu.dot_dimension_numbers<[1], [1], [0], [0], [0, 0, 1, 0], [], []>, transpose_lhs_hint = false} : vector<128x128xf32>, vector<2048x128xf32>, vector<128x2048xf32> -> vector<128x2048xf32>
    %add3A = arith.addf %dot_general3A_5, %dot_general3A_13 : vector<128x2048xf32>
    %get3A_14 = arith.constant 0 : index
    %get3A_15 = arith.constant 0 : index
    %get3A_16 = vector.load %arg5[%get3A_14, %get3A_15] : memref<128x1xf32, #tpu.memory_space<vmem>>, vector<128x1xf32>
    %add3A_17 = vector.broadcast %get3A_16 : vector<128x1xf32> to vector<128x2048xf32>
    %add3A_18 = arith.addf %add3A, %add3A_17 : vector<128x2048xf32>
    %max3A = arith.constant 0.000000e+00 : f32
    %max3A_19 = vector.broadcast %max3A : f32 to vector<128x2048xf32>
    %max3A_20 = arith.maximumf %add3A_18, %max3A_19 : vector<128x2048xf32>
    %swap3A = arith.constant 0 : index
    %swap3A_21 = arith.constant 0 : index
    %swap3A_22 = vector.load %arg6[%swap3A, %swap3A_21] : memref<128x2048xf32, #tpu.memory_space<vmem>>, vector<128x2048xf32>
    tpu.vector_store %arg6[%swap3A, %swap3A_21], %max3A_20 {strides = array<i32>} : memref<128x2048xf32, #tpu.memory_space<vmem>>, vector<128x2048xf32>,
    return
  }
  func.func @transform_0(%arg0: i32) -> (i32, i32) {
    %c0_i32 = arith.constant 0 : i32
    %c0_i32_0 = arith.constant 0 : i32
    return %c0_i32, %arg0 : i32, i32
  }
  func.func @transform_1(%arg0: i32) -> (i32, i32) {
    %c0_i32 = arith.constant 0 : i32
    %c0_i32_0 = arith.constant 0 : i32
    return %arg0, %c0_i32 : i32, i32
  }
  func.func @transform_2(%arg0: i32) -> (i32, i32) {
    %c0_i32 = arith.constant 0 : i32
    %c0_i32_0 = arith.constant 0 : i32
    %c0_i32_1 = arith.constant 0 : i32
    return %c0_i32, %c0_i32_0 : i32, i32
  }
  func.func @transform_3(%arg0: i32) -> (i32, i32) {
    %c0_i32 = arith.constant 0 : i32
    %c0_i32_0 = arith.constant 0 : i32
    %c0_i32_1 = arith.constant 0 : i32
    return %c0_i32, %c0_i32_0 : i32, i32
  }
  func.func @transform_4(%arg0: i32) -> (i32, i32) {
    %c0_i32 = arith.constant 0 : i32
    %c0_i32_0 = arith.constant 0 : i32
    %c0_i32_1 = arith.constant 0 : i32
    return %c0_i32, %c0_i32_0 : i32, i32
  }
  func.func @transform_5(%arg0: i32) -> (i32, i32) {
    %c0_i32 = arith.constant 0 : i32
    %c0_i32_0 = arith.constant 0 : i32
    return %c0_i32, %arg0 : i32, i32
  }
}

</mosaic_0001>

<sc_bundles>
// kernel: kernel.4.cloned.1.call-start
scs
__scs_entry_jumppad:
0x0: {  	(pc) =	sbr.rel $0x88, $3  }
0x1: {  	(tag) =	ssettag $0x0;
	lr =	simm.s32 $0x1  }
0x2: {  	[smem:$0x3F9D] =	sst lr;
	_ =	strace $0xD0000000  }
0x3: {  	_ = 	snop  }
0x4: {  	_ = 	snop  }
0x5: {  	_ = 	snop  }
0x6: {  	_ = 	snop  }
0x7: {  	_ = 	snop  }
__scs_overlays_trampoline_lowered:
0x8: {  	[smem:$0x3FAC] =	sst s0  }
0x9: {  	[smem:$0x3FAD] =	sst s1  }
0xa: {  	[smem:$0x3FAE] =	sst s2  }
0xb: {  	[smem:$0x3FAF] =	sst s3  }
0xc: {  	[smem:$0x3FB0] =	sst s4  }
0xd: {  	[smem:$0x3FB1] =	sst s5  }
0xe: {  	[smem:$0x3FB2] =	sst s6  }
0xf: {  	[smem:$0x3FB3] =	sst s7  }
0x10: {  	[smem:$0x3FB4] =	sst s8  }
0x11: {  	[smem:$0x3FB5] =	sst s9;
	s0 =	simm.s32 @!p0 $0x0  }
0x12: {  	s1 =	sld [smem:$0x3F9B];
	s0 =	simm.s32 @p0 $0x1  }
0x13: {  	[smem:$0x3FB6] =	sst s0;
	s0 =	simm.s32 @!p1 $0x0  }
0x14: {  	s2 =	sld [smem:$0x3F9A];
	s0 =	simm.s32 @p1 $0x1  }
0x15: {  	[smem:$0x3FB7] =	sst s0;
	s0 =	simm.s32 @!p2 $0x0  }
0x16: {  	s3 =	sld [smem:$0x3FDB];
	s0 =	simm.s32 @p2 $0x1  }
0x17: {  	s4 =	simm.s32 $0x1BF5;
	[smem:$0x3FB9] =	sst s0  }
0x18: {  	s0 =	sld [smem:$0x3F9C];
	_ =	swait.ge [sflag:s4], $0x0  }
0x19: {  	s7 =	sld [smem:$0x3F9D]  }
0x1a: {  	s8 =	sadd.s32 $0xFFFFE003, lr  }
0x1b: {  	s9 =	sadd.s32 $0xFFFFFEF7, lr;
	s5 =	simm.s32 $0xFFFFFFFF;
	p2 =	slt.u32 s8, $0xFFFFF086  }
0x1c: {  	p1 =	slt.u32 s9, $0xF7A;
	s5 =	simm.s32 @!p2 $0x0  }
0x1d: {  	s5 =	simm.s32 @p1 $0x1;
	p0 =	seq.s32 s7, s2  }
0x1e: {  	s7 =	smul.u32 @!p0 $0xF7A, s2;
	p2 =	seq.s32 @!p0 s5, $0x0  }
0x1f: {  	s9 =	smul.u32 $0xF7A, s1;
	s8 =	simm.s32 @!p0 $0x1BF5;
	p2 =	por !p2, p0  }
0x20: {  	[sflag:s8] =	ssyncset.s32 @!p0 $0xFFFFF086;
	s6 =	sadd.s32 @!p0 s3, s7;
	s7 =	simm.s32 @!p0 $0x108  }
0x21: {  	s3 =	sadd.s32 s3, s9;
	s6 =	sadd.s32 @!p0 $0x88, s6;
	s7 =	simm.s32 @p2 $0x1082  }
0x22: {  	[simem:s7], [sflag:s8] =	dma.local @!p0 [hbm:s6], $0xF7A  }
0x23: {  	s9 =	sor.u32 $0xD0000000, s2;
	s6 =	simm.s32 $0x108;
	_ =	swait.ge @!p0 [sflag:s8], $0x0  }
0x24: {  	s3 =	sadd.s32 $0x88, s3;
	s6 =	simm.s32 @!p1 $0x1082;
	[sflag:s4] =	ssyncset.s32 $0xFFFFF086  }
0x25: {  	[simem:s6], [sflag:s4] =	dma.local [hbm:s3], $0xF7A  }
0x26: {  	[smem:$0x3F9D] =	sst s1;
	(tag) =	ssettag s2;
	_ =	strace s9  }
0x27: {  	s1 =	sld [smem:$0x3FAD]  }
0x28: {  	s2 =	sld [smem:$0x3FAE]  }
0x29: {  	s4 =	sld [smem:$0x3FB0]  }
0x2a: {  	p0 =	seq.s32 s5, $0x0;
	s5 =	sld [smem:$0x3FB1]  }
0x2b: {  	s6 =	sld [smem:$0x3FB2]  }
0x2c: {  	s7 =	sld [smem:$0x3FB3]  }
0x2d: {  	s3 =	simm.s32 $0x108;
	s8 =	sld [smem:$0x3FB4]  }
0x2e: {  	s3 =	simm.s32 @!p0 $0x1082;
	s9 =	sld [smem:$0x3FB5]  }
0x2f: {  	lr =	sadd.s32 s0, s3;
	s0 =	sld [smem:$0x3FAC]  }
0x30: {  	s3 =	sld [smem:$0x3FAF]  }
0x31: {  	[smem:$0x3FB8] =	sst s10  }
0x32: {  	s10 =	sld [smem:$0x3FB6];
	_ =	sdelay $0x3  }
0x33: {  	p0 =	seq.s32 s10, $0x1;
	s10 =	sld [smem:$0x3FB8];
	_ =	sdelay $0x3  }
0x34: {  	[smem:$0x3FB8] =	sst s10  }
0x35: {  	s10 =	sld [smem:$0x3FB7];
	_ =	sdelay $0x3  }
0x36: {  	p1 =	seq.s32 s10, $0x1;
	s10 =	sld [smem:$0x3FB8];
	_ =	sdelay $0x3  }
0x37: {  	[smem:$0x3FB8] =	sst s10  }
0x38: {  	s10 =	sld [smem:$0x3FB9]  }
0x39: {  	_ = 	snop;
	(pc) =	sbr.ind lr, $3  }
0x3a: {  	_ = 	snop  }
0x3b: {  	_ = 	snop  }
0x3c: {  	p2 =	seq.s32 s10, $0x1;
	s10 =	sld [smem:$0x3FB8]  }
0x3d: {  	_ =	shalt  }
0x3e: {  	_ =	shalt  }
0x3f: {  	_ =	shalt  }
0x40: {  	_ =	shalt  }
0x41: {  	_ =	shalt  }
0x42: {  	_ =	shalt  }
0x43: {  	_ =	shalt  }
0x44: {  	_ =	shalt  }
0x45: {  	_ =	shalt  }
0x46: {  	_ =	shalt  }
0x47: {  	_ =	shalt  }
0x48: {  	_ =	shalt  }
0x49: {  	_ =	shalt  }
0x4a: {  	_ =	shalt  }
0x4b: {  	_ =	shalt  }
0x4c: {  	_ =	shalt  }
0x4d: {  	_ =	shalt  }
0x4e: {  	_ =	shalt  }
0x4f: {  	_ =	shalt  }
0x50: {  	_ =	shalt  }
0x51: {  	_ =	shalt  }
0x52: {  	_ =	shalt  }
0x53: {  	_ =	shalt  }
0x54: {  	_ =	shalt  }
0x55: {  	_ =	shalt  }
0x56: {  	_ =	shalt  }
0x57: {  	_ =	shalt  }
0x58: {  	_ =	shalt  }
0x59: {  	_ =	shalt  }
0x5a: {  	_ =	shalt  }
0x5b: {  	_ =	shalt  }
0x5c: {  	_ =	shalt  }
0x5d: {  	_ =	shalt  }
0x5e: {  	_ =	shalt  }
0x5f: {  	_ =	shalt  }
0x60: {  	_ =	shalt  }
0x61: {  	_ =	shalt  }
0x62: {  	_ =	shalt  }
0x63: {  	_ =	shalt  }
0x64: {  	_ =	shalt  }
0x65: {  	_ =	shalt  }
0x66: {  	_ =	shalt  }
0x67: {  	_ =	shalt  }
0x68: {  	_ =	shalt  }
0x69: {  	_ =	shalt  }
0x6a: {  	_ =	shalt  }
0x6b: {  	_ =	shalt  }
0x6c: {  	_ =	shalt  }
0x6d: {  	_ =	shalt  }
0x6e: {  	_ =	shalt  }
0x6f: {  	_ =	shalt  }
0x70: {  	_ =	shalt  }
0x71: {  	_ =	shalt  }
0x72: {  	_ =	shalt  }
0x73: {  	_ =	shalt  }
0x74: {  	_ =	shalt  }
0x75: {  	_ =	shalt  }
0x76: {  	_ =	shalt  }
0x77: {  	_ =	shalt  }
0x78: {  	_ =	shalt  }
0x79: {  	_ =	shalt  }
0x7a: {  	_ =	shalt  }
0x7b: {  	_ =	shalt  }
0x7c: {  	_ =	shalt  }
0x7d: {  	_ =	shalt  }
0x7e: {  	_ =	shalt  }
0x7f: {  	_ =	shalt  }
0x80: {  	_ =	shalt  }
0x81: {  	_ =	shalt  }
0x82: {  	_ =	shalt  }
0x83: {  	_ =	shalt  }
0x84: {  	_ =	shalt  }
0x85: {  	_ =	shalt  }
0x86: {  	_ =	shalt  }
0x87: {  	_ =	shalt  }
.Lfunc_end0:
.L_simem_size_0:
called_computation_lowered:
.L_overlay_start_0:
0x88: {  	s2 =	sld [smem:$0x3FD9]  }
0x89: {  	s3 =	sld [smem:$0x3FFE];
	_ =	sdelay $0x1  }
0x8a: {  	s1 =	srdreg.scid  }
0x8b: {  	s0 =	sand.u32 $0x1, s1  }
0x8c: {  	s17 =	sshll.u32 s0, $0xA;
	s2 =	sadd.s32 s3, s2  }
0x8d: {  	s2 =	sadd.s32 s2, s17  }
0x8e: {  	[smem:$0x3FC4] =	sst s2  }
0x8f: {  	_ = 	snop  }
0x90: {  	s2 =	sld [smem:$0x3FC9]  }
0x91: {  	s18 =	sld [smem:$0x3FD0];
	(tm) =	ssettm $0x1  }
0x92: {  	s4 =	sld [smem:$0x3FFB];
	_ =	sdelay $0x3  }
0x93: {  	_ =	strace s4  }
0x94: {  	s4 =	sld [smem:$0x3FFC];
	_ =	sdelay $0x3  }
0x95: {  	_ =	strace s4  }
0x96: {  	s4 =	sld [smem:$0x3FFD];
	_ =	sdelay $0x3  }
0x97: {  	_ =	strace s4  }
0x98: {  	_ =	strace $0x8FFFFFFF  }
0x99: {  	s19 =	sld [smem:$0x3FDB];
	_ =	sdelay $0x1  }
0x9a: {  	s5 =	simm.s32 $_scs_section_size  }
0x9b: {  	s6 =	simm.s32 $_size__tile_overlayer_lowered;
	s7 =	simm.s32 $_tile_overlayer_lowered  }
0x9c: {  	s22 =	simm.s32 $0x1BFF;
	s21 =	sshll.u32 s7, $0x1;
	s4 =	sadd.s32 s5, s19  }
0x9d: {  	s8 =	simm.s32 $0x0;
	s20 =	sshll.u32 s6, $0x1;
	s6 =	sadd.s32 s21, s4  }
0x9e: {  	[timem:s8], [sflag:s22] =	dma.local [hbm:s6], s20  }
0x9f: {  	_ =	swait.ge [sflag:s22], s20  }
0xa0: {  	s5 =	ssub.s32 $0x0, s20;
	[sflag:s22] =	ssyncset.done $0x0  }
0xa1: {  	[sflag:s22] =	ssyncadd.s32 s5;
	_ =	sdelay $0x1  }
0xa2: {  	s23 =	simm.s32 $0x1B8B  }
0xa3: {  	_ =	swait.ge [sflag:s23], $0x1  }
0xa4: {  	[sflag:s23] =	ssyncset.done $0x0  }
0xa5: {  	s25 =	simm.s32 $0x1B8E;
	s24 =	sld [smem:$0x3FFE];
	[sflag:s23] =	ssyncadd.s32 $0xFFFFFFFF  }
0xa6: {  	s26 =	simm.s32 $execute0_lowered;
	[smem:$0x3FD2] =	sst s25  }
0xa7: {  	s6 =	sshll.u32 s26, $0x1;
	_ =	strace $0x80000046;
	[dreg:$0x1] =	wrdreg $0xFFFFFFFF  }
0xa8: {  	s28 =	simm.s32 $_size_execute0_lowered;
	s4 =	sadd.s32 s4, s6;
	[dreg:$0x0] =	wrdreg $0x0  }
0xa9: {  	s6 =	sshll.u32 s28, $0x1;
	[dreg:$0x2] =	wrdreg s4  }
0xaa: {  	[dreg:$0x3] =	wrdreg s6  }
0xab: {  	[dreg:$0x4] =	wrdreg $0xC0  }
0xac: {  	_ =	task [dreg:s8], $0x5FFFF  }
0xad: {  	[dreg:$0x1] =	wrdreg $0xFFFFFFFF  }
0xae: {  	[dreg:$0x0] =	wrdreg $0x60  }
0xaf: {  	[dreg:$0x2] =	wrdreg s2  }
0xb0: {  	[dreg:$0x3] =	wrdreg s18  }
0xb1: {  	[dreg:$0x4] =	wrdreg s24  }
0xb2: {  	[dreg:$0x5] =	wrdreg $0x9  }
0xb3: {  	_ =	task.clear_ibuf [dreg:s8], $0x6FFFF;
	_ =	strace $0x90000046  }
0xb4: {  	s29 =	simm.s32 $0x9;
	_ =	strace $0x80000048  }
0xb5: {  	_ =	swait.ge [sflag:s29], $0x1  }
0xb6: {  	[sflag:s29] =	ssyncadd.s32 $0xFFFFFFFF  }
0xb7: {  	_ =	strace $0x90000048  }
0xb8: {  	_ =	sfence  }
0xb9: {  	s30 =	sld [smem:$0x0];
	_ =	sdelay $0x2  }
0xba: {  	s31 =	sshll.u32 s1, $0xD;
	s1 =	sshrl.u32 s1, $0x2  }
0xbb: {  	s3 =	sand.u32 $0x4000, s31;
	s1 =	sadd.s32 s1, s30  }
0xbc: {  	s0 =	sor.u32 s3, s0;
	s1 =	sshll.u32 s1, $0x11  }
0xbd: {  	s0 =	sor.u32 s1, s0  }
0xbe: {  	s0 =	sadd.s32 $0x8F2B, s0  }
0xbf: {  	[sflag:s0] =	ssyncadd.remote.s32 $0x1  }
0xc0: {  	_ =	sfence.sel $0xFFFF  }
0xc1: {  	[dreg:$0x0] =	wrdreg $0xFFFFFFFF;
	(pc) =	sbr.abs _section_cstart, $3  }
0xc2: {  	[dreg:$0x1] =	wrdreg $0xFFFFFFFF  }
0xc3: {  	_ =	task.clear_ibuf [dreg:s8], $0x2FFFF;
	_ =	strace $0x9FFFFFFF  }
0xc4: {  	(tm) =	ssettm $0x7FFFFFFF  }
0xc5: {  	_ =	shalt  }
tec
execute0_lowered:
.L_overlay_start_1:
0x0: {  	(tag) =	ssettag $0x1  }
0x1: {  	s1 =	rddreg [dreg:$0x0]  }
0x2: {  	s0 =	srdreg.scid;
	s3 =	rddreg [dreg:$0x1]  }
0x3: {  	s2 =	stileid.u32;
	s6 =	rddreg [dreg:$0x2];
	s4 =	simm.s32 $0x0  }
0x4: {  	s13 =	simm.s32 $0x3;
	s14 =	simm.s32 $0x80;
	s20 =	simm.s32 $0x180  }
0x5: {  	s21 =	simm.s32 $0x1;
	s22 =	simm.s32 $0x12300;
	s23 =	simm.s32 $0x2  }
0x6: {  	s24 =	simm.s32 $0x13300;
	s0 =	sand.u32 $0x1, s0;
	s2 =	smul.u32 $0xC40, s2  }
0x7: {  	s25 =	simm.s32 $0x5;
	s26 =	simm.s32 $0x6;
	s5 =	smul.u32 $0x880, s0  }
0x8: {  	s28 =	simm.s32 $0x0;
	[smem:$0x7FF] =	sst s4;
	s6 =	sadd.s32 $0x2600, s6  }
0x9: {  	s7 =	ssub.s32 $0x2, s0;
	_ =	strace $0x80000047;
	s5 =	sadd.s32 s5, s2  }
0xa: {  	p0 =	seq.s32 s0, $0x0;
	s29 =	sshrl.u32 s7, $0x1;
	s8 =	smul.u32 $0x9, s5  }
0xb: {  	s2 =	ssub.s32 s7, s29;
	s7 =	simm.s32 $0x44;
	s31 =	sshrl.u32 s5, $0x3  }
0xc: {  	s9 =	sadd.s32 s3, s5;
	s7 =	simm.s32 @!p0 $0x1E;
	s30 =	sshrl.u32 s8, $0x3  }
0xd: {  	s11 =	sshll.u32 s5, $0x7;
	s12 =	smax.u32 s2, $0x1;
	s0 =	sadd.s32 s3, s30  }
0xe: {  	s10 =	sshrl.u32 s7, $0x1;
	s8 =	sadd.s32 s31, s9;
	s9 =	sadd.s32 $0x24, s0  }
.LBB2_1:
0xf: {  	[tilespmem:s4], [sflag:$0x3] =	stream.linear.gather [hbm4b:s8+s4], $0x120, $0x38;
	[tilespmem:$0x14300] =	vst v63  }
0x10: {  	_ =	swait.ge [sflag:s13], $0x120  }
0x11: {  	[sflag:s13] =	ssyncset.done $0x0  }
0x12: {  	s0 =	simm.s32 $0x300;
	[sflag:s13] =	ssyncadd.s32 $0xFFFFFEE0  }
0x13: {  	[tilespmem:s0], [sflag:$0x1] =	stream.indirect.gather [hbm4b:s1+s14], $0x80, s4, s14, $0xb8;
	[tilespmem:$0x14300] =	vst v63  }
0x14: {  	s30 =	simm.s32 $0x4300  }
0x15: {  	[tilespmem:s30], [sflag:$0x1] =	stream.indirect.gather [hbm4b:s1+s14], $0x80, s14, s14, $0xb8;
	[tilespmem:$0x14300] =	vst v63  }
0x16: {  	s31 =	simm.s32 $0x20;
	s2 =	simm.s32 $0x100;
	s15 =	simm.s32 $0x8300  }
0x17: {  	[tilespmem:s15], [sflag:$0x1] =	stream.indirect.gather [hbm4b:s1+s31], $0x80, s2, s31, $0xb8;
	[tilespmem:$0x14300] =	vst v63  }
0x18: {  	s29 =	simm.s32 $0x0  }
0x19: {  	[tilespmem:s20], [sflag:$0x4] =	stream.linear.gather [hbm4b:s9+s4], $0x120, $0x38;
	[tilespmem:$0x14300] =	vst v63  }
.LBB2_2:
0x1a: {  	s30 =	sshllo.u32 s29, $0x1  }
0x1b: {  	p0 =	sge.u32 s30, s7  }
0x1c: {  	s0 =	simm.s32 @!p0 $0x4  }
0x1d: {  	_ =	swait.ge @!p0 [sflag:s0], $0x120  }
0x1e: {  	s2 =	simm.s32 @!p0 $0x180;
	[sflag:s0] =	ssyncset.done @!p0 $0x0  }
0x1f: {  	s15 =	simm.s32 @!p0 $0x9300;
	[sflag:s0] =	ssyncadd.s32 @!p0 $0xFFFFFEE0;
	s0 =	simm.s32 @!p0 $0x80  }
0x20: {  	[tilespmem:s15], [sflag:$0x2] =	stream.indirect.gather @!p0 [hbm4b:s1+s0], $0x80, s2, s0, $0xb8;
	[tilespmem:$0x14300] =	vst v63  }
0x21: {  	s2 =	simm.s32 @!p0 $0x200;
	s15 =	simm.s32 @!p0 $0xD300  }
0x22: {  	[tilespmem:s15], [sflag:$0x2] =	stream.indirect.gather @!p0 [hbm4b:s1+s0], $0x80, s2, s0, $0xb8;
	[tilespmem:$0x14300] =	vst v63  }
0x23: {  	s0 =	simm.s32 @!p0 $0x20;
	s2 =	simm.s32 @!p0 $0x280;
	s15 =	simm.s32 @!p0 $0x11300  }
0x24: {  	[tilespmem:s15], [sflag:$0x2] =	stream.indirect.gather @!p0 [hbm4b:s1+s0], $0x80, s2, s0, $0xb8;
	[tilespmem:$0x14300] =	vst v63  }
0x25: {  	_ =	swait.ge [sflag:s21], $0x4000  }
0x26: {  	s31 =	sshll.u32 s29, $0x1;
	[sflag:s21] =	ssyncset.done $0x0  }
0x27: {  	s0 =	sadd.s32 $0x2, s31;
	[sflag:s21] =	ssyncadd.s32 $0xFFFFC000  }
0x28: {  	p1 =	sge.u32 s0, s7;
	_ =	swait.ge [sflag:s21], $0x4000  }
0x29: {  	s0 =	sshll.u32 @!p1 s0, $0x5;
	[sflag:s21] =	ssyncset.done $0x0  }
0x2a: {  	s0 =	sadd.s32 @!p1 s5, s0;
	[sflag:s21] =	ssyncadd.s32 $0xFFFFC000  }
0x2b: {  	s2 =	sshrl.u32 @!p1 s0, $0x3;
	_ =	swait.ge [sflag:s21], $0x1000  }
0x2c: {  	p0 =	seq.s32 s29, $0x0;
	s0 =	sadd.s32 @!p1 s2, s0;
	[sflag:s21] =	ssyncset.done $0x0  }
0x2d: {  	s2 =	simm.s32 @!p1 $0x0;
	s0 =	sadd.s32 @!p1 s3, s0;
	[sflag:s21] =	ssyncadd.s32 $0xFFFFF000  }
0x2e: {  	[tilespmem:s2], [sflag:$0x3] =	stream.linear.gather @!p1 [hbm4b:s0+s2], $0x120, $0x38;
	[tilespmem:$0x14300] =	vst v63  }
0x2f: {  	s0 =	simm.s32 @!p0 $0x5  }
0x30: {  	_ =	swait.ge @!p0 [sflag:s0], $0x1000  }
0x31: {  	[sflag:s0] =	ssyncset.done @!p0 $0x0  }
0x32: {  	s2 =	simm.s32 $0x780;
	[sflag:s0] =	ssyncadd.s32 @!p0 $0xFFFFF000  }
0x33: {  	v0 =	vld [tilespmem:s2+$0x0]  }
0x34: {  	v1 =	vld [tilespmem:s2+$0x80]  }
0x35: {  	v2 =	vld [tilespmem:s2+$0x100]  }
0x36: {  	v3 =	vld [tilespmem:s2+$0x180]  }
0x37: {  	v4 =	vld [tilespmem:s2+$0x200]  }
0x38: {  	v5 =	vld [tilespmem:s2+$0x280]  }
0x39: {  	v6 =	vld [tilespmem:s2+$0x300]  }
0x3a: {  	v7 =	vld [tilespmem:s2+$0x380]  }
0x3b: {  	v8 =	vld [tilespmem:s2+$0xFFFFFC00]  }
0x3c: {  	v9 =	vld [tilespmem:s2+$0xFFFFFC80]  }
0x3d: {  	v10 =	vld [tilespmem:s2+$0x400]  }
0x3e: {  	s15 =	simm.s32 $0x1080;
	v11 =	vld [tilespmem:s2+$0xFFFFFD00]  }
0x3f: {  	v16 =	vld [tilespmem:s15+$0x0]  }
0x40: {  	v17 =	vld [tilespmem:s15+$0x80]  }
0x41: {  	v18 =	vld [tilespmem:s15+$0x100]  }
0x42: {  	v19 =	vld [tilespmem:s15+$0x180]  }
0x43: {  	v20 =	vld [tilespmem:s15+$0x200]  }
0x44: {  	v21 =	vld [tilespmem:s15+$0x280];
	v0 =	vmax.f32 v0, v1  }
0x45: {  	v1 =	vld [tilespmem:s2+$0xFFFFFD80];
	v2 =	vmax.f32 v2, v3;
	v3 =	vmax.f32 v4, v5;
	v4 =	vmax.f32 v6, v7  }
0x46: {  	v5 =	vld [tilespmem:s2+$0xFFFFFE00];
	v0 =	vmax.f32 v0, v2;
	v2 =	vmax.f32 v3, v4  }
0x47: {  	v3 =	vld [tilespmem:s2+$0xFFFFFE80];
	v0 =	vmax.f32 v0, v2  }
0x48: {  	s0 =	simm.s32 $0x12380;
	v4 =	vld [tilespmem:s2+$0xFFFFFB80];
	v0 =	vmax.f32 v0, v10  }
0x49: {  	v2 =	vld [tilespmem:s2+$0xFFFFFF00];
	[tilespmem:s0+$0x0] =	vst v0  }
0x4a: {  	v0 =	vld [tilespmem:s2+$0x10]  }
0x4b: {  	v6 =	vld [tilespmem:s2+$0x90]  }
0x4c: {  	v7 =	vld [tilespmem:s2+$0x110]  }
0x4d: {  	v10 =	vld [tilespmem:s2+$0x190]  }
0x4e: {  	v12 =	vld [tilespmem:s2+$0x210]  }
0x4f: {  	v13 =	vld [tilespmem:s2+$0x290]  }
0x50: {  	v14 =	vld [tilespmem:s2+$0x310]  }
0x51: {  	v15 =	vld [tilespmem:s2+$0x390]  }
0x52: {  	v22 =	vld [tilespmem:s15+$0x300]  }
0x53: {  	v9 =	vmax.f32 v9, v11;
	v11 =	vld [tilespmem:s2+$0xFFFFFF80]  }
0x54: {  	v1 =	vmax.f32 v1, v5;
	v2 =	vmax.f32 v3, v2;
	v3 =	vmax.f32 v4, v8;
	v4 =	vld [tilespmem:s2+$0x410]  }
0x55: {  	v23 =	vld [tilespmem:s15+$0x380];
	v1 =	vmax.f32 v1, v2;
	v2 =	vmax.f32 v3, v9;
	v0 =	vmax.f32 v0, v6  }
0x56: {  	v24 =	vld [tilespmem:s15+$0xFFFFFC00];
	v3 =	vmax.f32 v7, v10;
	v5 =	vmax.f32 v12, v13;
	v6 =	vmax.f32 v14, v15  }
0x57: {  	v25 =	vld [tilespmem:s15+$0xFFFFFC80];
	v1 =	vmax.f32 v2, v1;
	v0 =	vmax.f32 v0, v3;
	v2 =	vmax.f32 v5, v6  }
0x58: {  	v26 =	vld [tilespmem:s15+$0x400];
	v1 =	vmax.f32 v1, v11;
	v0 =	vmax.f32 v0, v2  }
0x59: {  	v27 =	vld [tilespmem:s15+$0xFFFFFD00];
	[tilespmem:s0+$0xFFFFFF80] =	vst v1;
	v0 =	vmax.f32 v0, v4  }
0x5a: {  	v1 =	vld [tilespmem:s2+$0xFFFFFB90];
	[tilespmem:s0+$0x10] =	vst v0  }
0x5b: {  	v0 =	vld [tilespmem:s2+$0x20]  }
0x5c: {  	v2 =	vld [tilespmem:s2+$0xA0]  }
0x5d: {  	v3 =	vld [tilespmem:s2+$0x120]  }
0x5e: {  	v4 =	vld [tilespmem:s2+$0x1A0]  }
0x5f: {  	v5 =	vld [tilespmem:s2+$0x220]  }
0x60: {  	v6 =	vld [tilespmem:s2+$0x2A0]  }
0x61: {  	v7 =	vld [tilespmem:s2+$0x320]  }
0x62: {  	v8 =	vld [tilespmem:s2+$0x3A0]  }
0x63: {  	v9 =	vld [tilespmem:s2+$0xFFFFFC10]  }
0x64: {  	v10 =	vld [tilespmem:s2+$0xFFFFFC90]  }
0x65: {  	v11 =	vld [tilespmem:s2+$0x420]  }
0x66: {  	v38 =	vld [tilespmem:s2+$0xFFFFFD10];
	v0 =	vmax.f32 v0, v2  }
0x67: {  	v2 =	vld [tilespmem:s2+$0xFFFFFD90];
	v3 =	vmax.f32 v3, v4;
	v4 =	vmax.f32 v5, v6;
	v5 =	vmax.f32 v7, v8  }
0x68: {  	v6 =	vld [tilespmem:s2+$0xFFFFFE10];
	v0 =	vmax.f32 v0, v3;
	v3 =	vmax.f32 v4, v5  }
0x69: {  	v4 =	vld [tilespmem:s2+$0xFFFFFE90];
	v0 =	vmax.f32 v0, v3  }
0x6a: {  	v3 =	vld [tilespmem:s2+$0xFFFFFF10];
	v0 =	vmax.f32 v0, v11  }
0x6b: {  	v5 =	vld [tilespmem:s2+$0xFFFFFF90];
	[tilespmem:s0+$0x20] =	vst v0  }
0x6c: {  	v0 =	vld [tilespmem:s2+$0x30]  }
0x6d: {  	v7 =	vld [tilespmem:s2+$0xB0]  }
0x6e: {  	v1 =	vmax.f32 v1, v9;
	v8 =	vld [tilespmem:s2+$0x130]  }
0x6f: {  	v9 =	vmax.f32 v10, v38;
	v2 =	vmax.f32 v2, v6;
	v3 =	vmax.f32 v4, v3;
	v4 =	vld [tilespmem:s2+$0x1B0]  }
0x70: {  	v1 =	vmax.f32 v1, v9;
	v2 =	vmax.f32 v2, v3;
	v3 =	vld [tilespmem:s2+$0x230]  }
0x71: {  	v1 =	vmax.f32 v1, v2;
	v2 =	vld [tilespmem:s2+$0x2B0]  }
0x72: {  	v1 =	vmax.f32 v1, v5;
	v5 =	vld [tilespmem:s2+$0x330]  }
0x73: {  	[tilespmem:s0+$0xFFFFFF90] =	vst v1;
	v1 =	vld [tilespmem:s2+$0x3B0]  }
0x74: {  	v10 =	vld [tilespmem:s2+$0x430]  }
0x75: {  	v6 =	vld [tilespmem:s2+$0xFFFFFBA0]  }
0x76: {  	v9 =	vld [tilespmem:s2+$0xFFFFFC20]  }
0x77: {  	v0 =	vmax.f32 v0, v7;
	v11 =	vld [tilespmem:s2+$0xFFFFFCA0]  }
0x78: {  	v7 =	vld [tilespmem:s2+$0xFFFFFD20];
	v4 =	vmax.f32 v8, v4;
	v2 =	vmax.f32 v3, v2;
	v1 =	vmax.f32 v5, v1  }
0x79: {  	v0 =	vmax.f32 v0, v4;
	v4 =	vld [tilespmem:s2+$0xFFFFFF20];
	v1 =	vmax.f32 v2, v1  }
0x7a: {  	v3 =	vld [tilespmem:s2+$0xFFFFFDA0];
	v0 =	vmax.f32 v0, v1  }
0x7b: {  	v2 =	vld [tilespmem:s2+$0xFFFFFE20];
	v0 =	vmax.f32 v0, v10  }
0x7c: {  	v1 =	vld [tilespmem:s2+$0xFFFFFEA0];
	[tilespmem:s0+$0x30] =	vst v0  }
0x7d: {  	v0 =	vld [tilespmem:s2+$0x40]  }
0x7e: {  	v5 =	vld [tilespmem:s2+$0xC0]  }
0x7f: {  	v8 =	vld [tilespmem:s2+$0x140]  }
0x80: {  	v10 =	vld [tilespmem:s2+$0x1C0]  }
0x81: {  	v39 =	vld [tilespmem:s2+$0x240]  }
0x82: {  	v40 =	vld [tilespmem:s2+$0x2C0]  }
0x83: {  	v41 =	vld [tilespmem:s2+$0x340]  }
0x84: {  	v42 =	vld [tilespmem:s2+$0x3C0]  }
0x85: {  	v48 =	vld [tilespmem:s15+$0xFFFFFD80]  }
0x86: {  	v6 =	vmax.f32 v6, v9;
	v9 =	vld [tilespmem:s2+$0xFFFFFFA0]  }
0x87: {  	v7 =	vmax.f32 v11, v7;
	v2 =	vmax.f32 v3, v2;
	v3 =	vld [tilespmem:s2+$0x440];
	v1 =	vmax.f32 v1, v4  }
0x88: {  	v51 =	vld [tilespmem:s15+$0xFFFFFE00];
	v4 =	vmax.f32 v6, v7;
	v1 =	vmax.f32 v2, v1;
	v0 =	vmax.f32 v0, v5  }
0x89: {  	v53 =	vld [tilespmem:s15+$0xFFFFFE80];
	v2 =	vmax.f32 v8, v10;
	v5 =	vmax.f32 v39, v40;
	v6 =	vmax.f32 v41, v42  }
0x8a: {  	v54 =	vld [tilespmem:s15+$0xFFFFFF00];
	v1 =	vmax.f32 v4, v1;
	v0 =	vmax.f32 v0, v2;
	v2 =	vmax.f32 v5, v6  }
0x8b: {  	v55 =	vld [tilespmem:s15+$0xFFFFFB80];
	v1 =	vmax.f32 v1, v9;
	v0 =	vmax.f32 v0, v2  }
0x8c: {  	v60 =	vld [tilespmem:s15+$0xFFFFFF80];
	[tilespmem:s0+$0xFFFFFFA0] =	vst v1;
	v0 =	vmax.f32 v0, v3  }
0x8d: {  	v1 =	vld [tilespmem:s2+$0xFFFFFBB0];
	[tilespmem:s0+$0x40] =	vst v0  }
0x8e: {  	v0 =	vld [tilespmem:s2+$0x50]  }
0x8f: {  	v2 =	vld [tilespmem:s2+$0xD0]  }
0x90: {  	v3 =	vld [tilespmem:s2+$0x150]  }
0x91: {  	v4 =	vld [tilespmem:s2+$0x1D0]  }
0x92: {  	v5 =	vld [tilespmem:s2+$0x250]  }
0x93: {  	v6 =	vld [tilespmem:s2+$0x2D0]  }
0x94: {  	v7 =	vld [tilespmem:s2+$0x350]  }
0x95: {  	v8 =	vld [tilespmem:s2+$0x3D0]  }
0x96: {  	v9 =	vld [tilespmem:s2+$0xFFFFFC30]  }
0x97: {  	v10 =	vld [tilespmem:s2+$0xFFFFFCB0]  }
0x98: {  	v11 =	vld [tilespmem:s2+$0x450]  }
0x99: {  	v43 =	vld [tilespmem:s2+$0xFFFFFD30];
	v0 =	vmax.f32 v0, v2  }
0x9a: {  	v2 =	vld [tilespmem:s2+$0xFFFFFDB0];
	v3 =	vmax.f32 v3, v4;
	v4 =	vmax.f32 v5, v6;
	v5 =	vmax.f32 v7, v8  }
0x9b: {  	v6 =	vld [tilespmem:s2+$0xFFFFFE30];
	v0 =	vmax.f32 v0, v3;
	v3 =	vmax.f32 v4, v5  }
0x9c: {  	v4 =	vld [tilespmem:s2+$0xFFFFFEB0];
	v0 =	vmax.f32 v0, v3  }
0x9d: {  	v3 =	vld [tilespmem:s2+$0xFFFFFF30];
	v0 =	vmax.f32 v0, v11  }
0x9e: {  	v5 =	vld [tilespmem:s2+$0xFFFFFFB0];
	[tilespmem:s0+$0x50] =	vst v0  }
0x9f: {  	v0 =	vld [tilespmem:s2+$0x60]  }
0xa0: {  	v7 =	vld [tilespmem:s2+$0xE0]  }
0xa1: {  	v1 =	vmax.f32 v1, v9;
	v8 =	vld [tilespmem:s2+$0x160]  }
0xa2: {  	v9 =	vmax.f32 v10, v43;
	v2 =	vmax.f32 v2, v6;
	v3 =	vmax.f32 v4, v3;
	v4 =	vld [tilespmem:s2+$0x1E0]  }
0xa3: {  	v1 =	vmax.f32 v1, v9;
	v2 =	vmax.f32 v2, v3;
	v3 =	vld [tilespmem:s2+$0x260]  }
0xa4: {  	v1 =	vmax.f32 v1, v2;
	v2 =	vld [tilespmem:s2+$0x2E0]  }
0xa5: {  	v1 =	vmax.f32 v1, v5;
	v5 =	vld [tilespmem:s2+$0x360]  }
0xa6: {  	[tilespmem:s0+$0xFFFFFFB0] =	vst v1;
	v1 =	vld [tilespmem:s2+$0x3E0]  }
0xa7: {  	v6 =	vld [tilespmem:s2+$0xFFFFFBC0]  }
0xa8: {  	v9 =	vld [tilespmem:s2+$0xFFFFFC40]  }
0xa9: {  	v16 =	vmax.f32 v16, v17;
	v18 =	vmax.f32 v18, v19;
	v49 =	vmax.f32 v20, v21;
	v11 =	vld [tilespmem:s2+$0xFFFFFCC0]  }
0xaa: {  	v50 =	vmax.f32 v22, v23;
	v0 =	vmax.f32 v0, v7;
	v7 =	vld [tilespmem:s2+$0xFFFFFD40];
	v4 =	vmax.f32 v8, v4  }
0xab: {  	v16 =	vmax.f32 v16, v18;
	v52 =	vmax.f32 v49, v50;
	v0 =	vmax.f32 v0, v4;
	v4 =	vld [tilespmem:s2+$0xFFFFFEC0]  }
0xac: {  	v16 =	vmax.f32 v16, v52;
	v2 =	vmax.f32 v3, v2;
	v3 =	vld [tilespmem:s2+$0xFFFFFDC0]  }
0xad: {  	s16 =	simm.s32 $0x12480;
	v16 =	vmax.f32 v16, v26;
	v1 =	vmax.f32 v5, v1;
	v5 =	vld [tilespmem:s2+$0xFFFFFF40]  }
0xae: {  	[tilespmem:s16+$0x0] =	vst v16;
	v1 =	vmax.f32 v2, v1;
	v2 =	vld [tilespmem:s2+$0xFFFFFE40]  }
0xaf: {  	v16 =	vld [tilespmem:s15+$0x10]  }
0xb0: {  	v56 =	vld [tilespmem:s15+$0x90]  }
0xb1: {  	v8 =	vld [tilespmem:s2+$0xFFFFFFC0]  }
0xb2: {  	v57 =	vld [tilespmem:s15+$0x110];
	v6 =	vmax.f32 v6, v9  }
0xb3: {  	v58 =	vld [tilespmem:s15+$0x190];
	v7 =	vmax.f32 v11, v7;
	v4 =	vmax.f32 v4, v5;
	v9 =	vmax.f32 v3, v2  }
0xb4: {  	v28 =	vld [tilespmem:s15+$0x210];
	v5 =	vmax.f32 v6, v7;
	v6 =	vmax.f32 v9, v4  }
0xb5: {  	v29 =	vld [tilespmem:s15+$0x290];
	v6 =	vmax.f32 v5, v6  }
0xb6: {  	v10 =	vld [tilespmem:s2+$0x460];
	v7 =	vmax.f32 v6, v8  }
0xb7: {  	v21 =	vld [tilespmem:s15+$0x410];
	[tilespmem:s0+$0xFFFFFFC0] =	vst v7  }
0xb8: {  	v7 =	vld [tilespmem:s2+$0xFFFFFBD0]  }
0xb9: {  	v8 =	vld [tilespmem:s2+$0xFFFFFC50]  }
0xba: {  	v0 =	vmax.f32 v0, v1;
	v9 =	vld [tilespmem:s2+$0xFFFFFCD0]  }
0xbb: {  	v0 =	vmax.f32 v0, v10;
	v10 =	vld [tilespmem:s2+$0xFFFFFD50]  }
0xbc: {  	v11 =	vld [tilespmem:s2+$0xFFFFFDD0]  }
0xbd: {  	v44 =	vld [tilespmem:s2+$0xFFFFFE50]  }
0xbe: {  	v45 =	vld [tilespmem:s2+$0xFFFFFED0]  }
0xbf: {  	[tilespmem:s0+$0x60] =	vst v0;
	v46 =	vld [tilespmem:s2+$0xFFFFFF50]  }
0xc0: {  	v0 =	vld [tilespmem:s2+$0x70]  }
0xc1: {  	v1 =	vld [tilespmem:s2+$0xF0]  }
0xc2: {  	v47 =	vld [tilespmem:s2+$0xFFFFFFD0]  }
0xc3: {  	v2 =	vld [tilespmem:s2+$0x170];
	v7 =	vmax.f32 v7, v8  }
0xc4: {  	v3 =	vld [tilespmem:s2+$0x1F0];
	v8 =	vmax.f32 v9, v10;
	v9 =	vmax.f32 v11, v44;
	v10 =	vmax.f32 v45, v46  }
0xc5: {  	v4 =	vld [tilespmem:s2+$0x270];
	v7 =	vmax.f32 v7, v8;
	v9 =	vmax.f32 v9, v10  }
0xc6: {  	v59 =	vmax.f32 v25, v27;
	v61 =	vmax.f32 v48, v51;
	v5 =	vld [tilespmem:s2+$0x2F0];
	v7 =	vmax.f32 v7, v9  }
0xc7: {  	v62 =	vmax.f32 v53, v54;
	v63 =	vmax.f32 v55, v24;
	v6 =	vld [tilespmem:s2+$0x370];
	v9 =	vmax.f32 v7, v47  }
0xc8: {  	v12 =	vmax.f32 v63, v59;
	v11 =	vld [tilespmem:s15+$0x310];
	[tilespmem:s0+$0xFFFFFFD0] =	vst v9;
	v9 =	vmax.f32 v61, v62  }
0xc9: {  	v10 =	vld [tilespmem:s15+$0x390];
	v9 =	vmax.f32 v12, v9  }
0xca: {  	v15 =	vld [tilespmem:s2+$0xFFFFFBE0];
	v9 =	vmax.f32 v9, v60  }
0xcb: {  	v14 =	vld [tilespmem:s2+$0xFFFFFCE0];
	[tilespmem:s16+$0xFFFFFF80] =	vst v9  }
0xcc: {  	v35 =	vld [tilespmem:s15+$0xFFFFFC10]  }
0xcd: {  	v24 =	vmax.f32 v16, v56;
	v36 =	vld [tilespmem:s15+$0xFFFFFC90]  }
0xce: {  	v25 =	vmax.f32 v57, v58;
	v26 =	vmax.f32 v28, v29;
	v10 =	vmax.f32 v11, v10;
	v38 =	vld [tilespmem:s15+$0xFFFFFD10]  }
0xcf: {  	v27 =	vmax.f32 v24, v25;
	v10 =	vmax.f32 v26, v10;
	v39 =	vld [tilespmem:s15+$0xFFFFFD90]  }
0xd0: {  	v10 =	vmax.f32 v27, v10;
	v42 =	vld [tilespmem:s15+$0xFFFFFE10]  }
0xd1: {  	v44 =	vld [tilespmem:s15+$0xFFFFFE90];
	v9 =	vmax.f32 v10, v21  }
0xd2: {  	v10 =	vld [tilespmem:s15+$0xFFFFFB90];
	[tilespmem:s16+$0x10] =	vst v9  }
0xd3: {  	v9 =	vld [tilespmem:s15+$0x20]  }
0xd4: {  	v28 =	vld [tilespmem:s15+$0xA0]  }
0xd5: {  	v29 =	vld [tilespmem:s15+$0x120]  }
0xd6: {  	v30 =	vld [tilespmem:s15+$0x1A0]  }
0xd7: {  	v31 =	vld [tilespmem:s15+$0x220]  }
0xd8: {  	v32 =	vld [tilespmem:s15+$0x2A0]  }
0xd9: {  	v33 =	vld [tilespmem:s15+$0x320]  }
0xda: {  	v34 =	vld [tilespmem:s15+$0x3A0]  }
0xdb: {  	v45 =	vld [tilespmem:s15+$0xFFFFFF10]  }
0xdc: {  	v12 =	vld [tilespmem:s2+$0xFFFFFD60]  }
0xdd: {  	v37 =	vld [tilespmem:s15+$0x420];
	v49 =	vmax.f32 v36, v38  }
0xde: {  	v46 =	vld [tilespmem:s15+$0xFFFFFF90];
	v13 =	vmax.f32 v39, v42;
	v10 =	vmax.f32 v10, v35;
	v9 =	vmax.f32 v9, v28  }
0xdf: {  	v11 =	vld [tilespmem:s2+$0xFFFFFC60];
	v16 =	vmax.f32 v29, v30;
	v40 =	vmax.f32 v31, v32;
	v41 =	vmax.f32 v33, v34  }
0xe0: {  	v38 =	vld [tilespmem:s2+$0xFFFFFDE0];
	v9 =	vmax.f32 v9, v16;
	v43 =	vmax.f32 v40, v41;
	v16 =	vmax.f32 v44, v45  }
0xe1: {  	v42 =	vld [tilespmem:s2+$0xFFFFFEE0];
	v10 =	vmax.f32 v10, v49;
	v9 =	vmax.f32 v9, v43;
	v13 =	vmax.f32 v13, v16  }
0xe2: {  	v41 =	vld [tilespmem:s2+$0xFFFFFE60];
	v9 =	vmax.f32 v9, v37;
	v10 =	vmax.f32 v10, v13  }
0xe3: {  	[tilespmem:s16+$0x20] =	vst v9;
	v10 =	vmax.f32 v10, v46;
	v46 =	vld [tilespmem:s2+$0xFFFFFF60]  }
0xe4: {  	v9 =	vld [tilespmem:s15+$0x30]  }
0xe5: {  	v47 =	vld [tilespmem:s15+$0xB0]  }
0xe6: {  	v48 =	vld [tilespmem:s15+$0x130]  }
0xe7: {  	v50 =	vld [tilespmem:s15+$0x1B0]  }
0xe8: {  	v51 =	vld [tilespmem:s15+$0x230]  }
0xe9: {  	v52 =	vld [tilespmem:s15+$0x2B0]  }
0xea: {  	v53 =	vld [tilespmem:s15+$0x330]  }
0xeb: {  	[tilespmem:s16+$0xFFFFFF90] =	vst v10;
	v10 =	vld [tilespmem:s15+$0x3B0]  }
0xec: {  	v56 =	vld [tilespmem:s15+$0x430]  }
0xed: {  	v54 =	vld [tilespmem:s15+$0xFFFFFBA0]  }
0xee: {  	v55 =	vld [tilespmem:s15+$0xFFFFFC20]  }
0xef: {  	v57 =	vld [tilespmem:s15+$0xFFFFFCA0]  }
0xf0: {  	v58 =	vld [tilespmem:s15+$0xFFFFFD20]  }
0xf1: {  	v59 =	vld [tilespmem:s15+$0xFFFFFDA0];
	v9 =	vmax.f32 v9, v47  }
0xf2: {  	v60 =	vld [tilespmem:s15+$0xFFFFFE20];
	v17 =	vmax.f32 v48, v50;
	v13 =	vmax.f32 v51, v52;
	v10 =	vmax.f32 v53, v10  }
0xf3: {  	v61 =	vld [tilespmem:s15+$0xFFFFFF20];
	v9 =	vmax.f32 v9, v17;
	v10 =	vmax.f32 v13, v10  }
0xf4: {  	v37 =	vld [tilespmem:s15+$0xFFFFFFA0];
	v9 =	vmax.f32 v9, v10  }
0xf5: {  	v48 =	vld [tilespmem:s2+$0xFFFFFFE0];
	v9 =	vmax.f32 v9, v56  }
0xf6: {  	v10 =	vld [tilespmem:s15+$0xFFFFFEA0];
	[tilespmem:s16+$0x30] =	vst v9  }
0xf7: {  	v9 =	vld [tilespmem:s15+$0x40]  }
0xf8: {  	v62 =	vld [tilespmem:s15+$0xC0]  }
0xf9: {  	v63 =	vld [tilespmem:s15+$0x140]  }
0xfa: {  	v19 =	vmax.f32 v54, v55;
	v32 =	vld [tilespmem:s15+$0x1C0]  }
0xfb: {  	v20 =	vmax.f32 v57, v58;
	v13 =	vmax.f32 v59, v60;
	v33 =	vld [tilespmem:s15+$0x240];
	v10 =	vmax.f32 v10, v61  }
0xfc: {  	v39 =	vmax.f32 v19, v20;
	v34 =	vld [tilespmem:s15+$0x2C0];
	v10 =	vmax.f32 v13, v10  }
0xfd: {  	v35 =	vld [tilespmem:s15+$0x340];
	v10 =	vmax.f32 v39, v10  }
0xfe: {  	v36 =	vld [tilespmem:s15+$0x3C0];
	v10 =	vmax.f32 v10, v37  }
0xff: {  	v40 =	vld [tilespmem:s15+$0x440];
	[tilespmem:s16+$0xFFFFFFA0] =	vst v10  }
0x100: {  	v10 =	vld [tilespmem:s15+$0xFFFFFBB0]  }
0x101: {  	v12 =	vmax.f32 v14, v12;
	v49 =	vld [tilespmem:s15+$0xFFFFFC30]  }
0x102: {  	v11 =	vmax.f32 v15, v11;
	v16 =	vmax.f32 v42, v46;
	v59 =	vmax.f32 v38, v41;
	v57 =	vld [tilespmem:s15+$0xFFFFFCB0]  }
0x103: {  	v11 =	vmax.f32 v11, v12;
	v61 =	vmax.f32 v59, v16;
	v9 =	vmax.f32 v9, v62;
	v58 =	vld [tilespmem:s15+$0xFFFFFD30]  }
0x104: {  	v43 =	vmax.f32 v63, v32;
	v44 =	vmax.f32 v33, v34;
	v45 =	vmax.f32 v35, v36;
	v62 =	vld [tilespmem:s15+$0xFFFFFDB0]  }
0x105: {  	v11 =	vmax.f32 v11, v61;
	v9 =	vmax.f32 v9, v43;
	v47 =	vmax.f32 v44, v45;
	v63 =	vld [tilespmem:s15+$0xFFFFFE30]  }
0x106: {  	v11 =	vmax.f32 v11, v48;
	v9 =	vmax.f32 v9, v47;
	v29 =	vld [tilespmem:s15+$0xFFFFFEB0]  }
0x107: {  	[tilespmem:s0+$0xFFFFFFE0] =	vst v11;
	v31 =	vld [tilespmem:s15+$0xFFFFFF30];
	v9 =	vmax.f32 v9, v40  }
0x108: {  	v11 =	vld [tilespmem:s15+$0xFFFFFFB0];
	[tilespmem:s16+$0x40] =	vst v9  }
0x109: {  	v9 =	vld [tilespmem:s15+$0x50]  }
0x10a: {  	v50 =	vld [tilespmem:s15+$0xD0]  }
0x10b: {  	v51 =	vld [tilespmem:s15+$0x150]  }
0x10c: {  	v52 =	vld [tilespmem:s15+$0x1D0]  }
0x10d: {  	v53 =	vld [tilespmem:s15+$0x250]  }
0x10e: {  	v54 =	vld [tilespmem:s15+$0x2D0]  }
0x10f: {  	v55 =	vld [tilespmem:s15+$0x350]  }
0x110: {  	v56 =	vld [tilespmem:s15+$0x3D0]  }
0x111: {  	v8 =	vld [tilespmem:s2+$0x3F0];
	v10 =	vmax.f32 v10, v49  }
0x112: {  	v7 =	vld [tilespmem:s2+$0x470];
	v15 =	vmax.f32 v57, v58;
	v14 =	vmax.f32 v62, v63;
	v12 =	vmax.f32 v29, v31  }
0x113: {  	v60 =	vld [tilespmem:s15+$0x450];
	v10 =	vmax.f32 v10, v15;
	v12 =	vmax.f32 v14, v12  }
0x114: {  	v59 =	vld [tilespmem:s2+$0xFFFFFD70];
	v10 =	vmax.f32 v10, v12;
	v9 =	vmax.f32 v9, v50;
	v24 =	vmax.f32 v51, v52  }
0x115: {  	v58 =	vld [tilespmem:s2+$0xFFFFFCF0];
	v25 =	vmax.f32 v53, v54;
	v27 =	vmax.f32 v55, v56;
	v10 =	vmax.f32 v10, v11  }
0x116: {  	v54 =	vld [tilespmem:s2+$0xFFFFFC70];
	v9 =	vmax.f32 v9, v24;
	v30 =	vmax.f32 v25, v27;
	[tilespmem:s16+$0xFFFFFFB0] =	vst v10  }
0x117: {  	v9 =	vmax.f32 v9, v30;
	v38 =	vld [tilespmem:s15+$0xFFFFFBC0]  }
0x118: {  	v39 =	vld [tilespmem:s15+$0xFFFFFC40];
	v9 =	vmax.f32 v9, v60  }
0x119: {  	v41 =	vld [tilespmem:s15+$0xFFFFFCC0];
	[tilespmem:s16+$0x50] =	vst v9  }
0x11a: {  	v32 =	vld [tilespmem:s15+$0x60]  }
0x11b: {  	v33 =	vld [tilespmem:s15+$0xE0]  }
0x11c: {  	v34 =	vld [tilespmem:s15+$0x160]  }
0x11d: {  	v35 =	vld [tilespmem:s15+$0x1E0]  }
0x11e: {  	v36 =	vld [tilespmem:s15+$0x260]  }
0x11f: {  	v37 =	vld [tilespmem:s15+$0x2E0]  }
0x120: {  	v11 =	vld [tilespmem:s15+$0x360]  }
0x121: {  	v10 =	vld [tilespmem:s15+$0x3E0]  }
0x122: {  	v42 =	vld [tilespmem:s15+$0xFFFFFD40]  }
0x123: {  	v43 =	vld [tilespmem:s15+$0xFFFFFE40]  }
0x124: {  	v40 =	vld [tilespmem:s15+$0x460]  }
0x125: {  	v44 =	vld [tilespmem:s15+$0xFFFFFEC0];
	v17 =	vmax.f32 v32, v33  }
0x126: {  	v45 =	vld [tilespmem:s15+$0xFFFFFF40];
	v13 =	vmax.f32 v34, v35;
	v12 =	vmax.f32 v36, v37;
	v10 =	vmax.f32 v11, v10  }
0x127: {  	v53 =	vld [tilespmem:s15+$0xFFFFFFC0];
	v13 =	vmax.f32 v17, v13;
	v10 =	vmax.f32 v12, v10  }
0x128: {  	v60 =	vld [tilespmem:s2+$0xFFFFFDF0];
	v10 =	vmax.f32 v13, v10  }
0x129: {  	v9 =	vld [tilespmem:s2+$0xFFFFFBF0];
	v10 =	vmax.f32 v10, v40  }
0x12a: {  	v11 =	vld [tilespmem:s15+$0xFFFFFDC0];
	[tilespmem:s16+$0x60] =	vst v10  }
0x12b: {  	v10 =	vld [tilespmem:s15+$0x70]  }
0x12c: {  	v46 =	vld [tilespmem:s15+$0xF0]  }
0x12d: {  	v47 =	vld [tilespmem:s15+$0x170]  }
0x12e: {  	v48 =	vld [tilespmem:s15+$0x1F0]  }
0x12f: {  	v15 =	vmax.f32 v38, v39;
	v49 =	vld [tilespmem:s15+$0x270]  }
0x130: {  	v18 =	vmax.f32 v41, v42;
	v55 =	vmax.f32 v44, v45;
	v50 =	vld [tilespmem:s15+$0x2F0];
	v11 =	vmax.f32 v11, v43  }
0x131: {  	v57 =	vmax.f32 v15, v18;
	v51 =	vld [tilespmem:s15+$0x370];
	v11 =	vmax.f32 v11, v55  }
0x132: {  	v52 =	vld [tilespmem:s15+$0x3F0];
	v11 =	vmax.f32 v57, v11  }
0x133: {  	v56 =	vld [tilespmem:s15+$0x470];
	v11 =	vmax.f32 v11, v53  }
0x134: {  	[tilespmem:s16+$0xFFFFFFC0] =	vst v11;
	v11 =	vld [tilespmem:s2+$0xFFFFFE70]  }
0x135: {  	v0 =	vmax.f32 v0, v1;
	v61 =	vld [tilespmem:s15+$0xFFFFFBD0]  }
0x136: {  	v1 =	vmax.f32 v2, v3;
	v2 =	vmax.f32 v4, v5;
	v4 =	vmax.f32 v6, v8;
	v62 =	vld [tilespmem:s15+$0xFFFFFC50]  }
0x137: {  	v0 =	vmax.f32 v0, v1;
	v2 =	vmax.f32 v2, v4;
	v63 =	vld [tilespmem:s15+$0xFFFFFCD0]  }
0x138: {  	v0 =	vmax.f32 v0, v2;
	v8 =	vld [tilespmem:s15+$0xFFFFFD50]  }
0x139: {  	v0 =	vmax.f32 v0, v7;
	v1 =	vmax.f32 v10, v46;
	v5 =	vmax.f32 v47, v48;
	v3 =	vld [tilespmem:s15+$0xFFFFFDD0]  }
0x13a: {  	v6 =	vmax.f32 v49, v50;
	v10 =	vmax.f32 v51, v52;
	v1 =	vmax.f32 v1, v5;
	v5 =	vld [tilespmem:s15+$0xFFFFFE50]  }
0x13b: {  	[tilespmem:s0+$0x70] =	vst v0;
	v0 =	vmax.f32 v58, v59;
	v2 =	vmax.f32 v9, v54;
	v7 =	vld [tilespmem:s15+$0xFFFFFF50];
	v4 =	vmax.f32 v6, v10  }
0x13c: {  	v0 =	vmax.f32 v2, v0;
	v1 =	vmax.f32 v1, v4;
	v4 =	vld [tilespmem:s15+$0xFFFFFED0]  }
0x13d: {  	v2 =	vld [tilespmem:s2+$0xFFFFFEF0];
	v1 =	vmax.f32 v1, v56;
	v9 =	vmax.f32 v61, v62;
	v8 =	vmax.f32 v63, v8  }
0x13e: {  	s18 =	simm.s32 $0x2;
	s19 =	simm.s32 $0x1980;
	s17 =	simm.s32 $0x12480;
	v6 =	vld [tilespmem:s15+$0xFFFFFFD0];
	[tilespmem:s16+$0x70] =	vst v1;
	v1 =	vmax.f32 v60, v11;
	v8 =	vmax.f32 v9, v8  }
.LBB2_3:
0x13f: {  	v9 =	vld [tilespmem:s19+$0x0];
	v3 =	vmax.f32 v3, v5  }
0x140: {  	v5 =	vld [tilespmem:s19+$0x80]  }
0x141: {  	v10 =	vld [tilespmem:s19+$0x100];
	v4 =	vmax.f32 v4, v7  }
0x142: {  	v7 =	vld [tilespmem:s19+$0x180];
	v3 =	vmax.f32 v3, v4  }
0x143: {  	v4 =	vld [tilespmem:s19+$0x200];
	v3 =	vmax.f32 v8, v3  }
0x144: {  	v8 =	vld [tilespmem:s19+$0x280];
	v3 =	vmax.f32 v3, v6  }
0x145: {  	v6 =	vld [tilespmem:s19+$0x300];
	[tilespmem:s16+$0xFFFFFFD0] =	vst v3  }
0x146: {  	v3 =	vld [tilespmem:s19+$0x380]  }
0x147: {  	v11 =	vld [tilespmem:s19+$0xFFFFFC00]  }
0x148: {  	v12 =	vld [tilespmem:s19+$0xFFFFFC80]  }
0x149: {  	v13 =	vld [tilespmem:s19+$0x400]  }
0x14a: {  	v5 =	vmax.f32 v9, v5;
	v14 =	vld [tilespmem:s19+$0xFFFFFD00]  }
0x14b: {  	v7 =	vmax.f32 v10, v7;
	v4 =	vmax.f32 v4, v8;
	v9 =	vld [tilespmem:s19+$0xFFFFFD80];
	v3 =	vmax.f32 v6, v3  }
0x14c: {  	v5 =	vmax.f32 v5, v7;
	v6 =	vld [tilespmem:s19+$0xFFFFFE00];
	v3 =	vmax.f32 v4, v3  }
0x14d: {  	v4 =	vld [tilespmem:s19+$0xFFFFFE80];
	v3 =	vmax.f32 v5, v3  }
0x14e: {  	s16 =	sadd.s32 $0x100, s16;
	v5 =	vld [tilespmem:s19+$0xFFFFFF00];
	v3 =	vmax.f32 v3, v13  }
0x14f: {  	v7 =	vld [tilespmem:s19+$0xFFFFFB80];
	v8 =	vmax.f32 v12, v14;
	[tilespmem:s16+$0x0] =	vst v3  }
0x150: {  	v3 =	vld [tilespmem:s19+$0x10]  }
0x151: {  	v6 =	vmax.f32 v9, v6;
	v9 =	vld [tilespmem:s19+$0x90]  }
0x152: {  	v10 =	vld [tilespmem:s19+$0x110]  }
0x153: {  	v4 =	vmax.f32 v4, v5;
	v5 =	vld [tilespmem:s19+$0x190]  }
0x154: {  	v7 =	vmax.f32 v7, v11;
	v4 =	vmax.f32 v6, v4;
	v6 =	vld [tilespmem:s19+$0x210]  }
0x155: {  	v7 =	vmax.f32 v7, v8;
	v8 =	vld [tilespmem:s19+$0x290]  }
0x156: {  	v4 =	vmax.f32 v7, v4;
	v7 =	vld [tilespmem:s19+$0x310]  }
0x157: {  	v11 =	vld [tilespmem:s19+$0x390]  }
0x158: {  	v12 =	vld [tilespmem:s19+$0xFFFFFF80]  }
0x159: {  	v13 =	vld [tilespmem:s15+$0xFFFFFBE0]  }
0x15a: {  	v14 =	vld [tilespmem:s19+$0x410]  }
0x15b: {  	v3 =	vmax.f32 v3, v9;
	v9 =	vld [tilespmem:s15+$0xFFFFFC60]  }
0x15c: {  	v5 =	vmax.f32 v10, v5;
	v6 =	vmax.f32 v6, v8;
	v7 =	vmax.f32 v7, v11;
	v8 =	vld [tilespmem:s15+$0xFFFFFCE0]  }
0x15d: {  	v3 =	vmax.f32 v3, v5;
	v4 =	vmax.f32 v4, v12;
	v5 =	vmax.f32 v6, v7;
	v6 =	vld [tilespmem:s15+$0xFFFFFD60]  }
0x15e: {  	[tilespmem:s16+$0xFFFFFF80] =	vst v4;
	v3 =	vmax.f32 v3, v5;
	v4 =	vld [tilespmem:s15+$0xFFFFFDE0]  }
0x15f: {  	v5 =	vld [tilespmem:s19+$0xFFFFFB90];
	v3 =	vmax.f32 v3, v14  }
0x160: {  	v7 =	vld [tilespmem:s19+$0xFFFFFC10];
	[tilespmem:s16+$0x10] =	vst v3;
	v3 =	vmax.f32 v13, v9  }
0x161: {  	v9 =	vld [tilespmem:s19+$0x20]  }
0x162: {  	v10 =	vld [tilespmem:s19+$0xA0];
	v6 =	vmax.f32 v8, v6  }
0x163: {  	v8 =	vld [tilespmem:s19+$0x120];
	v3 =	vmax.f32 v3, v6  }
0x164: {  	v6 =	vld [tilespmem:s19+$0x1A0]  }
0x165: {  	v5 =	vmax.f32 v5, v7;
	v7 =	vld [tilespmem:s19+$0x220]  }
0x166: {  	v11 =	vld [tilespmem:s19+$0x2A0]  }
0x167: {  	v12 =	vld [tilespmem:s19+$0x320]  }
0x168: {  	v13 =	vld [tilespmem:s19+$0x3A0]  }
0x169: {  	v14 =	vld [tilespmem:s19+$0xFFFFFC90]  }
0x16a: {  	v15 =	vld [tilespmem:s19+$0xFFFFFD10]  }
0x16b: {  	v16 =	vld [tilespmem:s19+$0x420]  }
0x16c: {  	v9 =	vmax.f32 v9, v10;
	v17 =	vld [tilespmem:s19+$0xFFFFFD90]  }
0x16d: {  	v6 =	vmax.f32 v8, v6;
	v7 =	vmax.f32 v7, v11;
	v10 =	vld [tilespmem:s19+$0xFFFFFE10];
	v8 =	vmax.f32 v12, v13  }
0x16e: {  	v6 =	vmax.f32 v9, v6;
	v11 =	vld [tilespmem:s19+$0xFFFFFE90];
	v7 =	vmax.f32 v7, v8  }
0x16f: {  	v8 =	vld [tilespmem:s19+$0xFFFFFF10];
	v9 =	vmax.f32 v14, v15;
	v6 =	vmax.f32 v6, v7  }
0x170: {  	v7 =	vld [tilespmem:s19+$0xFFFFFF90];
	v5 =	vmax.f32 v5, v9;
	v6 =	vmax.f32 v6, v16  }
0x171: {  	[tilespmem:s16+$0x20] =	vst v6;
	v6 =	vld [tilespmem:s15+$0xFFFFFE60]  }
0x172: {  	v9 =	vmax.f32 v17, v10;
	v10 =	vld [tilespmem:s19+$0x30]  }
0x173: {  	v12 =	vld [tilespmem:s19+$0xB0]  }
0x174: {  	v8 =	vmax.f32 v11, v8;
	v11 =	vld [tilespmem:s19+$0x130]  }
0x175: {  	v8 =	vmax.f32 v9, v8;
	v9 =	vld [tilespmem:s19+$0x1B0]  }
0x176: {  	v5 =	vmax.f32 v5, v8;
	v8 =	vld [tilespmem:s19+$0x230];
	v4 =	vmax.f32 v4, v6  }
0x177: {  	s18 =	sadd.s32 $0x2, s18;
	v5 =	vmax.f32 v5, v7;
	v6 =	vld [tilespmem:s19+$0x2B0]  }
0x178: {  	p2 =	slt.u32 s18, $0x1E;
	[tilespmem:s16+$0xFFFFFF90] =	vst v5;
	v5 =	vld [tilespmem:s19+$0x330]  }
0x179: {  	v7 =	vld [tilespmem:s19+$0x3B0]  }
0x17a: {  	v13 =	vld [tilespmem:s19+$0xFFFFFBA0]  }
0x17b: {  	v14 =	vld [tilespmem:s19+$0xFFFFFC20]  }
0x17c: {  	v15 =	vld [tilespmem:s19+$0x430]  }
0x17d: {  	v10 =	vmax.f32 v10, v12;
	v16 =	vld [tilespmem:s19+$0xFFFFFCA0]  }
0x17e: {  	v9 =	vmax.f32 v11, v9;
	v6 =	vmax.f32 v8, v6;
	v12 =	vld [tilespmem:s19+$0xFFFFFD20];
	v5 =	vmax.f32 v5, v7  }
0x17f: {  	v8 =	vmax.f32 v10, v9;
	v7 =	vld [tilespmem:s19+$0xFFFFFDA0];
	v5 =	vmax.f32 v6, v5  }
0x180: {  	v6 =	vld [tilespmem:s19+$0xFFFFFE20];
	v9 =	vmax.f32 v13, v14;
	v5 =	vmax.f32 v8, v5  }
0x181: {  	v8 =	vld [tilespmem:s19+$0xFFFFFEA0];
	v5 =	vmax.f32 v5, v15  }
0x182: {  	v10 =	vld [tilespmem:s19+$0xFFFFFF20];
	[tilespmem:s16+$0x30] =	vst v5  }
0x183: {  	v5 =	vmax.f32 v16, v12;
	v11 =	vld [tilespmem:s19+$0x40]  }
0x184: {  	v5 =	vmax.f32 v9, v5;
	v9 =	vld [tilespmem:s19+$0xC0]  }
0x185: {  	v6 =	vmax.f32 v7, v6;
	v7 =	vld [tilespmem:s19+$0x140]  }
0x186: {  	v12 =	vld [tilespmem:s19+$0x1C0]  }
0x187: {  	v8 =	vmax.f32 v8, v10;
	v10 =	vld [tilespmem:s19+$0x240]  }
0x188: {  	v6 =	vmax.f32 v6, v8;
	v8 =	vld [tilespmem:s19+$0x2C0]  }
0x189: {  	v5 =	vmax.f32 v5, v6;
	v6 =	vld [tilespmem:s19+$0x340]  }
0x18a: {  	v13 =	vld [tilespmem:s19+$0x3C0]  }
0x18b: {  	v14 =	vld [tilespmem:s19+$0xFFFFFFA0]  }
0x18c: {  	v15 =	vld [tilespmem:s15+$0xFFFFFEE0]  }
0x18d: {  	v16 =	vld [tilespmem:s19+$0x440]  }
0x18e: {  	v9 =	vmax.f32 v11, v9;
	v11 =	vld [tilespmem:s15+$0xFFFFFF60]  }
0x18f: {  	v7 =	vmax.f32 v7, v12;
	v8 =	vmax.f32 v10, v8;
	v6 =	vmax.f32 v6, v13;
	v10 =	vld [tilespmem:s15+$0xFFFFFFE0]  }
0x190: {  	v7 =	vmax.f32 v9, v7;
	v5 =	vmax.f32 v5, v14;
	v6 =	vmax.f32 v8, v6;
	v8 =	vld [tilespmem:s2+$0xFFFFFF70]  }
0x191: {  	[tilespmem:s16+$0xFFFFFFA0] =	vst v5;
	v5 =	vmax.f32 v7, v6;
	v6 =	vld [tilespmem:s2+$0xFFFFFFF0];
	s2 =	smov.u32 s15;
	s15 =	smov.u32 s19  }
0x192: {  	v7 =	vld [tilespmem:s19+$0xFFFFFBB0];
	v5 =	vmax.f32 v5, v16  }
0x193: {  	v9 =	vld [tilespmem:s19+$0xFFFFFC30];
	[tilespmem:s16+$0x40] =	vst v5;
	v5 =	vmax.f32 v15, v11  }
0x194: {  	v11 =	vld [tilespmem:s19+$0x50];
	v4 =	vmax.f32 v4, v5  }
0x195: {  	v5 =	vld [tilespmem:s19+$0xD0];
	v3 =	vmax.f32 v3, v4;
	v2 =	vmax.f32 v2, v8  }
0x196: {  	v4 =	vld [tilespmem:s19+$0x150];
	v3 =	vmax.f32 v3, v10;
	v1 =	vmax.f32 v1, v2  }
0x197: {  	v2 =	vld [tilespmem:s19+$0x1D0];
	[tilespmem:s17+$0xFFFFFFE0] =	vst v3;
	v0 =	vmax.f32 v0, v1  }
0x198: {  	v1 =	vmax.f32 v7, v9;
	v3 =	vld [tilespmem:s19+$0x250];
	v0 =	vmax.f32 v0, v6  }
0x199: {  	v6 =	vld [tilespmem:s19+$0x2D0];
	[tilespmem:s0+$0xFFFFFFF0] =	vst v0;
	s0 =	smov.u32 s17;
	s17 =	smov.u32 s16  }
0x19a: {  	v0 =	vld [tilespmem:s19+$0x350]  }
0x19b: {  	v7 =	vld [tilespmem:s19+$0x3D0]  }
0x19c: {  	v8 =	vld [tilespmem:s19+$0xFFFFFCB0]  }
0x19d: {  	v9 =	vld [tilespmem:s19+$0xFFFFFD30]  }
0x19e: {  	v10 =	vld [tilespmem:s19+$0x450]  }
0x19f: {  	v5 =	vmax.f32 v11, v5;
	v12 =	vld [tilespmem:s19+$0xFFFFFDB0]  }
0x1a0: {  	v2 =	vmax.f32 v4, v2;
	v3 =	vmax.f32 v3, v6;
	v11 =	vld [tilespmem:s19+$0xFFFFFE30];
	v0 =	vmax.f32 v0, v7  }
0x1a1: {  	v2 =	vmax.f32 v5, v2;
	v4 =	vld [tilespmem:s19+$0xFFFFFEB0];
	v0 =	vmax.f32 v3, v0  }
0x1a2: {  	v3 =	vld [tilespmem:s19+$0xFFFFFF30];
	v5 =	vmax.f32 v8, v9;
	v0 =	vmax.f32 v2, v0  }
0x1a3: {  	v2 =	vld [tilespmem:s19+$0xFFFFFFB0];
	v1 =	vmax.f32 v1, v5;
	v0 =	vmax.f32 v0, v10  }
0x1a4: {  	[tilespmem:s16+$0x50] =	vst v0;
	v0 =	vld [tilespmem:s2+$0xFFFFFBF0]  }
0x1a5: {  	v5 =	vmax.f32 v12, v11;
	v6 =	vld [tilespmem:s19+$0x60]  }
0x1a6: {  	v7 =	vld [tilespmem:s19+$0xE0]  }
0x1a7: {  	v3 =	vmax.f32 v4, v3;
	v4 =	vld [tilespmem:s19+$0x160]  }
0x1a8: {  	v3 =	vmax.f32 v5, v3;
	v5 =	vld [tilespmem:s19+$0x1E0]  }
0x1a9: {  	v1 =	vmax.f32 v1, v3;
	v3 =	vld [tilespmem:s19+$0x260]  }
0x1aa: {  	v1 =	vmax.f32 v1, v2;
	v2 =	vld [tilespmem:s19+$0x2E0]  }
0x1ab: {  	[tilespmem:s16+$0xFFFFFFB0] =	vst v1;
	v1 =	vld [tilespmem:s19+$0x360]  }
0x1ac: {  	v8 =	vld [tilespmem:s19+$0x3E0]  }
0x1ad: {  	v9 =	vld [tilespmem:s19+$0xFFFFFBC0]  }
0x1ae: {  	v10 =	vld [tilespmem:s19+$0xFFFFFC40]  }
0x1af: {  	v11 =	vld [tilespmem:s19+$0x460]  }
0x1b0: {  	v6 =	vmax.f32 v6, v7;
	v12 =	vld [tilespmem:s19+$0xFFFFFCC0]  }
0x1b1: {  	v4 =	vmax.f32 v4, v5;
	v2 =	vmax.f32 v3, v2;
	v7 =	vld [tilespmem:s19+$0xFFFFFD40];
	v1 =	vmax.f32 v1, v8  }
0x1b2: {  	v4 =	vmax.f32 v6, v4;
	v3 =	vld [tilespmem:s19+$0xFFFFFDC0];
	v1 =	vmax.f32 v2, v1  }
0x1b3: {  	v2 =	vld [tilespmem:s19+$0xFFFFFE40];
	v5 =	vmax.f32 v9, v10;
	v1 =	vmax.f32 v4, v1  }
0x1b4: {  	v4 =	vld [tilespmem:s19+$0xFFFFFEC0];
	v1 =	vmax.f32 v1, v11  }
0x1b5: {  	v6 =	vld [tilespmem:s19+$0xFFFFFF40];
	[tilespmem:s16+$0x60] =	vst v1  }
0x1b6: {  	v1 =	vmax.f32 v12, v7;
	v7 =	vld [tilespmem:s19+$0x70]  }
0x1b7: {  	v1 =	vmax.f32 v5, v1;
	v5 =	vld [tilespmem:s19+$0xF0]  }
0x1b8: {  	v2 =	vmax.f32 v3, v2;
	v3 =	vld [tilespmem:s19+$0x170]  }
0x1b9: {  	v8 =	vld [tilespmem:s19+$0x1F0]  }
0x1ba: {  	v4 =	vmax.f32 v4, v6;
	v6 =	vld [tilespmem:s19+$0x270]  }
0x1bb: {  	v2 =	vmax.f32 v2, v4;
	v4 =	vld [tilespmem:s19+$0x2F0]  }
0x1bc: {  	v1 =	vmax.f32 v1, v2;
	v2 =	vld [tilespmem:s19+$0x370]  }
0x1bd: {  	v9 =	vld [tilespmem:s19+$0x3F0]  }
0x1be: {  	v10 =	vld [tilespmem:s19+$0xFFFFFFC0]  }
0x1bf: {  	v11 =	vld [tilespmem:s2+$0xFFFFFC70]  }
0x1c0: {  	v12 =	vld [tilespmem:s19+$0x470]  }
0x1c1: {  	v5 =	vmax.f32 v7, v5;
	v7 =	vld [tilespmem:s2+$0xFFFFFCF0]  }
0x1c2: {  	v3 =	vmax.f32 v3, v8;
	v4 =	vmax.f32 v6, v4;
	v2 =	vmax.f32 v2, v9;
	v6 =	vld [tilespmem:s2+$0xFFFFFD70]  }
0x1c3: {  	v3 =	vmax.f32 v5, v3;
	v1 =	vmax.f32 v1, v10;
	v2 =	vmax.f32 v4, v2;
	v4 =	vld [tilespmem:s2+$0xFFFFFDF0]  }
0x1c4: {  	[tilespmem:s16+$0xFFFFFFC0] =	vst v1;
	v1 =	vmax.f32 v3, v2;
	v2 =	vld [tilespmem:s2+$0xFFFFFE70];
	v0 =	vmax.f32 v0, v11  }
0x1c5: {  	v8 =	vld [tilespmem:s19+$0xFFFFFBD0];
	v1 =	vmax.f32 v1, v12  }
0x1c6: {  	v9 =	vld [tilespmem:s19+$0xFFFFFC50];
	[tilespmem:s16+$0x70] =	vst v1  }
0x1c7: {  	v10 =	vld [tilespmem:s19+$0xFFFFFCD0];
	v1 =	vmax.f32 v7, v6  }
0x1c8: {  	v11 =	vld [tilespmem:s19+$0xFFFFFD50];
	v0 =	vmax.f32 v0, v1  }
0x1c9: {  	v3 =	vld [tilespmem:s19+$0xFFFFFDD0];
	v1 =	vmax.f32 v4, v2  }
.Ltmp0:
0x1ca: {  	v5 =	vld [tilespmem:s19+$0xFFFFFE50];
	(pc) =	sbr.rel @p2 .LBB2_3-.Ltmp0, $4  }
0x1cb: {  	v4 =	vld [tilespmem:s19+$0xFFFFFED0];
	v2 =	vmax.f32 v8, v9  }
0x1cc: {  	v7 =	vld [tilespmem:s19+$0xFFFFFF50]  }
0x1cd: {  	v6 =	vld [tilespmem:s19+$0xFFFFFFD0];
	v8 =	vmax.f32 v10, v11  }
0x1ce: {  	s19 =	sadd.s32 $0x900, s19;
	v8 =	vmax.f32 v2, v8;
	v2 =	vld [tilespmem:s2+$0xFFFFFEF0]  }
0x1cf: {  	_ =	sdelay $0x1  }
0x1d0: {  	v3 =	vmax.f32 v3, v5;
	v4 =	vmax.f32 v4, v7  }
0x1d1: {  	v3 =	vmax.f32 v3, v4  }
0x1d2: {  	v3 =	vmax.f32 v8, v3  }
0x1d3: {  	v3 =	vmax.f32 v3, v6  }
0x1d4: {  	[tilespmem:s16+$0xFFFFFFD0] =	vst v3  }
0x1d5: {  	v3 =	vld [tilespmem:s15+$0xFFFFFBE0]  }
0x1d6: {  	v4 =	vld [tilespmem:s15+$0xFFFFFC60]  }
0x1d7: {  	v5 =	vld [tilespmem:s15+$0xFFFFFCE0]  }
0x1d8: {  	v6 =	vld [tilespmem:s15+$0xFFFFFD60]  }
0x1d9: {  	v7 =	vld [tilespmem:s15+$0xFFFFFDE0]  }
0x1da: {  	v8 =	vld [tilespmem:s15+$0xFFFFFE60]  }
0x1db: {  	v9 =	vld [tilespmem:s15+$0xFFFFFEE0]  }
0x1dc: {  	v10 =	vld [tilespmem:s15+$0xFFFFFF60];
	_ =	sdelay $0x2  }
0x1dd: {  	v11 =	vld [tilespmem:s15+$0xFFFFFFE0]  }
0x1de: {  	v3 =	vmax.f32 v3, v4  }
0x1df: {  	v4 =	vmax.f32 v5, v6;
	v5 =	vmax.f32 v7, v8;
	v6 =	vmax.f32 v9, v10  }
0x1e0: {  	v3 =	vmax.f32 v3, v4;
	v4 =	vmax.f32 v5, v6  }
0x1e1: {  	v3 =	vmax.f32 v3, v4  }
0x1e2: {  	v3 =	vmax.f32 v3, v11  }
0x1e3: {  	v4 =	vld [tilespmem:s2+$0xFFFFFF70];
	[tilespmem:s17+$0xFFFFFFE0] =	vst v3  }
0x1e4: {  	v3 =	vld [tilespmem:s15+$0xFFFFFBF0]  }
0x1e5: {  	v5 =	vld [tilespmem:s15+$0xFFFFFC70]  }
0x1e6: {  	v6 =	vld [tilespmem:s15+$0xFFFFFCF0]  }
0x1e7: {  	v7 =	vld [tilespmem:s15+$0xFFFFFD70]  }
0x1e8: {  	v8 =	vld [tilespmem:s15+$0xFFFFFDF0]  }
0x1e9: {  	v9 =	vld [tilespmem:s15+$0xFFFFFE70]  }
0x1ea: {  	v10 =	vld [tilespmem:s15+$0xFFFFFEF0]  }
0x1eb: {  	v11 =	vld [tilespmem:s15+$0xFFFFFF70];
	_ =	sdelay $0x1  }
0x1ec: {  	v12 =	vld [tilespmem:s2+$0xFFFFFFF0]  }
0x1ed: {  	v2 =	vmax.f32 v2, v4;
	v4 =	vld [tilespmem:s15+$0xFFFFFFF0]  }
0x1ee: {  	v1 =	vmax.f32 v1, v2;
	v2 =	vmax.f32 v3, v5  }
0x1ef: {  	v3 =	vmax.f32 v6, v7;
	v5 =	vmax.f32 v8, v9;
	v6 =	vmax.f32 v10, v11  }
0x1f0: {  	s18 =	sshll.u32 s29, $0xD;
	v0 =	vmax.f32 v0, v1;
	v1 =	vmax.f32 v2, v3;
	v2 =	vmax.f32 v5, v6  }
0x1f1: {  	s2 =	sadd.s32 s11, s18;
	v0 =	vmax.f32 v0, v12;
	v1 =	vmax.f32 v1, v2  }
0x1f2: {  	s19 =	sshrl.u32 s2, $0x3;
	[tilespmem:s0+$0xFFFFFFF0] =	vst v0;
	v0 =	vmax.f32 v1, v4  }
0x1f3: {  	s0 =	sadd.s32 s6, s19;
	[tilespmem:s17+$0xFFFFFFF0] =	vst v0  }
0x1f4: {  	[hbm4b:s0+s4] =	stream.linear.scatter [tilespmem:s22], [sflag:$0x5], $0x1000, $0x38;
	[tilespmem:$0x14300] =	vst v63  }
0x1f5: {  	s0 =	simm.s32 @!p1 $0x3  }
0x1f6: {  	_ =	swait.ge @!p1 [sflag:s0], $0x120  }
0x1f7: {  	s2 =	simm.s32 @!p1 $0x0;
	[sflag:s0] =	ssyncset.done @!p1 $0x0  }
0x1f8: {  	s15 =	simm.s32 @!p1 $0x300;
	[sflag:s0] =	ssyncadd.s32 @!p1 $0xFFFFFEE0;
	s0 =	simm.s32 @!p1 $0x80  }
0x1f9: {  	[tilespmem:s15], [sflag:$0x1] =	stream.indirect.gather @!p1 [hbm4b:s1+s0], $0x80, s2, s0, $0xb8;
	[tilespmem:$0x14300] =	vst v63  }
0x1fa: {  	s2 =	simm.s32 @!p1 $0x4300  }
0x1fb: {  	[tilespmem:s2], [sflag:$0x1] =	stream.indirect.gather @!p1 [hbm4b:s1+s0], $0x80, s0, s0, $0xb8;
	[tilespmem:$0x14300] =	vst v63  }
0x1fc: {  	s15 =	simm.s32 @!p1 $0x8300;
	s0 =	simm.s32 @!p1 $0x20;
	s2 =	simm.s32 @!p1 $0x100  }
0x1fd: {  	[tilespmem:s15], [sflag:$0x1] =	stream.indirect.gather @!p1 [hbm4b:s1+s0], $0x80, s2, s0, $0xb8;
	[tilespmem:$0x14300] =	vst v63  }
0x1fe: {  	_ =	swait.ge [sflag:s23], $0x4000  }
0x1ff: {  	[sflag:s23] =	ssyncset.done $0x0  }
0x200: {  	s0 =	sadd.s32 $0x3, s31;
	[sflag:s23] =	ssyncadd.s32 $0xFFFFC000  }
0x201: {  	p1 =	sge.u32 s0, s7;
	_ =	swait.ge [sflag:s23], $0x4000  }
0x202: {  	s0 =	sshll.u32 @!p1 s0, $0x5;
	[sflag:s23] =	ssyncset.done $0x0  }
0x203: {  	s0 =	sadd.s32 @!p1 s5, s0;
	[sflag:s23] =	ssyncadd.s32 $0xFFFFC000  }
0x204: {  	s2 =	sshrl.u32 @!p1 s0, $0x3;
	_ =	swait.ge [sflag:s23], $0x1000  }
0x205: {  	s15 =	simm.s32 @!p1 $0x180;
	s0 =	sadd.s32 @!p1 s2, s0;
	[sflag:s23] =	ssyncset.done $0x0  }
0x206: {  	s2 =	simm.s32 @!p1 $0x0;
	s0 =	sadd.s32 @!p1 s3, s0;
	[sflag:s23] =	ssyncadd.s32 $0xFFFFF000  }
0x207: {  	[tilespmem:s15], [sflag:$0x4] =	stream.linear.gather @!p1 [hbm4b:s0+s2], $0x120, $0x38;
	[tilespmem:$0x14300] =	vst v63  }
0x208: {  	s0 =	simm.s32 @!p0 $0x6  }
0x209: {  	_ =	swait.ge @!p0 [sflag:s0], $0x1000  }
0x20a: {  	[sflag:s0] =	ssyncset.done @!p0 $0x0  }
0x20b: {  	s2 =	simm.s32 $0x9780;
	[sflag:s0] =	ssyncadd.s32 @!p0 $0xFFFFF000  }
0x20c: {  	v0 =	vld [tilespmem:s2+$0x0]  }
0x20d: {  	v1 =	vld [tilespmem:s2+$0x80]  }
0x20e: {  	v2 =	vld [tilespmem:s2+$0x100]  }
0x20f: {  	v3 =	vld [tilespmem:s2+$0x180]  }
0x210: {  	v4 =	vld [tilespmem:s2+$0x200]  }
0x211: {  	v5 =	vld [tilespmem:s2+$0x280]  }
0x212: {  	v6 =	vld [tilespmem:s2+$0x300]  }
0x213: {  	v7 =	vld [tilespmem:s2+$0x380]  }
0x214: {  	v8 =	vld [tilespmem:s2+$0xFFFFFC00]  }
0x215: {  	v9 =	vld [tilespmem:s2+$0xFFFFFC80]  }
0x216: {  	v10 =	vld [tilespmem:s2+$0x400]  }
0x217: {  	s15 =	simm.s32 $0xA080;
	v11 =	vld [tilespmem:s2+$0xFFFFFD00]  }
0x218: {  	v16 =	vld [tilespmem:s15+$0x0]  }
0x219: {  	v17 =	vld [tilespmem:s15+$0x80]  }
0x21a: {  	v18 =	vld [tilespmem:s15+$0x100]  }
0x21b: {  	v19 =	vld [tilespmem:s15+$0x180]  }
0x21c: {  	v20 =	vld [tilespmem:s15+$0x200]  }
0x21d: {  	v21 =	vld [tilespmem:s15+$0x280];
	v0 =	vmax.f32 v0, v1  }
0x21e: {  	v1 =	vld [tilespmem:s2+$0xFFFFFD80];
	v2 =	vmax.f32 v2, v3;
	v3 =	vmax.f32 v4, v5;
	v4 =	vmax.f32 v6, v7  }
0x21f: {  	v5 =	vld [tilespmem:s2+$0xFFFFFE00];
	v0 =	vmax.f32 v0, v2;
	v2 =	vmax.f32 v3, v4  }
0x220: {  	v3 =	vld [tilespmem:s2+$0xFFFFFE80];
	v0 =	vmax.f32 v0, v2  }
0x221: {  	s0 =	simm.s32 $0x13380;
	v4 =	vld [tilespmem:s2+$0xFFFFFB80];
	v0 =	vmax.f32 v0, v10  }
0x222: {  	v2 =	vld [tilespmem:s2+$0xFFFFFF00];
	[tilespmem:s0+$0x0] =	vst v0  }
0x223: {  	v0 =	vld [tilespmem:s2+$0x10]  }
0x224: {  	v6 =	vld [tilespmem:s2+$0x90]  }
0x225: {  	v7 =	vld [tilespmem:s2+$0x110]  }
0x226: {  	v10 =	vld [tilespmem:s2+$0x190]  }
0x227: {  	v37 =	vld [tilespmem:s2+$0x210]  }
0x228: {  	v13 =	vld [tilespmem:s2+$0x290]  }
0x229: {  	v14 =	vld [tilespmem:s2+$0x310]  }
0x22a: {  	v15 =	vld [tilespmem:s2+$0x390]  }
0x22b: {  	v22 =	vld [tilespmem:s15+$0x300]  }
0x22c: {  	v9 =	vmax.f32 v9, v11;
	v11 =	vld [tilespmem:s2+$0xFFFFFF80]  }
0x22d: {  	v1 =	vmax.f32 v1, v5;
	v2 =	vmax.f32 v3, v2;
	v3 =	vmax.f32 v4, v8;
	v4 =	vld [tilespmem:s2+$0x410]  }
0x22e: {  	v23 =	vld [tilespmem:s15+$0x380];
	v1 =	vmax.f32 v1, v2;
	v2 =	vmax.f32 v3, v9;
	v0 =	vmax.f32 v0, v6  }
0x22f: {  	v24 =	vld [tilespmem:s15+$0xFFFFFC00];
	v3 =	vmax.f32 v7, v10;
	v5 =	vmax.f32 v37, v13;
	v6 =	vmax.f32 v14, v15  }
0x230: {  	v25 =	vld [tilespmem:s15+$0xFFFFFC80];
	v1 =	vmax.f32 v2, v1;
	v0 =	vmax.f32 v0, v3;
	v2 =	vmax.f32 v5, v6  }
0x231: {  	v26 =	vld [tilespmem:s15+$0x400];
	v1 =	vmax.f32 v1, v11;
	v0 =	vmax.f32 v0, v2  }
0x232: {  	v27 =	vld [tilespmem:s15+$0xFFFFFD00];
	[tilespmem:s0+$0xFFFFFF80] =	vst v1;
	v0 =	vmax.f32 v0, v4  }
0x233: {  	v1 =	vld [tilespmem:s2+$0xFFFFFB90];
	[tilespmem:s0+$0x10] =	vst v0  }
0x234: {  	v0 =	vld [tilespmem:s2+$0x20]  }
0x235: {  	v2 =	vld [tilespmem:s2+$0xA0]  }
0x236: {  	v3 =	vld [tilespmem:s2+$0x120]  }
0x237: {  	v4 =	vld [tilespmem:s2+$0x1A0]  }
0x238: {  	v5 =	vld [tilespmem:s2+$0x220]  }
0x239: {  	v6 =	vld [tilespmem:s2+$0x2A0]  }
0x23a: {  	v7 =	vld [tilespmem:s2+$0x320]  }
0x23b: {  	v8 =	vld [tilespmem:s2+$0x3A0]  }
0x23c: {  	v9 =	vld [tilespmem:s2+$0xFFFFFC10]  }
0x23d: {  	v10 =	vld [tilespmem:s2+$0xFFFFFC90]  }
0x23e: {  	v11 =	vld [tilespmem:s2+$0x420]  }
0x23f: {  	v38 =	vld [tilespmem:s2+$0xFFFFFD10];
	v0 =	vmax.f32 v0, v2  }
0x240: {  	v2 =	vld [tilespmem:s2+$0xFFFFFD90];
	v3 =	vmax.f32 v3, v4;
	v4 =	vmax.f32 v5, v6;
	v5 =	vmax.f32 v7, v8  }
0x241: {  	v6 =	vld [tilespmem:s2+$0xFFFFFE10];
	v0 =	vmax.f32 v0, v3;
	v3 =	vmax.f32 v4, v5  }
0x242: {  	v4 =	vld [tilespmem:s2+$0xFFFFFE90];
	v0 =	vmax.f32 v0, v3  }
0x243: {  	v3 =	vld [tilespmem:s2+$0xFFFFFF10];
	v0 =	vmax.f32 v0, v11  }
0x244: {  	v5 =	vld [tilespmem:s2+$0xFFFFFF90];
	[tilespmem:s0+$0x20] =	vst v0  }
0x245: {  	v0 =	vld [tilespmem:s2+$0x30]  }
0x246: {  	v7 =	vld [tilespmem:s2+$0xB0]  }
0x247: {  	v1 =	vmax.f32 v1, v9;
	v8 =	vld [tilespmem:s2+$0x130]  }
0x248: {  	v9 =	vmax.f32 v10, v38;
	v2 =	vmax.f32 v2, v6;
	v3 =	vmax.f32 v4, v3;
	v4 =	vld [tilespmem:s2+$0x1B0]  }
0x249: {  	v1 =	vmax.f32 v1, v9;
	v2 =	vmax.f32 v2, v3;
	v3 =	vld [tilespmem:s2+$0x230]  }
0x24a: {  	v1 =	vmax.f32 v1, v2;
	v2 =	vld [tilespmem:s2+$0x2B0]  }
0x24b: {  	v1 =	vmax.f32 v1, v5;
	v5 =	vld [tilespmem:s2+$0x330]  }
0x24c: {  	[tilespmem:s0+$0xFFFFFF90] =	vst v1;
	v1 =	vld [tilespmem:s2+$0x3B0]  }
0x24d: {  	v10 =	vld [tilespmem:s2+$0x430]  }
0x24e: {  	v6 =	vld [tilespmem:s2+$0xFFFFFBA0]  }
0x24f: {  	v9 =	vld [tilespmem:s2+$0xFFFFFC20]  }
0x250: {  	v0 =	vmax.f32 v0, v7;
	v11 =	vld [tilespmem:s2+$0xFFFFFCA0]  }
0x251: {  	v7 =	vld [tilespmem:s2+$0xFFFFFD20];
	v4 =	vmax.f32 v8, v4;
	v2 =	vmax.f32 v3, v2;
	v1 =	vmax.f32 v5, v1  }
0x252: {  	v0 =	vmax.f32 v0, v4;
	v4 =	vld [tilespmem:s2+$0xFFFFFF20];
	v1 =	vmax.f32 v2, v1  }
0x253: {  	v3 =	vld [tilespmem:s2+$0xFFFFFDA0];
	v0 =	vmax.f32 v0, v1  }
0x254: {  	v2 =	vld [tilespmem:s2+$0xFFFFFE20];
	v0 =	vmax.f32 v0, v10  }
0x255: {  	v1 =	vld [tilespmem:s2+$0xFFFFFEA0];
	[tilespmem:s0+$0x30] =	vst v0  }
0x256: {  	v0 =	vld [tilespmem:s2+$0x40]  }
0x257: {  	v5 =	vld [tilespmem:s2+$0xC0]  }
0x258: {  	v8 =	vld [tilespmem:s2+$0x140]  }
0x259: {  	v10 =	vld [tilespmem:s2+$0x1C0]  }
0x25a: {  	v39 =	vld [tilespmem:s2+$0x240]  }
0x25b: {  	v40 =	vld [tilespmem:s2+$0x2C0]  }
0x25c: {  	v41 =	vld [tilespmem:s2+$0x340]  }
0x25d: {  	v42 =	vld [tilespmem:s2+$0x3C0]  }
0x25e: {  	v48 =	vld [tilespmem:s15+$0xFFFFFD80]  }
0x25f: {  	v6 =	vmax.f32 v6, v9;
	v9 =	vld [tilespmem:s2+$0xFFFFFFA0]  }
0x260: {  	v7 =	vmax.f32 v11, v7;
	v2 =	vmax.f32 v3, v2;
	v3 =	vld [tilespmem:s2+$0x440];
	v1 =	vmax.f32 v1, v4  }
0x261: {  	v51 =	vld [tilespmem:s15+$0xFFFFFE00];
	v4 =	vmax.f32 v6, v7;
	v1 =	vmax.f32 v2, v1;
	v0 =	vmax.f32 v0, v5  }
0x262: {  	v53 =	vld [tilespmem:s15+$0xFFFFFE80];
	v2 =	vmax.f32 v8, v10;
	v5 =	vmax.f32 v39, v40;
	v6 =	vmax.f32 v41, v42  }
0x263: {  	v54 =	vld [tilespmem:s15+$0xFFFFFF00];
	v1 =	vmax.f32 v4, v1;
	v0 =	vmax.f32 v0, v2;
	v2 =	vmax.f32 v5, v6  }
0x264: {  	v55 =	vld [tilespmem:s15+$0xFFFFFB80];
	v1 =	vmax.f32 v1, v9;
	v0 =	vmax.f32 v0, v2  }
0x265: {  	v60 =	vld [tilespmem:s15+$0xFFFFFF80];
	[tilespmem:s0+$0xFFFFFFA0] =	vst v1;
	v0 =	vmax.f32 v0, v3  }
0x266: {  	v1 =	vld [tilespmem:s2+$0xFFFFFBB0];
	[tilespmem:s0+$0x40] =	vst v0  }
0x267: {  	v0 =	vld [tilespmem:s2+$0x50]  }
0x268: {  	v2 =	vld [tilespmem:s2+$0xD0]  }
0x269: {  	v3 =	vld [tilespmem:s2+$0x150]  }
0x26a: {  	v4 =	vld [tilespmem:s2+$0x1D0]  }
0x26b: {  	v5 =	vld [tilespmem:s2+$0x250]  }
0x26c: {  	v6 =	vld [tilespmem:s2+$0x2D0]  }
0x26d: {  	v7 =	vld [tilespmem:s2+$0x350]  }
0x26e: {  	v8 =	vld [tilespmem:s2+$0x3D0]  }
0x26f: {  	v9 =	vld [tilespmem:s2+$0xFFFFFC30]  }
0x270: {  	v10 =	vld [tilespmem:s2+$0xFFFFFCB0]  }
0x271: {  	v11 =	vld [tilespmem:s2+$0x450]  }
0x272: {  	v43 =	vld [tilespmem:s2+$0xFFFFFD30];
	v0 =	vmax.f32 v0, v2  }
0x273: {  	v2 =	vld [tilespmem:s2+$0xFFFFFDB0];
	v3 =	vmax.f32 v3, v4;
	v4 =	vmax.f32 v5, v6;
	v5 =	vmax.f32 v7, v8  }
0x274: {  	v6 =	vld [tilespmem:s2+$0xFFFFFE30];
	v0 =	vmax.f32 v0, v3;
	v3 =	vmax.f32 v4, v5  }
0x275: {  	v4 =	vld [tilespmem:s2+$0xFFFFFEB0];
	v0 =	vmax.f32 v0, v3  }
0x276: {  	v3 =	vld [tilespmem:s2+$0xFFFFFF30];
	v0 =	vmax.f32 v0, v11  }
0x277: {  	v5 =	vld [tilespmem:s2+$0xFFFFFFB0];
	[tilespmem:s0+$0x50] =	vst v0  }
0x278: {  	v0 =	vld [tilespmem:s2+$0x60]  }
0x279: {  	v7 =	vld [tilespmem:s2+$0xE0]  }
0x27a: {  	v1 =	vmax.f32 v1, v9;
	v8 =	vld [tilespmem:s2+$0x160]  }
0x27b: {  	v9 =	vmax.f32 v10, v43;
	v2 =	vmax.f32 v2, v6;
	v3 =	vmax.f32 v4, v3;
	v4 =	vld [tilespmem:s2+$0x1E0]  }
0x27c: {  	v1 =	vmax.f32 v1, v9;
	v2 =	vmax.f32 v2, v3;
	v3 =	vld [tilespmem:s2+$0x260]  }
0x27d: {  	v1 =	vmax.f32 v1, v2;
	v2 =	vld [tilespmem:s2+$0x2E0]  }
0x27e: {  	v1 =	vmax.f32 v1, v5;
	v5 =	vld [tilespmem:s2+$0x360]  }
0x27f: {  	[tilespmem:s0+$0xFFFFFFB0] =	vst v1;
	v1 =	vld [tilespmem:s2+$0x3E0]  }
0x280: {  	v6 =	vld [tilespmem:s2+$0xFFFFFBC0]  }
0x281: {  	v9 =	vld [tilespmem:s2+$0xFFFFFC40]  }
0x282: {  	v16 =	vmax.f32 v16, v17;
	v18 =	vmax.f32 v18, v19;
	v49 =	vmax.f32 v20, v21;
	v11 =	vld [tilespmem:s2+$0xFFFFFCC0]  }
0x283: {  	v50 =	vmax.f32 v22, v23;
	v0 =	vmax.f32 v0, v7;
	v7 =	vld [tilespmem:s2+$0xFFFFFD40];
	v4 =	vmax.f32 v8, v4  }
0x284: {  	v16 =	vmax.f32 v16, v18;
	v52 =	vmax.f32 v49, v50;
	v0 =	vmax.f32 v0, v4;
	v4 =	vld [tilespmem:s2+$0xFFFFFEC0]  }
0x285: {  	v16 =	vmax.f32 v16, v52;
	v2 =	vmax.f32 v3, v2;
	v3 =	vld [tilespmem:s2+$0xFFFFFDC0]  }
0x286: {  	s16 =	simm.s32 $0x13480;
	v16 =	vmax.f32 v16, v26;
	v1 =	vmax.f32 v5, v1;
	v5 =	vld [tilespmem:s2+$0xFFFFFF40]  }
0x287: {  	[tilespmem:s16+$0x0] =	vst v16;
	v1 =	vmax.f32 v2, v1;
	v2 =	vld [tilespmem:s2+$0xFFFFFE40]  }
0x288: {  	v16 =	vld [tilespmem:s15+$0x10]  }
0x289: {  	v56 =	vld [tilespmem:s15+$0x90]  }
0x28a: {  	v8 =	vld [tilespmem:s2+$0xFFFFFFC0]  }
0x28b: {  	v57 =	vld [tilespmem:s15+$0x110];
	v6 =	vmax.f32 v6, v9  }
0x28c: {  	v58 =	vld [tilespmem:s15+$0x190];
	v7 =	vmax.f32 v11, v7;
	v4 =	vmax.f32 v4, v5;
	v9 =	vmax.f32 v3, v2  }
0x28d: {  	v28 =	vld [tilespmem:s15+$0x210];
	v5 =	vmax.f32 v6, v7;
	v6 =	vmax.f32 v9, v4  }
0x28e: {  	v29 =	vld [tilespmem:s15+$0x290];
	v6 =	vmax.f32 v5, v6  }
0x28f: {  	v10 =	vld [tilespmem:s2+$0x460];
	v7 =	vmax.f32 v6, v8  }
0x290: {  	v21 =	vld [tilespmem:s15+$0x410];
	[tilespmem:s0+$0xFFFFFFC0] =	vst v7  }
0x291: {  	v7 =	vld [tilespmem:s2+$0xFFFFFBD0]  }
0x292: {  	v8 =	vld [tilespmem:s2+$0xFFFFFC50]  }
0x293: {  	v0 =	vmax.f32 v0, v1;
	v9 =	vld [tilespmem:s2+$0xFFFFFCD0]  }
0x294: {  	v0 =	vmax.f32 v0, v10;
	v10 =	vld [tilespmem:s2+$0xFFFFFD50]  }
0x295: {  	v11 =	vld [tilespmem:s2+$0xFFFFFDD0]  }
0x296: {  	v44 =	vld [tilespmem:s2+$0xFFFFFE50]  }
0x297: {  	v45 =	vld [tilespmem:s2+$0xFFFFFED0]  }
0x298: {  	[tilespmem:s0+$0x60] =	vst v0;
	v46 =	vld [tilespmem:s2+$0xFFFFFF50]  }
0x299: {  	v0 =	vld [tilespmem:s2+$0x70]  }
0x29a: {  	v1 =	vld [tilespmem:s2+$0xF0]  }
0x29b: {  	v47 =	vld [tilespmem:s2+$0xFFFFFFD0]  }
0x29c: {  	v2 =	vld [tilespmem:s2+$0x170];
	v7 =	vmax.f32 v7, v8  }
0x29d: {  	v3 =	vld [tilespmem:s2+$0x1F0];
	v8 =	vmax.f32 v9, v10;
	v9 =	vmax.f32 v11, v44;
	v10 =	vmax.f32 v45, v46  }
0x29e: {  	v4 =	vld [tilespmem:s2+$0x270];
	v7 =	vmax.f32 v7, v8;
	v9 =	vmax.f32 v9, v10  }
0x29f: {  	v59 =	vmax.f32 v25, v27;
	v61 =	vmax.f32 v48, v51;
	v5 =	vld [tilespmem:s2+$0x2F0];
	v7 =	vmax.f32 v7, v9  }
0x2a0: {  	v62 =	vmax.f32 v53, v54;
	v63 =	vmax.f32 v55, v24;
	v6 =	vld [tilespmem:s2+$0x370];
	v9 =	vmax.f32 v7, v47  }
0x2a1: {  	v12 =	vmax.f32 v63, v59;
	v11 =	vld [tilespmem:s15+$0x310];
	[tilespmem:s0+$0xFFFFFFD0] =	vst v9;
	v9 =	vmax.f32 v61, v62  }
0x2a2: {  	v10 =	vld [tilespmem:s15+$0x390];
	v9 =	vmax.f32 v12, v9  }
0x2a3: {  	v15 =	vld [tilespmem:s2+$0xFFFFFBE0];
	v9 =	vmax.f32 v9, v60  }
0x2a4: {  	v14 =	vld [tilespmem:s2+$0xFFFFFCE0];
	[tilespmem:s16+$0xFFFFFF80] =	vst v9  }
0x2a5: {  	v35 =	vld [tilespmem:s15+$0xFFFFFC10]  }
0x2a6: {  	v24 =	vmax.f32 v16, v56;
	v36 =	vld [tilespmem:s15+$0xFFFFFC90]  }
0x2a7: {  	v25 =	vmax.f32 v57, v58;
	v26 =	vmax.f32 v28, v29;
	v10 =	vmax.f32 v11, v10;
	v38 =	vld [tilespmem:s15+$0xFFFFFD10]  }
0x2a8: {  	v27 =	vmax.f32 v24, v25;
	v10 =	vmax.f32 v26, v10;
	v39 =	vld [tilespmem:s15+$0xFFFFFD90]  }
0x2a9: {  	v10 =	vmax.f32 v27, v10;
	v42 =	vld [tilespmem:s15+$0xFFFFFE10]  }
0x2aa: {  	v44 =	vld [tilespmem:s15+$0xFFFFFE90];
	v9 =	vmax.f32 v10, v21  }
0x2ab: {  	v10 =	vld [tilespmem:s15+$0xFFFFFB90];
	[tilespmem:s16+$0x10] =	vst v9  }
0x2ac: {  	v9 =	vld [tilespmem:s15+$0x20]  }
0x2ad: {  	v28 =	vld [tilespmem:s15+$0xA0]  }
0x2ae: {  	v29 =	vld [tilespmem:s15+$0x120]  }
0x2af: {  	v30 =	vld [tilespmem:s15+$0x1A0]  }
0x2b0: {  	v31 =	vld [tilespmem:s15+$0x220]  }
0x2b1: {  	v32 =	vld [tilespmem:s15+$0x2A0]  }
0x2b2: {  	v33 =	vld [tilespmem:s15+$0x320]  }
0x2b3: {  	v34 =	vld [tilespmem:s15+$0x3A0]  }
0x2b4: {  	v45 =	vld [tilespmem:s15+$0xFFFFFF10]  }
0x2b5: {  	v12 =	vld [tilespmem:s2+$0xFFFFFD60]  }
0x2b6: {  	v37 =	vld [tilespmem:s15+$0x420];
	v49 =	vmax.f32 v36, v38  }
0x2b7: {  	v46 =	vld [tilespmem:s15+$0xFFFFFF90];
	v13 =	vmax.f32 v39, v42;
	v10 =	vmax.f32 v10, v35;
	v9 =	vmax.f32 v9, v28  }
0x2b8: {  	v11 =	vld [tilespmem:s2+$0xFFFFFC60];
	v16 =	vmax.f32 v29, v30;
	v40 =	vmax.f32 v31, v32;
	v41 =	vmax.f32 v33, v34  }
0x2b9: {  	v38 =	vld [tilespmem:s2+$0xFFFFFDE0];
	v9 =	vmax.f32 v9, v16;
	v43 =	vmax.f32 v40, v41;
	v16 =	vmax.f32 v44, v45  }
0x2ba: {  	v42 =	vld [tilespmem:s2+$0xFFFFFEE0];
	v10 =	vmax.f32 v10, v49;
	v9 =	vmax.f32 v9, v43;
	v13 =	vmax.f32 v13, v16  }
0x2bb: {  	v41 =	vld [tilespmem:s2+$0xFFFFFE60];
	v9 =	vmax.f32 v9, v37;
	v10 =	vmax.f32 v10, v13  }
0x2bc: {  	[tilespmem:s16+$0x20] =	vst v9;
	v10 =	vmax.f32 v10, v46;
	v46 =	vld [tilespmem:s2+$0xFFFFFF60]  }
0x2bd: {  	v9 =	vld [tilespmem:s15+$0x30]  }
0x2be: {  	v47 =	vld [tilespmem:s15+$0xB0]  }
0x2bf: {  	v48 =	vld [tilespmem:s15+$0x130]  }
0x2c0: {  	v50 =	vld [tilespmem:s15+$0x1B0]  }
0x2c1: {  	v51 =	vld [tilespmem:s15+$0x230]  }
0x2c2: {  	v52 =	vld [tilespmem:s15+$0x2B0]  }
0x2c3: {  	v53 =	vld [tilespmem:s15+$0x330]  }
0x2c4: {  	[tilespmem:s16+$0xFFFFFF90] =	vst v10;
	v10 =	vld [tilespmem:s15+$0x3B0]  }
0x2c5: {  	v56 =	vld [tilespmem:s15+$0x430]  }
0x2c6: {  	v54 =	vld [tilespmem:s15+$0xFFFFFBA0]  }
0x2c7: {  	v55 =	vld [tilespmem:s15+$0xFFFFFC20]  }
0x2c8: {  	v57 =	vld [tilespmem:s15+$0xFFFFFCA0]  }
0x2c9: {  	v58 =	vld [tilespmem:s15+$0xFFFFFD20]  }
0x2ca: {  	v59 =	vld [tilespmem:s15+$0xFFFFFDA0];
	v9 =	vmax.f32 v9, v47  }
0x2cb: {  	v60 =	vld [tilespmem:s15+$0xFFFFFE20];
	v17 =	vmax.f32 v48, v50;
	v13 =	vmax.f32 v51, v52;
	v10 =	vmax.f32 v53, v10  }
0x2cc: {  	v61 =	vld [tilespmem:s15+$0xFFFFFF20];
	v9 =	vmax.f32 v9, v17;
	v10 =	vmax.f32 v13, v10  }
0x2cd: {  	v37 =	vld [tilespmem:s15+$0xFFFFFFA0];
	v9 =	vmax.f32 v9, v10  }
0x2ce: {  	v48 =	vld [tilespmem:s2+$0xFFFFFFE0];
	v9 =	vmax.f32 v9, v56  }
0x2cf: {  	v10 =	vld [tilespmem:s15+$0xFFFFFEA0];
	[tilespmem:s16+$0x30] =	vst v9  }
0x2d0: {  	v9 =	vld [tilespmem:s15+$0x40]  }
0x2d1: {  	v62 =	vld [tilespmem:s15+$0xC0]  }
0x2d2: {  	v63 =	vld [tilespmem:s15+$0x140]  }
0x2d3: {  	v19 =	vmax.f32 v54, v55;
	v32 =	vld [tilespmem:s15+$0x1C0]  }
0x2d4: {  	v20 =	vmax.f32 v57, v58;
	v13 =	vmax.f32 v59, v60;
	v33 =	vld [tilespmem:s15+$0x240];
	v10 =	vmax.f32 v10, v61  }
0x2d5: {  	v39 =	vmax.f32 v19, v20;
	v34 =	vld [tilespmem:s15+$0x2C0];
	v10 =	vmax.f32 v13, v10  }
0x2d6: {  	v35 =	vld [tilespmem:s15+$0x340];
	v10 =	vmax.f32 v39, v10  }
0x2d7: {  	v36 =	vld [tilespmem:s15+$0x3C0];
	v10 =	vmax.f32 v10, v37  }
0x2d8: {  	v40 =	vld [tilespmem:s15+$0x440];
	[tilespmem:s16+$0xFFFFFFA0] =	vst v10  }
0x2d9: {  	v10 =	vld [tilespmem:s15+$0xFFFFFBB0]  }
0x2da: {  	v12 =	vmax.f32 v14, v12;
	v49 =	vld [tilespmem:s15+$0xFFFFFC30]  }
0x2db: {  	v11 =	vmax.f32 v15, v11;
	v16 =	vmax.f32 v42, v46;
	v59 =	vmax.f32 v38, v41;
	v57 =	vld [tilespmem:s15+$0xFFFFFCB0]  }
0x2dc: {  	v11 =	vmax.f32 v11, v12;
	v61 =	vmax.f32 v59, v16;
	v9 =	vmax.f32 v9, v62;
	v58 =	vld [tilespmem:s15+$0xFFFFFD30]  }
0x2dd: {  	v43 =	vmax.f32 v63, v32;
	v44 =	vmax.f32 v33, v34;
	v45 =	vmax.f32 v35, v36;
	v62 =	vld [tilespmem:s15+$0xFFFFFDB0]  }
0x2de: {  	v11 =	vmax.f32 v11, v61;
	v9 =	vmax.f32 v9, v43;
	v47 =	vmax.f32 v44, v45;
	v63 =	vld [tilespmem:s15+$0xFFFFFE30]  }
0x2df: {  	v11 =	vmax.f32 v11, v48;
	v9 =	vmax.f32 v9, v47;
	v29 =	vld [tilespmem:s15+$0xFFFFFEB0]  }
0x2e0: {  	[tilespmem:s0+$0xFFFFFFE0] =	vst v11;
	v31 =	vld [tilespmem:s15+$0xFFFFFF30];
	v9 =	vmax.f32 v9, v40  }
0x2e1: {  	v11 =	vld [tilespmem:s15+$0xFFFFFFB0];
	[tilespmem:s16+$0x40] =	vst v9  }
0x2e2: {  	v9 =	vld [tilespmem:s15+$0x50]  }
0x2e3: {  	v50 =	vld [tilespmem:s15+$0xD0]  }
0x2e4: {  	v51 =	vld [tilespmem:s15+$0x150]  }
0x2e5: {  	v52 =	vld [tilespmem:s15+$0x1D0]  }
0x2e6: {  	v53 =	vld [tilespmem:s15+$0x250]  }
0x2e7: {  	v54 =	vld [tilespmem:s15+$0x2D0]  }
0x2e8: {  	v55 =	vld [tilespmem:s15+$0x350]  }
0x2e9: {  	v56 =	vld [tilespmem:s15+$0x3D0]  }
0x2ea: {  	v8 =	vld [tilespmem:s2+$0x3F0];
	v10 =	vmax.f32 v10, v49  }
0x2eb: {  	v7 =	vld [tilespmem:s2+$0x470];
	v15 =	vmax.f32 v57, v58;
	v14 =	vmax.f32 v62, v63;
	v12 =	vmax.f32 v29, v31  }
0x2ec: {  	v60 =	vld [tilespmem:s15+$0x450];
	v10 =	vmax.f32 v10, v15;
	v12 =	vmax.f32 v14, v12  }
0x2ed: {  	v59 =	vld [tilespmem:s2+$0xFFFFFD70];
	v10 =	vmax.f32 v10, v12;
	v9 =	vmax.f32 v9, v50;
	v24 =	vmax.f32 v51, v52  }
0x2ee: {  	v58 =	vld [tilespmem:s2+$0xFFFFFCF0];
	v25 =	vmax.f32 v53, v54;
	v27 =	vmax.f32 v55, v56;
	v10 =	vmax.f32 v10, v11  }
0x2ef: {  	v54 =	vld [tilespmem:s2+$0xFFFFFC70];
	v9 =	vmax.f32 v9, v24;
	v30 =	vmax.f32 v25, v27;
	[tilespmem:s16+$0xFFFFFFB0] =	vst v10  }
0x2f0: {  	v9 =	vmax.f32 v9, v30;
	v38 =	vld [tilespmem:s15+$0xFFFFFBC0]  }
0x2f1: {  	v39 =	vld [tilespmem:s15+$0xFFFFFC40];
	v9 =	vmax.f32 v9, v60  }
0x2f2: {  	v41 =	vld [tilespmem:s15+$0xFFFFFCC0];
	[tilespmem:s16+$0x50] =	vst v9  }
0x2f3: {  	v32 =	vld [tilespmem:s15+$0x60]  }
0x2f4: {  	v33 =	vld [tilespmem:s15+$0xE0]  }
0x2f5: {  	v34 =	vld [tilespmem:s15+$0x160]  }
0x2f6: {  	v35 =	vld [tilespmem:s15+$0x1E0]  }
0x2f7: {  	v36 =	vld [tilespmem:s15+$0x260]  }
0x2f8: {  	v37 =	vld [tilespmem:s15+$0x2E0]  }
0x2f9: {  	v11 =	vld [tilespmem:s15+$0x360]  }
0x2fa: {  	v10 =	vld [tilespmem:s15+$0x3E0]  }
0x2fb: {  	v42 =	vld [tilespmem:s15+$0xFFFFFD40]  }
0x2fc: {  	v43 =	vld [tilespmem:s15+$0xFFFFFE40]  }
0x2fd: {  	v40 =	vld [tilespmem:s15+$0x460]  }
0x2fe: {  	v44 =	vld [tilespmem:s15+$0xFFFFFEC0];
	v17 =	vmax.f32 v32, v33  }
0x2ff: {  	v45 =	vld [tilespmem:s15+$0xFFFFFF40];
	v13 =	vmax.f32 v34, v35;
	v12 =	vmax.f32 v36, v37;
	v10 =	vmax.f32 v11, v10  }
0x300: {  	v53 =	vld [tilespmem:s15+$0xFFFFFFC0];
	v13 =	vmax.f32 v17, v13;
	v10 =	vmax.f32 v12, v10  }
0x301: {  	v60 =	vld [tilespmem:s2+$0xFFFFFDF0];
	v10 =	vmax.f32 v13, v10  }
0x302: {  	v9 =	vld [tilespmem:s2+$0xFFFFFBF0];
	v10 =	vmax.f32 v10, v40  }
0x303: {  	v11 =	vld [tilespmem:s15+$0xFFFFFDC0];
	[tilespmem:s16+$0x60] =	vst v10  }
0x304: {  	v10 =	vld [tilespmem:s15+$0x70]  }
0x305: {  	v46 =	vld [tilespmem:s15+$0xF0]  }
0x306: {  	v47 =	vld [tilespmem:s15+$0x170]  }
0x307: {  	v48 =	vld [tilespmem:s15+$0x1F0]  }
0x308: {  	v15 =	vmax.f32 v38, v39;
	v49 =	vld [tilespmem:s15+$0x270]  }
0x309: {  	v18 =	vmax.f32 v41, v42;
	v55 =	vmax.f32 v44, v45;
	v50 =	vld [tilespmem:s15+$0x2F0];
	v11 =	vmax.f32 v11, v43  }
0x30a: {  	v57 =	vmax.f32 v15, v18;
	v51 =	vld [tilespmem:s15+$0x370];
	v11 =	vmax.f32 v11, v55  }
0x30b: {  	v52 =	vld [tilespmem:s15+$0x3F0];
	v11 =	vmax.f32 v57, v11  }
0x30c: {  	v56 =	vld [tilespmem:s15+$0x470];
	v11 =	vmax.f32 v11, v53  }
0x30d: {  	[tilespmem:s16+$0xFFFFFFC0] =	vst v11;
	v11 =	vld [tilespmem:s2+$0xFFFFFE70]  }
0x30e: {  	v0 =	vmax.f32 v0, v1;
	v61 =	vld [tilespmem:s15+$0xFFFFFBD0]  }
0x30f: {  	v1 =	vmax.f32 v2, v3;
	v2 =	vmax.f32 v4, v5;
	v4 =	vmax.f32 v6, v8;
	v62 =	vld [tilespmem:s15+$0xFFFFFC50]  }
0x310: {  	v0 =	vmax.f32 v0, v1;
	v2 =	vmax.f32 v2, v4;
	v63 =	vld [tilespmem:s15+$0xFFFFFCD0]  }
0x311: {  	v0 =	vmax.f32 v0, v2;
	v8 =	vld [tilespmem:s15+$0xFFFFFD50]  }
0x312: {  	v0 =	vmax.f32 v0, v7;
	v1 =	vmax.f32 v10, v46;
	v5 =	vmax.f32 v47, v48;
	v3 =	vld [tilespmem:s15+$0xFFFFFDD0]  }
0x313: {  	v6 =	vmax.f32 v49, v50;
	v10 =	vmax.f32 v51, v52;
	v1 =	vmax.f32 v1, v5;
	v5 =	vld [tilespmem:s15+$0xFFFFFE50]  }
0x314: {  	[tilespmem:s0+$0x70] =	vst v0;
	v0 =	vmax.f32 v58, v59;
	v2 =	vmax.f32 v9, v54;
	v7 =	vld [tilespmem:s15+$0xFFFFFF50];
	v4 =	vmax.f32 v6, v10  }
0x315: {  	v0 =	vmax.f32 v2, v0;
	v1 =	vmax.f32 v1, v4;
	v4 =	vld [tilespmem:s15+$0xFFFFFED0]  }
0x316: {  	v2 =	vld [tilespmem:s2+$0xFFFFFEF0];
	v1 =	vmax.f32 v1, v56;
	v9 =	vmax.f32 v61, v62;
	v8 =	vmax.f32 v63, v8  }
0x317: {  	s18 =	simm.s32 $0x2;
	s19 =	simm.s32 $0xA980;
	s17 =	simm.s32 $0x13480;
	v6 =	vld [tilespmem:s15+$0xFFFFFFD0];
	[tilespmem:s16+$0x70] =	vst v1;
	v1 =	vmax.f32 v60, v11;
	v8 =	vmax.f32 v9, v8  }
.LBB2_5:
0x318: {  	v9 =	vld [tilespmem:s19+$0x0];
	v3 =	vmax.f32 v3, v5  }
0x319: {  	v5 =	vld [tilespmem:s19+$0x80]  }
0x31a: {  	v10 =	vld [tilespmem:s19+$0x100];
	v4 =	vmax.f32 v4, v7  }
0x31b: {  	v7 =	vld [tilespmem:s19+$0x180];
	v3 =	vmax.f32 v3, v4  }
0x31c: {  	v4 =	vld [tilespmem:s19+$0x200];
	v3 =	vmax.f32 v8, v3  }
0x31d: {  	v8 =	vld [tilespmem:s19+$0x280];
	v3 =	vmax.f32 v3, v6  }
0x31e: {  	v6 =	vld [tilespmem:s19+$0x300];
	[tilespmem:s16+$0xFFFFFFD0] =	vst v3  }
0x31f: {  	v3 =	vld [tilespmem:s19+$0x380]  }
0x320: {  	v11 =	vld [tilespmem:s19+$0xFFFFFC00]  }
0x321: {  	v12 =	vld [tilespmem:s19+$0xFFFFFC80]  }
0x322: {  	v13 =	vld [tilespmem:s19+$0x400]  }
0x323: {  	v5 =	vmax.f32 v9, v5;
	v14 =	vld [tilespmem:s19+$0xFFFFFD00]  }
0x324: {  	v7 =	vmax.f32 v10, v7;
	v4 =	vmax.f32 v4, v8;
	v9 =	vld [tilespmem:s19+$0xFFFFFD80];
	v3 =	vmax.f32 v6, v3  }
0x325: {  	v5 =	vmax.f32 v5, v7;
	v6 =	vld [tilespmem:s19+$0xFFFFFE00];
	v3 =	vmax.f32 v4, v3  }
0x326: {  	v4 =	vld [tilespmem:s19+$0xFFFFFE80];
	v3 =	vmax.f32 v5, v3  }
0x327: {  	s16 =	sadd.s32 $0x100, s16;
	v5 =	vld [tilespmem:s19+$0xFFFFFF00];
	v3 =	vmax.f32 v3, v13  }
0x328: {  	v7 =	vld [tilespmem:s19+$0xFFFFFB80];
	v8 =	vmax.f32 v12, v14;
	[tilespmem:s16+$0x0] =	vst v3  }
0x329: {  	v3 =	vld [tilespmem:s19+$0x10]  }
0x32a: {  	v6 =	vmax.f32 v9, v6;
	v9 =	vld [tilespmem:s19+$0x90]  }
0x32b: {  	v10 =	vld [tilespmem:s19+$0x110]  }
0x32c: {  	v4 =	vmax.f32 v4, v5;
	v5 =	vld [tilespmem:s19+$0x190]  }
0x32d: {  	v7 =	vmax.f32 v7, v11;
	v4 =	vmax.f32 v6, v4;
	v6 =	vld [tilespmem:s19+$0x210]  }
0x32e: {  	v7 =	vmax.f32 v7, v8;
	v8 =	vld [tilespmem:s19+$0x290]  }
0x32f: {  	v4 =	vmax.f32 v7, v4;
	v7 =	vld [tilespmem:s19+$0x310]  }
0x330: {  	v11 =	vld [tilespmem:s19+$0x390]  }
0x331: {  	v12 =	vld [tilespmem:s19+$0xFFFFFF80]  }
0x332: {  	v13 =	vld [tilespmem:s15+$0xFFFFFBE0]  }
0x333: {  	v14 =	vld [tilespmem:s19+$0x410]  }
0x334: {  	v3 =	vmax.f32 v3, v9;
	v9 =	vld [tilespmem:s15+$0xFFFFFC60]  }
0x335: {  	v5 =	vmax.f32 v10, v5;
	v6 =	vmax.f32 v6, v8;
	v7 =	vmax.f32 v7, v11;
	v8 =	vld [tilespmem:s15+$0xFFFFFCE0]  }
0x336: {  	v3 =	vmax.f32 v3, v5;
	v4 =	vmax.f32 v4, v12;
	v5 =	vmax.f32 v6, v7;
	v6 =	vld [tilespmem:s15+$0xFFFFFD60]  }
0x337: {  	[tilespmem:s16+$0xFFFFFF80] =	vst v4;
	v3 =	vmax.f32 v3, v5;
	v4 =	vld [tilespmem:s15+$0xFFFFFDE0]  }
0x338: {  	v5 =	vld [tilespmem:s19+$0xFFFFFB90];
	v3 =	vmax.f32 v3, v14  }
0x339: {  	v7 =	vld [tilespmem:s19+$0xFFFFFC10];
	[tilespmem:s16+$0x10] =	vst v3;
	v3 =	vmax.f32 v13, v9  }
0x33a: {  	v9 =	vld [tilespmem:s19+$0x20]  }
0x33b: {  	v10 =	vld [tilespmem:s19+$0xA0];
	v6 =	vmax.f32 v8, v6  }
0x33c: {  	v8 =	vld [tilespmem:s19+$0x120];
	v3 =	vmax.f32 v3, v6  }
0x33d: {  	v6 =	vld [tilespmem:s19+$0x1A0]  }
0x33e: {  	v5 =	vmax.f32 v5, v7;
	v7 =	vld [tilespmem:s19+$0x220]  }
0x33f: {  	v11 =	vld [tilespmem:s19+$0x2A0]  }
0x340: {  	v12 =	vld [tilespmem:s19+$0x320]  }
0x341: {  	v13 =	vld [tilespmem:s19+$0x3A0]  }
0x342: {  	v14 =	vld [tilespmem:s19+$0xFFFFFC90]  }
0x343: {  	v15 =	vld [tilespmem:s19+$0xFFFFFD10]  }
0x344: {  	v16 =	vld [tilespmem:s19+$0x420]  }
0x345: {  	v9 =	vmax.f32 v9, v10;
	v17 =	vld [tilespmem:s19+$0xFFFFFD90]  }
0x346: {  	v6 =	vmax.f32 v8, v6;
	v7 =	vmax.f32 v7, v11;
	v10 =	vld [tilespmem:s19+$0xFFFFFE10];
	v8 =	vmax.f32 v12, v13  }
0x347: {  	v6 =	vmax.f32 v9, v6;
	v11 =	vld [tilespmem:s19+$0xFFFFFE90];
	v7 =	vmax.f32 v7, v8  }
0x348: {  	v8 =	vld [tilespmem:s19+$0xFFFFFF10];
	v9 =	vmax.f32 v14, v15;
	v6 =	vmax.f32 v6, v7  }
0x349: {  	v7 =	vld [tilespmem:s19+$0xFFFFFF90];
	v5 =	vmax.f32 v5, v9;
	v6 =	vmax.f32 v6, v16  }
0x34a: {  	[tilespmem:s16+$0x20] =	vst v6;
	v6 =	vld [tilespmem:s15+$0xFFFFFE60]  }
0x34b: {  	v9 =	vmax.f32 v17, v10;
	v10 =	vld [tilespmem:s19+$0x30]  }
0x34c: {  	v12 =	vld [tilespmem:s19+$0xB0]  }
0x34d: {  	v8 =	vmax.f32 v11, v8;
	v11 =	vld [tilespmem:s19+$0x130]  }
0x34e: {  	v8 =	vmax.f32 v9, v8;
	v9 =	vld [tilespmem:s19+$0x1B0]  }
0x34f: {  	v5 =	vmax.f32 v5, v8;
	v8 =	vld [tilespmem:s19+$0x230];
	v4 =	vmax.f32 v4, v6  }
0x350: {  	s18 =	sadd.s32 $0x2, s18;
	v5 =	vmax.f32 v5, v7;
	v6 =	vld [tilespmem:s19+$0x2B0]  }
0x351: {  	p0 =	slt.u32 s18, $0x1E;
	[tilespmem:s16+$0xFFFFFF90] =	vst v5;
	v5 =	vld [tilespmem:s19+$0x330]  }
0x352: {  	v7 =	vld [tilespmem:s19+$0x3B0]  }
0x353: {  	v13 =	vld [tilespmem:s19+$0xFFFFFBA0]  }
0x354: {  	v14 =	vld [tilespmem:s19+$0xFFFFFC20]  }
0x355: {  	v15 =	vld [tilespmem:s19+$0x430]  }
0x356: {  	v10 =	vmax.f32 v10, v12;
	v16 =	vld [tilespmem:s19+$0xFFFFFCA0]  }
0x357: {  	v9 =	vmax.f32 v11, v9;
	v6 =	vmax.f32 v8, v6;
	v12 =	vld [tilespmem:s19+$0xFFFFFD20];
	v5 =	vmax.f32 v5, v7  }
0x358: {  	v8 =	vmax.f32 v10, v9;
	v7 =	vld [tilespmem:s19+$0xFFFFFDA0];
	v5 =	vmax.f32 v6, v5  }
0x359: {  	v6 =	vld [tilespmem:s19+$0xFFFFFE20];
	v9 =	vmax.f32 v13, v14;
	v5 =	vmax.f32 v8, v5  }
0x35a: {  	v8 =	vld [tilespmem:s19+$0xFFFFFEA0];
	v5 =	vmax.f32 v5, v15  }
0x35b: {  	v10 =	vld [tilespmem:s19+$0xFFFFFF20];
	[tilespmem:s16+$0x30] =	vst v5  }
0x35c: {  	v5 =	vmax.f32 v16, v12;
	v11 =	vld [tilespmem:s19+$0x40]  }
0x35d: {  	v5 =	vmax.f32 v9, v5;
	v9 =	vld [tilespmem:s19+$0xC0]  }
0x35e: {  	v6 =	vmax.f32 v7, v6;
	v7 =	vld [tilespmem:s19+$0x140]  }
0x35f: {  	v12 =	vld [tilespmem:s19+$0x1C0]  }
0x360: {  	v8 =	vmax.f32 v8, v10;
	v10 =	vld [tilespmem:s19+$0x240]  }
0x361: {  	v6 =	vmax.f32 v6, v8;
	v8 =	vld [tilespmem:s19+$0x2C0]  }
0x362: {  	v5 =	vmax.f32 v5, v6;
	v6 =	vld [tilespmem:s19+$0x340]  }
0x363: {  	v13 =	vld [tilespmem:s19+$0x3C0]  }
0x364: {  	v14 =	vld [tilespmem:s19+$0xFFFFFFA0]  }
0x365: {  	v15 =	vld [tilespmem:s15+$0xFFFFFEE0]  }
0x366: {  	v16 =	vld [tilespmem:s19+$0x440]  }
0x367: {  	v9 =	vmax.f32 v11, v9;
	v11 =	vld [tilespmem:s15+$0xFFFFFF60]  }
0x368: {  	v7 =	vmax.f32 v7, v12;
	v8 =	vmax.f32 v10, v8;
	v6 =	vmax.f32 v6, v13;
	v10 =	vld [tilespmem:s15+$0xFFFFFFE0]  }
0x369: {  	v7 =	vmax.f32 v9, v7;
	v5 =	vmax.f32 v5, v14;
	v6 =	vmax.f32 v8, v6;
	v8 =	vld [tilespmem:s2+$0xFFFFFF70]  }
0x36a: {  	[tilespmem:s16+$0xFFFFFFA0] =	vst v5;
	v5 =	vmax.f32 v7, v6;
	v6 =	vld [tilespmem:s2+$0xFFFFFFF0];
	s2 =	smov.u32 s15;
	s15 =	smov.u32 s19  }
0x36b: {  	v7 =	vld [tilespmem:s19+$0xFFFFFBB0];
	v5 =	vmax.f32 v5, v16  }
0x36c: {  	v9 =	vld [tilespmem:s19+$0xFFFFFC30];
	[tilespmem:s16+$0x40] =	vst v5;
	v5 =	vmax.f32 v15, v11  }
0x36d: {  	v11 =	vld [tilespmem:s19+$0x50];
	v4 =	vmax.f32 v4, v5  }
0x36e: {  	v5 =	vld [tilespmem:s19+$0xD0];
	v3 =	vmax.f32 v3, v4;
	v2 =	vmax.f32 v2, v8  }
0x36f: {  	v4 =	vld [tilespmem:s19+$0x150];
	v3 =	vmax.f32 v3, v10;
	v1 =	vmax.f32 v1, v2  }
0x370: {  	v2 =	vld [tilespmem:s19+$0x1D0];
	[tilespmem:s17+$0xFFFFFFE0] =	vst v3;
	v0 =	vmax.f32 v0, v1  }
0x371: {  	v1 =	vmax.f32 v7, v9;
	v3 =	vld [tilespmem:s19+$0x250];
	v0 =	vmax.f32 v0, v6  }
0x372: {  	v6 =	vld [tilespmem:s19+$0x2D0];
	[tilespmem:s0+$0xFFFFFFF0] =	vst v0;
	s0 =	smov.u32 s17;
	s17 =	smov.u32 s16  }
0x373: {  	v0 =	vld [tilespmem:s19+$0x350]  }
0x374: {  	v7 =	vld [tilespmem:s19+$0x3D0]  }
0x375: {  	v8 =	vld [tilespmem:s19+$0xFFFFFCB0]  }
0x376: {  	v9 =	vld [tilespmem:s19+$0xFFFFFD30]  }
0x377: {  	v10 =	vld [tilespmem:s19+$0x450]  }
0x378: {  	v5 =	vmax.f32 v11, v5;
	v12 =	vld [tilespmem:s19+$0xFFFFFDB0]  }
0x379: {  	v2 =	vmax.f32 v4, v2;
	v3 =	vmax.f32 v3, v6;
	v11 =	vld [tilespmem:s19+$0xFFFFFE30];
	v0 =	vmax.f32 v0, v7  }
0x37a: {  	v2 =	vmax.f32 v5, v2;
	v4 =	vld [tilespmem:s19+$0xFFFFFEB0];
	v0 =	vmax.f32 v3, v0  }
0x37b: {  	v3 =	vld [tilespmem:s19+$0xFFFFFF30];
	v5 =	vmax.f32 v8, v9;
	v0 =	vmax.f32 v2, v0  }
0x37c: {  	v2 =	vld [tilespmem:s19+$0xFFFFFFB0];
	v1 =	vmax.f32 v1, v5;
	v0 =	vmax.f32 v0, v10  }
0x37d: {  	[tilespmem:s16+$0x50] =	vst v0;
	v0 =	vld [tilespmem:s2+$0xFFFFFBF0]  }
0x37e: {  	v5 =	vmax.f32 v12, v11;
	v6 =	vld [tilespmem:s19+$0x60]  }
0x37f: {  	v7 =	vld [tilespmem:s19+$0xE0]  }
0x380: {  	v3 =	vmax.f32 v4, v3;
	v4 =	vld [tilespmem:s19+$0x160]  }
0x381: {  	v3 =	vmax.f32 v5, v3;
	v5 =	vld [tilespmem:s19+$0x1E0]  }
0x382: {  	v1 =	vmax.f32 v1, v3;
	v3 =	vld [tilespmem:s19+$0x260]  }
0x383: {  	v1 =	vmax.f32 v1, v2;
	v2 =	vld [tilespmem:s19+$0x2E0]  }
0x384: {  	[tilespmem:s16+$0xFFFFFFB0] =	vst v1;
	v1 =	vld [tilespmem:s19+$0x360]  }
0x385: {  	v8 =	vld [tilespmem:s19+$0x3E0]  }
0x386: {  	v9 =	vld [tilespmem:s19+$0xFFFFFBC0]  }
0x387: {  	v10 =	vld [tilespmem:s19+$0xFFFFFC40]  }
0x388: {  	v11 =	vld [tilespmem:s19+$0x460]  }
0x389: {  	v6 =	vmax.f32 v6, v7;
	v12 =	vld [tilespmem:s19+$0xFFFFFCC0]  }
0x38a: {  	v4 =	vmax.f32 v4, v5;
	v2 =	vmax.f32 v3, v2;
	v7 =	vld [tilespmem:s19+$0xFFFFFD40];
	v1 =	vmax.f32 v1, v8  }
0x38b: {  	v4 =	vmax.f32 v6, v4;
	v3 =	vld [tilespmem:s19+$0xFFFFFDC0];
	v1 =	vmax.f32 v2, v1  }
0x38c: {  	v2 =	vld [tilespmem:s19+$0xFFFFFE40];
	v5 =	vmax.f32 v9, v10;
	v1 =	vmax.f32 v4, v1  }
0x38d: {  	v4 =	vld [tilespmem:s19+$0xFFFFFEC0];
	v1 =	vmax.f32 v1, v11  }
0x38e: {  	v6 =	vld [tilespmem:s19+$0xFFFFFF40];
	[tilespmem:s16+$0x60] =	vst v1  }
0x38f: {  	v1 =	vmax.f32 v12, v7;
	v7 =	vld [tilespmem:s19+$0x70]  }
0x390: {  	v1 =	vmax.f32 v5, v1;
	v5 =	vld [tilespmem:s19+$0xF0]  }
0x391: {  	v2 =	vmax.f32 v3, v2;
	v3 =	vld [tilespmem:s19+$0x170]  }
0x392: {  	v8 =	vld [tilespmem:s19+$0x1F0]  }
0x393: {  	v4 =	vmax.f32 v4, v6;
	v6 =	vld [tilespmem:s19+$0x270]  }
0x394: {  	v2 =	vmax.f32 v2, v4;
	v4 =	vld [tilespmem:s19+$0x2F0]  }
0x395: {  	v1 =	vmax.f32 v1, v2;
	v2 =	vld [tilespmem:s19+$0x370]  }
0x396: {  	v9 =	vld [tilespmem:s19+$0x3F0]  }
0x397: {  	v10 =	vld [tilespmem:s19+$0xFFFFFFC0]  }
0x398: {  	v11 =	vld [tilespmem:s2+$0xFFFFFC70]  }
0x399: {  	v12 =	vld [tilespmem:s19+$0x470]  }
0x39a: {  	v5 =	vmax.f32 v7, v5;
	v7 =	vld [tilespmem:s2+$0xFFFFFCF0]  }
0x39b: {  	v3 =	vmax.f32 v3, v8;
	v4 =	vmax.f32 v6, v4;
	v2 =	vmax.f32 v2, v9;
	v6 =	vld [tilespmem:s2+$0xFFFFFD70]  }
0x39c: {  	v3 =	vmax.f32 v5, v3;
	v1 =	vmax.f32 v1, v10;
	v2 =	vmax.f32 v4, v2;
	v4 =	vld [tilespmem:s2+$0xFFFFFDF0]  }
0x39d: {  	[tilespmem:s16+$0xFFFFFFC0] =	vst v1;
	v1 =	vmax.f32 v3, v2;
	v2 =	vld [tilespmem:s2+$0xFFFFFE70];
	v0 =	vmax.f32 v0, v11  }
0x39e: {  	v8 =	vld [tilespmem:s19+$0xFFFFFBD0];
	v1 =	vmax.f32 v1, v12  }
0x39f: {  	v9 =	vld [tilespmem:s19+$0xFFFFFC50];
	[tilespmem:s16+$0x70] =	vst v1  }
0x3a0: {  	v10 =	vld [tilespmem:s19+$0xFFFFFCD0];
	v1 =	vmax.f32 v7, v6  }
0x3a1: {  	v11 =	vld [tilespmem:s19+$0xFFFFFD50];
	v0 =	vmax.f32 v0, v1  }
0x3a2: {  	v3 =	vld [tilespmem:s19+$0xFFFFFDD0];
	v1 =	vmax.f32 v4, v2  }
.Ltmp1:
0x3a3: {  	v5 =	vld [tilespmem:s19+$0xFFFFFE50];
	(pc) =	sbr.rel @p0 .LBB2_5-.Ltmp1, $4  }
0x3a4: {  	v4 =	vld [tilespmem:s19+$0xFFFFFED0];
	v2 =	vmax.f32 v8, v9  }
0x3a5: {  	v7 =	vld [tilespmem:s19+$0xFFFFFF50]  }
0x3a6: {  	v6 =	vld [tilespmem:s19+$0xFFFFFFD0];
	v8 =	vmax.f32 v10, v11  }
0x3a7: {  	s19 =	sadd.s32 $0x900, s19;
	v8 =	vmax.f32 v2, v8;
	v2 =	vld [tilespmem:s2+$0xFFFFFEF0]  }
0x3a8: {  	_ =	sdelay $0x1  }
0x3a9: {  	v3 =	vmax.f32 v3, v5;
	v4 =	vmax.f32 v4, v7  }
0x3aa: {  	v3 =	vmax.f32 v3, v4  }
0x3ab: {  	v3 =	vmax.f32 v8, v3  }
0x3ac: {  	v3 =	vmax.f32 v3, v6  }
0x3ad: {  	[tilespmem:s16+$0xFFFFFFD0] =	vst v3  }
0x3ae: {  	v3 =	vld [tilespmem:s15+$0xFFFFFBE0]  }
0x3af: {  	v39 =	vld [tilespmem:s15+$0xFFFFFC60]  }
0x3b0: {  	v40 =	vld [tilespmem:s15+$0xFFFFFCE0]  }
0x3b1: {  	v41 =	vld [tilespmem:s15+$0xFFFFFD60]  }
0x3b2: {  	v42 =	vld [tilespmem:s15+$0xFFFFFDE0]  }
0x3b3: {  	v43 =	vld [tilespmem:s15+$0xFFFFFE60]  }
0x3b4: {  	v9 =	vld [tilespmem:s15+$0xFFFFFEE0]  }
0x3b5: {  	v10 =	vld [tilespmem:s15+$0xFFFFFF60];
	_ =	sdelay $0x2  }
0x3b6: {  	v11 =	vld [tilespmem:s15+$0xFFFFFFE0]  }
0x3b7: {  	v3 =	vmax.f32 v3, v39  }
0x3b8: {  	v44 =	vmax.f32 v40, v41;
	v45 =	vmax.f32 v42, v43;
	v46 =	vmax.f32 v9, v10  }
0x3b9: {  	v3 =	vmax.f32 v3, v44;
	v47 =	vmax.f32 v45, v46  }
0x3ba: {  	v3 =	vmax.f32 v3, v47  }
0x3bb: {  	v3 =	vmax.f32 v3, v11  }
0x3bc: {  	v48 =	vld [tilespmem:s2+$0xFFFFFF70];
	[tilespmem:s17+$0xFFFFFFE0] =	vst v3  }
0x3bd: {  	v3 =	vld [tilespmem:s15+$0xFFFFFBF0]  }
0x3be: {  	v49 =	vld [tilespmem:s15+$0xFFFFFC70]  }
0x3bf: {  	v50 =	vld [tilespmem:s15+$0xFFFFFCF0]  }
0x3c0: {  	v51 =	vld [tilespmem:s15+$0xFFFFFD70]  }
0x3c1: {  	v52 =	vld [tilespmem:s15+$0xFFFFFDF0]  }
0x3c2: {  	v53 =	vld [tilespmem:s15+$0xFFFFFE70]  }
0x3c3: {  	v54 =	vld [tilespmem:s15+$0xFFFFFEF0]  }
0x3c4: {  	v55 =	vld [tilespmem:s15+$0xFFFFFF70];
	_ =	sdelay $0x1  }
0x3c5: {  	v12 =	vld [tilespmem:s2+$0xFFFFFFF0]  }
0x3c6: {  	v2 =	vmax.f32 v2, v48;
	v56 =	vld [tilespmem:s15+$0xFFFFFFF0]  }
0x3c7: {  	s29 =	sadd.s32 $0x1, s29;
	v1 =	vmax.f32 v1, v2;
	v57 =	vmax.f32 v3, v49  }
0x3c8: {  	p0 =	sne.s32 s29, s10;
	v58 =	vmax.f32 v50, v51;
	v59 =	vmax.f32 v52, v53;
	v60 =	vmax.f32 v54, v55  }
.Ltmp2:
0x3c9: {  	s30 =	sshll.u32 s30, $0xC;
	v0 =	vmax.f32 v0, v1;
	v61 =	vmax.f32 v57, v58;
	v62 =	vmax.f32 v59, v60;
	(pc) =	sbr.rel @p0 .LBB2_2-.Ltmp2, $4  }
0x3ca: {  	s2 =	sadd.s32 s11, s30;
	v0 =	vmax.f32 v0, v12;
	v1 =	vmax.f32 v61, v62  }
0x3cb: {  	s31 =	sshrl.u32 s2, $0x3;
	[tilespmem:s0+$0xFFFFFFF0] =	vst v0;
	v63 =	vmax.f32 v1, v56  }
0x3cc: {  	s0 =	sadd.s32 s6, s31;
	[tilespmem:s17+$0xFFFFFFF0] =	vst v63  }
0x3cd: {  	[hbm4b:s0+s4] =	stream.linear.scatter [tilespmem:s24], [sflag:$0x6], $0x1000, $0x38;
	[tilespmem:$0x14300] =	vst v63  }
0x3ce: {  	s28 =	sadd.s32 $0x1, s28  }
0x3cf: {  	_ =	swait.ge [sflag:s25], $0x1000;
	p0 =	sne.s32 s28, s12  }
.Ltmp3:
0x3d0: {  	[sflag:s25] =	ssyncset.done $0x0;
	(pc) =	sbr.rel @p0 .LBB2_1-.Ltmp3, $4  }
0x3d1: {  	[sflag:s25] =	ssyncadd.s32 $0xFFFFF000  }
0x3d2: {  	_ =	swait.ge [sflag:s26], $0x1000  }
0x3d3: {  	[sflag:s26] =	ssyncset.done $0x0  }
0x3d4: {  	[sflag:s26] =	ssyncadd.s32 $0xFFFFF000  }
0x3d5: {  	_ =	sfence.sel $0x180000  }
0x3d6: {  	[bflag:$0x0] =	sbarrier.arrive $0xFFFF  }
0x3d7: {  	_ =	strace $0x90000047  }
0x3d8: {  	s0 =	stileid.u32;
	[bflag:$0x2] =	sbarrier.arrive $0xFFFF  }
0x3d9: {  	p0 =	sne.s32 s0, $0x0;
	s0 =	rddreg [dreg:$0x3]  }
0x3da: {  	s0 =	sadd.s32 @!p0 $0x100000, s0  }
0x3db: {  	[sflag:s0] =	ssyncadd.tile.s32 @!p0 $0x1;
	_ =	shalt  }
.Lfunc_end2:
_tile_overlayer_lowered:
.L_overlay_start_2:
0x3dc: {  	(tag) =	ssettag $0x2  }
0x3dd: {  	s0 =	rddreg [dreg:$0x0];
	s2 =	stileid.u32  }
0x3de: {  	s1 =	rddreg [dreg:$0x1];
	p0 =	sne.s32 s2, $0x0  }
0x3df: {  	s3 =	rddreg [dreg:$0x2];
	[bflag:$0x3] =	sbarrier.arrive $0xFFFF;
	s2 =	simm.s32 @!p0 $0x1C07  }
0x3e0: {  	[timem:s3], [sflag:s2] =	dma.local @!p0 [hbm:s0], s1  }
0x3e1: {  	s0 =	simm.s32 @!p0 $0x7  }
0x3e2: {  	_ =	swait.ge @!p0 [sflag:s0], s1  }
0x3e3: {  	s1 =	ssub.s32 @!p0 $0x0, s1;
	[sflag:s0] =	ssyncset.done @!p0 $0x0  }
0x3e4: {  	[sflag:s0] =	ssyncadd.s32 @!p0 s1  }
0x3e5: {  	[bflag:$0x3] =	sbarrier.arrive $0xFFFF  }
0x3e6: {  	_ =	shalt  }

</sc_bundles>
